<compile_context>
chip_gen: v7x
topology: tpu7x:2x2x1
jax: 0.10.2.dev20260603
libtpu: 0.0.44.dev20260713+nightly
codegen_flags: <defaults>
</compile_context>

<pallas_src>
import functools

import jax
import jax.numpy as jnp
from jax import lax
from jax.experimental import pallas as pl
from jax.experimental.pallas import tpu as pltpu
from jax.experimental.pallas import tpu_sc as plsc

R = 64
C = 32768
K = 512
L = 16
NVR = C // L
NB = 256
NW = 32
ROWS_PER_W = R // NW
UNROLL = 8
N_SAMP = (NVR // 16) * L
SAMPLE_K = 64


def _keys(v):
    b = lax.bitcast_convert_type(v + 0.0, jnp.int32)
    m = lax.shift_right_arithmetic(b, 31)
    return b ^ (m & jnp.int32(0x7FFFFFFF))


def _splat_pop(mask):
    return plsc.all_reduce_population_count(mask)


def _kmax_body(x_hbm, out_hbm, row_v, cmp_v, hist_v, pcs_v, out_v):
    wid = lax.axis_index("s") * 2 + lax.axis_index("c")
    lane = lax.iota(jnp.int32, L)
    lane_base = lane * NB
    zeros16 = jnp.zeros((L,), jnp.int32)
    ones16 = jnp.ones((L,), jnp.int32)

    def zero_hist():
        @plsc.parallel_loop(0, NB, unroll=8)
        def _(i):
            hist_v[pl.ds(i * L, L)] = zeros16

    intmax16 = jnp.full((L,), 0x7FFFFFFF, jnp.int32)
    skew = lane * (L + 1)

    def pick_digit(kk, nn):
        nk = nn - kk

        @plsc.parallel_loop(0, NB // L, unroll=2)
        def _(g):
            tot = zeros16
            for l in range(L):
                tot = tot + hist_v[pl.ds(l * NB + g * L, L)]
            plsc.store_scatter(pcs_v, [skew + g], plsc.cumsum(tot))

        gsum = plsc.load_gather(pcs_v, [jnp.int32((L - 1) * (L + 1)) + lane])
        gexc = plsc.cumsum(gsum) - gsum

        @plsc.parallel_loop(
            0, L, unroll=2, carry=(zeros16, zeros16, intmax16)
        )
        def res(j, carry):
            cnt, rmax, rmin = carry
            q = plsc.load_gather(pcs_v, [j * (L + 1) + lane])
            p = q + gexc
            cond = p <= nk
            cnt = cnt + _splat_pop(cond)
            rmax = jnp.maximum(rmax, jnp.where(cond, p, 0))
            rmin = jnp.minimum(rmin, jnp.where(cond, intmax16, p))
            return cnt, rmax, rmin

        cnt, rmax, rmin = res
        dstar = jnp.max(cnt)
        p_at = jnp.min(rmin)
        c_at = p_at - jnp.max(rmax)
        kk_next = kk - (nn - p_at)
        return dstar, kk_next, c_at

    def do_row(r, c):
        row = wid * ROWS_PER_W + r
        pltpu.sync_copy(x_hbm.at[row], row_v)

        zero_hist()

        @plsc.parallel_loop(0, NVR // 16, unroll=4)
        def _(i):
            key = _keys(row_v[pl.ds(i * 16 * L, L)])
            digit = (
                lax.shift_right_arithmetic(key, 24) & jnp.int32(0xFF)
            ) ^ jnp.int32(0x80)
            plsc.addupdate_scatter(hist_v, [lane_base + digit], ones16)

        d0e, kke, nne = pick_digit(jnp.int32(SAMPLE_K), jnp.int32(N_SAMP))
        pre1e = lax.shift_right_arithmetic(
            lax.shift_left(d0e ^ jnp.int32(0x80), 24), 24
        )
        zero_hist()

        @plsc.parallel_loop(0, NVR // 16, unroll=4)
        def _(i):
            key = _keys(row_v[pl.ds(i * 16 * L, L)])
            pm = lax.shift_right_arithmetic(key, 24) == pre1e
            digit = lax.shift_right_arithmetic(key, 16) & jnp.int32(0xFF)
            plsc.addupdate_scatter(
                hist_v, [lane_base + digit], ones16, mask=pm
            )

        d1e, _, _ = pick_digit(kke, nne)
        kfloor_e = lax.shift_left(
            lax.shift_left(pre1e, 8) | d1e, 16
        )
        fbits = jnp.where(
            kfloor_e < 0, kfloor_e ^ jnp.int32(0x7FFFFFFF), kfloor_e
        )
        vfloor = lax.bitcast_convert_type(fbits, jnp.float32)

        @plsc.parallel_loop(0, NVR, unroll=UNROLL, carry=zeros16)
        def ge_off(i, off_vec):
            v = row_v[pl.ds(i * L, L)]
            ge = v >= vfloor
            gei = ge.astype(jnp.int32)
            rank = plsc.cumsum(gei) - gei
            plsc.store_scatter(cmp_v, [off_vec + rank], v, mask=ge)
            return off_vec + _splat_pop(ge)

        def refill(off0):
            @plsc.parallel_loop(0, NVR, unroll=UNROLL)
            def _(i):
                cmp_v[pl.ds(i * L, L)] = row_v[pl.ds(i * L, L)]

            return jnp.full((L,), C, jnp.int32)

        ge_off = lax.cond(
            jnp.max(ge_off) < K, refill, lambda off0: off0, ge_off
        )
        n_ge_vec = ge_off
        n_ge = jnp.max(ge_off)
        nvr_g = (n_ge + jnp.int32(L - 1)) // jnp.int32(L)

        def cand_hist(shift, prefix, top):
            zero_hist()

            @plsc.parallel_loop(0, nvr_g, unroll=2)
            def _(i):
                key = _keys(cmp_v[pl.ds(i * L, L)])
                valid = (i * L + lane) < n_ge_vec
                if top:
                    digit = (
                        lax.shift_right_arithmetic(key, 24) & jnp.int32(0xFF)
                    ) ^ jnp.int32(0x80)
                    pm = valid
                else:
                    digit = lax.shift_right_arithmetic(
                        key, shift
                    ) & jnp.int32(0xFF)
                    pm = valid & (
                        lax.shift_right_arithmetic(key, shift + 8) == prefix
                    )
                plsc.addupdate_scatter(
                    hist_v, [lane_base + digit], ones16, mask=pm
                )

        cand_hist(24, jnp.int32(0), True)
        d0, kk, nn = pick_digit(jnp.int32(K), n_ge)
        pre1 = lax.shift_right_arithmetic(
            lax.shift_left(d0 ^ jnp.int32(0x80), 24), 24
        )

        cand_hist(16, pre1, False)
        d1, kk, nn = pick_digit(kk, nn)
        pre2 = lax.shift_left(pre1, 8) | d1

        cand_hist(8, pre2, False)
        d2, kk, nn = pick_digit(kk, nn)
        pre3 = lax.shift_left(pre2, 8) | d2

        cand_hist(0, pre3, False)
        d3, need_eq, _ = pick_digit(kk, nn)
        tkey = lax.shift_left(pre3, 8) | d3

        @plsc.parallel_loop(0, nvr_g, unroll=2, carry=(zeros16, zeros16))
        def _mfinal(i, carry):
            off_vec, eqc_vec = carry
            v = cmp_v[pl.ds(i * L, L)]
            key = _keys(v)
            valid = (i * L + lane) < n_ge_vec
            eq = valid & (key == tkey)
            gt = valid & (key > tkey)
            eqi = eq.astype(jnp.int32)
            eqx = plsc.cumsum(eqi) - eqi
            sel = gt | (eq & ((eqc_vec + eqx) < need_eq))
            seli = sel.astype(jnp.int32)
            rank = plsc.cumsum(seli) - seli
            plsc.store_scatter(out_v, [off_vec + rank], v, mask=sel)
            return off_vec + _splat_pop(sel), eqc_vec + _splat_pop(eq)

        pltpu.sync_copy(out_v.at[pl.ds(0, K)], out_hbm.at[row])
        return c

    lax.fori_loop(0, ROWS_PER_W, do_row, 0)


_mesh = plsc.VectorSubcoreMesh(core_axis_name="c", subcore_axis_name="s")

_kmax_sc = functools.partial(
    pl.kernel,
    out_type=jax.ShapeDtypeStruct((R, K), jnp.float32),
    mesh=_mesh,
    scratch_types=[
        pltpu.VMEM((C,), jnp.float32),
        pltpu.VMEM((C + L,), jnp.float32),
        pltpu.VMEM((NB * L,), jnp.int32),
        pltpu.VMEM((L * (L + 1),), jnp.int32),
        pltpu.VMEM((K + L,), jnp.float32),
    ],
    compiler_params=pltpu.CompilerParams(needs_layout_passes=False),
)(_kmax_body)


@jax.jit
def kernel(x):
    return _kmax_sc(x)

# --- scband reference (transcript-rebuilt; emitter-appended) ---
"""Pipeline reference for scband-kmax-pooling-81071802679616 (READ-ONLY COPY).

The authoritative reference and input builder live on the scoring server;
editing this copy changes nothing except your own understanding.
"""

import jax, jax.numpy as jnp
import numpy as np

K = 512

def setup_inputs(seed: int = 0) -> dict:
    key = jax.random.key(seed)
    x = jax.random.normal(key, (64, 32768), dtype=jnp.float32)
    return {"x": x}

def reference(x):
    # KMaxPooling: indices of top-k along last dim, sorted ascending, then gather
    _, idx = jax.lax.top_k(x, K)
    idx = jnp.sort(idx, axis=-1)
    return jnp.take_along_axis(x, idx, axis=-1)

if __name__ == "__main__":
    import jax
    _d = setup_inputs()
    print(jax.jit(kernel)(*tuple(_d.values())))

</pallas_src>

<mosaic_0001>
#map = affine_map<(d0, d1) -> (0, 0)>
module attributes {stable_mosaic.version = 14 : i64} {
  func.func @_kmax_body(%arg0: i32, %arg1: i32, %arg2: memref<64x32768xf32, #tpu.memory_space<hbm>>, %arg3: memref<64x512xf32, #tpu.memory_space<hbm>>, %arg4: memref<32768xf32, #tpu.memory_space<vmem>>, %arg5: memref<32784xf32, #tpu.memory_space<vmem>>, %arg6: memref<4096xi32, #tpu.memory_space<vmem>>, %arg7: memref<272xi32, #tpu.memory_space<vmem>>, %arg8: memref<528xf32, #tpu.memory_space<vmem>>) attributes {dimension_semantics = [#tpu.dimension_semantics<core_parallel>, #tpu.dimension_semantics<subcore_parallel>], iteration_bounds = array<i64: 2, 16>, scalar_prefetch = 0 : i64, scratch_operands = 5 : i64, tpu.core_type = #tpu.core_type<sc_vector_subcore>, window_params = [{transform_indices = #map}, {transform_indices = #map}]} {
    %mul3A = arith.constant 2 : i32
    %mul3A_0 = arith.muli %arg1, %mul3A : i32
    %add3A = arith.addi %mul3A_0, %arg0 : i32
    %iota3A = tpu.iota {dimensions = array<i32: 0>} : vector<16xi32>
    %mul3A_1 = arith.constant 256 : i32
    %mul3A_2 = vector.broadcast %mul3A_1 : i32 to vector<16xi32>
    %mul3A_3 = arith.muli %iota3A, %mul3A_2 : vector<16xi32>
    %broadcast_in_dim3A = arith.constant 0 : i32
    %broadcast_in_dim3A_4 = vector.broadcast %broadcast_in_dim3A : i32 to vector<16xi32>
    %broadcast_in_dim3A_5 = arith.constant 1 : i32
    %broadcast_in_dim3A_6 = vector.broadcast %broadcast_in_dim3A_5 : i32 to vector<16xi32>
    %broadcast_in_dim3A_7 = arith.constant 2147483647 : i32
    %broadcast_in_dim3A_8 = vector.broadcast %broadcast_in_dim3A_7 : i32 to vector<16xi32>
    %mul3A_9 = arith.constant 17 : i32
    %mul3A_10 = vector.broadcast %mul3A_9 : i32 to vector<16xi32>
    %mul3A_11 = arith.muli %iota3A, %mul3A_10 : vector<16xi32>
    %scan3A = arith.constant 0 : i32
    %scan3A_12 = arith.constant 0 : i32
    %scan3A_13 = arith.constant 2 : i32
    %scan3A_14 = arith.addi %scan3A_12, %scan3A_13 : i32
    %scan3A_15 = arith.constant 1 : i32
    scf.for %scan3A_17 = %scan3A_12 to %scan3A_14 step %scan3A_15  : i32 {
      %mul3A_18 = arith.constant 2 : i32
      %mul3A_19 = arith.muli %add3A, %mul3A_18 : i32
      %add3A_20 = arith.addi %mul3A_19, %scan3A_17 : i32
      "tpu.region"() ({
        %run_scoped3A = tpu.sem_alloc : memref<!tpu.dma_semaphore, #tpu.memory_space<semaphore_mem>>
        %dma_start3A = arith.constant 0 : i32
        %dma_start3A_383 = tpu.memref_slice %arg2[%add3A_20, %dma_start3A] : memref<64x32768xf32, #tpu.memory_space<hbm>> -> memref<1x32768xf32, #tpu.memory_space<hbm>>
        %dma_start3A_384 = tpu.memref_squeeze %dma_start3A_383 : memref<1x32768xf32, #tpu.memory_space<hbm>> -> memref<32768xf32, #tpu.memory_space<hbm>>
        %dma_start3A_385 = arith.constant 0 : i32
        %dma_start3A_386 = tpu.memref_slice %arg2[%add3A_20, %dma_start3A_385] : memref<64x32768xf32, #tpu.memory_space<hbm>> -> memref<1x32768xf32, #tpu.memory_space<hbm>>
        %dma_start3A_387 = tpu.memref_squeeze %dma_start3A_386 : memref<1x32768xf32, #tpu.memory_space<hbm>> -> memref<32768xf32, #tpu.memory_space<hbm>>
        tpu.enqueue_dma source(%dma_start3A_387 : memref<32768xf32, #tpu.memory_space<hbm>>) target(%arg4 : memref<32768xf32, #tpu.memory_space<vmem>>) target_semaphore(%run_scoped3A : memref<!tpu.dma_semaphore, #tpu.memory_space<semaphore_mem>>)
        %dma_wait3A = arith.constant 0 : i32
        %dma_wait3A_388 = tpu.memref_slice %arg2[%add3A_20, %dma_wait3A] : memref<64x32768xf32, #tpu.memory_space<hbm>> -> memref<1x32768xf32, #tpu.memory_space<hbm>>
        %dma_wait3A_389 = tpu.memref_squeeze %dma_wait3A_388 : memref<1x32768xf32, #tpu.memory_space<hbm>> -> memref<32768xf32, #tpu.memory_space<hbm>>
        %dma_wait3A_390 = arith.constant 0 : i32
        %dma_wait3A_391 = tpu.memref_slice %arg2[%add3A_20, %dma_wait3A_390] : memref<64x32768xf32, #tpu.memory_space<hbm>> -> memref<1x32768xf32, #tpu.memory_space<hbm>>
        %dma_wait3A_392 = tpu.memref_squeeze %dma_wait3A_391 : memref<1x32768xf32, #tpu.memory_space<hbm>> -> memref<32768xf32, #tpu.memory_space<hbm>>
        tpu.wait_dma2 semaphore(%run_scoped3A : memref<!tpu.dma_semaphore, #tpu.memory_space<semaphore_mem>>) src(%dma_wait3A_392 : memref<32768xf32, #tpu.memory_space<hbm>>) dst(%arg4 : memref<32768xf32, #tpu.memory_space<vmem>>)
        tpu.yield
      }) : () -> ()
      %parallel_loop3A = arith.constant 0 : i32
      %parallel_loop3A_21 = arith.constant 256 : i32
      %parallel_loop3A_22 = arith.constant 1 : i32
      scf.for %parallel_loop3A_383 = %parallel_loop3A to %parallel_loop3A_21 step %parallel_loop3A_22  : i32 {
        %parallel_loop3A_384 = arith.constant 16 : i32
        %parallel_loop3A_385 = arith.muli %parallel_loop3A_383, %parallel_loop3A_384 : i32
        %parallel_loop3A_386 = arith.index_cast %parallel_loop3A_385 : i32 to index
        %parallel_loop3A_387 = tpu.vector_load %arg6[%parallel_loop3A_386] {strides = array<i32>} : memref<4096xi32, #tpu.memory_space<vmem>>, vector<16xi32>,
        tpu.vector_store %arg6[%parallel_loop3A_386], %broadcast_in_dim3A_4 {strides = array<i32>} : memref<4096xi32, #tpu.memory_space<vmem>>, vector<16xi32>,
      } {sc.loop_unroll_factor = 8 : i64, sc.parallel_access}
      %parallel_loop3A_23 = arith.constant 0 : i32
      %parallel_loop3A_24 = arith.constant 128 : i32
      %parallel_loop3A_25 = arith.constant 1 : i32
      scf.for %parallel_loop3A_383 = %parallel_loop3A_23 to %parallel_loop3A_24 step %parallel_loop3A_25  : i32 {
        %parallel_loop3A_384 = arith.constant 16 : i32
        %parallel_loop3A_385 = arith.muli %parallel_loop3A_383, %parallel_loop3A_384 : i32
        %parallel_loop3A_386 = arith.constant 16 : i32
        %parallel_loop3A_387 = arith.muli %parallel_loop3A_385, %parallel_loop3A_386 : i32
        %parallel_loop3A_388 = arith.index_cast %parallel_loop3A_387 : i32 to index
        %parallel_loop3A_389 = tpu.vector_load %arg4[%parallel_loop3A_388] {strides = array<i32>} : memref<32768xf32, #tpu.memory_space<vmem>>, vector<16xf32>,
        %parallel_loop3A_390 = arith.constant 0.000000e+00 : f32
        %parallel_loop3A_391 = vector.broadcast %parallel_loop3A_390 : f32 to vector<16xf32>
        %parallel_loop3A_392 = arith.addf %parallel_loop3A_389, %parallel_loop3A_391 : vector<16xf32>
        %parallel_loop3A_393 = tpu.bitcast %parallel_loop3A_392 : vector<16xf32> -> vector<16xi32>
        %parallel_loop3A_394 = arith.constant 31 : i32
        %parallel_loop3A_395 = vector.broadcast %parallel_loop3A_394 : i32 to vector<16xi32>
        %parallel_loop3A_396 = arith.shrsi %parallel_loop3A_393, %parallel_loop3A_395 : vector<16xi32>
        %parallel_loop3A_397 = arith.constant 2147483647 : i32
        %parallel_loop3A_398 = vector.broadcast %parallel_loop3A_397 : i32 to vector<16xi32>
        %parallel_loop3A_399 = arith.andi %parallel_loop3A_396, %parallel_loop3A_398 : vector<16xi32>
        %parallel_loop3A_400 = arith.xori %parallel_loop3A_393, %parallel_loop3A_399 : vector<16xi32>
        %parallel_loop3A_401 = arith.constant 24 : i32
        %parallel_loop3A_402 = vector.broadcast %parallel_loop3A_401 : i32 to vector<16xi32>
        %parallel_loop3A_403 = arith.shrsi %parallel_loop3A_400, %parallel_loop3A_402 : vector<16xi32>
        %parallel_loop3A_404 = arith.constant 255 : i32
        %parallel_loop3A_405 = vector.broadcast %parallel_loop3A_404 : i32 to vector<16xi32>
        %parallel_loop3A_406 = arith.andi %parallel_loop3A_403, %parallel_loop3A_405 : vector<16xi32>
        %parallel_loop3A_407 = arith.constant 128 : i32
        %parallel_loop3A_408 = vector.broadcast %parallel_loop3A_407 : i32 to vector<16xi32>
        %parallel_loop3A_409 = arith.xori %parallel_loop3A_406, %parallel_loop3A_408 : vector<16xi32>
        %parallel_loop3A_410 = arith.addi %mul3A_3, %parallel_loop3A_409 : vector<16xi32>
        tpu.vector_store_idx %arg6[%parallel_loop3A_410], %broadcast_in_dim3A_6 {add = true} : memref<4096xi32, #tpu.memory_space<vmem>>[vector<16xi32>], vector<16xi32>,
      } {sc.loop_unroll_factor = 4 : i64, sc.parallel_access}
      %sub3A = arith.constant 2048 : i32
      %sub3A_26 = arith.constant 64 : i32
      %sub3A_27 = arith.subi %sub3A, %sub3A_26 : i32
      %parallel_loop3A_28 = arith.constant 0 : i32
      %parallel_loop3A_29 = arith.constant 16 : i32
      %parallel_loop3A_30 = arith.constant 1 : i32
      scf.for %parallel_loop3A_383 = %parallel_loop3A_28 to %parallel_loop3A_29 step %parallel_loop3A_30  : i32 {
        %parallel_loop3A_384 = arith.constant 16 : i32
        %parallel_loop3A_385 = arith.muli %parallel_loop3A_383, %parallel_loop3A_384 : i32
        %parallel_loop3A_386 = arith.constant 0 : i32
        %parallel_loop3A_387 = arith.addi %parallel_loop3A_386, %parallel_loop3A_385 : i32
        %parallel_loop3A_388 = arith.index_cast %parallel_loop3A_387 : i32 to index
        %parallel_loop3A_389 = tpu.vector_load %arg6[%parallel_loop3A_388] {strides = array<i32>} : memref<4096xi32, #tpu.memory_space<vmem>>, vector<16xi32>,
        %parallel_loop3A_390 = arith.addi %broadcast_in_dim3A_4, %parallel_loop3A_389 : vector<16xi32>
        %parallel_loop3A_391 = arith.constant 16 : i32
        %parallel_loop3A_392 = arith.muli %parallel_loop3A_383, %parallel_loop3A_391 : i32
        %parallel_loop3A_393 = arith.constant 256 : i32
        %parallel_loop3A_394 = arith.addi %parallel_loop3A_393, %parallel_loop3A_392 : i32
        %parallel_loop3A_395 = arith.index_cast %parallel_loop3A_394 : i32 to index
        %parallel_loop3A_396 = tpu.vector_load %arg6[%parallel_loop3A_395] {strides = array<i32>} : memref<4096xi32, #tpu.memory_space<vmem>>, vector<16xi32>,
        %parallel_loop3A_397 = arith.addi %parallel_loop3A_390, %parallel_loop3A_396 : vector<16xi32>
        %parallel_loop3A_398 = arith.constant 16 : i32
        %parallel_loop3A_399 = arith.muli %parallel_loop3A_383, %parallel_loop3A_398 : i32
        %parallel_loop3A_400 = arith.constant 512 : i32
        %parallel_loop3A_401 = arith.addi %parallel_loop3A_400, %parallel_loop3A_399 : i32
        %parallel_loop3A_402 = arith.index_cast %parallel_loop3A_401 : i32 to index
        %parallel_loop3A_403 = tpu.vector_load %arg6[%parallel_loop3A_402] {strides = array<i32>} : memref<4096xi32, #tpu.memory_space<vmem>>, vector<16xi32>,
        %parallel_loop3A_404 = arith.addi %parallel_loop3A_397, %parallel_loop3A_403 : vector<16xi32>
        %parallel_loop3A_405 = arith.constant 16 : i32
        %parallel_loop3A_406 = arith.muli %parallel_loop3A_383, %parallel_loop3A_405 : i32
        %parallel_loop3A_407 = arith.constant 768 : i32
        %parallel_loop3A_408 = arith.addi %parallel_loop3A_407, %parallel_loop3A_406 : i32
        %parallel_loop3A_409 = arith.index_cast %parallel_loop3A_408 : i32 to index
        %parallel_loop3A_410 = tpu.vector_load %arg6[%parallel_loop3A_409] {strides = array<i32>} : memref<4096xi32, #tpu.memory_space<vmem>>, vector<16xi32>,
        %parallel_loop3A_411 = arith.addi %parallel_loop3A_404, %parallel_loop3A_410 : vector<16xi32>
        %parallel_loop3A_412 = arith.constant 16 : i32
        %parallel_loop3A_413 = arith.muli %parallel_loop3A_383, %parallel_loop3A_412 : i32
        %parallel_loop3A_414 = arith.constant 1024 : i32
        %parallel_loop3A_415 = arith.addi %parallel_loop3A_414, %parallel_loop3A_413 : i32
        %parallel_loop3A_416 = arith.index_cast %parallel_loop3A_415 : i32 to index
        %parallel_loop3A_417 = tpu.vector_load %arg6[%parallel_loop3A_416] {strides = array<i32>} : memref<4096xi32, #tpu.memory_space<vmem>>, vector<16xi32>,
        %parallel_loop3A_418 = arith.addi %parallel_loop3A_411, %parallel_loop3A_417 : vector<16xi32>
        %parallel_loop3A_419 = arith.constant 16 : i32
        %parallel_loop3A_420 = arith.muli %parallel_loop3A_383, %parallel_loop3A_419 : i32
        %parallel_loop3A_421 = arith.constant 1280 : i32
        %parallel_loop3A_422 = arith.addi %parallel_loop3A_421, %parallel_loop3A_420 : i32
        %parallel_loop3A_423 = arith.index_cast %parallel_loop3A_422 : i32 to index
        %parallel_loop3A_424 = tpu.vector_load %arg6[%parallel_loop3A_423] {strides = array<i32>} : memref<4096xi32, #tpu.memory_space<vmem>>, vector<16xi32>,
        %parallel_loop3A_425 = arith.addi %parallel_loop3A_418, %parallel_loop3A_424 : vector<16xi32>
        %parallel_loop3A_426 = arith.constant 16 : i32
        %parallel_loop3A_427 = arith.muli %parallel_loop3A_383, %parallel_loop3A_426 : i32
        %parallel_loop3A_428 = arith.constant 1536 : i32
        %parallel_loop3A_429 = arith.addi %parallel_loop3A_428, %parallel_loop3A_427 : i32
        %parallel_loop3A_430 = arith.index_cast %parallel_loop3A_429 : i32 to index
        %parallel_loop3A_431 = tpu.vector_load %arg6[%parallel_loop3A_430] {strides = array<i32>} : memref<4096xi32, #tpu.memory_space<vmem>>, vector<16xi32>,
        %parallel_loop3A_432 = arith.addi %parallel_loop3A_425, %parallel_loop3A_431 : vector<16xi32>
        %parallel_loop3A_433 = arith.constant 16 : i32
        %parallel_loop3A_434 = arith.muli %parallel_loop3A_383, %parallel_loop3A_433 : i32
        %parallel_loop3A_435 = arith.constant 1792 : i32
        %parallel_loop3A_436 = arith.addi %parallel_loop3A_435, %parallel_loop3A_434 : i32
        %parallel_loop3A_437 = arith.index_cast %parallel_loop3A_436 : i32 to index
        %parallel_loop3A_438 = tpu.vector_load %arg6[%parallel_loop3A_437] {strides = array<i32>} : memref<4096xi32, #tpu.memory_space<vmem>>, vector<16xi32>,
        %parallel_loop3A_439 = arith.addi %parallel_loop3A_432, %parallel_loop3A_438 : vector<16xi32>
        %parallel_loop3A_440 = arith.constant 16 : i32
        %parallel_loop3A_441 = arith.muli %parallel_loop3A_383, %parallel_loop3A_440 : i32
        %parallel_loop3A_442 = arith.constant 2048 : i32
        %parallel_loop3A_443 = arith.addi %parallel_loop3A_442, %parallel_loop3A_441 : i32
        %parallel_loop3A_444 = arith.index_cast %parallel_loop3A_443 : i32 to index
        %parallel_loop3A_445 = tpu.vector_load %arg6[%parallel_loop3A_444] {strides = array<i32>} : memref<4096xi32, #tpu.memory_space<vmem>>, vector<16xi32>,
        %parallel_loop3A_446 = arith.addi %parallel_loop3A_439, %parallel_loop3A_445 : vector<16xi32>
        %parallel_loop3A_447 = arith.constant 16 : i32
        %parallel_loop3A_448 = arith.muli %parallel_loop3A_383, %parallel_loop3A_447 : i32
        %parallel_loop3A_449 = arith.constant 2304 : i32
        %parallel_loop3A_450 = arith.addi %parallel_loop3A_449, %parallel_loop3A_448 : i32
        %parallel_loop3A_451 = arith.index_cast %parallel_loop3A_450 : i32 to index
        %parallel_loop3A_452 = tpu.vector_load %arg6[%parallel_loop3A_451] {strides = array<i32>} : memref<4096xi32, #tpu.memory_space<vmem>>, vector<16xi32>,
        %parallel_loop3A_453 = arith.addi %parallel_loop3A_446, %parallel_loop3A_452 : vector<16xi32>
        %parallel_loop3A_454 = arith.constant 16 : i32
        %parallel_loop3A_455 = arith.muli %parallel_loop3A_383, %parallel_loop3A_454 : i32
        %parallel_loop3A_456 = arith.constant 2560 : i32
        %parallel_loop3A_457 = arith.addi %parallel_loop3A_456, %parallel_loop3A_455 : i32
        %parallel_loop3A_458 = arith.index_cast %parallel_loop3A_457 : i32 to index
        %parallel_loop3A_459 = tpu.vector_load %arg6[%parallel_loop3A_458] {strides = array<i32>} : memref<4096xi32, #tpu.memory_space<vmem>>, vector<16xi32>,
        %parallel_loop3A_460 = arith.addi %parallel_loop3A_453, %parallel_loop3A_459 : vector<16xi32>
        %parallel_loop3A_461 = arith.constant 16 : i32
        %parallel_loop3A_462 = arith.muli %parallel_loop3A_383, %parallel_loop3A_461 : i32
        %parallel_loop3A_463 = arith.constant 2816 : i32
        %parallel_loop3A_464 = arith.addi %parallel_loop3A_463, %parallel_loop3A_462 : i32
        %parallel_loop3A_465 = arith.index_cast %parallel_loop3A_464 : i32 to index
        %parallel_loop3A_466 = tpu.vector_load %arg6[%parallel_loop3A_465] {strides = array<i32>} : memref<4096xi32, #tpu.memory_space<vmem>>, vector<16xi32>,
        %parallel_loop3A_467 = arith.addi %parallel_loop3A_460, %parallel_loop3A_466 : vector<16xi32>
        %parallel_loop3A_468 = arith.constant 16 : i32
        %parallel_loop3A_469 = arith.muli %parallel_loop3A_383, %parallel_loop3A_468 : i32
        %parallel_loop3A_470 = arith.constant 3072 : i32
        %parallel_loop3A_471 = arith.addi %parallel_loop3A_470, %parallel_loop3A_469 : i32
        %parallel_loop3A_472 = arith.index_cast %parallel_loop3A_471 : i32 to index
        %parallel_loop3A_473 = tpu.vector_load %arg6[%parallel_loop3A_472] {strides = array<i32>} : memref<4096xi32, #tpu.memory_space<vmem>>, vector<16xi32>,
        %parallel_loop3A_474 = arith.addi %parallel_loop3A_467, %parallel_loop3A_473 : vector<16xi32>
        %parallel_loop3A_475 = arith.constant 16 : i32
        %parallel_loop3A_476 = arith.muli %parallel_loop3A_383, %parallel_loop3A_475 : i32
        %parallel_loop3A_477 = arith.constant 3328 : i32
        %parallel_loop3A_478 = arith.addi %parallel_loop3A_477, %parallel_loop3A_476 : i32
        %parallel_loop3A_479 = arith.index_cast %parallel_loop3A_478 : i32 to index
        %parallel_loop3A_480 = tpu.vector_load %arg6[%parallel_loop3A_479] {strides = array<i32>} : memref<4096xi32, #tpu.memory_space<vmem>>, vector<16xi32>,
        %parallel_loop3A_481 = arith.addi %parallel_loop3A_474, %parallel_loop3A_480 : vector<16xi32>
        %parallel_loop3A_482 = arith.constant 16 : i32
        %parallel_loop3A_483 = arith.muli %parallel_loop3A_383, %parallel_loop3A_482 : i32
        %parallel_loop3A_484 = arith.constant 3584 : i32
        %parallel_loop3A_485 = arith.addi %parallel_loop3A_484, %parallel_loop3A_483 : i32
        %parallel_loop3A_486 = arith.index_cast %parallel_loop3A_485 : i32 to index
        %parallel_loop3A_487 = tpu.vector_load %arg6[%parallel_loop3A_486] {strides = array<i32>} : memref<4096xi32, #tpu.memory_space<vmem>>, vector<16xi32>,
        %parallel_loop3A_488 = arith.addi %parallel_loop3A_481, %parallel_loop3A_487 : vector<16xi32>
        %parallel_loop3A_489 = arith.constant 16 : i32
        %parallel_loop3A_490 = arith.muli %parallel_loop3A_383, %parallel_loop3A_489 : i32
        %parallel_loop3A_491 = arith.constant 3840 : i32
        %parallel_loop3A_492 = arith.addi %parallel_loop3A_491, %parallel_loop3A_490 : i32
        %parallel_loop3A_493 = arith.index_cast %parallel_loop3A_492 : i32 to index
        %parallel_loop3A_494 = tpu.vector_load %arg6[%parallel_loop3A_493] {strides = array<i32>} : memref<4096xi32, #tpu.memory_space<vmem>>, vector<16xi32>,
        %parallel_loop3A_495 = arith.addi %parallel_loop3A_488, %parallel_loop3A_494 : vector<16xi32>
        %parallel_loop3A_496 = vector.broadcast %parallel_loop3A_383 : i32 to vector<16xi32>
        %parallel_loop3A_497 = arith.addi %mul3A_11, %parallel_loop3A_496 : vector<16xi32>
        %parallel_loop3A_498 = arith.constant true
        %parallel_loop3A_499 = vector.broadcast %parallel_loop3A_498 : i1 to vector<16xi1>
        %parallel_loop3A_500 = tpu.scan <sum>, %parallel_loop3A_495 masked %parallel_loop3A_499 : vector<16xi32>, vector<16xi1> -> vector<16xi32>
        tpu.vector_store_idx %arg7[%parallel_loop3A_497], %parallel_loop3A_500 : memref<272xi32, #tpu.memory_space<vmem>>[vector<16xi32>], vector<16xi32>,
      } {sc.loop_unroll_factor = 2 : i64, sc.parallel_access}
      %add3A_31 = arith.constant 255 : i32
      %add3A_32 = vector.broadcast %add3A_31 : i32 to vector<16xi32>
      %add3A_33 = arith.addi %add3A_32, %iota3A : vector<16xi32>
      %gather3A = tpu.vector_load_idx %arg7[%add3A_33] : memref<272xi32, #tpu.memory_space<vmem>>[vector<16xi32>], vector<16xi32>,
      %broadcast_in_dim3A_34 = arith.constant true
      %broadcast_in_dim3A_35 = vector.broadcast %broadcast_in_dim3A_34 : i1 to vector<16xi1>
      %masked_cumsum3A = tpu.scan <sum>, %gather3A masked %broadcast_in_dim3A_35 : vector<16xi32>, vector<16xi1> -> vector<16xi32>
      %sub3A_36 = arith.subi %masked_cumsum3A, %gather3A : vector<16xi32>
      %parallel_loop3A_37 = arith.constant 0 : i32
      %parallel_loop3A_38 = arith.constant 16 : i32
      %parallel_loop3A_39 = arith.constant 1 : i32
      %parallel_loop3A_40:3 = scf.for %parallel_loop3A_383 = %parallel_loop3A_37 to %parallel_loop3A_38 step %parallel_loop3A_39 iter_args(%parallel_loop3A_384 = %broadcast_in_dim3A_4, %parallel_loop3A_385 = %broadcast_in_dim3A_4, %parallel_loop3A_386 = %broadcast_in_dim3A_8) -> (vector<16xi32>, vector<16xi32>, vector<16xi32>)  : i32 {
        %parallel_loop3A_387 = arith.constant 17 : i32
        %parallel_loop3A_388 = arith.muli %parallel_loop3A_383, %parallel_loop3A_387 : i32
        %parallel_loop3A_389 = vector.broadcast %parallel_loop3A_388 : i32 to vector<16xi32>
        %parallel_loop3A_390 = arith.addi %parallel_loop3A_389, %iota3A : vector<16xi32>
        %parallel_loop3A_391 = tpu.vector_load_idx %arg7[%parallel_loop3A_390] : memref<272xi32, #tpu.memory_space<vmem>>[vector<16xi32>], vector<16xi32>,
        %parallel_loop3A_392 = arith.addi %parallel_loop3A_391, %sub3A_36 : vector<16xi32>
        %parallel_loop3A_393 = vector.broadcast %sub3A_27 : i32 to vector<16xi32>
        %parallel_loop3A_394 = arith.cmpi sle, %parallel_loop3A_392, %parallel_loop3A_393 : vector<16xi32>
        %parallel_loop3A_395 = tpu.all_reduce %parallel_loop3A_394 {dim = 0 : i64, kind = #tpu.reduction_kind<sum>} : vector<16xi1> -> vector<16xi32>
        %parallel_loop3A_396 = arith.addi %parallel_loop3A_384, %parallel_loop3A_395 : vector<16xi32>
        %parallel_loop3A_397 = arith.constant 0 : i32
        %parallel_loop3A_398 = vector.broadcast %parallel_loop3A_397 : i32 to vector<16xi32>
        %parallel_loop3A_399 = arith.select %parallel_loop3A_394, %parallel_loop3A_392, %parallel_loop3A_398 : vector<16xi1>, vector<16xi32>
        %parallel_loop3A_400 = arith.maxsi %parallel_loop3A_385, %parallel_loop3A_399 : vector<16xi32>
        %parallel_loop3A_401 = arith.select %parallel_loop3A_394, %broadcast_in_dim3A_8, %parallel_loop3A_392 : vector<16xi1>, vector<16xi32>
        %parallel_loop3A_402 = arith.minsi %parallel_loop3A_386, %parallel_loop3A_401 : vector<16xi32>
        scf.yield %parallel_loop3A_396, %parallel_loop3A_400, %parallel_loop3A_402 : vector<16xi32>, vector<16xi32>, vector<16xi32>
      } {sc.loop_unroll_factor = 2 : i64, sc.parallel_access}
      %reduce_max3A = arith.constant true
      %reduce_max3A_41 = vector.broadcast %reduce_max3A : i1 to vector<16xi1>
      %reduce_max3A_42 = arith.constant -2147483648 : i32
      %reduce_max3A_43 = vector.broadcast %reduce_max3A_42 : i32 to vector<16xi32>
      %reduce_max3A_44 = arith.xori %parallel_loop3A_40#0, %reduce_max3A_43 : vector<16xi32>
      %reduce_max3A_45 = tpu.scan <max>, %reduce_max3A_44 masked %reduce_max3A_41 : vector<16xi32>, vector<16xi1> -> vector<16xi32>
      %reduce_max3A_46 = arith.xori %reduce_max3A_45, %reduce_max3A_43 : vector<16xi32>
      %reduce_max3A_47 = vector.extract %reduce_max3A_46[15] : i32 from vector<16xi32>
      %reduce_min3A = arith.constant true
      %reduce_min3A_48 = vector.broadcast %reduce_min3A : i1 to vector<16xi1>
      %reduce_min3A_49 = arith.constant -2147483648 : i32
      %reduce_min3A_50 = vector.broadcast %reduce_min3A_49 : i32 to vector<16xi32>
      %reduce_min3A_51 = arith.xori %parallel_loop3A_40#2, %reduce_min3A_50 : vector<16xi32>
      %reduce_min3A_52 = tpu.scan <min>, %reduce_min3A_51 masked %reduce_min3A_48 : vector<16xi32>, vector<16xi1> -> vector<16xi32>
      %reduce_min3A_53 = arith.xori %reduce_min3A_52, %reduce_min3A_50 : vector<16xi32>
      %reduce_min3A_54 = vector.extract %reduce_min3A_53[15] : i32 from vector<16xi32>
      %reduce_max3A_55 = arith.constant true
      %reduce_max3A_56 = vector.broadcast %reduce_max3A_55 : i1 to vector<16xi1>
      %reduce_max3A_57 = arith.constant -2147483648 : i32
      %reduce_max3A_58 = vector.broadcast %reduce_max3A_57 : i32 to vector<16xi32>
      %reduce_max3A_59 = arith.xori %parallel_loop3A_40#1, %reduce_max3A_58 : vector<16xi32>
      %reduce_max3A_60 = tpu.scan <max>, %reduce_max3A_59 masked %reduce_max3A_56 : vector<16xi32>, vector<16xi1> -> vector<16xi32>
      %reduce_max3A_61 = arith.xori %reduce_max3A_60, %reduce_max3A_58 : vector<16xi32>
      %reduce_max3A_62 = vector.extract %reduce_max3A_61[15] : i32 from vector<16xi32>
      %sub3A_63 = arith.subi %reduce_min3A_54, %reduce_max3A_62 : i32
      %sub3A_64 = arith.constant 2048 : i32
      %sub3A_65 = arith.subi %sub3A_64, %reduce_min3A_54 : i32
      %sub3A_66 = arith.constant 64 : i32
      %sub3A_67 = arith.subi %sub3A_66, %sub3A_65 : i32
      %xor3A = arith.constant 128 : i32
      %xor3A_68 = arith.xori %reduce_max3A_47, %xor3A : i32
      %shift_left3A = arith.constant 24 : i32
      %shift_left3A_69 = arith.shli %xor3A_68, %shift_left3A : i32
      %shift_right_arithmetic3A = arith.constant 24 : i32
      %shift_right_arithmetic3A_70 = arith.shrsi %shift_left3A_69, %shift_right_arithmetic3A : i32
      %parallel_loop3A_71 = arith.constant 0 : i32
      %parallel_loop3A_72 = arith.constant 256 : i32
      %parallel_loop3A_73 = arith.constant 1 : i32
      scf.for %parallel_loop3A_383 = %parallel_loop3A_71 to %parallel_loop3A_72 step %parallel_loop3A_73  : i32 {
        %parallel_loop3A_384 = arith.constant 16 : i32
        %parallel_loop3A_385 = arith.muli %parallel_loop3A_383, %parallel_loop3A_384 : i32
        %parallel_loop3A_386 = arith.index_cast %parallel_loop3A_385 : i32 to index
        %parallel_loop3A_387 = tpu.vector_load %arg6[%parallel_loop3A_386] {strides = array<i32>} : memref<4096xi32, #tpu.memory_space<vmem>>, vector<16xi32>,
        tpu.vector_store %arg6[%parallel_loop3A_386], %broadcast_in_dim3A_4 {strides = array<i32>} : memref<4096xi32, #tpu.memory_space<vmem>>, vector<16xi32>,
      } {sc.loop_unroll_factor = 8 : i64, sc.parallel_access}
      %parallel_loop3A_74 = arith.constant 0 : i32
      %parallel_loop3A_75 = arith.constant 128 : i32
      %parallel_loop3A_76 = arith.constant 1 : i32
      scf.for %parallel_loop3A_383 = %parallel_loop3A_74 to %parallel_loop3A_75 step %parallel_loop3A_76  : i32 {
        %parallel_loop3A_384 = arith.constant 16 : i32
        %parallel_loop3A_385 = arith.muli %parallel_loop3A_383, %parallel_loop3A_384 : i32
        %parallel_loop3A_386 = arith.constant 16 : i32
        %parallel_loop3A_387 = arith.muli %parallel_loop3A_385, %parallel_loop3A_386 : i32
        %parallel_loop3A_388 = arith.index_cast %parallel_loop3A_387 : i32 to index
        %parallel_loop3A_389 = tpu.vector_load %arg4[%parallel_loop3A_388] {strides = array<i32>} : memref<32768xf32, #tpu.memory_space<vmem>>, vector<16xf32>,
        %parallel_loop3A_390 = arith.constant 0.000000e+00 : f32
        %parallel_loop3A_391 = vector.broadcast %parallel_loop3A_390 : f32 to vector<16xf32>
        %parallel_loop3A_392 = arith.addf %parallel_loop3A_389, %parallel_loop3A_391 : vector<16xf32>
        %parallel_loop3A_393 = tpu.bitcast %parallel_loop3A_392 : vector<16xf32> -> vector<16xi32>
        %parallel_loop3A_394 = arith.constant 31 : i32
        %parallel_loop3A_395 = vector.broadcast %parallel_loop3A_394 : i32 to vector<16xi32>
        %parallel_loop3A_396 = arith.shrsi %parallel_loop3A_393, %parallel_loop3A_395 : vector<16xi32>
        %parallel_loop3A_397 = arith.constant 2147483647 : i32
        %parallel_loop3A_398 = vector.broadcast %parallel_loop3A_397 : i32 to vector<16xi32>
        %parallel_loop3A_399 = arith.andi %parallel_loop3A_396, %parallel_loop3A_398 : vector<16xi32>
        %parallel_loop3A_400 = arith.xori %parallel_loop3A_393, %parallel_loop3A_399 : vector<16xi32>
        %parallel_loop3A_401 = arith.constant 24 : i32
        %parallel_loop3A_402 = vector.broadcast %parallel_loop3A_401 : i32 to vector<16xi32>
        %parallel_loop3A_403 = arith.shrsi %parallel_loop3A_400, %parallel_loop3A_402 : vector<16xi32>
        %parallel_loop3A_404 = vector.broadcast %shift_right_arithmetic3A_70 : i32 to vector<16xi32>
        %parallel_loop3A_405 = arith.cmpi eq, %parallel_loop3A_403, %parallel_loop3A_404 : vector<16xi32>
        %parallel_loop3A_406 = arith.constant 16 : i32
        %parallel_loop3A_407 = vector.broadcast %parallel_loop3A_406 : i32 to vector<16xi32>
        %parallel_loop3A_408 = arith.shrsi %parallel_loop3A_400, %parallel_loop3A_407 : vector<16xi32>
        %parallel_loop3A_409 = arith.constant 255 : i32
        %parallel_loop3A_410 = vector.broadcast %parallel_loop3A_409 : i32 to vector<16xi32>
        %parallel_loop3A_411 = arith.andi %parallel_loop3A_408, %parallel_loop3A_410 : vector<16xi32>
        %parallel_loop3A_412 = arith.addi %mul3A_3, %parallel_loop3A_411 : vector<16xi32>
        tpu.vector_store_idx %arg6[%parallel_loop3A_412], %broadcast_in_dim3A_6 masked %parallel_loop3A_405 {add = true} : memref<4096xi32, #tpu.memory_space<vmem>>[vector<16xi32>], vector<16xi32>, vector<16xi1>
      } {sc.loop_unroll_factor = 4 : i64, sc.parallel_access}
      %sub3A_77 = arith.subi %sub3A_63, %sub3A_67 : i32
      %parallel_loop3A_78 = arith.constant 0 : i32
      %parallel_loop3A_79 = arith.constant 16 : i32
      %parallel_loop3A_80 = arith.constant 1 : i32
      scf.for %parallel_loop3A_383 = %parallel_loop3A_78 to %parallel_loop3A_79 step %parallel_loop3A_80  : i32 {
        %parallel_loop3A_384 = arith.constant 16 : i32
        %parallel_loop3A_385 = arith.muli %parallel_loop3A_383, %parallel_loop3A_384 : i32
        %parallel_loop3A_386 = arith.constant 0 : i32
        %parallel_loop3A_387 = arith.addi %parallel_loop3A_386, %parallel_loop3A_385 : i32
        %parallel_loop3A_388 = arith.index_cast %parallel_loop3A_387 : i32 to index
        %parallel_loop3A_389 = tpu.vector_load %arg6[%parallel_loop3A_388] {strides = array<i32>} : memref<4096xi32, #tpu.memory_space<vmem>>, vector<16xi32>,
        %parallel_loop3A_390 = arith.addi %broadcast_in_dim3A_4, %parallel_loop3A_389 : vector<16xi32>
        %parallel_loop3A_391 = arith.constant 16 : i32
        %parallel_loop3A_392 = arith.muli %parallel_loop3A_383, %parallel_loop3A_391 : i32
        %parallel_loop3A_393 = arith.constant 256 : i32
        %parallel_loop3A_394 = arith.addi %parallel_loop3A_393, %parallel_loop3A_392 : i32
        %parallel_loop3A_395 = arith.index_cast %parallel_loop3A_394 : i32 to index
        %parallel_loop3A_396 = tpu.vector_load %arg6[%parallel_loop3A_395] {strides = array<i32>} : memref<4096xi32, #tpu.memory_space<vmem>>, vector<16xi32>,
        %parallel_loop3A_397 = arith.addi %parallel_loop3A_390, %parallel_loop3A_396 : vector<16xi32>
        %parallel_loop3A_398 = arith.constant 16 : i32
        %parallel_loop3A_399 = arith.muli %parallel_loop3A_383, %parallel_loop3A_398 : i32
        %parallel_loop3A_400 = arith.constant 512 : i32
        %parallel_loop3A_401 = arith.addi %parallel_loop3A_400, %parallel_loop3A_399 : i32
        %parallel_loop3A_402 = arith.index_cast %parallel_loop3A_401 : i32 to index
        %parallel_loop3A_403 = tpu.vector_load %arg6[%parallel_loop3A_402] {strides = array<i32>} : memref<4096xi32, #tpu.memory_space<vmem>>, vector<16xi32>,
        %parallel_loop3A_404 = arith.addi %parallel_loop3A_397, %parallel_loop3A_403 : vector<16xi32>
        %parallel_loop3A_405 = arith.constant 16 : i32
        %parallel_loop3A_406 = arith.muli %parallel_loop3A_383, %parallel_loop3A_405 : i32
        %parallel_loop3A_407 = arith.constant 768 : i32
        %parallel_loop3A_408 = arith.addi %parallel_loop3A_407, %parallel_loop3A_406 : i32
        %parallel_loop3A_409 = arith.index_cast %parallel_loop3A_408 : i32 to index
        %parallel_loop3A_410 = tpu.vector_load %arg6[%parallel_loop3A_409] {strides = array<i32>} : memref<4096xi32, #tpu.memory_space<vmem>>, vector<16xi32>,
        %parallel_loop3A_411 = arith.addi %parallel_loop3A_404, %parallel_loop3A_410 : vector<16xi32>
        %parallel_loop3A_412 = arith.constant 16 : i32
        %parallel_loop3A_413 = arith.muli %parallel_loop3A_383, %parallel_loop3A_412 : i32
        %parallel_loop3A_414 = arith.constant 1024 : i32
        %parallel_loop3A_415 = arith.addi %parallel_loop3A_414, %parallel_loop3A_413 : i32
        %parallel_loop3A_416 = arith.index_cast %parallel_loop3A_415 : i32 to index
        %parallel_loop3A_417 = tpu.vector_load %arg6[%parallel_loop3A_416] {strides = array<i32>} : memref<4096xi32, #tpu.memory_space<vmem>>, vector<16xi32>,
        %parallel_loop3A_418 = arith.addi %parallel_loop3A_411, %parallel_loop3A_417 : vector<16xi32>
        %parallel_loop3A_419 = arith.constant 16 : i32
        %parallel_loop3A_420 = arith.muli %parallel_loop3A_383, %parallel_loop3A_419 : i32
        %parallel_loop3A_421 = arith.constant 1280 : i32
        %parallel_loop3A_422 = arith.addi %parallel_loop3A_421, %parallel_loop3A_420 : i32
        %parallel_loop3A_423 = arith.index_cast %parallel_loop3A_422 : i32 to index
        %parallel_loop3A_424 = tpu.vector_load %arg6[%parallel_loop3A_423] {strides = array<i32>} : memref<4096xi32, #tpu.memory_space<vmem>>, vector<16xi32>,
        %parallel_loop3A_425 = arith.addi %parallel_loop3A_418, %parallel_loop3A_424 : vector<16xi32>
        %parallel_loop3A_426 = arith.constant 16 : i32
        %parallel_loop3A_427 = arith.muli %parallel_loop3A_383, %parallel_loop3A_426 : i32
        %parallel_loop3A_428 = arith.constant 1536 : i32
        %parallel_loop3A_429 = arith.addi %parallel_loop3A_428, %parallel_loop3A_427 : i32
        %parallel_loop3A_430 = arith.index_cast %parallel_loop3A_429 : i32 to index
        %parallel_loop3A_431 = tpu.vector_load %arg6[%parallel_loop3A_430] {strides = array<i32>} : memref<4096xi32, #tpu.memory_space<vmem>>, vector<16xi32>,
        %parallel_loop3A_432 = arith.addi %parallel_loop3A_425, %parallel_loop3A_431 : vector<16xi32>
        %parallel_loop3A_433 = arith.constant 16 : i32
        %parallel_loop3A_434 = arith.muli %parallel_loop3A_383, %parallel_loop3A_433 : i32
        %parallel_loop3A_435 = arith.constant 1792 : i32
        %parallel_loop3A_436 = arith.addi %parallel_loop3A_435, %parallel_loop3A_434 : i32
        %parallel_loop3A_437 = arith.index_cast %parallel_loop3A_436 : i32 to index
        %parallel_loop3A_438 = tpu.vector_load %arg6[%parallel_loop3A_437] {strides = array<i32>} : memref<4096xi32, #tpu.memory_space<vmem>>, vector<16xi32>,
        %parallel_loop3A_439 = arith.addi %parallel_loop3A_432, %parallel_loop3A_438 : vector<16xi32>
        %parallel_loop3A_440 = arith.constant 16 : i32
        %parallel_loop3A_441 = arith.muli %parallel_loop3A_383, %parallel_loop3A_440 : i32
        %parallel_loop3A_442 = arith.constant 2048 : i32
        %parallel_loop3A_443 = arith.addi %parallel_loop3A_442, %parallel_loop3A_441 : i32
        %parallel_loop3A_444 = arith.index_cast %parallel_loop3A_443 : i32 to index
        %parallel_loop3A_445 = tpu.vector_load %arg6[%parallel_loop3A_444] {strides = array<i32>} : memref<4096xi32, #tpu.memory_space<vmem>>, vector<16xi32>,
        %parallel_loop3A_446 = arith.addi %parallel_loop3A_439, %parallel_loop3A_445 : vector<16xi32>
        %parallel_loop3A_447 = arith.constant 16 : i32
        %parallel_loop3A_448 = arith.muli %parallel_loop3A_383, %parallel_loop3A_447 : i32
        %parallel_loop3A_449 = arith.constant 2304 : i32
        %parallel_loop3A_450 = arith.addi %parallel_loop3A_449, %parallel_loop3A_448 : i32
        %parallel_loop3A_451 = arith.index_cast %parallel_loop3A_450 : i32 to index
        %parallel_loop3A_452 = tpu.vector_load %arg6[%parallel_loop3A_451] {strides = array<i32>} : memref<4096xi32, #tpu.memory_space<vmem>>, vector<16xi32>,
        %parallel_loop3A_453 = arith.addi %parallel_loop3A_446, %parallel_loop3A_452 : vector<16xi32>
        %parallel_loop3A_454 = arith.constant 16 : i32
        %parallel_loop3A_455 = arith.muli %parallel_loop3A_383, %parallel_loop3A_454 : i32
        %parallel_loop3A_456 = arith.constant 2560 : i32
        %parallel_loop3A_457 = arith.addi %parallel_loop3A_456, %parallel_loop3A_455 : i32
        %parallel_loop3A_458 = arith.index_cast %parallel_loop3A_457 : i32 to index
        %parallel_loop3A_459 = tpu.vector_load %arg6[%parallel_loop3A_458] {strides = array<i32>} : memref<4096xi32, #tpu.memory_space<vmem>>, vector<16xi32>,
        %parallel_loop3A_460 = arith.addi %parallel_loop3A_453, %parallel_loop3A_459 : vector<16xi32>
        %parallel_loop3A_461 = arith.constant 16 : i32
        %parallel_loop3A_462 = arith.muli %parallel_loop3A_383, %parallel_loop3A_461 : i32
        %parallel_loop3A_463 = arith.constant 2816 : i32
        %parallel_loop3A_464 = arith.addi %parallel_loop3A_463, %parallel_loop3A_462 : i32
        %parallel_loop3A_465 = arith.index_cast %parallel_loop3A_464 : i32 to index
        %parallel_loop3A_466 = tpu.vector_load %arg6[%parallel_loop3A_465] {strides = array<i32>} : memref<4096xi32, #tpu.memory_space<vmem>>, vector<16xi32>,
        %parallel_loop3A_467 = arith.addi %parallel_loop3A_460, %parallel_loop3A_466 : vector<16xi32>
        %parallel_loop3A_468 = arith.constant 16 : i32
        %parallel_loop3A_469 = arith.muli %parallel_loop3A_383, %parallel_loop3A_468 : i32
        %parallel_loop3A_470 = arith.constant 3072 : i32
        %parallel_loop3A_471 = arith.addi %parallel_loop3A_470, %parallel_loop3A_469 : i32
        %parallel_loop3A_472 = arith.index_cast %parallel_loop3A_471 : i32 to index
        %parallel_loop3A_473 = tpu.vector_load %arg6[%parallel_loop3A_472] {strides = array<i32>} : memref<4096xi32, #tpu.memory_space<vmem>>, vector<16xi32>,
        %parallel_loop3A_474 = arith.addi %parallel_loop3A_467, %parallel_loop3A_473 : vector<16xi32>
        %parallel_loop3A_475 = arith.constant 16 : i32
        %parallel_loop3A_476 = arith.muli %parallel_loop3A_383, %parallel_loop3A_475 : i32
        %parallel_loop3A_477 = arith.constant 3328 : i32
        %parallel_loop3A_478 = arith.addi %parallel_loop3A_477, %parallel_loop3A_476 : i32
        %parallel_loop3A_479 = arith.index_cast %parallel_loop3A_478 : i32 to index
        %parallel_loop3A_480 = tpu.vector_load %arg6[%parallel_loop3A_479] {strides = array<i32>} : memref<4096xi32, #tpu.memory_space<vmem>>, vector<16xi32>,
        %parallel_loop3A_481 = arith.addi %parallel_loop3A_474, %parallel_loop3A_480 : vector<16xi32>
        %parallel_loop3A_482 = arith.constant 16 : i32
        %parallel_loop3A_483 = arith.muli %parallel_loop3A_383, %parallel_loop3A_482 : i32
        %parallel_loop3A_484 = arith.constant 3584 : i32
        %parallel_loop3A_485 = arith.addi %parallel_loop3A_484, %parallel_loop3A_483 : i32
        %parallel_loop3A_486 = arith.index_cast %parallel_loop3A_485 : i32 to index
        %parallel_loop3A_487 = tpu.vector_load %arg6[%parallel_loop3A_486] {strides = array<i32>} : memref<4096xi32, #tpu.memory_space<vmem>>, vector<16xi32>,
        %parallel_loop3A_488 = arith.addi %parallel_loop3A_481, %parallel_loop3A_487 : vector<16xi32>
        %parallel_loop3A_489 = arith.constant 16 : i32
        %parallel_loop3A_490 = arith.muli %parallel_loop3A_383, %parallel_loop3A_489 : i32
        %parallel_loop3A_491 = arith.constant 3840 : i32
        %parallel_loop3A_492 = arith.addi %parallel_loop3A_491, %parallel_loop3A_490 : i32
        %parallel_loop3A_493 = arith.index_cast %parallel_loop3A_492 : i32 to index
        %parallel_loop3A_494 = tpu.vector_load %arg6[%parallel_loop3A_493] {strides = array<i32>} : memref<4096xi32, #tpu.memory_space<vmem>>, vector<16xi32>,
        %parallel_loop3A_495 = arith.addi %parallel_loop3A_488, %parallel_loop3A_494 : vector<16xi32>
        %parallel_loop3A_496 = vector.broadcast %parallel_loop3A_383 : i32 to vector<16xi32>
        %parallel_loop3A_497 = arith.addi %mul3A_11, %parallel_loop3A_496 : vector<16xi32>
        %parallel_loop3A_498 = arith.constant true
        %parallel_loop3A_499 = vector.broadcast %parallel_loop3A_498 : i1 to vector<16xi1>
        %parallel_loop3A_500 = tpu.scan <sum>, %parallel_loop3A_495 masked %parallel_loop3A_499 : vector<16xi32>, vector<16xi1> -> vector<16xi32>
        tpu.vector_store_idx %arg7[%parallel_loop3A_497], %parallel_loop3A_500 : memref<272xi32, #tpu.memory_space<vmem>>[vector<16xi32>], vector<16xi32>,
      } {sc.loop_unroll_factor = 2 : i64, sc.parallel_access}
      %add3A_81 = arith.constant 255 : i32
      %add3A_82 = vector.broadcast %add3A_81 : i32 to vector<16xi32>
      %add3A_83 = arith.addi %add3A_82, %iota3A : vector<16xi32>
      %gather3A_84 = tpu.vector_load_idx %arg7[%add3A_83] : memref<272xi32, #tpu.memory_space<vmem>>[vector<16xi32>], vector<16xi32>,
      %broadcast_in_dim3A_85 = arith.constant true
      %broadcast_in_dim3A_86 = vector.broadcast %broadcast_in_dim3A_85 : i1 to vector<16xi1>
      %masked_cumsum3A_87 = tpu.scan <sum>, %gather3A_84 masked %broadcast_in_dim3A_86 : vector<16xi32>, vector<16xi1> -> vector<16xi32>
      %sub3A_88 = arith.subi %masked_cumsum3A_87, %gather3A_84 : vector<16xi32>
      %parallel_loop3A_89 = arith.constant 0 : i32
      %parallel_loop3A_90 = arith.constant 16 : i32
      %parallel_loop3A_91 = arith.constant 1 : i32
      %parallel_loop3A_92:3 = scf.for %parallel_loop3A_383 = %parallel_loop3A_89 to %parallel_loop3A_90 step %parallel_loop3A_91 iter_args(%parallel_loop3A_384 = %broadcast_in_dim3A_4, %parallel_loop3A_385 = %broadcast_in_dim3A_4, %parallel_loop3A_386 = %broadcast_in_dim3A_8) -> (vector<16xi32>, vector<16xi32>, vector<16xi32>)  : i32 {
        %parallel_loop3A_387 = arith.constant 17 : i32
        %parallel_loop3A_388 = arith.muli %parallel_loop3A_383, %parallel_loop3A_387 : i32
        %parallel_loop3A_389 = vector.broadcast %parallel_loop3A_388 : i32 to vector<16xi32>
        %parallel_loop3A_390 = arith.addi %parallel_loop3A_389, %iota3A : vector<16xi32>
        %parallel_loop3A_391 = tpu.vector_load_idx %arg7[%parallel_loop3A_390] : memref<272xi32, #tpu.memory_space<vmem>>[vector<16xi32>], vector<16xi32>,
        %parallel_loop3A_392 = arith.addi %parallel_loop3A_391, %sub3A_88 : vector<16xi32>
        %parallel_loop3A_393 = vector.broadcast %sub3A_77 : i32 to vector<16xi32>
        %parallel_loop3A_394 = arith.cmpi sle, %parallel_loop3A_392, %parallel_loop3A_393 : vector<16xi32>
        %parallel_loop3A_395 = tpu.all_reduce %parallel_loop3A_394 {dim = 0 : i64, kind = #tpu.reduction_kind<sum>} : vector<16xi1> -> vector<16xi32>
        %parallel_loop3A_396 = arith.addi %parallel_loop3A_384, %parallel_loop3A_395 : vector<16xi32>
        %parallel_loop3A_397 = arith.constant 0 : i32
        %parallel_loop3A_398 = vector.broadcast %parallel_loop3A_397 : i32 to vector<16xi32>
        %parallel_loop3A_399 = arith.select %parallel_loop3A_394, %parallel_loop3A_392, %parallel_loop3A_398 : vector<16xi1>, vector<16xi32>
        %parallel_loop3A_400 = arith.maxsi %parallel_loop3A_385, %parallel_loop3A_399 : vector<16xi32>
        %parallel_loop3A_401 = arith.select %parallel_loop3A_394, %broadcast_in_dim3A_8, %parallel_loop3A_392 : vector<16xi1>, vector<16xi32>
        %parallel_loop3A_402 = arith.minsi %parallel_loop3A_386, %parallel_loop3A_401 : vector<16xi32>
        scf.yield %parallel_loop3A_396, %parallel_loop3A_400, %parallel_loop3A_402 : vector<16xi32>, vector<16xi32>, vector<16xi32>
      } {sc.loop_unroll_factor = 2 : i64, sc.parallel_access}
      %reduce_max3A_93 = arith.constant true
      %reduce_max3A_94 = vector.broadcast %reduce_max3A_93 : i1 to vector<16xi1>
      %reduce_max3A_95 = arith.constant -2147483648 : i32
      %reduce_max3A_96 = vector.broadcast %reduce_max3A_95 : i32 to vector<16xi32>
      %reduce_max3A_97 = arith.xori %parallel_loop3A_92#0, %reduce_max3A_96 : vector<16xi32>
      %reduce_max3A_98 = tpu.scan <max>, %reduce_max3A_97 masked %reduce_max3A_94 : vector<16xi32>, vector<16xi1> -> vector<16xi32>
      %reduce_max3A_99 = arith.xori %reduce_max3A_98, %reduce_max3A_96 : vector<16xi32>
      %reduce_max3A_100 = vector.extract %reduce_max3A_99[15] : i32 from vector<16xi32>
      %reduce_min3A_101 = arith.constant true
      %reduce_min3A_102 = vector.broadcast %reduce_min3A_101 : i1 to vector<16xi1>
      %reduce_min3A_103 = arith.constant -2147483648 : i32
      %reduce_min3A_104 = vector.broadcast %reduce_min3A_103 : i32 to vector<16xi32>
      %reduce_min3A_105 = arith.xori %parallel_loop3A_92#2, %reduce_min3A_104 : vector<16xi32>
      %reduce_min3A_106 = tpu.scan <min>, %reduce_min3A_105 masked %reduce_min3A_102 : vector<16xi32>, vector<16xi1> -> vector<16xi32>
      %reduce_min3A_107 = arith.xori %reduce_min3A_106, %reduce_min3A_104 : vector<16xi32>
      %reduce_min3A_108 = vector.extract %reduce_min3A_107[15] : i32 from vector<16xi32>
      %reduce_max3A_109 = arith.constant true
      %reduce_max3A_110 = vector.broadcast %reduce_max3A_109 : i1 to vector<16xi1>
      %reduce_max3A_111 = arith.constant -2147483648 : i32
      %reduce_max3A_112 = vector.broadcast %reduce_max3A_111 : i32 to vector<16xi32>
      %reduce_max3A_113 = arith.xori %parallel_loop3A_92#1, %reduce_max3A_112 : vector<16xi32>
      %reduce_max3A_114 = tpu.scan <max>, %reduce_max3A_113 masked %reduce_max3A_110 : vector<16xi32>, vector<16xi1> -> vector<16xi32>
      %reduce_max3A_115 = arith.xori %reduce_max3A_114, %reduce_max3A_112 : vector<16xi32>
      %reduce_max3A_116 = vector.extract %reduce_max3A_115[15] : i32 from vector<16xi32>
      %sub3A_117 = arith.subi %reduce_min3A_108, %reduce_max3A_116 : i32
      %sub3A_118 = arith.subi %sub3A_63, %reduce_min3A_108 : i32
      %sub3A_119 = arith.subi %sub3A_67, %sub3A_118 : i32
      %shift_left3A_120 = arith.constant 8 : i32
      %shift_left3A_121 = arith.shli %shift_right_arithmetic3A_70, %shift_left3A_120 : i32
      %or3A = arith.ori %shift_left3A_121, %reduce_max3A_100 : i32
      %shift_left3A_122 = arith.constant 16 : i32
      %shift_left3A_123 = arith.shli %or3A, %shift_left3A_122 : i32
      %lt3A = arith.constant 0 : i32
      %lt3A_124 = arith.cmpi slt, %shift_left3A_123, %lt3A : i32
      %xor3A_125 = arith.constant 2147483647 : i32
      %xor3A_126 = arith.xori %shift_left3A_123, %xor3A_125 : i32
      %select_n3A = arith.select %lt3A_124, %xor3A_126, %shift_left3A_123 : i32
      %bitcast_convert_type3A = arith.bitcast %select_n3A : i32 to f32
      %parallel_loop3A_127 = arith.constant 0 : i32
      %parallel_loop3A_128 = arith.constant 2048 : i32
      %parallel_loop3A_129 = arith.constant 1 : i32
      %parallel_loop3A_130 = scf.for %parallel_loop3A_383 = %parallel_loop3A_127 to %parallel_loop3A_128 step %parallel_loop3A_129 iter_args(%parallel_loop3A_384 = %broadcast_in_dim3A_4) -> (vector<16xi32>)  : i32 {
        %parallel_loop3A_385 = arith.constant 16 : i32
        %parallel_loop3A_386 = arith.muli %parallel_loop3A_383, %parallel_loop3A_385 : i32
        %parallel_loop3A_387 = arith.index_cast %parallel_loop3A_386 : i32 to index
        %parallel_loop3A_388 = tpu.vector_load %arg4[%parallel_loop3A_387] {strides = array<i32>} : memref<32768xf32, #tpu.memory_space<vmem>>, vector<16xf32>,
        %parallel_loop3A_389 = vector.broadcast %bitcast_convert_type3A : f32 to vector<16xf32>
        %parallel_loop3A_390 = arith.cmpf oge, %parallel_loop3A_388, %parallel_loop3A_389 : vector<16xf32>
        %parallel_loop3A_391 = arith.extui %parallel_loop3A_390 : vector<16xi1> to vector<16xi32>
        %parallel_loop3A_392 = arith.constant true
        %parallel_loop3A_393 = vector.broadcast %parallel_loop3A_392 : i1 to vector<16xi1>
        %parallel_loop3A_394 = tpu.scan <sum>, %parallel_loop3A_391 masked %parallel_loop3A_393 : vector<16xi32>, vector<16xi1> -> vector<16xi32>
        %parallel_loop3A_395 = arith.subi %parallel_loop3A_394, %parallel_loop3A_391 : vector<16xi32>
        %parallel_loop3A_396 = arith.addi %parallel_loop3A_384, %parallel_loop3A_395 : vector<16xi32>
        tpu.vector_store_idx %arg5[%parallel_loop3A_396], %parallel_loop3A_388 masked %parallel_loop3A_390 : memref<32784xf32, #tpu.memory_space<vmem>>[vector<16xi32>], vector<16xf32>, vector<16xi1>
        %parallel_loop3A_397 = tpu.all_reduce %parallel_loop3A_390 {dim = 0 : i64, kind = #tpu.reduction_kind<sum>} : vector<16xi1> -> vector<16xi32>
        %parallel_loop3A_398 = arith.addi %parallel_loop3A_384, %parallel_loop3A_397 : vector<16xi32>
        scf.yield %parallel_loop3A_398 : vector<16xi32>
      } {sc.loop_unroll_factor = 8 : i64, sc.parallel_access}
      %reduce_max3A_131 = arith.constant true
      %reduce_max3A_132 = vector.broadcast %reduce_max3A_131 : i1 to vector<16xi1>
      %reduce_max3A_133 = arith.constant -2147483648 : i32
      %reduce_max3A_134 = vector.broadcast %reduce_max3A_133 : i32 to vector<16xi32>
      %reduce_max3A_135 = arith.xori %parallel_loop3A_130, %reduce_max3A_134 : vector<16xi32>
      %reduce_max3A_136 = tpu.scan <max>, %reduce_max3A_135 masked %reduce_max3A_132 : vector<16xi32>, vector<16xi1> -> vector<16xi32>
      %reduce_max3A_137 = arith.xori %reduce_max3A_136, %reduce_max3A_134 : vector<16xi32>
      %reduce_max3A_138 = vector.extract %reduce_max3A_137[15] : i32 from vector<16xi32>
      %lt3A_139 = arith.constant 512 : i32
      %lt3A_140 = arith.cmpi slt, %reduce_max3A_138, %lt3A_139 : i32
      %convert_element_type3A = arith.extui %lt3A_140 : i1 to i32
      %cond3A = arith.constant 0 : i32
      %cond3A_141 = arith.cmpi ne, %convert_element_type3A, %cond3A : i32
      %cond3A_142 = scf.if %cond3A_141 -> (vector<16xi32>) {
        %parallel_loop3A_383 = arith.constant 0 : i32
        %parallel_loop3A_384 = arith.constant 2048 : i32
        %parallel_loop3A_385 = arith.constant 1 : i32
        scf.for %parallel_loop3A_388 = %parallel_loop3A_383 to %parallel_loop3A_384 step %parallel_loop3A_385  : i32 {
          %parallel_loop3A_389 = arith.constant 16 : i32
          %parallel_loop3A_390 = arith.muli %parallel_loop3A_388, %parallel_loop3A_389 : i32
          %parallel_loop3A_391 = arith.index_cast %parallel_loop3A_390 : i32 to index
          %parallel_loop3A_392 = tpu.vector_load %arg4[%parallel_loop3A_391] {strides = array<i32>} : memref<32768xf32, #tpu.memory_space<vmem>>, vector<16xf32>,
          %parallel_loop3A_393 = arith.constant 16 : i32
          %parallel_loop3A_394 = arith.muli %parallel_loop3A_388, %parallel_loop3A_393 : i32
          %parallel_loop3A_395 = arith.index_cast %parallel_loop3A_394 : i32 to index
          %parallel_loop3A_396 = tpu.vector_load %arg5[%parallel_loop3A_395] {strides = array<i32>} : memref<32784xf32, #tpu.memory_space<vmem>>, vector<16xf32>,
          tpu.vector_store %arg5[%parallel_loop3A_395], %parallel_loop3A_392 {strides = array<i32>} : memref<32784xf32, #tpu.memory_space<vmem>>, vector<16xf32>,
        } {sc.loop_unroll_factor = 8 : i64, sc.parallel_access}
        %broadcast_in_dim3A_386 = arith.constant 32768 : i32
        %broadcast_in_dim3A_387 = vector.broadcast %broadcast_in_dim3A_386 : i32 to vector<16xi32>
        scf.yield %broadcast_in_dim3A_387 : vector<16xi32>
      } else {
        scf.yield %parallel_loop3A_130 : vector<16xi32>
      }
      %reduce_max3A_143 = arith.constant true
      %reduce_max3A_144 = vector.broadcast %reduce_max3A_143 : i1 to vector<16xi1>
      %reduce_max3A_145 = arith.constant -2147483648 : i32
      %reduce_max3A_146 = vector.broadcast %reduce_max3A_145 : i32 to vector<16xi32>
      %reduce_max3A_147 = arith.xori %cond3A_142, %reduce_max3A_146 : vector<16xi32>
      %reduce_max3A_148 = tpu.scan <max>, %reduce_max3A_147 masked %reduce_max3A_144 : vector<16xi32>, vector<16xi1> -> vector<16xi32>
      %reduce_max3A_149 = arith.xori %reduce_max3A_148, %reduce_max3A_146 : vector<16xi32>
      %reduce_max3A_150 = vector.extract %reduce_max3A_149[15] : i32 from vector<16xi32>
      %add3A_151 = arith.constant 15 : i32
      %add3A_152 = arith.addi %reduce_max3A_150, %add3A_151 : i32
      %jit3A = arith.constant 16 : i32
      %div3A = arith.divsi %add3A_152, %jit3A : i32
      %sign3A = arith.constant 0 : i32
      %sign3A_153 = arith.cmpi sgt, %add3A_152, %sign3A : i32
      %sign3A_154 = arith.extui %sign3A_153 : i1 to i32
      %sign3A_155 = arith.constant 0 : i32
      %sign3A_156 = arith.cmpi slt, %add3A_152, %sign3A_155 : i32
      %sign3A_157 = arith.extui %sign3A_156 : i1 to i32
      %sign3A_158 = arith.subi %sign3A_154, %sign3A_157 : i32
      %sign3A_159 = arith.constant 0 : i32
      %sign3A_160 = arith.cmpi sgt, %jit3A, %sign3A_159 : i32
      %sign3A_161 = arith.extui %sign3A_160 : i1 to i32
      %sign3A_162 = arith.constant 0 : i32
      %sign3A_163 = arith.cmpi slt, %jit3A, %sign3A_162 : i32
      %sign3A_164 = arith.extui %sign3A_163 : i1 to i32
      %sign3A_165 = arith.subi %sign3A_161, %sign3A_164 : i32
      %ne3A = arith.cmpi ne, %sign3A_158, %sign3A_165 : i32
      %rem3A = arith.remsi %add3A_152, %jit3A : i32
      %ne3A_166 = arith.constant 0 : i32
      %ne3A_167 = arith.cmpi ne, %rem3A, %ne3A_166 : i32
      %and3A = arith.andi %ne3A, %ne3A_167 : i1
      %sub3A_168 = arith.constant 1 : i32
      %sub3A_169 = arith.subi %div3A, %sub3A_168 : i32
      %select_n3A_170 = arith.select %and3A, %sub3A_169, %div3A : i32
      %parallel_loop3A_171 = arith.constant 0 : i32
      %parallel_loop3A_172 = arith.constant 256 : i32
      %parallel_loop3A_173 = arith.constant 1 : i32
      scf.for %parallel_loop3A_383 = %parallel_loop3A_171 to %parallel_loop3A_172 step %parallel_loop3A_173  : i32 {
        %parallel_loop3A_384 = arith.constant 16 : i32
        %parallel_loop3A_385 = arith.muli %parallel_loop3A_383, %parallel_loop3A_384 : i32
        %parallel_loop3A_386 = arith.index_cast %parallel_loop3A_385 : i32 to index
        %parallel_loop3A_387 = tpu.vector_load %arg6[%parallel_loop3A_386] {strides = array<i32>} : memref<4096xi32, #tpu.memory_space<vmem>>, vector<16xi32>,
        tpu.vector_store %arg6[%parallel_loop3A_386], %broadcast_in_dim3A_4 {strides = array<i32>} : memref<4096xi32, #tpu.memory_space<vmem>>, vector<16xi32>,
      } {sc.loop_unroll_factor = 8 : i64, sc.parallel_access}
      %parallel_loop3A_174 = arith.constant 0 : i32
      %parallel_loop3A_175 = arith.constant 1 : i32
      scf.for %parallel_loop3A_383 = %parallel_loop3A_174 to %select_n3A_170 step %parallel_loop3A_175  : i32 {
        %parallel_loop3A_384 = arith.constant 16 : i32
        %parallel_loop3A_385 = arith.muli %parallel_loop3A_383, %parallel_loop3A_384 : i32
        %parallel_loop3A_386 = arith.index_cast %parallel_loop3A_385 : i32 to index
        %parallel_loop3A_387 = tpu.vector_load %arg5[%parallel_loop3A_386] {strides = array<i32>} : memref<32784xf32, #tpu.memory_space<vmem>>, vector<16xf32>,
        %parallel_loop3A_388 = arith.constant 0.000000e+00 : f32
        %parallel_loop3A_389 = vector.broadcast %parallel_loop3A_388 : f32 to vector<16xf32>
        %parallel_loop3A_390 = arith.addf %parallel_loop3A_387, %parallel_loop3A_389 : vector<16xf32>
        %parallel_loop3A_391 = tpu.bitcast %parallel_loop3A_390 : vector<16xf32> -> vector<16xi32>
        %parallel_loop3A_392 = arith.constant 31 : i32
        %parallel_loop3A_393 = vector.broadcast %parallel_loop3A_392 : i32 to vector<16xi32>
        %parallel_loop3A_394 = arith.shrsi %parallel_loop3A_391, %parallel_loop3A_393 : vector<16xi32>
        %parallel_loop3A_395 = arith.constant 2147483647 : i32
        %parallel_loop3A_396 = vector.broadcast %parallel_loop3A_395 : i32 to vector<16xi32>
        %parallel_loop3A_397 = arith.andi %parallel_loop3A_394, %parallel_loop3A_396 : vector<16xi32>
        %parallel_loop3A_398 = arith.xori %parallel_loop3A_391, %parallel_loop3A_397 : vector<16xi32>
        %parallel_loop3A_399 = arith.constant 16 : i32
        %parallel_loop3A_400 = arith.muli %parallel_loop3A_383, %parallel_loop3A_399 : i32
        %parallel_loop3A_401 = vector.broadcast %parallel_loop3A_400 : i32 to vector<16xi32>
        %parallel_loop3A_402 = arith.addi %parallel_loop3A_401, %iota3A : vector<16xi32>
        %parallel_loop3A_403 = arith.cmpi slt, %parallel_loop3A_402, %cond3A_142 : vector<16xi32>
        %parallel_loop3A_404 = arith.constant 24 : i32
        %parallel_loop3A_405 = vector.broadcast %parallel_loop3A_404 : i32 to vector<16xi32>
        %parallel_loop3A_406 = arith.shrsi %parallel_loop3A_398, %parallel_loop3A_405 : vector<16xi32>
        %parallel_loop3A_407 = arith.constant 255 : i32
        %parallel_loop3A_408 = vector.broadcast %parallel_loop3A_407 : i32 to vector<16xi32>
        %parallel_loop3A_409 = arith.andi %parallel_loop3A_406, %parallel_loop3A_408 : vector<16xi32>
        %parallel_loop3A_410 = arith.constant 128 : i32
        %parallel_loop3A_411 = vector.broadcast %parallel_loop3A_410 : i32 to vector<16xi32>
        %parallel_loop3A_412 = arith.xori %parallel_loop3A_409, %parallel_loop3A_411 : vector<16xi32>
        %parallel_loop3A_413 = arith.addi %mul3A_3, %parallel_loop3A_412 : vector<16xi32>
        tpu.vector_store_idx %arg6[%parallel_loop3A_413], %broadcast_in_dim3A_6 masked %parallel_loop3A_403 {add = true} : memref<4096xi32, #tpu.memory_space<vmem>>[vector<16xi32>], vector<16xi32>, vector<16xi1>
      } {sc.loop_unroll_factor = 2 : i64, sc.parallel_access}
      %sub3A_176 = arith.constant 512 : i32
      %sub3A_177 = arith.subi %reduce_max3A_150, %sub3A_176 : i32
      %parallel_loop3A_178 = arith.constant 0 : i32
      %parallel_loop3A_179 = arith.constant 16 : i32
      %parallel_loop3A_180 = arith.constant 1 : i32
      scf.for %parallel_loop3A_383 = %parallel_loop3A_178 to %parallel_loop3A_179 step %parallel_loop3A_180  : i32 {
        %parallel_loop3A_384 = arith.constant 16 : i32
        %parallel_loop3A_385 = arith.muli %parallel_loop3A_383, %parallel_loop3A_384 : i32
        %parallel_loop3A_386 = arith.constant 0 : i32
        %parallel_loop3A_387 = arith.addi %parallel_loop3A_386, %parallel_loop3A_385 : i32
        %parallel_loop3A_388 = arith.index_cast %parallel_loop3A_387 : i32 to index
        %parallel_loop3A_389 = tpu.vector_load %arg6[%parallel_loop3A_388] {strides = array<i32>} : memref<4096xi32, #tpu.memory_space<vmem>>, vector<16xi32>,
        %parallel_loop3A_390 = arith.addi %broadcast_in_dim3A_4, %parallel_loop3A_389 : vector<16xi32>
        %parallel_loop3A_391 = arith.constant 16 : i32
        %parallel_loop3A_392 = arith.muli %parallel_loop3A_383, %parallel_loop3A_391 : i32
        %parallel_loop3A_393 = arith.constant 256 : i32
        %parallel_loop3A_394 = arith.addi %parallel_loop3A_393, %parallel_loop3A_392 : i32
        %parallel_loop3A_395 = arith.index_cast %parallel_loop3A_394 : i32 to index
        %parallel_loop3A_396 = tpu.vector_load %arg6[%parallel_loop3A_395] {strides = array<i32>} : memref<4096xi32, #tpu.memory_space<vmem>>, vector<16xi32>,
        %parallel_loop3A_397 = arith.addi %parallel_loop3A_390, %parallel_loop3A_396 : vector<16xi32>
        %parallel_loop3A_398 = arith.constant 16 : i32
        %parallel_loop3A_399 = arith.muli %parallel_loop3A_383, %parallel_loop3A_398 : i32
        %parallel_loop3A_400 = arith.constant 512 : i32
        %parallel_loop3A_401 = arith.addi %parallel_loop3A_400, %parallel_loop3A_399 : i32
        %parallel_loop3A_402 = arith.index_cast %parallel_loop3A_401 : i32 to index
        %parallel_loop3A_403 = tpu.vector_load %arg6[%parallel_loop3A_402] {strides = array<i32>} : memref<4096xi32, #tpu.memory_space<vmem>>, vector<16xi32>,
        %parallel_loop3A_404 = arith.addi %parallel_loop3A_397, %parallel_loop3A_403 : vector<16xi32>
        %parallel_loop3A_405 = arith.constant 16 : i32
        %parallel_loop3A_406 = arith.muli %parallel_loop3A_383, %parallel_loop3A_405 : i32
        %parallel_loop3A_407 = arith.constant 768 : i32
        %parallel_loop3A_408 = arith.addi %parallel_loop3A_407, %parallel_loop3A_406 : i32
        %parallel_loop3A_409 = arith.index_cast %parallel_loop3A_408 : i32 to index
        %parallel_loop3A_410 = tpu.vector_load %arg6[%parallel_loop3A_409] {strides = array<i32>} : memref<4096xi32, #tpu.memory_space<vmem>>, vector<16xi32>,
        %parallel_loop3A_411 = arith.addi %parallel_loop3A_404, %parallel_loop3A_410 : vector<16xi32>
        %parallel_loop3A_412 = arith.constant 16 : i32
        %parallel_loop3A_413 = arith.muli %parallel_loop3A_383, %parallel_loop3A_412 : i32
        %parallel_loop3A_414 = arith.constant 1024 : i32
        %parallel_loop3A_415 = arith.addi %parallel_loop3A_414, %parallel_loop3A_413 : i32
        %parallel_loop3A_416 = arith.index_cast %parallel_loop3A_415 : i32 to index
        %parallel_loop3A_417 = tpu.vector_load %arg6[%parallel_loop3A_416] {strides = array<i32>} : memref<4096xi32, #tpu.memory_space<vmem>>, vector<16xi32>,
        %parallel_loop3A_418 = arith.addi %parallel_loop3A_411, %parallel_loop3A_417 : vector<16xi32>
        %parallel_loop3A_419 = arith.constant 16 : i32
        %parallel_loop3A_420 = arith.muli %parallel_loop3A_383, %parallel_loop3A_419 : i32
        %parallel_loop3A_421 = arith.constant 1280 : i32
        %parallel_loop3A_422 = arith.addi %parallel_loop3A_421, %parallel_loop3A_420 : i32
        %parallel_loop3A_423 = arith.index_cast %parallel_loop3A_422 : i32 to index
        %parallel_loop3A_424 = tpu.vector_load %arg6[%parallel_loop3A_423] {strides = array<i32>} : memref<4096xi32, #tpu.memory_space<vmem>>, vector<16xi32>,
        %parallel_loop3A_425 = arith.addi %parallel_loop3A_418, %parallel_loop3A_424 : vector<16xi32>
        %parallel_loop3A_426 = arith.constant 16 : i32
        %parallel_loop3A_427 = arith.muli %parallel_loop3A_383, %parallel_loop3A_426 : i32
        %parallel_loop3A_428 = arith.constant 1536 : i32
        %parallel_loop3A_429 = arith.addi %parallel_loop3A_428, %parallel_loop3A_427 : i32
        %parallel_loop3A_430 = arith.index_cast %parallel_loop3A_429 : i32 to index
        %parallel_loop3A_431 = tpu.vector_load %arg6[%parallel_loop3A_430] {strides = array<i32>} : memref<4096xi32, #tpu.memory_space<vmem>>, vector<16xi32>,
        %parallel_loop3A_432 = arith.addi %parallel_loop3A_425, %parallel_loop3A_431 : vector<16xi32>
        %parallel_loop3A_433 = arith.constant 16 : i32
        %parallel_loop3A_434 = arith.muli %parallel_loop3A_383, %parallel_loop3A_433 : i32
        %parallel_loop3A_435 = arith.constant 1792 : i32
        %parallel_loop3A_436 = arith.addi %parallel_loop3A_435, %parallel_loop3A_434 : i32
        %parallel_loop3A_437 = arith.index_cast %parallel_loop3A_436 : i32 to index
        %parallel_loop3A_438 = tpu.vector_load %arg6[%parallel_loop3A_437] {strides = array<i32>} : memref<4096xi32, #tpu.memory_space<vmem>>, vector<16xi32>,
        %parallel_loop3A_439 = arith.addi %parallel_loop3A_432, %parallel_loop3A_438 : vector<16xi32>
        %parallel_loop3A_440 = arith.constant 16 : i32
        %parallel_loop3A_441 = arith.muli %parallel_loop3A_383, %parallel_loop3A_440 : i32
        %parallel_loop3A_442 = arith.constant 2048 : i32
        %parallel_loop3A_443 = arith.addi %parallel_loop3A_442, %parallel_loop3A_441 : i32
        %parallel_loop3A_444 = arith.index_cast %parallel_loop3A_443 : i32 to index
        %parallel_loop3A_445 = tpu.vector_load %arg6[%parallel_loop3A_444] {strides = array<i32>} : memref<4096xi32, #tpu.memory_space<vmem>>, vector<16xi32>,
        %parallel_loop3A_446 = arith.addi %parallel_loop3A_439, %parallel_loop3A_445 : vector<16xi32>
        %parallel_loop3A_447 = arith.constant 16 : i32
        %parallel_loop3A_448 = arith.muli %parallel_loop3A_383, %parallel_loop3A_447 : i32
        %parallel_loop3A_449 = arith.constant 2304 : i32
        %parallel_loop3A_450 = arith.addi %parallel_loop3A_449, %parallel_loop3A_448 : i32
        %parallel_loop3A_451 = arith.index_cast %parallel_loop3A_450 : i32 to index
        %parallel_loop3A_452 = tpu.vector_load %arg6[%parallel_loop3A_451] {strides = array<i32>} : memref<4096xi32, #tpu.memory_space<vmem>>, vector<16xi32>,
        %parallel_loop3A_453 = arith.addi %parallel_loop3A_446, %parallel_loop3A_452 : vector<16xi32>
        %parallel_loop3A_454 = arith.constant 16 : i32
        %parallel_loop3A_455 = arith.muli %parallel_loop3A_383, %parallel_loop3A_454 : i32
        %parallel_loop3A_456 = arith.constant 2560 : i32
        %parallel_loop3A_457 = arith.addi %parallel_loop3A_456, %parallel_loop3A_455 : i32
        %parallel_loop3A_458 = arith.index_cast %parallel_loop3A_457 : i32 to index
        %parallel_loop3A_459 = tpu.vector_load %arg6[%parallel_loop3A_458] {strides = array<i32>} : memref<4096xi32, #tpu.memory_space<vmem>>, vector<16xi32>,
        %parallel_loop3A_460 = arith.addi %parallel_loop3A_453, %parallel_loop3A_459 : vector<16xi32>
        %parallel_loop3A_461 = arith.constant 16 : i32
        %parallel_loop3A_462 = arith.muli %parallel_loop3A_383, %parallel_loop3A_461 : i32
        %parallel_loop3A_463 = arith.constant 2816 : i32
        %parallel_loop3A_464 = arith.addi %parallel_loop3A_463, %parallel_loop3A_462 : i32
        %parallel_loop3A_465 = arith.index_cast %parallel_loop3A_464 : i32 to index
        %parallel_loop3A_466 = tpu.vector_load %arg6[%parallel_loop3A_465] {strides = array<i32>} : memref<4096xi32, #tpu.memory_space<vmem>>, vector<16xi32>,
        %parallel_loop3A_467 = arith.addi %parallel_loop3A_460, %parallel_loop3A_466 : vector<16xi32>
        %parallel_loop3A_468 = arith.constant 16 : i32
        %parallel_loop3A_469 = arith.muli %parallel_loop3A_383, %parallel_loop3A_468 : i32
        %parallel_loop3A_470 = arith.constant 3072 : i32
        %parallel_loop3A_471 = arith.addi %parallel_loop3A_470, %parallel_loop3A_469 : i32
        %parallel_loop3A_472 = arith.index_cast %parallel_loop3A_471 : i32 to index
        %parallel_loop3A_473 = tpu.vector_load %arg6[%parallel_loop3A_472] {strides = array<i32>} : memref<4096xi32, #tpu.memory_space<vmem>>, vector<16xi32>,
        %parallel_loop3A_474 = arith.addi %parallel_loop3A_467, %parallel_loop3A_473 : vector<16xi32>
        %parallel_loop3A_475 = arith.constant 16 : i32
        %parallel_loop3A_476 = arith.muli %parallel_loop3A_383, %parallel_loop3A_475 : i32
        %parallel_loop3A_477 = arith.constant 3328 : i32
        %parallel_loop3A_478 = arith.addi %parallel_loop3A_477, %parallel_loop3A_476 : i32
        %parallel_loop3A_479 = arith.index_cast %parallel_loop3A_478 : i32 to index
        %parallel_loop3A_480 = tpu.vector_load %arg6[%parallel_loop3A_479] {strides = array<i32>} : memref<4096xi32, #tpu.memory_space<vmem>>, vector<16xi32>,
        %parallel_loop3A_481 = arith.addi %parallel_loop3A_474, %parallel_loop3A_480 : vector<16xi32>
        %parallel_loop3A_482 = arith.constant 16 : i32
        %parallel_loop3A_483 = arith.muli %parallel_loop3A_383, %parallel_loop3A_482 : i32
        %parallel_loop3A_484 = arith.constant 3584 : i32
        %parallel_loop3A_485 = arith.addi %parallel_loop3A_484, %parallel_loop3A_483 : i32
        %parallel_loop3A_486 = arith.index_cast %parallel_loop3A_485 : i32 to index
        %parallel_loop3A_487 = tpu.vector_load %arg6[%parallel_loop3A_486] {strides = array<i32>} : memref<4096xi32, #tpu.memory_space<vmem>>, vector<16xi32>,
        %parallel_loop3A_488 = arith.addi %parallel_loop3A_481, %parallel_loop3A_487 : vector<16xi32>
        %parallel_loop3A_489 = arith.constant 16 : i32
        %parallel_loop3A_490 = arith.muli %parallel_loop3A_383, %parallel_loop3A_489 : i32
        %parallel_loop3A_491 = arith.constant 3840 : i32
        %parallel_loop3A_492 = arith.addi %parallel_loop3A_491, %parallel_loop3A_490 : i32
        %parallel_loop3A_493 = arith.index_cast %parallel_loop3A_492 : i32 to index
        %parallel_loop3A_494 = tpu.vector_load %arg6[%parallel_loop3A_493] {strides = array<i32>} : memref<4096xi32, #tpu.memory_space<vmem>>, vector<16xi32>,
        %parallel_loop3A_495 = arith.addi %parallel_loop3A_488, %parallel_loop3A_494 : vector<16xi32>
        %parallel_loop3A_496 = vector.broadcast %parallel_loop3A_383 : i32 to vector<16xi32>
        %parallel_loop3A_497 = arith.addi %mul3A_11, %parallel_loop3A_496 : vector<16xi32>
        %parallel_loop3A_498 = arith.constant true
        %parallel_loop3A_499 = vector.broadcast %parallel_loop3A_498 : i1 to vector<16xi1>
        %parallel_loop3A_500 = tpu.scan <sum>, %parallel_loop3A_495 masked %parallel_loop3A_499 : vector<16xi32>, vector<16xi1> -> vector<16xi32>
        tpu.vector_store_idx %arg7[%parallel_loop3A_497], %parallel_loop3A_500 : memref<272xi32, #tpu.memory_space<vmem>>[vector<16xi32>], vector<16xi32>,
      } {sc.loop_unroll_factor = 2 : i64, sc.parallel_access}
      %add3A_181 = arith.constant 255 : i32
      %add3A_182 = vector.broadcast %add3A_181 : i32 to vector<16xi32>
      %add3A_183 = arith.addi %add3A_182, %iota3A : vector<16xi32>
      %gather3A_184 = tpu.vector_load_idx %arg7[%add3A_183] : memref<272xi32, #tpu.memory_space<vmem>>[vector<16xi32>], vector<16xi32>,
      %broadcast_in_dim3A_185 = arith.constant true
      %broadcast_in_dim3A_186 = vector.broadcast %broadcast_in_dim3A_185 : i1 to vector<16xi1>
      %masked_cumsum3A_187 = tpu.scan <sum>, %gather3A_184 masked %broadcast_in_dim3A_186 : vector<16xi32>, vector<16xi1> -> vector<16xi32>
      %sub3A_188 = arith.subi %masked_cumsum3A_187, %gather3A_184 : vector<16xi32>
      %parallel_loop3A_189 = arith.constant 0 : i32
      %parallel_loop3A_190 = arith.constant 16 : i32
      %parallel_loop3A_191 = arith.constant 1 : i32
      %parallel_loop3A_192:3 = scf.for %parallel_loop3A_383 = %parallel_loop3A_189 to %parallel_loop3A_190 step %parallel_loop3A_191 iter_args(%parallel_loop3A_384 = %broadcast_in_dim3A_4, %parallel_loop3A_385 = %broadcast_in_dim3A_4, %parallel_loop3A_386 = %broadcast_in_dim3A_8) -> (vector<16xi32>, vector<16xi32>, vector<16xi32>)  : i32 {
        %parallel_loop3A_387 = arith.constant 17 : i32
        %parallel_loop3A_388 = arith.muli %parallel_loop3A_383, %parallel_loop3A_387 : i32
        %parallel_loop3A_389 = vector.broadcast %parallel_loop3A_388 : i32 to vector<16xi32>
        %parallel_loop3A_390 = arith.addi %parallel_loop3A_389, %iota3A : vector<16xi32>
        %parallel_loop3A_391 = tpu.vector_load_idx %arg7[%parallel_loop3A_390] : memref<272xi32, #tpu.memory_space<vmem>>[vector<16xi32>], vector<16xi32>,
        %parallel_loop3A_392 = arith.addi %parallel_loop3A_391, %sub3A_188 : vector<16xi32>
        %parallel_loop3A_393 = vector.broadcast %sub3A_177 : i32 to vector<16xi32>
        %parallel_loop3A_394 = arith.cmpi sle, %parallel_loop3A_392, %parallel_loop3A_393 : vector<16xi32>
        %parallel_loop3A_395 = tpu.all_reduce %parallel_loop3A_394 {dim = 0 : i64, kind = #tpu.reduction_kind<sum>} : vector<16xi1> -> vector<16xi32>
        %parallel_loop3A_396 = arith.addi %parallel_loop3A_384, %parallel_loop3A_395 : vector<16xi32>
        %parallel_loop3A_397 = arith.constant 0 : i32
        %parallel_loop3A_398 = vector.broadcast %parallel_loop3A_397 : i32 to vector<16xi32>
        %parallel_loop3A_399 = arith.select %parallel_loop3A_394, %parallel_loop3A_392, %parallel_loop3A_398 : vector<16xi1>, vector<16xi32>
        %parallel_loop3A_400 = arith.maxsi %parallel_loop3A_385, %parallel_loop3A_399 : vector<16xi32>
        %parallel_loop3A_401 = arith.select %parallel_loop3A_394, %broadcast_in_dim3A_8, %parallel_loop3A_392 : vector<16xi1>, vector<16xi32>
        %parallel_loop3A_402 = arith.minsi %parallel_loop3A_386, %parallel_loop3A_401 : vector<16xi32>
        scf.yield %parallel_loop3A_396, %parallel_loop3A_400, %parallel_loop3A_402 : vector<16xi32>, vector<16xi32>, vector<16xi32>
      } {sc.loop_unroll_factor = 2 : i64, sc.parallel_access}
      %reduce_max3A_193 = arith.constant true
      %reduce_max3A_194 = vector.broadcast %reduce_max3A_193 : i1 to vector<16xi1>
      %reduce_max3A_195 = arith.constant -2147483648 : i32
      %reduce_max3A_196 = vector.broadcast %reduce_max3A_195 : i32 to vector<16xi32>
      %reduce_max3A_197 = arith.xori %parallel_loop3A_192#0, %reduce_max3A_196 : vector<16xi32>
      %reduce_max3A_198 = tpu.scan <max>, %reduce_max3A_197 masked %reduce_max3A_194 : vector<16xi32>, vector<16xi1> -> vector<16xi32>
      %reduce_max3A_199 = arith.xori %reduce_max3A_198, %reduce_max3A_196 : vector<16xi32>
      %reduce_max3A_200 = vector.extract %reduce_max3A_199[15] : i32 from vector<16xi32>
      %reduce_min3A_201 = arith.constant true
      %reduce_min3A_202 = vector.broadcast %reduce_min3A_201 : i1 to vector<16xi1>
      %reduce_min3A_203 = arith.constant -2147483648 : i32
      %reduce_min3A_204 = vector.broadcast %reduce_min3A_203 : i32 to vector<16xi32>
      %reduce_min3A_205 = arith.xori %parallel_loop3A_192#2, %reduce_min3A_204 : vector<16xi32>
      %reduce_min3A_206 = tpu.scan <min>, %reduce_min3A_205 masked %reduce_min3A_202 : vector<16xi32>, vector<16xi1> -> vector<16xi32>
      %reduce_min3A_207 = arith.xori %reduce_min3A_206, %reduce_min3A_204 : vector<16xi32>
      %reduce_min3A_208 = vector.extract %reduce_min3A_207[15] : i32 from vector<16xi32>
      %reduce_max3A_209 = arith.constant true
      %reduce_max3A_210 = vector.broadcast %reduce_max3A_209 : i1 to vector<16xi1>
      %reduce_max3A_211 = arith.constant -2147483648 : i32
      %reduce_max3A_212 = vector.broadcast %reduce_max3A_211 : i32 to vector<16xi32>
      %reduce_max3A_213 = arith.xori %parallel_loop3A_192#1, %reduce_max3A_212 : vector<16xi32>
      %reduce_max3A_214 = tpu.scan <max>, %reduce_max3A_213 masked %reduce_max3A_210 : vector<16xi32>, vector<16xi1> -> vector<16xi32>
      %reduce_max3A_215 = arith.xori %reduce_max3A_214, %reduce_max3A_212 : vector<16xi32>
      %reduce_max3A_216 = vector.extract %reduce_max3A_215[15] : i32 from vector<16xi32>
      %sub3A_217 = arith.subi %reduce_min3A_208, %reduce_max3A_216 : i32
      %sub3A_218 = arith.subi %reduce_max3A_150, %reduce_min3A_208 : i32
      %sub3A_219 = arith.constant 512 : i32
      %sub3A_220 = arith.subi %sub3A_219, %sub3A_218 : i32
      %xor3A_221 = arith.constant 128 : i32
      %xor3A_222 = arith.xori %reduce_max3A_200, %xor3A_221 : i32
      %shift_left3A_223 = arith.constant 24 : i32
      %shift_left3A_224 = arith.shli %xor3A_222, %shift_left3A_223 : i32
      %shift_right_arithmetic3A_225 = arith.constant 24 : i32
      %shift_right_arithmetic3A_226 = arith.shrsi %shift_left3A_224, %shift_right_arithmetic3A_225 : i32
      %parallel_loop3A_227 = arith.constant 0 : i32
      %parallel_loop3A_228 = arith.constant 256 : i32
      %parallel_loop3A_229 = arith.constant 1 : i32
      scf.for %parallel_loop3A_383 = %parallel_loop3A_227 to %parallel_loop3A_228 step %parallel_loop3A_229  : i32 {
        %parallel_loop3A_384 = arith.constant 16 : i32
        %parallel_loop3A_385 = arith.muli %parallel_loop3A_383, %parallel_loop3A_384 : i32
        %parallel_loop3A_386 = arith.index_cast %parallel_loop3A_385 : i32 to index
        %parallel_loop3A_387 = tpu.vector_load %arg6[%parallel_loop3A_386] {strides = array<i32>} : memref<4096xi32, #tpu.memory_space<vmem>>, vector<16xi32>,
        tpu.vector_store %arg6[%parallel_loop3A_386], %broadcast_in_dim3A_4 {strides = array<i32>} : memref<4096xi32, #tpu.memory_space<vmem>>, vector<16xi32>,
      } {sc.loop_unroll_factor = 8 : i64, sc.parallel_access}
      %parallel_loop3A_230 = arith.constant 0 : i32
      %parallel_loop3A_231 = arith.constant 1 : i32
      scf.for %parallel_loop3A_383 = %parallel_loop3A_230 to %select_n3A_170 step %parallel_loop3A_231  : i32 {
        %parallel_loop3A_384 = arith.constant 16 : i32
        %parallel_loop3A_385 = arith.muli %parallel_loop3A_383, %parallel_loop3A_384 : i32
        %parallel_loop3A_386 = arith.index_cast %parallel_loop3A_385 : i32 to index
        %parallel_loop3A_387 = tpu.vector_load %arg5[%parallel_loop3A_386] {strides = array<i32>} : memref<32784xf32, #tpu.memory_space<vmem>>, vector<16xf32>,
        %parallel_loop3A_388 = arith.constant 0.000000e+00 : f32
        %parallel_loop3A_389 = vector.broadcast %parallel_loop3A_388 : f32 to vector<16xf32>
        %parallel_loop3A_390 = arith.addf %parallel_loop3A_387, %parallel_loop3A_389 : vector<16xf32>
        %parallel_loop3A_391 = tpu.bitcast %parallel_loop3A_390 : vector<16xf32> -> vector<16xi32>
        %parallel_loop3A_392 = arith.constant 31 : i32
        %parallel_loop3A_393 = vector.broadcast %parallel_loop3A_392 : i32 to vector<16xi32>
        %parallel_loop3A_394 = arith.shrsi %parallel_loop3A_391, %parallel_loop3A_393 : vector<16xi32>
        %parallel_loop3A_395 = arith.constant 2147483647 : i32
        %parallel_loop3A_396 = vector.broadcast %parallel_loop3A_395 : i32 to vector<16xi32>
        %parallel_loop3A_397 = arith.andi %parallel_loop3A_394, %parallel_loop3A_396 : vector<16xi32>
        %parallel_loop3A_398 = arith.xori %parallel_loop3A_391, %parallel_loop3A_397 : vector<16xi32>
        %parallel_loop3A_399 = arith.constant 16 : i32
        %parallel_loop3A_400 = arith.muli %parallel_loop3A_383, %parallel_loop3A_399 : i32
        %parallel_loop3A_401 = vector.broadcast %parallel_loop3A_400 : i32 to vector<16xi32>
        %parallel_loop3A_402 = arith.addi %parallel_loop3A_401, %iota3A : vector<16xi32>
        %parallel_loop3A_403 = arith.cmpi slt, %parallel_loop3A_402, %cond3A_142 : vector<16xi32>
        %parallel_loop3A_404 = arith.constant 16 : i32
        %parallel_loop3A_405 = vector.broadcast %parallel_loop3A_404 : i32 to vector<16xi32>
        %parallel_loop3A_406 = arith.shrsi %parallel_loop3A_398, %parallel_loop3A_405 : vector<16xi32>
        %parallel_loop3A_407 = arith.constant 255 : i32
        %parallel_loop3A_408 = vector.broadcast %parallel_loop3A_407 : i32 to vector<16xi32>
        %parallel_loop3A_409 = arith.andi %parallel_loop3A_406, %parallel_loop3A_408 : vector<16xi32>
        %parallel_loop3A_410 = arith.constant 24 : i32
        %parallel_loop3A_411 = vector.broadcast %parallel_loop3A_410 : i32 to vector<16xi32>
        %parallel_loop3A_412 = arith.shrsi %parallel_loop3A_398, %parallel_loop3A_411 : vector<16xi32>
        %parallel_loop3A_413 = vector.broadcast %shift_right_arithmetic3A_226 : i32 to vector<16xi32>
        %parallel_loop3A_414 = arith.cmpi eq, %parallel_loop3A_412, %parallel_loop3A_413 : vector<16xi32>
        %parallel_loop3A_415 = arith.andi %parallel_loop3A_403, %parallel_loop3A_414 : vector<16xi1>
        %parallel_loop3A_416 = arith.addi %mul3A_3, %parallel_loop3A_409 : vector<16xi32>
        tpu.vector_store_idx %arg6[%parallel_loop3A_416], %broadcast_in_dim3A_6 masked %parallel_loop3A_415 {add = true} : memref<4096xi32, #tpu.memory_space<vmem>>[vector<16xi32>], vector<16xi32>, vector<16xi1>
      } {sc.loop_unroll_factor = 2 : i64, sc.parallel_access}
      %sub3A_232 = arith.subi %sub3A_217, %sub3A_220 : i32
      %parallel_loop3A_233 = arith.constant 0 : i32
      %parallel_loop3A_234 = arith.constant 16 : i32
      %parallel_loop3A_235 = arith.constant 1 : i32
      scf.for %parallel_loop3A_383 = %parallel_loop3A_233 to %parallel_loop3A_234 step %parallel_loop3A_235  : i32 {
        %parallel_loop3A_384 = arith.constant 16 : i32
        %parallel_loop3A_385 = arith.muli %parallel_loop3A_383, %parallel_loop3A_384 : i32
        %parallel_loop3A_386 = arith.constant 0 : i32
        %parallel_loop3A_387 = arith.addi %parallel_loop3A_386, %parallel_loop3A_385 : i32
        %parallel_loop3A_388 = arith.index_cast %parallel_loop3A_387 : i32 to index
        %parallel_loop3A_389 = tpu.vector_load %arg6[%parallel_loop3A_388] {strides = array<i32>} : memref<4096xi32, #tpu.memory_space<vmem>>, vector<16xi32>,
        %parallel_loop3A_390 = arith.addi %broadcast_in_dim3A_4, %parallel_loop3A_389 : vector<16xi32>
        %parallel_loop3A_391 = arith.constant 16 : i32
        %parallel_loop3A_392 = arith.muli %parallel_loop3A_383, %parallel_loop3A_391 : i32
        %parallel_loop3A_393 = arith.constant 256 : i32
        %parallel_loop3A_394 = arith.addi %parallel_loop3A_393, %parallel_loop3A_392 : i32
        %parallel_loop3A_395 = arith.index_cast %parallel_loop3A_394 : i32 to index
        %parallel_loop3A_396 = tpu.vector_load %arg6[%parallel_loop3A_395] {strides = array<i32>} : memref<4096xi32, #tpu.memory_space<vmem>>, vector<16xi32>,
        %parallel_loop3A_397 = arith.addi %parallel_loop3A_390, %parallel_loop3A_396 : vector<16xi32>
        %parallel_loop3A_398 = arith.constant 16 : i32
        %parallel_loop3A_399 = arith.muli %parallel_loop3A_383, %parallel_loop3A_398 : i32
        %parallel_loop3A_400 = arith.constant 512 : i32
        %parallel_loop3A_401 = arith.addi %parallel_loop3A_400, %parallel_loop3A_399 : i32
        %parallel_loop3A_402 = arith.index_cast %parallel_loop3A_401 : i32 to index
        %parallel_loop3A_403 = tpu.vector_load %arg6[%parallel_loop3A_402] {strides = array<i32>} : memref<4096xi32, #tpu.memory_space<vmem>>, vector<16xi32>,
        %parallel_loop3A_404 = arith.addi %parallel_loop3A_397, %parallel_loop3A_403 : vector<16xi32>
        %parallel_loop3A_405 = arith.constant 16 : i32
        %parallel_loop3A_406 = arith.muli %parallel_loop3A_383, %parallel_loop3A_405 : i32
        %parallel_loop3A_407 = arith.constant 768 : i32
        %parallel_loop3A_408 = arith.addi %parallel_loop3A_407, %parallel_loop3A_406 : i32
        %parallel_loop3A_409 = arith.index_cast %parallel_loop3A_408 : i32 to index
        %parallel_loop3A_410 = tpu.vector_load %arg6[%parallel_loop3A_409] {strides = array<i32>} : memref<4096xi32, #tpu.memory_space<vmem>>, vector<16xi32>,
        %parallel_loop3A_411 = arith.addi %parallel_loop3A_404, %parallel_loop3A_410 : vector<16xi32>
        %parallel_loop3A_412 = arith.constant 16 : i32
        %parallel_loop3A_413 = arith.muli %parallel_loop3A_383, %parallel_loop3A_412 : i32
        %parallel_loop3A_414 = arith.constant 1024 : i32
        %parallel_loop3A_415 = arith.addi %parallel_loop3A_414, %parallel_loop3A_413 : i32
        %parallel_loop3A_416 = arith.index_cast %parallel_loop3A_415 : i32 to index
        %parallel_loop3A_417 = tpu.vector_load %arg6[%parallel_loop3A_416] {strides = array<i32>} : memref<4096xi32, #tpu.memory_space<vmem>>, vector<16xi32>,
        %parallel_loop3A_418 = arith.addi %parallel_loop3A_411, %parallel_loop3A_417 : vector<16xi32>
        %parallel_loop3A_419 = arith.constant 16 : i32
        %parallel_loop3A_420 = arith.muli %parallel_loop3A_383, %parallel_loop3A_419 : i32
        %parallel_loop3A_421 = arith.constant 1280 : i32
        %parallel_loop3A_422 = arith.addi %parallel_loop3A_421, %parallel_loop3A_420 : i32
        %parallel_loop3A_423 = arith.index_cast %parallel_loop3A_422 : i32 to index
        %parallel_loop3A_424 = tpu.vector_load %arg6[%parallel_loop3A_423] {strides = array<i32>} : memref<4096xi32, #tpu.memory_space<vmem>>, vector<16xi32>,
        %parallel_loop3A_425 = arith.addi %parallel_loop3A_418, %parallel_loop3A_424 : vector<16xi32>
        %parallel_loop3A_426 = arith.constant 16 : i32
        %parallel_loop3A_427 = arith.muli %parallel_loop3A_383, %parallel_loop3A_426 : i32
        %parallel_loop3A_428 = arith.constant 1536 : i32
        %parallel_loop3A_429 = arith.addi %parallel_loop3A_428, %parallel_loop3A_427 : i32
        %parallel_loop3A_430 = arith.index_cast %parallel_loop3A_429 : i32 to index
        %parallel_loop3A_431 = tpu.vector_load %arg6[%parallel_loop3A_430] {strides = array<i32>} : memref<4096xi32, #tpu.memory_space<vmem>>, vector<16xi32>,
        %parallel_loop3A_432 = arith.addi %parallel_loop3A_425, %parallel_loop3A_431 : vector<16xi32>
        %parallel_loop3A_433 = arith.constant 16 : i32
        %parallel_loop3A_434 = arith.muli %parallel_loop3A_383, %parallel_loop3A_433 : i32
        %parallel_loop3A_435 = arith.constant 1792 : i32
        %parallel_loop3A_436 = arith.addi %parallel_loop3A_435, %parallel_loop3A_434 : i32
        %parallel_loop3A_437 = arith.index_cast %parallel_loop3A_436 : i32 to index
        %parallel_loop3A_438 = tpu.vector_load %arg6[%parallel_loop3A_437] {strides = array<i32>} : memref<4096xi32, #tpu.memory_space<vmem>>, vector<16xi32>,
        %parallel_loop3A_439 = arith.addi %parallel_loop3A_432, %parallel_loop3A_438 : vector<16xi32>
        %parallel_loop3A_440 = arith.constant 16 : i32
        %parallel_loop3A_441 = arith.muli %parallel_loop3A_383, %parallel_loop3A_440 : i32
        %parallel_loop3A_442 = arith.constant 2048 : i32
        %parallel_loop3A_443 = arith.addi %parallel_loop3A_442, %parallel_loop3A_441 : i32
        %parallel_loop3A_444 = arith.index_cast %parallel_loop3A_443 : i32 to index
        %parallel_loop3A_445 = tpu.vector_load %arg6[%parallel_loop3A_444] {strides = array<i32>} : memref<4096xi32, #tpu.memory_space<vmem>>, vector<16xi32>,
        %parallel_loop3A_446 = arith.addi %parallel_loop3A_439, %parallel_loop3A_445 : vector<16xi32>
        %parallel_loop3A_447 = arith.constant 16 : i32
        %parallel_loop3A_448 = arith.muli %parallel_loop3A_383, %parallel_loop3A_447 : i32
        %parallel_loop3A_449 = arith.constant 2304 : i32
        %parallel_loop3A_450 = arith.addi %parallel_loop3A_449, %parallel_loop3A_448 : i32
        %parallel_loop3A_451 = arith.index_cast %parallel_loop3A_450 : i32 to index
        %parallel_loop3A_452 = tpu.vector_load %arg6[%parallel_loop3A_451] {strides = array<i32>} : memref<4096xi32, #tpu.memory_space<vmem>>, vector<16xi32>,
        %parallel_loop3A_453 = arith.addi %parallel_loop3A_446, %parallel_loop3A_452 : vector<16xi32>
        %parallel_loop3A_454 = arith.constant 16 : i32
        %parallel_loop3A_455 = arith.muli %parallel_loop3A_383, %parallel_loop3A_454 : i32
        %parallel_loop3A_456 = arith.constant 2560 : i32
        %parallel_loop3A_457 = arith.addi %parallel_loop3A_456, %parallel_loop3A_455 : i32
        %parallel_loop3A_458 = arith.index_cast %parallel_loop3A_457 : i32 to index
        %parallel_loop3A_459 = tpu.vector_load %arg6[%parallel_loop3A_458] {strides = array<i32>} : memref<4096xi32, #tpu.memory_space<vmem>>, vector<16xi32>,
        %parallel_loop3A_460 = arith.addi %parallel_loop3A_453, %parallel_loop3A_459 : vector<16xi32>
        %parallel_loop3A_461 = arith.constant 16 : i32
        %parallel_loop3A_462 = arith.muli %parallel_loop3A_383, %parallel_loop3A_461 : i32
        %parallel_loop3A_463 = arith.constant 2816 : i32
        %parallel_loop3A_464 = arith.addi %parallel_loop3A_463, %parallel_loop3A_462 : i32
        %parallel_loop3A_465 = arith.index_cast %parallel_loop3A_464 : i32 to index
        %parallel_loop3A_466 = tpu.vector_load %arg6[%parallel_loop3A_465] {strides = array<i32>} : memref<4096xi32, #tpu.memory_space<vmem>>, vector<16xi32>,
        %parallel_loop3A_467 = arith.addi %parallel_loop3A_460, %parallel_loop3A_466 : vector<16xi32>
        %parallel_loop3A_468 = arith.constant 16 : i32
        %parallel_loop3A_469 = arith.muli %parallel_loop3A_383, %parallel_loop3A_468 : i32
        %parallel_loop3A_470 = arith.constant 3072 : i32
        %parallel_loop3A_471 = arith.addi %parallel_loop3A_470, %parallel_loop3A_469 : i32
        %parallel_loop3A_472 = arith.index_cast %parallel_loop3A_471 : i32 to index
        %parallel_loop3A_473 = tpu.vector_load %arg6[%parallel_loop3A_472] {strides = array<i32>} : memref<4096xi32, #tpu.memory_space<vmem>>, vector<16xi32>,
        %parallel_loop3A_474 = arith.addi %parallel_loop3A_467, %parallel_loop3A_473 : vector<16xi32>
        %parallel_loop3A_475 = arith.constant 16 : i32
        %parallel_loop3A_476 = arith.muli %parallel_loop3A_383, %parallel_loop3A_475 : i32
        %parallel_loop3A_477 = arith.constant 3328 : i32
        %parallel_loop3A_478 = arith.addi %parallel_loop3A_477, %parallel_loop3A_476 : i32
        %parallel_loop3A_479 = arith.index_cast %parallel_loop3A_478 : i32 to index
        %parallel_loop3A_480 = tpu.vector_load %arg6[%parallel_loop3A_479] {strides = array<i32>} : memref<4096xi32, #tpu.memory_space<vmem>>, vector<16xi32>,
        %parallel_loop3A_481 = arith.addi %parallel_loop3A_474, %parallel_loop3A_480 : vector<16xi32>
        %parallel_loop3A_482 = arith.constant 16 : i32
        %parallel_loop3A_483 = arith.muli %parallel_loop3A_383, %parallel_loop3A_482 : i32
        %parallel_loop3A_484 = arith.constant 3584 : i32
        %parallel_loop3A_485 = arith.addi %parallel_loop3A_484, %parallel_loop3A_483 : i32
        %parallel_loop3A_486 = arith.index_cast %parallel_loop3A_485 : i32 to index
        %parallel_loop3A_487 = tpu.vector_load %arg6[%parallel_loop3A_486] {strides = array<i32>} : memref<4096xi32, #tpu.memory_space<vmem>>, vector<16xi32>,
        %parallel_loop3A_488 = arith.addi %parallel_loop3A_481, %parallel_loop3A_487 : vector<16xi32>
        %parallel_loop3A_489 = arith.constant 16 : i32
        %parallel_loop3A_490 = arith.muli %parallel_loop3A_383, %parallel_loop3A_489 : i32
        %parallel_loop3A_491 = arith.constant 3840 : i32
        %parallel_loop3A_492 = arith.addi %parallel_loop3A_491, %parallel_loop3A_490 : i32
        %parallel_loop3A_493 = arith.index_cast %parallel_loop3A_492 : i32 to index
        %parallel_loop3A_494 = tpu.vector_load %arg6[%parallel_loop3A_493] {strides = array<i32>} : memref<4096xi32, #tpu.memory_space<vmem>>, vector<16xi32>,
        %parallel_loop3A_495 = arith.addi %parallel_loop3A_488, %parallel_loop3A_494 : vector<16xi32>
        %parallel_loop3A_496 = vector.broadcast %parallel_loop3A_383 : i32 to vector<16xi32>
        %parallel_loop3A_497 = arith.addi %mul3A_11, %parallel_loop3A_496 : vector<16xi32>
        %parallel_loop3A_498 = arith.constant true
        %parallel_loop3A_499 = vector.broadcast %parallel_loop3A_498 : i1 to vector<16xi1>
        %parallel_loop3A_500 = tpu.scan <sum>, %parallel_loop3A_495 masked %parallel_loop3A_499 : vector<16xi32>, vector<16xi1> -> vector<16xi32>
        tpu.vector_store_idx %arg7[%parallel_loop3A_497], %parallel_loop3A_500 : memref<272xi32, #tpu.memory_space<vmem>>[vector<16xi32>], vector<16xi32>,
      } {sc.loop_unroll_factor = 2 : i64, sc.parallel_access}
      %add3A_236 = arith.constant 255 : i32
      %add3A_237 = vector.broadcast %add3A_236 : i32 to vector<16xi32>
      %add3A_238 = arith.addi %add3A_237, %iota3A : vector<16xi32>
      %gather3A_239 = tpu.vector_load_idx %arg7[%add3A_238] : memref<272xi32, #tpu.memory_space<vmem>>[vector<16xi32>], vector<16xi32>,
      %broadcast_in_dim3A_240 = arith.constant true
      %broadcast_in_dim3A_241 = vector.broadcast %broadcast_in_dim3A_240 : i1 to vector<16xi1>
      %masked_cumsum3A_242 = tpu.scan <sum>, %gather3A_239 masked %broadcast_in_dim3A_241 : vector<16xi32>, vector<16xi1> -> vector<16xi32>
      %sub3A_243 = arith.subi %masked_cumsum3A_242, %gather3A_239 : vector<16xi32>
      %parallel_loop3A_244 = arith.constant 0 : i32
      %parallel_loop3A_245 = arith.constant 16 : i32
      %parallel_loop3A_246 = arith.constant 1 : i32
      %parallel_loop3A_247:3 = scf.for %parallel_loop3A_383 = %parallel_loop3A_244 to %parallel_loop3A_245 step %parallel_loop3A_246 iter_args(%parallel_loop3A_384 = %broadcast_in_dim3A_4, %parallel_loop3A_385 = %broadcast_in_dim3A_4, %parallel_loop3A_386 = %broadcast_in_dim3A_8) -> (vector<16xi32>, vector<16xi32>, vector<16xi32>)  : i32 {
        %parallel_loop3A_387 = arith.constant 17 : i32
        %parallel_loop3A_388 = arith.muli %parallel_loop3A_383, %parallel_loop3A_387 : i32
        %parallel_loop3A_389 = vector.broadcast %parallel_loop3A_388 : i32 to vector<16xi32>
        %parallel_loop3A_390 = arith.addi %parallel_loop3A_389, %iota3A : vector<16xi32>
        %parallel_loop3A_391 = tpu.vector_load_idx %arg7[%parallel_loop3A_390] : memref<272xi32, #tpu.memory_space<vmem>>[vector<16xi32>], vector<16xi32>,
        %parallel_loop3A_392 = arith.addi %parallel_loop3A_391, %sub3A_243 : vector<16xi32>
        %parallel_loop3A_393 = vector.broadcast %sub3A_232 : i32 to vector<16xi32>
        %parallel_loop3A_394 = arith.cmpi sle, %parallel_loop3A_392, %parallel_loop3A_393 : vector<16xi32>
        %parallel_loop3A_395 = tpu.all_reduce %parallel_loop3A_394 {dim = 0 : i64, kind = #tpu.reduction_kind<sum>} : vector<16xi1> -> vector<16xi32>
        %parallel_loop3A_396 = arith.addi %parallel_loop3A_384, %parallel_loop3A_395 : vector<16xi32>
        %parallel_loop3A_397 = arith.constant 0 : i32
        %parallel_loop3A_398 = vector.broadcast %parallel_loop3A_397 : i32 to vector<16xi32>
        %parallel_loop3A_399 = arith.select %parallel_loop3A_394, %parallel_loop3A_392, %parallel_loop3A_398 : vector<16xi1>, vector<16xi32>
        %parallel_loop3A_400 = arith.maxsi %parallel_loop3A_385, %parallel_loop3A_399 : vector<16xi32>
        %parallel_loop3A_401 = arith.select %parallel_loop3A_394, %broadcast_in_dim3A_8, %parallel_loop3A_392 : vector<16xi1>, vector<16xi32>
        %parallel_loop3A_402 = arith.minsi %parallel_loop3A_386, %parallel_loop3A_401 : vector<16xi32>
        scf.yield %parallel_loop3A_396, %parallel_loop3A_400, %parallel_loop3A_402 : vector<16xi32>, vector<16xi32>, vector<16xi32>
      } {sc.loop_unroll_factor = 2 : i64, sc.parallel_access}
      %reduce_max3A_248 = arith.constant true
      %reduce_max3A_249 = vector.broadcast %reduce_max3A_248 : i1 to vector<16xi1>
      %reduce_max3A_250 = arith.constant -2147483648 : i32
      %reduce_max3A_251 = vector.broadcast %reduce_max3A_250 : i32 to vector<16xi32>
      %reduce_max3A_252 = arith.xori %parallel_loop3A_247#0, %reduce_max3A_251 : vector<16xi32>
      %reduce_max3A_253 = tpu.scan <max>, %reduce_max3A_252 masked %reduce_max3A_249 : vector<16xi32>, vector<16xi1> -> vector<16xi32>
      %reduce_max3A_254 = arith.xori %reduce_max3A_253, %reduce_max3A_251 : vector<16xi32>
      %reduce_max3A_255 = vector.extract %reduce_max3A_254[15] : i32 from vector<16xi32>
      %reduce_min3A_256 = arith.constant true
      %reduce_min3A_257 = vector.broadcast %reduce_min3A_256 : i1 to vector<16xi1>
      %reduce_min3A_258 = arith.constant -2147483648 : i32
      %reduce_min3A_259 = vector.broadcast %reduce_min3A_258 : i32 to vector<16xi32>
      %reduce_min3A_260 = arith.xori %parallel_loop3A_247#2, %reduce_min3A_259 : vector<16xi32>
      %reduce_min3A_261 = tpu.scan <min>, %reduce_min3A_260 masked %reduce_min3A_257 : vector<16xi32>, vector<16xi1> -> vector<16xi32>
      %reduce_min3A_262 = arith.xori %reduce_min3A_261, %reduce_min3A_259 : vector<16xi32>
      %reduce_min3A_263 = vector.extract %reduce_min3A_262[15] : i32 from vector<16xi32>
      %reduce_max3A_264 = arith.constant true
      %reduce_max3A_265 = vector.broadcast %reduce_max3A_264 : i1 to vector<16xi1>
      %reduce_max3A_266 = arith.constant -2147483648 : i32
      %reduce_max3A_267 = vector.broadcast %reduce_max3A_266 : i32 to vector<16xi32>
      %reduce_max3A_268 = arith.xori %parallel_loop3A_247#1, %reduce_max3A_267 : vector<16xi32>
      %reduce_max3A_269 = tpu.scan <max>, %reduce_max3A_268 masked %reduce_max3A_265 : vector<16xi32>, vector<16xi1> -> vector<16xi32>
      %reduce_max3A_270 = arith.xori %reduce_max3A_269, %reduce_max3A_267 : vector<16xi32>
      %reduce_max3A_271 = vector.extract %reduce_max3A_270[15] : i32 from vector<16xi32>
      %sub3A_272 = arith.subi %reduce_min3A_263, %reduce_max3A_271 : i32
      %sub3A_273 = arith.subi %sub3A_217, %reduce_min3A_263 : i32
      %sub3A_274 = arith.subi %sub3A_220, %sub3A_273 : i32
      %shift_left3A_275 = arith.constant 8 : i32
      %shift_left3A_276 = arith.shli %shift_right_arithmetic3A_226, %shift_left3A_275 : i32
      %or3A_277 = arith.ori %shift_left3A_276, %reduce_max3A_255 : i32
      %parallel_loop3A_278 = arith.constant 0 : i32
      %parallel_loop3A_279 = arith.constant 256 : i32
      %parallel_loop3A_280 = arith.constant 1 : i32
      scf.for %parallel_loop3A_383 = %parallel_loop3A_278 to %parallel_loop3A_279 step %parallel_loop3A_280  : i32 {
        %parallel_loop3A_384 = arith.constant 16 : i32
        %parallel_loop3A_385 = arith.muli %parallel_loop3A_383, %parallel_loop3A_384 : i32
        %parallel_loop3A_386 = arith.index_cast %parallel_loop3A_385 : i32 to index
        %parallel_loop3A_387 = tpu.vector_load %arg6[%parallel_loop3A_386] {strides = array<i32>} : memref<4096xi32, #tpu.memory_space<vmem>>, vector<16xi32>,
        tpu.vector_store %arg6[%parallel_loop3A_386], %broadcast_in_dim3A_4 {strides = array<i32>} : memref<4096xi32, #tpu.memory_space<vmem>>, vector<16xi32>,
      } {sc.loop_unroll_factor = 8 : i64, sc.parallel_access}
      %parallel_loop3A_281 = arith.constant 0 : i32
      %parallel_loop3A_282 = arith.constant 1 : i32
      scf.for %parallel_loop3A_383 = %parallel_loop3A_281 to %select_n3A_170 step %parallel_loop3A_282  : i32 {
        %parallel_loop3A_384 = arith.constant 16 : i32
        %parallel_loop3A_385 = arith.muli %parallel_loop3A_383, %parallel_loop3A_384 : i32
        %parallel_loop3A_386 = arith.index_cast %parallel_loop3A_385 : i32 to index
        %parallel_loop3A_387 = tpu.vector_load %arg5[%parallel_loop3A_386] {strides = array<i32>} : memref<32784xf32, #tpu.memory_space<vmem>>, vector<16xf32>,
        %parallel_loop3A_388 = arith.constant 0.000000e+00 : f32
        %parallel_loop3A_389 = vector.broadcast %parallel_loop3A_388 : f32 to vector<16xf32>
        %parallel_loop3A_390 = arith.addf %parallel_loop3A_387, %parallel_loop3A_389 : vector<16xf32>
        %parallel_loop3A_391 = tpu.bitcast %parallel_loop3A_390 : vector<16xf32> -> vector<16xi32>
        %parallel_loop3A_392 = arith.constant 31 : i32
        %parallel_loop3A_393 = vector.broadcast %parallel_loop3A_392 : i32 to vector<16xi32>
        %parallel_loop3A_394 = arith.shrsi %parallel_loop3A_391, %parallel_loop3A_393 : vector<16xi32>
        %parallel_loop3A_395 = arith.constant 2147483647 : i32
        %parallel_loop3A_396 = vector.broadcast %parallel_loop3A_395 : i32 to vector<16xi32>
        %parallel_loop3A_397 = arith.andi %parallel_loop3A_394, %parallel_loop3A_396 : vector<16xi32>
        %parallel_loop3A_398 = arith.xori %parallel_loop3A_391, %parallel_loop3A_397 : vector<16xi32>
        %parallel_loop3A_399 = arith.constant 16 : i32
        %parallel_loop3A_400 = arith.muli %parallel_loop3A_383, %parallel_loop3A_399 : i32
        %parallel_loop3A_401 = vector.broadcast %parallel_loop3A_400 : i32 to vector<16xi32>
        %parallel_loop3A_402 = arith.addi %parallel_loop3A_401, %iota3A : vector<16xi32>
        %parallel_loop3A_403 = arith.cmpi slt, %parallel_loop3A_402, %cond3A_142 : vector<16xi32>
        %parallel_loop3A_404 = arith.constant 8 : i32
        %parallel_loop3A_405 = vector.broadcast %parallel_loop3A_404 : i32 to vector<16xi32>
        %parallel_loop3A_406 = arith.shrsi %parallel_loop3A_398, %parallel_loop3A_405 : vector<16xi32>
        %parallel_loop3A_407 = arith.constant 255 : i32
        %parallel_loop3A_408 = vector.broadcast %parallel_loop3A_407 : i32 to vector<16xi32>
        %parallel_loop3A_409 = arith.andi %parallel_loop3A_406, %parallel_loop3A_408 : vector<16xi32>
        %parallel_loop3A_410 = arith.constant 16 : i32
        %parallel_loop3A_411 = vector.broadcast %parallel_loop3A_410 : i32 to vector<16xi32>
        %parallel_loop3A_412 = arith.shrsi %parallel_loop3A_398, %parallel_loop3A_411 : vector<16xi32>
        %parallel_loop3A_413 = vector.broadcast %or3A_277 : i32 to vector<16xi32>
        %parallel_loop3A_414 = arith.cmpi eq, %parallel_loop3A_412, %parallel_loop3A_413 : vector<16xi32>
        %parallel_loop3A_415 = arith.andi %parallel_loop3A_403, %parallel_loop3A_414 : vector<16xi1>
        %parallel_loop3A_416 = arith.addi %mul3A_3, %parallel_loop3A_409 : vector<16xi32>
        tpu.vector_store_idx %arg6[%parallel_loop3A_416], %broadcast_in_dim3A_6 masked %parallel_loop3A_415 {add = true} : memref<4096xi32, #tpu.memory_space<vmem>>[vector<16xi32>], vector<16xi32>, vector<16xi1>
      } {sc.loop_unroll_factor = 2 : i64, sc.parallel_access}
      %sub3A_283 = arith.subi %sub3A_272, %sub3A_274 : i32
      %parallel_loop3A_284 = arith.constant 0 : i32
      %parallel_loop3A_285 = arith.constant 16 : i32
      %parallel_loop3A_286 = arith.constant 1 : i32
      scf.for %parallel_loop3A_383 = %parallel_loop3A_284 to %parallel_loop3A_285 step %parallel_loop3A_286  : i32 {
        %parallel_loop3A_384 = arith.constant 16 : i32
        %parallel_loop3A_385 = arith.muli %parallel_loop3A_383, %parallel_loop3A_384 : i32
        %parallel_loop3A_386 = arith.constant 0 : i32
        %parallel_loop3A_387 = arith.addi %parallel_loop3A_386, %parallel_loop3A_385 : i32
        %parallel_loop3A_388 = arith.index_cast %parallel_loop3A_387 : i32 to index
        %parallel_loop3A_389 = tpu.vector_load %arg6[%parallel_loop3A_388] {strides = array<i32>} : memref<4096xi32, #tpu.memory_space<vmem>>, vector<16xi32>,
        %parallel_loop3A_390 = arith.addi %broadcast_in_dim3A_4, %parallel_loop3A_389 : vector<16xi32>
        %parallel_loop3A_391 = arith.constant 16 : i32
        %parallel_loop3A_392 = arith.muli %parallel_loop3A_383, %parallel_loop3A_391 : i32
        %parallel_loop3A_393 = arith.constant 256 : i32
        %parallel_loop3A_394 = arith.addi %parallel_loop3A_393, %parallel_loop3A_392 : i32
        %parallel_loop3A_395 = arith.index_cast %parallel_loop3A_394 : i32 to index
        %parallel_loop3A_396 = tpu.vector_load %arg6[%parallel_loop3A_395] {strides = array<i32>} : memref<4096xi32, #tpu.memory_space<vmem>>, vector<16xi32>,
        %parallel_loop3A_397 = arith.addi %parallel_loop3A_390, %parallel_loop3A_396 : vector<16xi32>
        %parallel_loop3A_398 = arith.constant 16 : i32
        %parallel_loop3A_399 = arith.muli %parallel_loop3A_383, %parallel_loop3A_398 : i32
        %parallel_loop3A_400 = arith.constant 512 : i32
        %parallel_loop3A_401 = arith.addi %parallel_loop3A_400, %parallel_loop3A_399 : i32
        %parallel_loop3A_402 = arith.index_cast %parallel_loop3A_401 : i32 to index
        %parallel_loop3A_403 = tpu.vector_load %arg6[%parallel_loop3A_402] {strides = array<i32>} : memref<4096xi32, #tpu.memory_space<vmem>>, vector<16xi32>,
        %parallel_loop3A_404 = arith.addi %parallel_loop3A_397, %parallel_loop3A_403 : vector<16xi32>
        %parallel_loop3A_405 = arith.constant 16 : i32
        %parallel_loop3A_406 = arith.muli %parallel_loop3A_383, %parallel_loop3A_405 : i32
        %parallel_loop3A_407 = arith.constant 768 : i32
        %parallel_loop3A_408 = arith.addi %parallel_loop3A_407, %parallel_loop3A_406 : i32
        %parallel_loop3A_409 = arith.index_cast %parallel_loop3A_408 : i32 to index
        %parallel_loop3A_410 = tpu.vector_load %arg6[%parallel_loop3A_409] {strides = array<i32>} : memref<4096xi32, #tpu.memory_space<vmem>>, vector<16xi32>,
        %parallel_loop3A_411 = arith.addi %parallel_loop3A_404, %parallel_loop3A_410 : vector<16xi32>
        %parallel_loop3A_412 = arith.constant 16 : i32
        %parallel_loop3A_413 = arith.muli %parallel_loop3A_383, %parallel_loop3A_412 : i32
        %parallel_loop3A_414 = arith.constant 1024 : i32
        %parallel_loop3A_415 = arith.addi %parallel_loop3A_414, %parallel_loop3A_413 : i32
        %parallel_loop3A_416 = arith.index_cast %parallel_loop3A_415 : i32 to index
        %parallel_loop3A_417 = tpu.vector_load %arg6[%parallel_loop3A_416] {strides = array<i32>} : memref<4096xi32, #tpu.memory_space<vmem>>, vector<16xi32>,
        %parallel_loop3A_418 = arith.addi %parallel_loop3A_411, %parallel_loop3A_417 : vector<16xi32>
        %parallel_loop3A_419 = arith.constant 16 : i32
        %parallel_loop3A_420 = arith.muli %parallel_loop3A_383, %parallel_loop3A_419 : i32
        %parallel_loop3A_421 = arith.constant 1280 : i32
        %parallel_loop3A_422 = arith.addi %parallel_loop3A_421, %parallel_loop3A_420 : i32
        %parallel_loop3A_423 = arith.index_cast %parallel_loop3A_422 : i32 to index
        %parallel_loop3A_424 = tpu.vector_load %arg6[%parallel_loop3A_423] {strides = array<i32>} : memref<4096xi32, #tpu.memory_space<vmem>>, vector<16xi32>,
        %parallel_loop3A_425 = arith.addi %parallel_loop3A_418, %parallel_loop3A_424 : vector<16xi32>
        %parallel_loop3A_426 = arith.constant 16 : i32
        %parallel_loop3A_427 = arith.muli %parallel_loop3A_383, %parallel_loop3A_426 : i32
        %parallel_loop3A_428 = arith.constant 1536 : i32
        %parallel_loop3A_429 = arith.addi %parallel_loop3A_428, %parallel_loop3A_427 : i32
        %parallel_loop3A_430 = arith.index_cast %parallel_loop3A_429 : i32 to index
        %parallel_loop3A_431 = tpu.vector_load %arg6[%parallel_loop3A_430] {strides = array<i32>} : memref<4096xi32, #tpu.memory_space<vmem>>, vector<16xi32>,
        %parallel_loop3A_432 = arith.addi %parallel_loop3A_425, %parallel_loop3A_431 : vector<16xi32>
        %parallel_loop3A_433 = arith.constant 16 : i32
        %parallel_loop3A_434 = arith.muli %parallel_loop3A_383, %parallel_loop3A_433 : i32
        %parallel_loop3A_435 = arith.constant 1792 : i32
        %parallel_loop3A_436 = arith.addi %parallel_loop3A_435, %parallel_loop3A_434 : i32
        %parallel_loop3A_437 = arith.index_cast %parallel_loop3A_436 : i32 to index
        %parallel_loop3A_438 = tpu.vector_load %arg6[%parallel_loop3A_437] {strides = array<i32>} : memref<4096xi32, #tpu.memory_space<vmem>>, vector<16xi32>,
        %parallel_loop3A_439 = arith.addi %parallel_loop3A_432, %parallel_loop3A_438 : vector<16xi32>
        %parallel_loop3A_440 = arith.constant 16 : i32
        %parallel_loop3A_441 = arith.muli %parallel_loop3A_383, %parallel_loop3A_440 : i32
        %parallel_loop3A_442 = arith.constant 2048 : i32
        %parallel_loop3A_443 = arith.addi %parallel_loop3A_442, %parallel_loop3A_441 : i32
        %parallel_loop3A_444 = arith.index_cast %parallel_loop3A_443 : i32 to index
        %parallel_loop3A_445 = tpu.vector_load %arg6[%parallel_loop3A_444] {strides = array<i32>} : memref<4096xi32, #tpu.memory_space<vmem>>, vector<16xi32>,
        %parallel_loop3A_446 = arith.addi %parallel_loop3A_439, %parallel_loop3A_445 : vector<16xi32>
        %parallel_loop3A_447 = arith.constant 16 : i32
        %parallel_loop3A_448 = arith.muli %parallel_loop3A_383, %parallel_loop3A_447 : i32
        %parallel_loop3A_449 = arith.constant 2304 : i32
        %parallel_loop3A_450 = arith.addi %parallel_loop3A_449, %parallel_loop3A_448 : i32
        %parallel_loop3A_451 = arith.index_cast %parallel_loop3A_450 : i32 to index
        %parallel_loop3A_452 = tpu.vector_load %arg6[%parallel_loop3A_451] {strides = array<i32>} : memref<4096xi32, #tpu.memory_space<vmem>>, vector<16xi32>,
        %parallel_loop3A_453 = arith.addi %parallel_loop3A_446, %parallel_loop3A_452 : vector<16xi32>
        %parallel_loop3A_454 = arith.constant 16 : i32
        %parallel_loop3A_455 = arith.muli %parallel_loop3A_383, %parallel_loop3A_454 : i32
        %parallel_loop3A_456 = arith.constant 2560 : i32
        %parallel_loop3A_457 = arith.addi %parallel_loop3A_456, %parallel_loop3A_455 : i32
        %parallel_loop3A_458 = arith.index_cast %parallel_loop3A_457 : i32 to index
        %parallel_loop3A_459 = tpu.vector_load %arg6[%parallel_loop3A_458] {strides = array<i32>} : memref<4096xi32, #tpu.memory_space<vmem>>, vector<16xi32>,
        %parallel_loop3A_460 = arith.addi %parallel_loop3A_453, %parallel_loop3A_459 : vector<16xi32>
        %parallel_loop3A_461 = arith.constant 16 : i32
        %parallel_loop3A_462 = arith.muli %parallel_loop3A_383, %parallel_loop3A_461 : i32
        %parallel_loop3A_463 = arith.constant 2816 : i32
        %parallel_loop3A_464 = arith.addi %parallel_loop3A_463, %parallel_loop3A_462 : i32
        %parallel_loop3A_465 = arith.index_cast %parallel_loop3A_464 : i32 to index
        %parallel_loop3A_466 = tpu.vector_load %arg6[%parallel_loop3A_465] {strides = array<i32>} : memref<4096xi32, #tpu.memory_space<vmem>>, vector<16xi32>,
        %parallel_loop3A_467 = arith.addi %parallel_loop3A_460, %parallel_loop3A_466 : vector<16xi32>
        %parallel_loop3A_468 = arith.constant 16 : i32
        %parallel_loop3A_469 = arith.muli %parallel_loop3A_383, %parallel_loop3A_468 : i32
        %parallel_loop3A_470 = arith.constant 3072 : i32
        %parallel_loop3A_471 = arith.addi %parallel_loop3A_470, %parallel_loop3A_469 : i32
        %parallel_loop3A_472 = arith.index_cast %parallel_loop3A_471 : i32 to index
        %parallel_loop3A_473 = tpu.vector_load %arg6[%parallel_loop3A_472] {strides = array<i32>} : memref<4096xi32, #tpu.memory_space<vmem>>, vector<16xi32>,
        %parallel_loop3A_474 = arith.addi %parallel_loop3A_467, %parallel_loop3A_473 : vector<16xi32>
        %parallel_loop3A_475 = arith.constant 16 : i32
        %parallel_loop3A_476 = arith.muli %parallel_loop3A_383, %parallel_loop3A_475 : i32
        %parallel_loop3A_477 = arith.constant 3328 : i32
        %parallel_loop3A_478 = arith.addi %parallel_loop3A_477, %parallel_loop3A_476 : i32
        %parallel_loop3A_479 = arith.index_cast %parallel_loop3A_478 : i32 to index
        %parallel_loop3A_480 = tpu.vector_load %arg6[%parallel_loop3A_479] {strides = array<i32>} : memref<4096xi32, #tpu.memory_space<vmem>>, vector<16xi32>,
        %parallel_loop3A_481 = arith.addi %parallel_loop3A_474, %parallel_loop3A_480 : vector<16xi32>
        %parallel_loop3A_482 = arith.constant 16 : i32
        %parallel_loop3A_483 = arith.muli %parallel_loop3A_383, %parallel_loop3A_482 : i32
        %parallel_loop3A_484 = arith.constant 3584 : i32
        %parallel_loop3A_485 = arith.addi %parallel_loop3A_484, %parallel_loop3A_483 : i32
        %parallel_loop3A_486 = arith.index_cast %parallel_loop3A_485 : i32 to index
        %parallel_loop3A_487 = tpu.vector_load %arg6[%parallel_loop3A_486] {strides = array<i32>} : memref<4096xi32, #tpu.memory_space<vmem>>, vector<16xi32>,
        %parallel_loop3A_488 = arith.addi %parallel_loop3A_481, %parallel_loop3A_487 : vector<16xi32>
        %parallel_loop3A_489 = arith.constant 16 : i32
        %parallel_loop3A_490 = arith.muli %parallel_loop3A_383, %parallel_loop3A_489 : i32
        %parallel_loop3A_491 = arith.constant 3840 : i32
        %parallel_loop3A_492 = arith.addi %parallel_loop3A_491, %parallel_loop3A_490 : i32
        %parallel_loop3A_493 = arith.index_cast %parallel_loop3A_492 : i32 to index
        %parallel_loop3A_494 = tpu.vector_load %arg6[%parallel_loop3A_493] {strides = array<i32>} : memref<4096xi32, #tpu.memory_space<vmem>>, vector<16xi32>,
        %parallel_loop3A_495 = arith.addi %parallel_loop3A_488, %parallel_loop3A_494 : vector<16xi32>
        %parallel_loop3A_496 = vector.broadcast %parallel_loop3A_383 : i32 to vector<16xi32>
        %parallel_loop3A_497 = arith.addi %mul3A_11, %parallel_loop3A_496 : vector<16xi32>
        %parallel_loop3A_498 = arith.constant true
        %parallel_loop3A_499 = vector.broadcast %parallel_loop3A_498 : i1 to vector<16xi1>
        %parallel_loop3A_500 = tpu.scan <sum>, %parallel_loop3A_495 masked %parallel_loop3A_499 : vector<16xi32>, vector<16xi1> -> vector<16xi32>
        tpu.vector_store_idx %arg7[%parallel_loop3A_497], %parallel_loop3A_500 : memref<272xi32, #tpu.memory_space<vmem>>[vector<16xi32>], vector<16xi32>,
      } {sc.loop_unroll_factor = 2 : i64, sc.parallel_access}
      %add3A_287 = arith.constant 255 : i32
      %add3A_288 = vector.broadcast %add3A_287 : i32 to vector<16xi32>
      %add3A_289 = arith.addi %add3A_288, %iota3A : vector<16xi32>
      %gather3A_290 = tpu.vector_load_idx %arg7[%add3A_289] : memref<272xi32, #tpu.memory_space<vmem>>[vector<16xi32>], vector<16xi32>,
      %broadcast_in_dim3A_291 = arith.constant true
      %broadcast_in_dim3A_292 = vector.broadcast %broadcast_in_dim3A_291 : i1 to vector<16xi1>
      %masked_cumsum3A_293 = tpu.scan <sum>, %gather3A_290 masked %broadcast_in_dim3A_292 : vector<16xi32>, vector<16xi1> -> vector<16xi32>
      %sub3A_294 = arith.subi %masked_cumsum3A_293, %gather3A_290 : vector<16xi32>
      %parallel_loop3A_295 = arith.constant 0 : i32
      %parallel_loop3A_296 = arith.constant 16 : i32
      %parallel_loop3A_297 = arith.constant 1 : i32
      %parallel_loop3A_298:3 = scf.for %parallel_loop3A_383 = %parallel_loop3A_295 to %parallel_loop3A_296 step %parallel_loop3A_297 iter_args(%parallel_loop3A_384 = %broadcast_in_dim3A_4, %parallel_loop3A_385 = %broadcast_in_dim3A_4, %parallel_loop3A_386 = %broadcast_in_dim3A_8) -> (vector<16xi32>, vector<16xi32>, vector<16xi32>)  : i32 {
        %parallel_loop3A_387 = arith.constant 17 : i32
        %parallel_loop3A_388 = arith.muli %parallel_loop3A_383, %parallel_loop3A_387 : i32
        %parallel_loop3A_389 = vector.broadcast %parallel_loop3A_388 : i32 to vector<16xi32>
        %parallel_loop3A_390 = arith.addi %parallel_loop3A_389, %iota3A : vector<16xi32>
        %parallel_loop3A_391 = tpu.vector_load_idx %arg7[%parallel_loop3A_390] : memref<272xi32, #tpu.memory_space<vmem>>[vector<16xi32>], vector<16xi32>,
        %parallel_loop3A_392 = arith.addi %parallel_loop3A_391, %sub3A_294 : vector<16xi32>
        %parallel_loop3A_393 = vector.broadcast %sub3A_283 : i32 to vector<16xi32>
        %parallel_loop3A_394 = arith.cmpi sle, %parallel_loop3A_392, %parallel_loop3A_393 : vector<16xi32>
        %parallel_loop3A_395 = tpu.all_reduce %parallel_loop3A_394 {dim = 0 : i64, kind = #tpu.reduction_kind<sum>} : vector<16xi1> -> vector<16xi32>
        %parallel_loop3A_396 = arith.addi %parallel_loop3A_384, %parallel_loop3A_395 : vector<16xi32>
        %parallel_loop3A_397 = arith.constant 0 : i32
        %parallel_loop3A_398 = vector.broadcast %parallel_loop3A_397 : i32 to vector<16xi32>
        %parallel_loop3A_399 = arith.select %parallel_loop3A_394, %parallel_loop3A_392, %parallel_loop3A_398 : vector<16xi1>, vector<16xi32>
        %parallel_loop3A_400 = arith.maxsi %parallel_loop3A_385, %parallel_loop3A_399 : vector<16xi32>
        %parallel_loop3A_401 = arith.select %parallel_loop3A_394, %broadcast_in_dim3A_8, %parallel_loop3A_392 : vector<16xi1>, vector<16xi32>
        %parallel_loop3A_402 = arith.minsi %parallel_loop3A_386, %parallel_loop3A_401 : vector<16xi32>
        scf.yield %parallel_loop3A_396, %parallel_loop3A_400, %parallel_loop3A_402 : vector<16xi32>, vector<16xi32>, vector<16xi32>
      } {sc.loop_unroll_factor = 2 : i64, sc.parallel_access}
      %reduce_max3A_299 = arith.constant true
      %reduce_max3A_300 = vector.broadcast %reduce_max3A_299 : i1 to vector<16xi1>
      %reduce_max3A_301 = arith.constant -2147483648 : i32
      %reduce_max3A_302 = vector.broadcast %reduce_max3A_301 : i32 to vector<16xi32>
      %reduce_max3A_303 = arith.xori %parallel_loop3A_298#0, %reduce_max3A_302 : vector<16xi32>
      %reduce_max3A_304 = tpu.scan <max>, %reduce_max3A_303 masked %reduce_max3A_300 : vector<16xi32>, vector<16xi1> -> vector<16xi32>
      %reduce_max3A_305 = arith.xori %reduce_max3A_304, %reduce_max3A_302 : vector<16xi32>
      %reduce_max3A_306 = vector.extract %reduce_max3A_305[15] : i32 from vector<16xi32>
      %reduce_min3A_307 = arith.constant true
      %reduce_min3A_308 = vector.broadcast %reduce_min3A_307 : i1 to vector<16xi1>
      %reduce_min3A_309 = arith.constant -2147483648 : i32
      %reduce_min3A_310 = vector.broadcast %reduce_min3A_309 : i32 to vector<16xi32>
      %reduce_min3A_311 = arith.xori %parallel_loop3A_298#2, %reduce_min3A_310 : vector<16xi32>
      %reduce_min3A_312 = tpu.scan <min>, %reduce_min3A_311 masked %reduce_min3A_308 : vector<16xi32>, vector<16xi1> -> vector<16xi32>
      %reduce_min3A_313 = arith.xori %reduce_min3A_312, %reduce_min3A_310 : vector<16xi32>
      %reduce_min3A_314 = vector.extract %reduce_min3A_313[15] : i32 from vector<16xi32>
      %reduce_max3A_315 = arith.constant true
      %reduce_max3A_316 = vector.broadcast %reduce_max3A_315 : i1 to vector<16xi1>
      %reduce_max3A_317 = arith.constant -2147483648 : i32
      %reduce_max3A_318 = vector.broadcast %reduce_max3A_317 : i32 to vector<16xi32>
      %reduce_max3A_319 = arith.xori %parallel_loop3A_298#1, %reduce_max3A_318 : vector<16xi32>
      %reduce_max3A_320 = tpu.scan <max>, %reduce_max3A_319 masked %reduce_max3A_316 : vector<16xi32>, vector<16xi1> -> vector<16xi32>
      %reduce_max3A_321 = arith.xori %reduce_max3A_320, %reduce_max3A_318 : vector<16xi32>
      %reduce_max3A_322 = vector.extract %reduce_max3A_321[15] : i32 from vector<16xi32>
      %sub3A_323 = arith.subi %reduce_min3A_314, %reduce_max3A_322 : i32
      %sub3A_324 = arith.subi %sub3A_272, %reduce_min3A_314 : i32
      %sub3A_325 = arith.subi %sub3A_274, %sub3A_324 : i32
      %shift_left3A_326 = arith.constant 8 : i32
      %shift_left3A_327 = arith.shli %or3A_277, %shift_left3A_326 : i32
      %or3A_328 = arith.ori %shift_left3A_327, %reduce_max3A_306 : i32
      %parallel_loop3A_329 = arith.constant 0 : i32
      %parallel_loop3A_330 = arith.constant 256 : i32
      %parallel_loop3A_331 = arith.constant 1 : i32
      scf.for %parallel_loop3A_383 = %parallel_loop3A_329 to %parallel_loop3A_330 step %parallel_loop3A_331  : i32 {
        %parallel_loop3A_384 = arith.constant 16 : i32
        %parallel_loop3A_385 = arith.muli %parallel_loop3A_383, %parallel_loop3A_384 : i32
        %parallel_loop3A_386 = arith.index_cast %parallel_loop3A_385 : i32 to index
        %parallel_loop3A_387 = tpu.vector_load %arg6[%parallel_loop3A_386] {strides = array<i32>} : memref<4096xi32, #tpu.memory_space<vmem>>, vector<16xi32>,
        tpu.vector_store %arg6[%parallel_loop3A_386], %broadcast_in_dim3A_4 {strides = array<i32>} : memref<4096xi32, #tpu.memory_space<vmem>>, vector<16xi32>,
      } {sc.loop_unroll_factor = 8 : i64, sc.parallel_access}
      %parallel_loop3A_332 = arith.constant 0 : i32
      %parallel_loop3A_333 = arith.constant 1 : i32
      scf.for %parallel_loop3A_383 = %parallel_loop3A_332 to %select_n3A_170 step %parallel_loop3A_333  : i32 {
        %parallel_loop3A_384 = arith.constant 16 : i32
        %parallel_loop3A_385 = arith.muli %parallel_loop3A_383, %parallel_loop3A_384 : i32
        %parallel_loop3A_386 = arith.index_cast %parallel_loop3A_385 : i32 to index
        %parallel_loop3A_387 = tpu.vector_load %arg5[%parallel_loop3A_386] {strides = array<i32>} : memref<32784xf32, #tpu.memory_space<vmem>>, vector<16xf32>,
        %parallel_loop3A_388 = arith.constant 0.000000e+00 : f32
        %parallel_loop3A_389 = vector.broadcast %parallel_loop3A_388 : f32 to vector<16xf32>
        %parallel_loop3A_390 = arith.addf %parallel_loop3A_387, %parallel_loop3A_389 : vector<16xf32>
        %parallel_loop3A_391 = tpu.bitcast %parallel_loop3A_390 : vector<16xf32> -> vector<16xi32>
        %parallel_loop3A_392 = arith.constant 31 : i32
        %parallel_loop3A_393 = vector.broadcast %parallel_loop3A_392 : i32 to vector<16xi32>
        %parallel_loop3A_394 = arith.shrsi %parallel_loop3A_391, %parallel_loop3A_393 : vector<16xi32>
        %parallel_loop3A_395 = arith.constant 2147483647 : i32
        %parallel_loop3A_396 = vector.broadcast %parallel_loop3A_395 : i32 to vector<16xi32>
        %parallel_loop3A_397 = arith.andi %parallel_loop3A_394, %parallel_loop3A_396 : vector<16xi32>
        %parallel_loop3A_398 = arith.xori %parallel_loop3A_391, %parallel_loop3A_397 : vector<16xi32>
        %parallel_loop3A_399 = arith.constant 16 : i32
        %parallel_loop3A_400 = arith.muli %parallel_loop3A_383, %parallel_loop3A_399 : i32
        %parallel_loop3A_401 = vector.broadcast %parallel_loop3A_400 : i32 to vector<16xi32>
        %parallel_loop3A_402 = arith.addi %parallel_loop3A_401, %iota3A : vector<16xi32>
        %parallel_loop3A_403 = arith.cmpi slt, %parallel_loop3A_402, %cond3A_142 : vector<16xi32>
        %parallel_loop3A_404 = arith.constant 0 : i32
        %parallel_loop3A_405 = vector.broadcast %parallel_loop3A_404 : i32 to vector<16xi32>
        %parallel_loop3A_406 = arith.shrsi %parallel_loop3A_398, %parallel_loop3A_405 : vector<16xi32>
        %parallel_loop3A_407 = arith.constant 255 : i32
        %parallel_loop3A_408 = vector.broadcast %parallel_loop3A_407 : i32 to vector<16xi32>
        %parallel_loop3A_409 = arith.andi %parallel_loop3A_406, %parallel_loop3A_408 : vector<16xi32>
        %parallel_loop3A_410 = arith.constant 8 : i32
        %parallel_loop3A_411 = vector.broadcast %parallel_loop3A_410 : i32 to vector<16xi32>
        %parallel_loop3A_412 = arith.shrsi %parallel_loop3A_398, %parallel_loop3A_411 : vector<16xi32>
        %parallel_loop3A_413 = vector.broadcast %or3A_328 : i32 to vector<16xi32>
        %parallel_loop3A_414 = arith.cmpi eq, %parallel_loop3A_412, %parallel_loop3A_413 : vector<16xi32>
        %parallel_loop3A_415 = arith.andi %parallel_loop3A_403, %parallel_loop3A_414 : vector<16xi1>
        %parallel_loop3A_416 = arith.addi %mul3A_3, %parallel_loop3A_409 : vector<16xi32>
        tpu.vector_store_idx %arg6[%parallel_loop3A_416], %broadcast_in_dim3A_6 masked %parallel_loop3A_415 {add = true} : memref<4096xi32, #tpu.memory_space<vmem>>[vector<16xi32>], vector<16xi32>, vector<16xi1>
      } {sc.loop_unroll_factor = 2 : i64, sc.parallel_access}
      %sub3A_334 = arith.subi %sub3A_323, %sub3A_325 : i32
      %parallel_loop3A_335 = arith.constant 0 : i32
      %parallel_loop3A_336 = arith.constant 16 : i32
      %parallel_loop3A_337 = arith.constant 1 : i32
      scf.for %parallel_loop3A_383 = %parallel_loop3A_335 to %parallel_loop3A_336 step %parallel_loop3A_337  : i32 {
        %parallel_loop3A_384 = arith.constant 16 : i32
        %parallel_loop3A_385 = arith.muli %parallel_loop3A_383, %parallel_loop3A_384 : i32
        %parallel_loop3A_386 = arith.constant 0 : i32
        %parallel_loop3A_387 = arith.addi %parallel_loop3A_386, %parallel_loop3A_385 : i32
        %parallel_loop3A_388 = arith.index_cast %parallel_loop3A_387 : i32 to index
        %parallel_loop3A_389 = tpu.vector_load %arg6[%parallel_loop3A_388] {strides = array<i32>} : memref<4096xi32, #tpu.memory_space<vmem>>, vector<16xi32>,
        %parallel_loop3A_390 = arith.addi %broadcast_in_dim3A_4, %parallel_loop3A_389 : vector<16xi32>
        %parallel_loop3A_391 = arith.constant 16 : i32
        %parallel_loop3A_392 = arith.muli %parallel_loop3A_383, %parallel_loop3A_391 : i32
        %parallel_loop3A_393 = arith.constant 256 : i32
        %parallel_loop3A_394 = arith.addi %parallel_loop3A_393, %parallel_loop3A_392 : i32
        %parallel_loop3A_395 = arith.index_cast %parallel_loop3A_394 : i32 to index
        %parallel_loop3A_396 = tpu.vector_load %arg6[%parallel_loop3A_395] {strides = array<i32>} : memref<4096xi32, #tpu.memory_space<vmem>>, vector<16xi32>,
        %parallel_loop3A_397 = arith.addi %parallel_loop3A_390, %parallel_loop3A_396 : vector<16xi32>
        %parallel_loop3A_398 = arith.constant 16 : i32
        %parallel_loop3A_399 = arith.muli %parallel_loop3A_383, %parallel_loop3A_398 : i32
        %parallel_loop3A_400 = arith.constant 512 : i32
        %parallel_loop3A_401 = arith.addi %parallel_loop3A_400, %parallel_loop3A_399 : i32
        %parallel_loop3A_402 = arith.index_cast %parallel_loop3A_401 : i32 to index
        %parallel_loop3A_403 = tpu.vector_load %arg6[%parallel_loop3A_402] {strides = array<i32>} : memref<4096xi32, #tpu.memory_space<vmem>>, vector<16xi32>,
        %parallel_loop3A_404 = arith.addi %parallel_loop3A_397, %parallel_loop3A_403 : vector<16xi32>
        %parallel_loop3A_405 = arith.constant 16 : i32
        %parallel_loop3A_406 = arith.muli %parallel_loop3A_383, %parallel_loop3A_405 : i32
        %parallel_loop3A_407 = arith.constant 768 : i32
        %parallel_loop3A_408 = arith.addi %parallel_loop3A_407, %parallel_loop3A_406 : i32
        %parallel_loop3A_409 = arith.index_cast %parallel_loop3A_408 : i32 to index
        %parallel_loop3A_410 = tpu.vector_load %arg6[%parallel_loop3A_409] {strides = array<i32>} : memref<4096xi32, #tpu.memory_space<vmem>>, vector<16xi32>,
        %parallel_loop3A_411 = arith.addi %parallel_loop3A_404, %parallel_loop3A_410 : vector<16xi32>
        %parallel_loop3A_412 = arith.constant 16 : i32
        %parallel_loop3A_413 = arith.muli %parallel_loop3A_383, %parallel_loop3A_412 : i32
        %parallel_loop3A_414 = arith.constant 1024 : i32
        %parallel_loop3A_415 = arith.addi %parallel_loop3A_414, %parallel_loop3A_413 : i32
        %parallel_loop3A_416 = arith.index_cast %parallel_loop3A_415 : i32 to index
        %parallel_loop3A_417 = tpu.vector_load %arg6[%parallel_loop3A_416] {strides = array<i32>} : memref<4096xi32, #tpu.memory_space<vmem>>, vector<16xi32>,
        %parallel_loop3A_418 = arith.addi %parallel_loop3A_411, %parallel_loop3A_417 : vector<16xi32>
        %parallel_loop3A_419 = arith.constant 16 : i32
        %parallel_loop3A_420 = arith.muli %parallel_loop3A_383, %parallel_loop3A_419 : i32
        %parallel_loop3A_421 = arith.constant 1280 : i32
        %parallel_loop3A_422 = arith.addi %parallel_loop3A_421, %parallel_loop3A_420 : i32
        %parallel_loop3A_423 = arith.index_cast %parallel_loop3A_422 : i32 to index
        %parallel_loop3A_424 = tpu.vector_load %arg6[%parallel_loop3A_423] {strides = array<i32>} : memref<4096xi32, #tpu.memory_space<vmem>>, vector<16xi32>,
        %parallel_loop3A_425 = arith.addi %parallel_loop3A_418, %parallel_loop3A_424 : vector<16xi32>
        %parallel_loop3A_426 = arith.constant 16 : i32
        %parallel_loop3A_427 = arith.muli %parallel_loop3A_383, %parallel_loop3A_426 : i32
        %parallel_loop3A_428 = arith.constant 1536 : i32
        %parallel_loop3A_429 = arith.addi %parallel_loop3A_428, %parallel_loop3A_427 : i32
        %parallel_loop3A_430 = arith.index_cast %parallel_loop3A_429 : i32 to index
        %parallel_loop3A_431 = tpu.vector_load %arg6[%parallel_loop3A_430] {strides = array<i32>} : memref<4096xi32, #tpu.memory_space<vmem>>, vector<16xi32>,
        %parallel_loop3A_432 = arith.addi %parallel_loop3A_425, %parallel_loop3A_431 : vector<16xi32>
        %parallel_loop3A_433 = arith.constant 16 : i32
        %parallel_loop3A_434 = arith.muli %parallel_loop3A_383, %parallel_loop3A_433 : i32
        %parallel_loop3A_435 = arith.constant 1792 : i32
        %parallel_loop3A_436 = arith.addi %parallel_loop3A_435, %parallel_loop3A_434 : i32
        %parallel_loop3A_437 = arith.index_cast %parallel_loop3A_436 : i32 to index
        %parallel_loop3A_438 = tpu.vector_load %arg6[%parallel_loop3A_437] {strides = array<i32>} : memref<4096xi32, #tpu.memory_space<vmem>>, vector<16xi32>,
        %parallel_loop3A_439 = arith.addi %parallel_loop3A_432, %parallel_loop3A_438 : vector<16xi32>
        %parallel_loop3A_440 = arith.constant 16 : i32
        %parallel_loop3A_441 = arith.muli %parallel_loop3A_383, %parallel_loop3A_440 : i32
        %parallel_loop3A_442 = arith.constant 2048 : i32
        %parallel_loop3A_443 = arith.addi %parallel_loop3A_442, %parallel_loop3A_441 : i32
        %parallel_loop3A_444 = arith.index_cast %parallel_loop3A_443 : i32 to index
        %parallel_loop3A_445 = tpu.vector_load %arg6[%parallel_loop3A_444] {strides = array<i32>} : memref<4096xi32, #tpu.memory_space<vmem>>, vector<16xi32>,
        %parallel_loop3A_446 = arith.addi %parallel_loop3A_439, %parallel_loop3A_445 : vector<16xi32>
        %parallel_loop3A_447 = arith.constant 16 : i32
        %parallel_loop3A_448 = arith.muli %parallel_loop3A_383, %parallel_loop3A_447 : i32
        %parallel_loop3A_449 = arith.constant 2304 : i32
        %parallel_loop3A_450 = arith.addi %parallel_loop3A_449, %parallel_loop3A_448 : i32
        %parallel_loop3A_451 = arith.index_cast %parallel_loop3A_450 : i32 to index
        %parallel_loop3A_452 = tpu.vector_load %arg6[%parallel_loop3A_451] {strides = array<i32>} : memref<4096xi32, #tpu.memory_space<vmem>>, vector<16xi32>,
        %parallel_loop3A_453 = arith.addi %parallel_loop3A_446, %parallel_loop3A_452 : vector<16xi32>
        %parallel_loop3A_454 = arith.constant 16 : i32
        %parallel_loop3A_455 = arith.muli %parallel_loop3A_383, %parallel_loop3A_454 : i32
        %parallel_loop3A_456 = arith.constant 2560 : i32
        %parallel_loop3A_457 = arith.addi %parallel_loop3A_456, %parallel_loop3A_455 : i32
        %parallel_loop3A_458 = arith.index_cast %parallel_loop3A_457 : i32 to index
        %parallel_loop3A_459 = tpu.vector_load %arg6[%parallel_loop3A_458] {strides = array<i32>} : memref<4096xi32, #tpu.memory_space<vmem>>, vector<16xi32>,
        %parallel_loop3A_460 = arith.addi %parallel_loop3A_453, %parallel_loop3A_459 : vector<16xi32>
        %parallel_loop3A_461 = arith.constant 16 : i32
        %parallel_loop3A_462 = arith.muli %parallel_loop3A_383, %parallel_loop3A_461 : i32
        %parallel_loop3A_463 = arith.constant 2816 : i32
        %parallel_loop3A_464 = arith.addi %parallel_loop3A_463, %parallel_loop3A_462 : i32
        %parallel_loop3A_465 = arith.index_cast %parallel_loop3A_464 : i32 to index
        %parallel_loop3A_466 = tpu.vector_load %arg6[%parallel_loop3A_465] {strides = array<i32>} : memref<4096xi32, #tpu.memory_space<vmem>>, vector<16xi32>,
        %parallel_loop3A_467 = arith.addi %parallel_loop3A_460, %parallel_loop3A_466 : vector<16xi32>
        %parallel_loop3A_468 = arith.constant 16 : i32
        %parallel_loop3A_469 = arith.muli %parallel_loop3A_383, %parallel_loop3A_468 : i32
        %parallel_loop3A_470 = arith.constant 3072 : i32
        %parallel_loop3A_471 = arith.addi %parallel_loop3A_470, %parallel_loop3A_469 : i32
        %parallel_loop3A_472 = arith.index_cast %parallel_loop3A_471 : i32 to index
        %parallel_loop3A_473 = tpu.vector_load %arg6[%parallel_loop3A_472] {strides = array<i32>} : memref<4096xi32, #tpu.memory_space<vmem>>, vector<16xi32>,
        %parallel_loop3A_474 = arith.addi %parallel_loop3A_467, %parallel_loop3A_473 : vector<16xi32>
        %parallel_loop3A_475 = arith.constant 16 : i32
        %parallel_loop3A_476 = arith.muli %parallel_loop3A_383, %parallel_loop3A_475 : i32
        %parallel_loop3A_477 = arith.constant 3328 : i32
        %parallel_loop3A_478 = arith.addi %parallel_loop3A_477, %parallel_loop3A_476 : i32
        %parallel_loop3A_479 = arith.index_cast %parallel_loop3A_478 : i32 to index
        %parallel_loop3A_480 = tpu.vector_load %arg6[%parallel_loop3A_479] {strides = array<i32>} : memref<4096xi32, #tpu.memory_space<vmem>>, vector<16xi32>,
        %parallel_loop3A_481 = arith.addi %parallel_loop3A_474, %parallel_loop3A_480 : vector<16xi32>
        %parallel_loop3A_482 = arith.constant 16 : i32
        %parallel_loop3A_483 = arith.muli %parallel_loop3A_383, %parallel_loop3A_482 : i32
        %parallel_loop3A_484 = arith.constant 3584 : i32
        %parallel_loop3A_485 = arith.addi %parallel_loop3A_484, %parallel_loop3A_483 : i32
        %parallel_loop3A_486 = arith.index_cast %parallel_loop3A_485 : i32 to index
        %parallel_loop3A_487 = tpu.vector_load %arg6[%parallel_loop3A_486] {strides = array<i32>} : memref<4096xi32, #tpu.memory_space<vmem>>, vector<16xi32>,
        %parallel_loop3A_488 = arith.addi %parallel_loop3A_481, %parallel_loop3A_487 : vector<16xi32>
        %parallel_loop3A_489 = arith.constant 16 : i32
        %parallel_loop3A_490 = arith.muli %parallel_loop3A_383, %parallel_loop3A_489 : i32
        %parallel_loop3A_491 = arith.constant 3840 : i32
        %parallel_loop3A_492 = arith.addi %parallel_loop3A_491, %parallel_loop3A_490 : i32
        %parallel_loop3A_493 = arith.index_cast %parallel_loop3A_492 : i32 to index
        %parallel_loop3A_494 = tpu.vector_load %arg6[%parallel_loop3A_493] {strides = array<i32>} : memref<4096xi32, #tpu.memory_space<vmem>>, vector<16xi32>,
        %parallel_loop3A_495 = arith.addi %parallel_loop3A_488, %parallel_loop3A_494 : vector<16xi32>
        %parallel_loop3A_496 = vector.broadcast %parallel_loop3A_383 : i32 to vector<16xi32>
        %parallel_loop3A_497 = arith.addi %mul3A_11, %parallel_loop3A_496 : vector<16xi32>
        %parallel_loop3A_498 = arith.constant true
        %parallel_loop3A_499 = vector.broadcast %parallel_loop3A_498 : i1 to vector<16xi1>
        %parallel_loop3A_500 = tpu.scan <sum>, %parallel_loop3A_495 masked %parallel_loop3A_499 : vector<16xi32>, vector<16xi1> -> vector<16xi32>
        tpu.vector_store_idx %arg7[%parallel_loop3A_497], %parallel_loop3A_500 : memref<272xi32, #tpu.memory_space<vmem>>[vector<16xi32>], vector<16xi32>,
      } {sc.loop_unroll_factor = 2 : i64, sc.parallel_access}
      %add3A_338 = arith.constant 255 : i32
      %add3A_339 = vector.broadcast %add3A_338 : i32 to vector<16xi32>
      %add3A_340 = arith.addi %add3A_339, %iota3A : vector<16xi32>
      %gather3A_341 = tpu.vector_load_idx %arg7[%add3A_340] : memref<272xi32, #tpu.memory_space<vmem>>[vector<16xi32>], vector<16xi32>,
      %broadcast_in_dim3A_342 = arith.constant true
      %broadcast_in_dim3A_343 = vector.broadcast %broadcast_in_dim3A_342 : i1 to vector<16xi1>
      %masked_cumsum3A_344 = tpu.scan <sum>, %gather3A_341 masked %broadcast_in_dim3A_343 : vector<16xi32>, vector<16xi1> -> vector<16xi32>
      %sub3A_345 = arith.subi %masked_cumsum3A_344, %gather3A_341 : vector<16xi32>
      %parallel_loop3A_346 = arith.constant 0 : i32
      %parallel_loop3A_347 = arith.constant 16 : i32
      %parallel_loop3A_348 = arith.constant 1 : i32
      %parallel_loop3A_349:3 = scf.for %parallel_loop3A_383 = %parallel_loop3A_346 to %parallel_loop3A_347 step %parallel_loop3A_348 iter_args(%parallel_loop3A_384 = %broadcast_in_dim3A_4, %parallel_loop3A_385 = %broadcast_in_dim3A_4, %parallel_loop3A_386 = %broadcast_in_dim3A_8) -> (vector<16xi32>, vector<16xi32>, vector<16xi32>)  : i32 {
        %parallel_loop3A_387 = arith.constant 17 : i32
        %parallel_loop3A_388 = arith.muli %parallel_loop3A_383, %parallel_loop3A_387 : i32
        %parallel_loop3A_389 = vector.broadcast %parallel_loop3A_388 : i32 to vector<16xi32>
        %parallel_loop3A_390 = arith.addi %parallel_loop3A_389, %iota3A : vector<16xi32>
        %parallel_loop3A_391 = tpu.vector_load_idx %arg7[%parallel_loop3A_390] : memref<272xi32, #tpu.memory_space<vmem>>[vector<16xi32>], vector<16xi32>,
        %parallel_loop3A_392 = arith.addi %parallel_loop3A_391, %sub3A_345 : vector<16xi32>
        %parallel_loop3A_393 = vector.broadcast %sub3A_334 : i32 to vector<16xi32>
        %parallel_loop3A_394 = arith.cmpi sle, %parallel_loop3A_392, %parallel_loop3A_393 : vector<16xi32>
        %parallel_loop3A_395 = tpu.all_reduce %parallel_loop3A_394 {dim = 0 : i64, kind = #tpu.reduction_kind<sum>} : vector<16xi1> -> vector<16xi32>
        %parallel_loop3A_396 = arith.addi %parallel_loop3A_384, %parallel_loop3A_395 : vector<16xi32>
        %parallel_loop3A_397 = arith.constant 0 : i32
        %parallel_loop3A_398 = vector.broadcast %parallel_loop3A_397 : i32 to vector<16xi32>
        %parallel_loop3A_399 = arith.select %parallel_loop3A_394, %parallel_loop3A_392, %parallel_loop3A_398 : vector<16xi1>, vector<16xi32>
        %parallel_loop3A_400 = arith.maxsi %parallel_loop3A_385, %parallel_loop3A_399 : vector<16xi32>
        %parallel_loop3A_401 = arith.select %parallel_loop3A_394, %broadcast_in_dim3A_8, %parallel_loop3A_392 : vector<16xi1>, vector<16xi32>
        %parallel_loop3A_402 = arith.minsi %parallel_loop3A_386, %parallel_loop3A_401 : vector<16xi32>
        scf.yield %parallel_loop3A_396, %parallel_loop3A_400, %parallel_loop3A_402 : vector<16xi32>, vector<16xi32>, vector<16xi32>
      } {sc.loop_unroll_factor = 2 : i64, sc.parallel_access}
      %reduce_max3A_350 = arith.constant true
      %reduce_max3A_351 = vector.broadcast %reduce_max3A_350 : i1 to vector<16xi1>
      %reduce_max3A_352 = arith.constant -2147483648 : i32
      %reduce_max3A_353 = vector.broadcast %reduce_max3A_352 : i32 to vector<16xi32>
      %reduce_max3A_354 = arith.xori %parallel_loop3A_349#0, %reduce_max3A_353 : vector<16xi32>
      %reduce_max3A_355 = tpu.scan <max>, %reduce_max3A_354 masked %reduce_max3A_351 : vector<16xi32>, vector<16xi1> -> vector<16xi32>
      %reduce_max3A_356 = arith.xori %reduce_max3A_355, %reduce_max3A_353 : vector<16xi32>
      %reduce_max3A_357 = vector.extract %reduce_max3A_356[15] : i32 from vector<16xi32>
      %reduce_min3A_358 = arith.constant true
      %reduce_min3A_359 = vector.broadcast %reduce_min3A_358 : i1 to vector<16xi1>
      %reduce_min3A_360 = arith.constant -2147483648 : i32
      %reduce_min3A_361 = vector.broadcast %reduce_min3A_360 : i32 to vector<16xi32>
      %reduce_min3A_362 = arith.xori %parallel_loop3A_349#2, %reduce_min3A_361 : vector<16xi32>
      %reduce_min3A_363 = tpu.scan <min>, %reduce_min3A_362 masked %reduce_min3A_359 : vector<16xi32>, vector<16xi1> -> vector<16xi32>
      %reduce_min3A_364 = arith.xori %reduce_min3A_363, %reduce_min3A_361 : vector<16xi32>
      %reduce_min3A_365 = vector.extract %reduce_min3A_364[15] : i32 from vector<16xi32>
      %reduce_max3A_366 = arith.constant true
      %reduce_max3A_367 = vector.broadcast %reduce_max3A_366 : i1 to vector<16xi1>
      %reduce_max3A_368 = arith.constant -2147483648 : i32
      %reduce_max3A_369 = vector.broadcast %reduce_max3A_368 : i32 to vector<16xi32>
      %reduce_max3A_370 = arith.xori %parallel_loop3A_349#1, %reduce_max3A_369 : vector<16xi32>
      %reduce_max3A_371 = tpu.scan <max>, %reduce_max3A_370 masked %reduce_max3A_367 : vector<16xi32>, vector<16xi1> -> vector<16xi32>
      %reduce_max3A_372 = arith.xori %reduce_max3A_371, %reduce_max3A_369 : vector<16xi32>
      %reduce_max3A_373 = vector.extract %reduce_max3A_372[15] : i32 from vector<16xi32>
      %sub3A_374 = arith.subi %reduce_min3A_365, %reduce_max3A_373 : i32
      %sub3A_375 = arith.subi %sub3A_323, %reduce_min3A_365 : i32
      %sub3A_376 = arith.subi %sub3A_325, %sub3A_375 : i32
      %shift_left3A_377 = arith.constant 8 : i32
      %shift_left3A_378 = arith.shli %or3A_328, %shift_left3A_377 : i32
      %or3A_379 = arith.ori %shift_left3A_378, %reduce_max3A_357 : i32
      %parallel_loop3A_380 = arith.constant 0 : i32
      %parallel_loop3A_381 = arith.constant 1 : i32
      %parallel_loop3A_382:2 = scf.for %parallel_loop3A_383 = %parallel_loop3A_380 to %select_n3A_170 step %parallel_loop3A_381 iter_args(%parallel_loop3A_384 = %broadcast_in_dim3A_4, %parallel_loop3A_385 = %broadcast_in_dim3A_4) -> (vector<16xi32>, vector<16xi32>)  : i32 {
        %parallel_loop3A_386 = arith.constant 16 : i32
        %parallel_loop3A_387 = arith.muli %parallel_loop3A_383, %parallel_loop3A_386 : i32
        %parallel_loop3A_388 = arith.index_cast %parallel_loop3A_387 : i32 to index
        %parallel_loop3A_389 = tpu.vector_load %arg5[%parallel_loop3A_388] {strides = array<i32>} : memref<32784xf32, #tpu.memory_space<vmem>>, vector<16xf32>,
        %parallel_loop3A_390 = arith.constant 0.000000e+00 : f32
        %parallel_loop3A_391 = vector.broadcast %parallel_loop3A_390 : f32 to vector<16xf32>
        %parallel_loop3A_392 = arith.addf %parallel_loop3A_389, %parallel_loop3A_391 : vector<16xf32>
        %parallel_loop3A_393 = tpu.bitcast %parallel_loop3A_392 : vector<16xf32> -> vector<16xi32>
        %parallel_loop3A_394 = arith.constant 31 : i32
        %parallel_loop3A_395 = vector.broadcast %parallel_loop3A_394 : i32 to vector<16xi32>
        %parallel_loop3A_396 = arith.shrsi %parallel_loop3A_393, %parallel_loop3A_395 : vector<16xi32>
        %parallel_loop3A_397 = arith.constant 2147483647 : i32
        %parallel_loop3A_398 = vector.broadcast %parallel_loop3A_397 : i32 to vector<16xi32>
        %parallel_loop3A_399 = arith.andi %parallel_loop3A_396, %parallel_loop3A_398 : vector<16xi32>
        %parallel_loop3A_400 = arith.xori %parallel_loop3A_393, %parallel_loop3A_399 : vector<16xi32>
        %parallel_loop3A_401 = arith.constant 16 : i32
        %parallel_loop3A_402 = arith.muli %parallel_loop3A_383, %parallel_loop3A_401 : i32
        %parallel_loop3A_403 = vector.broadcast %parallel_loop3A_402 : i32 to vector<16xi32>
        %parallel_loop3A_404 = arith.addi %parallel_loop3A_403, %iota3A : vector<16xi32>
        %parallel_loop3A_405 = arith.cmpi slt, %parallel_loop3A_404, %cond3A_142 : vector<16xi32>
        %parallel_loop3A_406 = vector.broadcast %or3A_379 : i32 to vector<16xi32>
        %parallel_loop3A_407 = arith.cmpi eq, %parallel_loop3A_400, %parallel_loop3A_406 : vector<16xi32>
        %parallel_loop3A_408 = arith.andi %parallel_loop3A_405, %parallel_loop3A_407 : vector<16xi1>
        %parallel_loop3A_409 = vector.broadcast %or3A_379 : i32 to vector<16xi32>
        %parallel_loop3A_410 = arith.cmpi sgt, %parallel_loop3A_400, %parallel_loop3A_409 : vector<16xi32>
        %parallel_loop3A_411 = arith.andi %parallel_loop3A_405, %parallel_loop3A_410 : vector<16xi1>
        %parallel_loop3A_412 = arith.extui %parallel_loop3A_408 : vector<16xi1> to vector<16xi32>
        %parallel_loop3A_413 = arith.constant true
        %parallel_loop3A_414 = vector.broadcast %parallel_loop3A_413 : i1 to vector<16xi1>
        %parallel_loop3A_415 = tpu.scan <sum>, %parallel_loop3A_412 masked %parallel_loop3A_414 : vector<16xi32>, vector<16xi1> -> vector<16xi32>
        %parallel_loop3A_416 = arith.subi %parallel_loop3A_415, %parallel_loop3A_412 : vector<16xi32>
        %parallel_loop3A_417 = arith.addi %parallel_loop3A_385, %parallel_loop3A_416 : vector<16xi32>
        %parallel_loop3A_418 = vector.broadcast %sub3A_376 : i32 to vector<16xi32>
        %parallel_loop3A_419 = arith.cmpi slt, %parallel_loop3A_417, %parallel_loop3A_418 : vector<16xi32>
        %parallel_loop3A_420 = arith.andi %parallel_loop3A_408, %parallel_loop3A_419 : vector<16xi1>
        %parallel_loop3A_421 = arith.ori %parallel_loop3A_411, %parallel_loop3A_420 : vector<16xi1>
        %parallel_loop3A_422 = arith.extui %parallel_loop3A_421 : vector<16xi1> to vector<16xi32>
        %parallel_loop3A_423 = arith.constant true
        %parallel_loop3A_424 = vector.broadcast %parallel_loop3A_423 : i1 to vector<16xi1>
        %parallel_loop3A_425 = tpu.scan <sum>, %parallel_loop3A_422 masked %parallel_loop3A_424 : vector<16xi32>, vector<16xi1> -> vector<16xi32>
        %parallel_loop3A_426 = arith.subi %parallel_loop3A_425, %parallel_loop3A_422 : vector<16xi32>
        %parallel_loop3A_427 = arith.addi %parallel_loop3A_384, %parallel_loop3A_426 : vector<16xi32>
        tpu.vector_store_idx %arg8[%parallel_loop3A_427], %parallel_loop3A_389 masked %parallel_loop3A_421 : memref<528xf32, #tpu.memory_space<vmem>>[vector<16xi32>], vector<16xf32>, vector<16xi1>
        %parallel_loop3A_428 = tpu.all_reduce %parallel_loop3A_421 {dim = 0 : i64, kind = #tpu.reduction_kind<sum>} : vector<16xi1> -> vector<16xi32>
        %parallel_loop3A_429 = arith.addi %parallel_loop3A_384, %parallel_loop3A_428 : vector<16xi32>
        %parallel_loop3A_430 = tpu.all_reduce %parallel_loop3A_408 {dim = 0 : i64, kind = #tpu.reduction_kind<sum>} : vector<16xi1> -> vector<16xi32>
        %parallel_loop3A_431 = arith.addi %parallel_loop3A_385, %parallel_loop3A_430 : vector<16xi32>
        scf.yield %parallel_loop3A_429, %parallel_loop3A_431 : vector<16xi32>, vector<16xi32>
      } {sc.loop_unroll_factor = 2 : i64, sc.parallel_access}
      "tpu.region"() ({
        %run_scoped3A = tpu.sem_alloc : memref<!tpu.dma_semaphore, #tpu.memory_space<semaphore_mem>>
        %dma_start3A = arith.constant 0 : i32
        %dma_start3A_383 = tpu.memref_slice %arg8[%dma_start3A] : memref<528xf32, #tpu.memory_space<vmem>> -> memref<512xf32, #tpu.memory_space<vmem>>
        %dma_start3A_384 = arith.constant 0 : i32
        %dma_start3A_385 = tpu.memref_slice %arg3[%add3A_20, %dma_start3A_384] : memref<64x512xf32, #tpu.memory_space<hbm>> -> memref<1x512xf32, #tpu.memory_space<hbm>>
        %dma_start3A_386 = tpu.memref_squeeze %dma_start3A_385 : memref<1x512xf32, #tpu.memory_space<hbm>> -> memref<512xf32, #tpu.memory_space<hbm>>
        %dma_start3A_387 = arith.constant 0 : i32
        %dma_start3A_388 = tpu.memref_slice %arg3[%add3A_20, %dma_start3A_387] : memref<64x512xf32, #tpu.memory_space<hbm>> -> memref<1x512xf32, #tpu.memory_space<hbm>>
        %dma_start3A_389 = tpu.memref_squeeze %dma_start3A_388 : memref<1x512xf32, #tpu.memory_space<hbm>> -> memref<512xf32, #tpu.memory_space<hbm>>
        %dma_start3A_390 = arith.constant 0 : i32
        %dma_start3A_391 = tpu.memref_slice %arg8[%dma_start3A_390] : memref<528xf32, #tpu.memory_space<vmem>> -> memref<512xf32, #tpu.memory_space<vmem>>
        tpu.enqueue_dma source(%dma_start3A_391 : memref<512xf32, #tpu.memory_space<vmem>>) target(%dma_start3A_389 : memref<512xf32, #tpu.memory_space<hbm>>) target_semaphore(%run_scoped3A : memref<!tpu.dma_semaphore, #tpu.memory_space<semaphore_mem>>)
        %dma_wait3A = arith.constant 0 : i32
        %dma_wait3A_392 = tpu.memref_slice %arg8[%dma_wait3A] : memref<528xf32, #tpu.memory_space<vmem>> -> memref<512xf32, #tpu.memory_space<vmem>>
        %dma_wait3A_393 = arith.constant 0 : i32
        %dma_wait3A_394 = tpu.memref_slice %arg3[%add3A_20, %dma_wait3A_393] : memref<64x512xf32, #tpu.memory_space<hbm>> -> memref<1x512xf32, #tpu.memory_space<hbm>>
        %dma_wait3A_395 = tpu.memref_squeeze %dma_wait3A_394 : memref<1x512xf32, #tpu.memory_space<hbm>> -> memref<512xf32, #tpu.memory_space<hbm>>
        %dma_wait3A_396 = arith.constant 0 : i32
        %dma_wait3A_397 = tpu.memref_slice %arg3[%add3A_20, %dma_wait3A_396] : memref<64x512xf32, #tpu.memory_space<hbm>> -> memref<1x512xf32, #tpu.memory_space<hbm>>
        %dma_wait3A_398 = tpu.memref_squeeze %dma_wait3A_397 : memref<1x512xf32, #tpu.memory_space<hbm>> -> memref<512xf32, #tpu.memory_space<hbm>>
        %dma_wait3A_399 = arith.constant 0 : i32
        %dma_wait3A_400 = tpu.memref_slice %arg8[%dma_wait3A_399] : memref<528xf32, #tpu.memory_space<vmem>> -> memref<512xf32, #tpu.memory_space<vmem>>
        tpu.wait_dma2 semaphore(%run_scoped3A : memref<!tpu.dma_semaphore, #tpu.memory_space<semaphore_mem>>) src(%dma_wait3A_400 : memref<512xf32, #tpu.memory_space<vmem>>) dst(%dma_wait3A_398 : memref<512xf32, #tpu.memory_space<hbm>>)
        tpu.yield
      }) : () -> ()
    }
    %scan3A_16 = arith.constant 2 : i32
    return
  }
}

</mosaic_0001>

<sc_bundles>
// kernel: kernel.3.cloned.1.call-start
scs
__scs_entry_jumppad:
0x0: {  	(pc) =	sbr.rel $0x88, $3  }
0x1: {  	(tag) =	ssettag $0x0;
	lr =	simm.s32 $0x1  }
0x2: {  	[smem:$0x3FA0] =	sst lr;
	_ =	strace $0xD0000000  }
0x3: {  	_ = 	snop  }
0x4: {  	_ = 	snop  }
0x5: {  	_ = 	snop  }
0x6: {  	_ = 	snop  }
0x7: {  	_ = 	snop  }
__scs_overlays_trampoline_lowered:
0x8: {  	[smem:$0x3FAF] =	sst s0  }
0x9: {  	[smem:$0x3FB0] =	sst s1  }
0xa: {  	[smem:$0x3FB1] =	sst s2  }
0xb: {  	[smem:$0x3FB2] =	sst s3  }
0xc: {  	[smem:$0x3FB3] =	sst s4  }
0xd: {  	[smem:$0x3FB4] =	sst s5  }
0xe: {  	[smem:$0x3FB5] =	sst s6  }
0xf: {  	[smem:$0x3FB6] =	sst s7  }
0x10: {  	[smem:$0x3FB7] =	sst s8  }
0x11: {  	[smem:$0x3FB8] =	sst s9;
	s0 =	simm.s32 @!p0 $0x0  }
0x12: {  	s1 =	sld [smem:$0x3F9E];
	s0 =	simm.s32 @p0 $0x1  }
0x13: {  	[smem:$0x3FB9] =	sst s0;
	s0 =	simm.s32 @!p1 $0x0  }
0x14: {  	s2 =	sld [smem:$0x3F9D];
	s0 =	simm.s32 @p1 $0x1  }
0x15: {  	[smem:$0x3FBA] =	sst s0;
	s0 =	simm.s32 @!p2 $0x0  }
0x16: {  	s3 =	sld [smem:$0x3FDB];
	s0 =	simm.s32 @p2 $0x1  }
0x17: {  	s4 =	simm.s32 $0x1BF5;
	[smem:$0x3FBC] =	sst s0  }
0x18: {  	s0 =	sld [smem:$0x3F9F];
	_ =	swait.ge [sflag:s4], $0x0  }
0x19: {  	s7 =	sld [smem:$0x3FA0]  }
0x1a: {  	s8 =	sadd.s32 $0xFFFFE003, lr  }
0x1b: {  	s9 =	sadd.s32 $0xFFFFFEF7, lr;
	s5 =	simm.s32 $0xFFFFFFFF;
	p2 =	slt.u32 s8, $0xFFFFF086  }
0x1c: {  	p1 =	slt.u32 s9, $0xF7A;
	s5 =	simm.s32 @!p2 $0x0  }
0x1d: {  	s5 =	simm.s32 @p1 $0x1;
	p0 =	seq.s32 s7, s2  }
0x1e: {  	s7 =	smul.u32 @!p0 $0xF7A, s2;
	p2 =	seq.s32 @!p0 s5, $0x0  }
0x1f: {  	s9 =	smul.u32 $0xF7A, s1;
	s8 =	simm.s32 @!p0 $0x1BF5;
	p2 =	por !p2, p0  }
0x20: {  	[sflag:s8] =	ssyncset.s32 @!p0 $0xFFFFF086;
	s6 =	sadd.s32 @!p0 s3, s7;
	s7 =	simm.s32 @!p0 $0x108  }
0x21: {  	s3 =	sadd.s32 s3, s9;
	s6 =	sadd.s32 @!p0 $0x88, s6;
	s7 =	simm.s32 @p2 $0x1082  }
0x22: {  	[simem:s7], [sflag:s8] =	dma.local @!p0 [hbm:s6], $0xF7A  }
0x23: {  	s9 =	sor.u32 $0xD0000000, s2;
	s6 =	simm.s32 $0x108;
	_ =	swait.ge @!p0 [sflag:s8], $0x0  }
0x24: {  	s3 =	sadd.s32 $0x88, s3;
	s6 =	simm.s32 @!p1 $0x1082;
	[sflag:s4] =	ssyncset.s32 $0xFFFFF086  }
0x25: {  	[simem:s6], [sflag:s4] =	dma.local [hbm:s3], $0xF7A  }
0x26: {  	[smem:$0x3FA0] =	sst s1;
	(tag) =	ssettag s2;
	_ =	strace s9  }
0x27: {  	s1 =	sld [smem:$0x3FB0]  }
0x28: {  	s2 =	sld [smem:$0x3FB1]  }
0x29: {  	s4 =	sld [smem:$0x3FB3]  }
0x2a: {  	p0 =	seq.s32 s5, $0x0;
	s5 =	sld [smem:$0x3FB4]  }
0x2b: {  	s6 =	sld [smem:$0x3FB5]  }
0x2c: {  	s7 =	sld [smem:$0x3FB6]  }
0x2d: {  	s3 =	simm.s32 $0x108;
	s8 =	sld [smem:$0x3FB7]  }
0x2e: {  	s3 =	simm.s32 @!p0 $0x1082;
	s9 =	sld [smem:$0x3FB8]  }
0x2f: {  	lr =	sadd.s32 s0, s3;
	s0 =	sld [smem:$0x3FAF]  }
0x30: {  	s3 =	sld [smem:$0x3FB2]  }
0x31: {  	[smem:$0x3FBB] =	sst s10  }
0x32: {  	s10 =	sld [smem:$0x3FB9];
	_ =	sdelay $0x3  }
0x33: {  	p0 =	seq.s32 s10, $0x1;
	s10 =	sld [smem:$0x3FBB];
	_ =	sdelay $0x3  }
0x34: {  	[smem:$0x3FBB] =	sst s10  }
0x35: {  	s10 =	sld [smem:$0x3FBA];
	_ =	sdelay $0x3  }
0x36: {  	p1 =	seq.s32 s10, $0x1;
	s10 =	sld [smem:$0x3FBB];
	_ =	sdelay $0x3  }
0x37: {  	[smem:$0x3FBB] =	sst s10  }
0x38: {  	s10 =	sld [smem:$0x3FBC]  }
0x39: {  	_ = 	snop;
	(pc) =	sbr.ind lr, $3  }
0x3a: {  	_ = 	snop  }
0x3b: {  	_ = 	snop  }
0x3c: {  	p2 =	seq.s32 s10, $0x1;
	s10 =	sld [smem:$0x3FBB]  }
0x3d: {  	_ =	shalt  }
0x3e: {  	_ =	shalt  }
0x3f: {  	_ =	shalt  }
0x40: {  	_ =	shalt  }
0x41: {  	_ =	shalt  }
0x42: {  	_ =	shalt  }
0x43: {  	_ =	shalt  }
0x44: {  	_ =	shalt  }
0x45: {  	_ =	shalt  }
0x46: {  	_ =	shalt  }
0x47: {  	_ =	shalt  }
0x48: {  	_ =	shalt  }
0x49: {  	_ =	shalt  }
0x4a: {  	_ =	shalt  }
0x4b: {  	_ =	shalt  }
0x4c: {  	_ =	shalt  }
0x4d: {  	_ =	shalt  }
0x4e: {  	_ =	shalt  }
0x4f: {  	_ =	shalt  }
0x50: {  	_ =	shalt  }
0x51: {  	_ =	shalt  }
0x52: {  	_ =	shalt  }
0x53: {  	_ =	shalt  }
0x54: {  	_ =	shalt  }
0x55: {  	_ =	shalt  }
0x56: {  	_ =	shalt  }
0x57: {  	_ =	shalt  }
0x58: {  	_ =	shalt  }
0x59: {  	_ =	shalt  }
0x5a: {  	_ =	shalt  }
0x5b: {  	_ =	shalt  }
0x5c: {  	_ =	shalt  }
0x5d: {  	_ =	shalt  }
0x5e: {  	_ =	shalt  }
0x5f: {  	_ =	shalt  }
0x60: {  	_ =	shalt  }
0x61: {  	_ =	shalt  }
0x62: {  	_ =	shalt  }
0x63: {  	_ =	shalt  }
0x64: {  	_ =	shalt  }
0x65: {  	_ =	shalt  }
0x66: {  	_ =	shalt  }
0x67: {  	_ =	shalt  }
0x68: {  	_ =	shalt  }
0x69: {  	_ =	shalt  }
0x6a: {  	_ =	shalt  }
0x6b: {  	_ =	shalt  }
0x6c: {  	_ =	shalt  }
0x6d: {  	_ =	shalt  }
0x6e: {  	_ =	shalt  }
0x6f: {  	_ =	shalt  }
0x70: {  	_ =	shalt  }
0x71: {  	_ =	shalt  }
0x72: {  	_ =	shalt  }
0x73: {  	_ =	shalt  }
0x74: {  	_ =	shalt  }
0x75: {  	_ =	shalt  }
0x76: {  	_ =	shalt  }
0x77: {  	_ =	shalt  }
0x78: {  	_ =	shalt  }
0x79: {  	_ =	shalt  }
0x7a: {  	_ =	shalt  }
0x7b: {  	_ =	shalt  }
0x7c: {  	_ =	shalt  }
0x7d: {  	_ =	shalt  }
0x7e: {  	_ =	shalt  }
0x7f: {  	_ =	shalt  }
0x80: {  	_ =	shalt  }
0x81: {  	_ =	shalt  }
0x82: {  	_ =	shalt  }
0x83: {  	_ =	shalt  }
0x84: {  	_ =	shalt  }
0x85: {  	_ =	shalt  }
0x86: {  	_ =	shalt  }
0x87: {  	_ =	shalt  }
.Lfunc_end0:
.L_simem_size_0:
called_computation_lowered:
.L_overlay_start_0:
0x88: {  	s2 =	sld [smem:$0x3FD9]  }
0x89: {  	s3 =	sld [smem:$0x3FFE];
	_ =	sdelay $0x1  }
0x8a: {  	s1 =	srdreg.scid  }
0x8b: {  	s0 =	sand.u32 $0x1, s1  }
0x8c: {  	s18 =	sshll.u32 s0, $0xA;
	s2 =	sadd.s32 s3, s2  }
0x8d: {  	s2 =	sadd.s32 s2, s18  }
0x8e: {  	[smem:$0x3FC7] =	sst s2  }
0x8f: {  	_ = 	snop  }
0x90: {  	s2 =	sld [smem:$0x3FC9]  }
0x91: {  	s19 =	sld [smem:$0x3FD0];
	(tm) =	ssettm $0x1  }
0x92: {  	s4 =	sld [smem:$0x3FFB];
	_ =	sdelay $0x3  }
0x93: {  	_ =	strace s4  }
0x94: {  	s4 =	sld [smem:$0x3FFC];
	_ =	sdelay $0x3  }
0x95: {  	_ =	strace s4  }
0x96: {  	s4 =	sld [smem:$0x3FFD];
	_ =	sdelay $0x3  }
0x97: {  	_ =	strace s4  }
0x98: {  	_ =	strace $0x8FFFFFFF  }
0x99: {  	s20 =	sld [smem:$0x3FDB];
	_ =	sdelay $0x1  }
0x9a: {  	s5 =	simm.s32 $_scs_section_size  }
0x9b: {  	s6 =	simm.s32 $_size__tile_overlayer_lowered;
	s7 =	simm.s32 $_tile_overlayer_lowered  }
0x9c: {  	s23 =	simm.s32 $0x1BFF;
	s22 =	sshll.u32 s7, $0x1;
	s4 =	sadd.s32 s5, s20  }
0x9d: {  	s8 =	simm.s32 $0x0;
	s21 =	sshll.u32 s6, $0x1;
	s6 =	sadd.s32 s22, s4  }
0x9e: {  	[timem:s8], [sflag:s23] =	dma.local [hbm:s6], s21  }
0x9f: {  	_ =	swait.ge [sflag:s23], s21  }
0xa0: {  	s5 =	ssub.s32 $0x0, s21;
	[sflag:s23] =	ssyncset.done $0x0  }
0xa1: {  	[sflag:s23] =	ssyncadd.s32 s5;
	_ =	sdelay $0x1  }
0xa2: {  	s24 =	simm.s32 $0x1B8B  }
0xa3: {  	_ =	swait.ge [sflag:s24], $0x1  }
0xa4: {  	[sflag:s24] =	ssyncset.done $0x0  }
0xa5: {  	s25 =	simm.s32 $0x1B8E;
	[sflag:s24] =	ssyncadd.s32 $0xFFFFFFFF  }
0xa6: {  	s26 =	simm.s32 $execute0_lowered;
	[smem:$0x3FD2] =	sst s25  }
0xa7: {  	s5 =	sshll.u32 s26, $0x1;
	_ =	strace $0x80000046;
	[dreg:$0x1] =	wrdreg $0xFFFFFFFF  }
0xa8: {  	s28 =	simm.s32 $_size_execute0_lowered;
	s4 =	sadd.s32 s4, s5;
	[dreg:$0x0] =	wrdreg $0x0  }
0xa9: {  	s5 =	sshll.u32 s28, $0x1;
	[dreg:$0x2] =	wrdreg s4  }
0xaa: {  	[dreg:$0x3] =	wrdreg s5  }
0xab: {  	[dreg:$0x4] =	wrdreg $0xC0  }
0xac: {  	_ =	task [dreg:s8], $0x5FFFF  }
0xad: {  	[dreg:$0x1] =	wrdreg $0xFFFFFFFF  }
0xae: {  	[dreg:$0x0] =	wrdreg $0x60  }
0xaf: {  	[dreg:$0x2] =	wrdreg s2  }
0xb0: {  	[dreg:$0x3] =	wrdreg s19  }
0xb1: {  	[dreg:$0x4] =	wrdreg $0x9  }
0xb2: {  	_ =	task.clear_ibuf [dreg:s8], $0x5FFFF;
	_ =	strace $0x90000046  }
0xb3: {  	s29 =	simm.s32 $0x9;
	_ =	strace $0x80000048  }
0xb4: {  	_ =	swait.ge [sflag:s29], $0x1  }
0xb5: {  	[sflag:s29] =	ssyncadd.s32 $0xFFFFFFFF  }
0xb6: {  	_ =	strace $0x90000048  }
0xb7: {  	_ =	sfence  }
0xb8: {  	s30 =	sld [smem:$0x0];
	_ =	sdelay $0x2  }
0xb9: {  	s31 =	sshll.u32 s1, $0xD;
	s1 =	sshrl.u32 s1, $0x2  }
0xba: {  	s3 =	sand.u32 $0x4000, s31;
	s1 =	sadd.s32 s1, s30  }
0xbb: {  	s0 =	sor.u32 s3, s0;
	s1 =	sshll.u32 s1, $0x11  }
0xbc: {  	s0 =	sor.u32 s1, s0  }
0xbd: {  	s0 =	sadd.s32 $0x8F2B, s0  }
0xbe: {  	[sflag:s0] =	ssyncadd.remote.s32 $0x1  }
0xbf: {  	_ =	sfence.sel $0xFFFF  }
0xc0: {  	[dreg:$0x0] =	wrdreg $0xFFFFFFFF;
	(pc) =	sbr.abs _section_cstart, $3  }
0xc1: {  	[dreg:$0x1] =	wrdreg $0xFFFFFFFF  }
0xc2: {  	_ =	task.clear_ibuf [dreg:s8], $0x2FFFF;
	_ =	strace $0x9FFFFFFF  }
0xc3: {  	(tm) =	ssettm $0x7FFFFFFF  }
tec
execute0_lowered:
.L_overlay_start_1:
0x0: {  	(tag) =	ssettag $0x1  }
0x1: {  	s1 =	rddreg [dreg:$0x0]  }
0x2: {  	s0 =	srdreg.scid;
	s2 =	rddreg [dreg:$0x1];
	s4 =	simm.s32 $0x0  }
0x3: {  	s3 =	stileid.u32;
	s10 =	simm.s32 $0x400;
	s11 =	simm.s32 $0x1  }
0x4: {  	s12 =	simm.s32 $0x10080;
	s13 =	simm.s32 $0x11080;
	s14 =	simm.s32 $0x8000  }
0x5: {  	s15 =	simm.s32 $0x11200;
	s16 =	simm.s32 $0x0;
	s5 =	sand.u32 $0x1, s0  }
.Ltmp0:
0x6: {  	[smem:$0x7FF] =	sst s4;
	s31 =	sshrl.u32 s3, $0x1;
	(pc) =	sbr.rel .LBB2_1-.Ltmp0, $4  }
0x7: {  	v0 =	vlaneseq.u32;
	s8 =	sshll.u32 s3, $0x9;
	s6 =	ssub.s32 $0x2, s5;
	_ =	strace $0x80000047  }
0x8: {  	v2 =	vmul.u32 $0x2, v0;
	s9 =	sshll.u32 s5, $0x8;
	s8 =	sand.u32 $0x200, s8;
	s7 =	sshrl.u32 s6, $0x1  }
0x9: {  	v1 =	vimm.s32 $0x0;
	v3 =	vimm.s32 $0x1;
	v6 =	vmul.u32 $0x100, v0;
	s5 =	sshll.u32 s31, $0x12;
	s8 =	sor.u32 s9, s8;
	s7 =	ssub.s32 s6, s7  }
0xa: {  	v4 =	vmul.u32 $0x11, v0;
	v5 =	vadd.s32 $0xFF, v0;
	s9 =	simm.s32 $0x80;
	v2 =	vor.u32 $0x1, v2;
	s6 =	sshll.u32 s31, $0xC;
	s7 =	smax.u32 s7, $0x1  }
.LBB2_87:
0xb: {  	s16 =	sadd.s32 $0x1, s16  }
0xc: {  	p0 =	sne.s32 s16, s7  }
.Ltmp1:
0xd: {  	_ = 	snop;
	(pc) =	sbr.rel @!p0 .LBB2_88-.Ltmp1, $1  }
0xe: {  	_ =	sdelay $0x3  }
.LBB2_1:
.Ltmp2:
0xf: {  	(pc) =	sbr.rel .LBB2_2-.Ltmp2, $2  }
0x10: {  	_ =	sdelay $0x2  }
0x11: {  	p1 =	por $0x1, $0x1;
	s17 =	simm.s32 $0x0  }
.LBB2_85:
0x12: {  	v9 =	vimm.s32 $0x0;
	v12 =	vimm.s32 $0x0  }
.LBB2_86:
0x13: {  	p1 =	slt.s32 s19, $0x1  }
0x14: {  	s0 =	sshll.u32 @!p1 s18, $0x4  }
0x15: {  	v8 =	vld @!p1 [tilespmem:s0+$0x8000];
	_ =	sdelay $0x4  }
0x16: {  	v10 =	vadd.f32 @!p1 $0.0e+00, v8;
	_ =	sdelay $0x1  }
0x17: {  	v11 =	vshra.s32 @!p1 v10, $0x1F  }
0x18: {  	v13 =	vlaneseq.u32 @!p1;
	v11 =	vand.u32 @!p1 $0x7FFFFFFF, v11  }
0x19: {  	v10 =	vxor.u32 @!p1 v10, v11;
	v11 =	vor.u32 @!p1 s0, v13  }
0x1a: {  	vm0 =	vlt.s32 @!p1 v11, v7;
	vm1 =	veq.s32 @!p1 v10, s21  }
0x1b: {  	v7 =	vimm.s32 @!p1 $0x0;
	vm1 =	vmand @!p1 vm0, vm1  }
0x1c: {  	v11 =	vsel @!p1 vm1, $0x1, v7  }
0x1d: {  	(xrf0) =	vadd.scan.msk.s32 @!p1 $0xffff, v11;
	_ =	sdelay $0x4  }
0x1e: {  	v11 =	vsel @!p1 vm1, $0xFFFFFFFF, v7  }
0x1f: {  	v11 =	vadd.s32 @!p1 v11, v12;
	v12, _, _ =	vpop @!p1 (xrf0)  }
0x20: {  	v11 =	vadd.s32 @!p1 v12, v11  }
0x21: {  	vm2 =	vgt.s32 @!p1 v10, s21;
	vm3 =	vlt.s32 @!p1 v11, s20  }
0x22: {  	vm0 =	vmand @!p1 vm0, vm2;
	vm1 =	vmand @!p1 vm1, vm3  }
0x23: {  	vm0 =	vmor @!p1 vm0, vm1  }
0x24: {  	v10 =	vsel @!p1 vm0, $0x1, v7  }
0x25: {  	(xrf0) =	vadd.scan.msk.s32 @!p1 $0xffff, v10;
	_ =	sdelay $0x4  }
0x26: {  	v7 =	vsel @!p1 vm0, $0xFFFFFFFF, v7  }
0x27: {  	v7 =	vadd.s32 @!p1 v7, v9;
	v10, _, _ =	vpop @!p1 (xrf0)  }
0x28: {  	v7 =	vadd.s32 @!p1 v10, v7;
	_ =	sdelay $0x3  }
0x29: {  	s31 =	sor.u32 s6, s17;
	s0 =	simm.s32 @!p1 $0x11200  }
0x2a: {  	[tilespmem:v7+s0+$0x0] =	vst.idx.msk @!p1 vm0, v8;
	s0 =	sshrl.u32 s31, $0x3  }
.Ltmp3:
0x2b: {  	s17 =	simm.s32 $0x80;
	s0 =	sadd.s32 s2, s0;
	(pc) =	sbr.rel @!p0 .LBB2_87-.Ltmp3, $4  }
0x2c: {  	[hbm4b:s0+s17] =	stream.strided.scatter [tilespmem:s15], [sflag:$0x1], $0x200, s10, s17, $0x38;
	[tilespmem:$0x11480] =	vst v63  }
0x2d: {  	_ =	swait.ge [sflag:s11], $0x200  }
0x2e: {  	[sflag:s11] =	ssyncset.done $0x0  }
0x2f: {  	p1 =	por $0x0, $0x0;
	[sflag:s11] =	ssyncadd.s32 $0xFFFFFE00  }
.LBB2_2:
0x30: {  	s17 =	sor.u32 s8, s17  }
0x31: {  	s18 =	sor.u32 s5, s17  }
0x32: {  	s18 =	sshrl.u32 s18, $0x3  }
0x33: {  	s18 =	sadd.s32 s1, s18  }
0x34: {  	[tilespmem:s4], [sflag:$0x1] =	stream.strided.gather [hbm4b:s18+s9], $0x8000, s10, s9, $0x38;
	[tilespmem:$0x11480] =	vst v63  }
0x35: {  	_ =	swait.ge [sflag:s11], $0x8000  }
0x36: {  	[sflag:s11] =	ssyncset.done $0x0  }
0x37: {  	s18 =	simm.s32 $0x100C0;
	[sflag:s11] =	ssyncadd.s32 $0xFFFF8000  }
0x38: {  	[tilespmem:s18+$0xFFFFFFC0] =	vst v1  }
0x39: {  	[tilespmem:s18+$0x30] =	vst v1  }
0x3a: {  	[tilespmem:s18+$0x20] =	vst v1  }
0x3b: {  	[tilespmem:s18+$0x10] =	vst v1  }
0x3c: {  	[tilespmem:s18+$0x0] =	vst v1  }
0x3d: {  	[tilespmem:s18+$0xFFFFFFF0] =	vst v1  }
0x3e: {  	p0 =	por p1, p1;
	s20 =	simm.s32 $0x0;
	s19 =	simm.s32 $0x200;
	[tilespmem:s18+$0xFFFFFFE0] =	vst v1  }
.LBB2_3:
0x3f: {  	s20 =	sadd.s32 $0x8, s20;
	[tilespmem:s18+$0xFFFFFFD0] =	vst v1;
	s18 =	sadd.s32 $0x80, s18  }
0x40: {  	[tilespmem:s18+$0xFFFFFFC0] =	vst v1;
	p1 =	slt.u32 s20, $0xF8  }
0x41: {  	[tilespmem:s18+$0x30] =	vst v1  }
.Ltmp4:
0x42: {  	[tilespmem:s18+$0x20] =	vst v1;
	(pc) =	sbr.rel @p1 .LBB2_3-.Ltmp4, $4  }
0x43: {  	[tilespmem:s18+$0x10] =	vst v1  }
0x44: {  	[tilespmem:s18+$0x0] =	vst v1  }
0x45: {  	[tilespmem:s18+$0xFFFFFFF0] =	vst v1  }
0x46: {  	[tilespmem:s18+$0xFFFFFFE0] =	vst v1  }
0x47: {  	[tilespmem:s18+$0xFFFFFFD0] =	vst v1  }
0x48: {  	v7 =	vld [tilespmem:s19+$0x100]  }
0x49: {  	v8 =	vld [tilespmem:s19+$0xFFFFFF00]  }
0x4a: {  	v10 =	vld [tilespmem:s19+$0xFFFFFE00]  }
0x4b: {  	v9 =	vld [tilespmem:s19+$0x0];
	_ =	sdelay $0x2  }
0x4c: {  	v7 =	vadd.f32 $0.0e+00, v7  }
0x4d: {  	v8 =	vadd.f32 $0.0e+00, v8;
	v10 =	vadd.f32 $0.0e+00, v10  }
0x4e: {  	v9 =	vadd.f32 $0.0e+00, v9  }
0x4f: {  	v11 =	vshra.s32 v7, $0x1F;
	v12 =	vshra.s32 v8, $0x1F;
	v13 =	vshra.s32 v10, $0x1F  }
0x50: {  	v14 =	vshra.s32 v9, $0x1F;
	v11 =	vxor.u32 v7, v11;
	v7 =	vshrl.u32 v7, $0x1F  }
0x51: {  	s31 =	simm.s32 $0x600;
	v13 =	vxor.u32 v10, v13;
	v11 =	vshrl.u32 v11, $0x18;
	v7 =	vxor.u32 v2, v7  }
0x52: {  	v16 =	vld [tilespmem:s31+$0x0];
	v10 =	vshrl.u32 v10, $0x1F;
	v11 =	vand.u32 $0x7F, v11;
	v7 =	vshll.u32 v7, $0x7  }
0x53: {  	v12 =	vxor.u32 v8, v12;
	v14 =	vxor.u32 v9, v14;
	v11 =	vor.u32 v7, v11;
	v7 =	vld [tilespmem:s31+$0x100]  }
0x54: {  	v15 =	vld [tilespmem:s31+$0xFFFFFF00];
	v8 =	vshrl.u32 v8, $0x1F;
	v9 =	vshrl.u32 v9, $0x1F;
	v13 =	vshrl.u32 v13, $0x18  }
0x55: {  	v10 =	vxor.u32 v2, v10;
	v12 =	vshrl.u32 v12, $0x18;
	v14 =	vshrl.u32 v14, $0x18  }
0x56: {  	v17 =	vld [tilespmem:s31+$0xFFFFFE00];
	v8 =	vxor.u32 v2, v8;
	v9 =	vxor.u32 v2, v9;
	v13 =	vand.u32 $0x7F, v13  }
0x57: {  	v10 =	vshll.u32 v10, $0x7;
	v12 =	vand.u32 $0x7F, v12;
	v14 =	vand.u32 $0x7F, v14  }
0x58: {  	v19 =	vor.u32 v10, v13;
	v10 =	vadd.f32 $0.0e+00, v16;
	v18 =	vadd.f32 $0.0e+00, v7  }
0x59: {  	v7 =	vshll.u32 v8, $0x7;
	v8 =	vshll.u32 v9, $0x7;
	v9 =	vadd.f32 $0.0e+00, v15  }
0x5a: {  	v7 =	vor.u32 v7, v12;
	v8 =	vor.u32 v8, v14;
	v13 =	vshra.s32 v18, $0x1F  }
0x5b: {  	v12 =	vadd.f32 $0.0e+00, v17;
	v15 =	vshrl.u32 v18, $0x1F;
	v14 =	vxor.u32 v18, v13  }
0x5c: {  	v13 =	vshra.s32 v9, $0x1F;
	v15 =	vxor.u32 v2, v15;
	v14 =	vshrl.u32 v14, $0x18  }
0x5d: {  	[tilespmem:v11+s12+$0x0] =	vst.idx.add.s32.msk $0xffff, v3;
	v11 =	vshra.s32 v12, $0x1F;
	v17 =	vshll.u32 v15, $0x7;
	v16 =	vand.u32 $0x7F, v14  }
0x5e: {  	s18 =	simm.s32 $0x4;
	s19 =	simm.s32 $0xA00;
	[tilespmem:v19+s12+$0x0] =	vst.idx.add.s32.msk $0xffff, v3;
	v15 =	vshra.s32 v10, $0x1F;
	v14 =	vxor.u32 v12, v11;
	v11 =	vor.u32 v17, v16  }
.LBB2_5:
0x5f: {  	v16 =	vld [tilespmem:s19+$0x100];
	s18 =	sadd.s32 $0x4, s18;
	v12 =	vshrl.u32 v12, $0x1F;
	v13 =	vxor.u32 v9, v13;
	v15 =	vxor.u32 v10, v15  }
0x60: {  	v14 =	vshrl.u32 v14, $0x18;
	v9 =	vshrl.u32 v9, $0x1F;
	v10 =	vshrl.u32 v10, $0x1F;
	v17 =	vld [tilespmem:s19+$0xFFFFFF00];
	p1 =	slt.u32 s18, $0x7C  }
0x61: {  	v12 =	vxor.u32 v2, v12;
	v13 =	vshrl.u32 v13, $0x18;
	v15 =	vshrl.u32 v15, $0x18;
	v18 =	vld [tilespmem:s19+$0x0]  }
0x62: {  	v14 =	vand.u32 $0x7F, v14;
	v9 =	vxor.u32 v2, v9;
	v10 =	vxor.u32 v2, v10;
	v19 =	vld [tilespmem:s19+$0xFFFFFE00]  }
0x63: {  	v12 =	vshll.u32 v12, $0x7;
	v13 =	vand.u32 $0x7F, v13;
	v15 =	vand.u32 $0x7F, v15;
	[tilespmem:v11+s12+$0x0] =	vst.idx.add.s32.msk $0xffff, v3  }
0x64: {  	v20 =	vshll.u32 v10, $0x7;
	v11 =	vadd.f32 $0.0e+00, v16;
	v16 =	vshll.u32 v9, $0x7;
	[tilespmem:v7+s12+$0x0] =	vst.idx.add.s32.msk $0xffff, v3  }
0x65: {  	v9 =	vadd.f32 $0.0e+00, v17;
	v17 =	vor.u32 v12, v14;
	v7 =	vor.u32 v16, v13;
	[tilespmem:v8+s12+$0x0] =	vst.idx.add.s32.msk $0xffff, v3  }
.Ltmp5:
0x66: {  	v8 =	vor.u32 v20, v15;
	v10 =	vadd.f32 $0.0e+00, v18;
	v13 =	vshra.s32 v11, $0x1F;
	(pc) =	sbr.rel @p1 .LBB2_5-.Ltmp5, $4  }
0x67: {  	v12 =	vadd.f32 $0.0e+00, v19;
	v14 =	vxor.u32 v11, v13;
	v11 =	vshrl.u32 v11, $0x1F  }
0x68: {  	v13 =	vshra.s32 v9, $0x1F;
	v14 =	vshrl.u32 v14, $0x18;
	v11 =	vxor.u32 v2, v11  }
0x69: {  	v15 =	vshra.s32 v12, $0x1F;
	v16 =	vand.u32 $0x7F, v14;
	v11 =	vshll.u32 v11, $0x7  }
0x6a: {  	s19 =	sadd.s32 $0x400, s19;
	v14 =	vxor.u32 v12, v15;
	v15 =	vshra.s32 v10, $0x1F;
	v11 =	vor.u32 v11, v16;
	[tilespmem:v17+s12+$0x0] =	vst.idx.add.s32.msk $0xffff, v3  }
0x6b: {  	v12 =	vshrl.u32 v12, $0x1F  }
0x6c: {  	v13 =	vxor.u32 v9, v13;
	v15 =	vxor.u32 v10, v15;
	v14 =	vshrl.u32 v14, $0x18  }
0x6d: {  	v61 =	vshrl.u32 v9, $0x1F;
	v62 =	vshrl.u32 v10, $0x1F;
	v12 =	vxor.u32 v2, v12  }
0x6e: {  	v13 =	vshrl.u32 v13, $0x18;
	v15 =	vshrl.u32 v15, $0x18;
	v14 =	vand.u32 $0x7F, v14  }
0x6f: {  	v9 =	vxor.u32 v2, v61;
	v10 =	vxor.u32 v2, v62;
	v12 =	vshll.u32 v12, $0x7  }
0x70: {  	v13 =	vand.u32 $0x7F, v13;
	v9 =	vshll.u32 v9, $0x7;
	v12 =	vor.u32 v12, v14  }
0x71: {  	v63 =	vand.u32 $0x7F, v15;
	v10 =	vshll.u32 v10, $0x7;
	v9 =	vor.u32 v9, v13  }
0x72: {  	[tilespmem:v11+s12+$0x0] =	vst.idx.add.s32.msk $0xffff, v3;
	p2 =	por $0x1, $0x1;
	v10 =	vor.u32 v10, v63  }
.Ltmp6:
0x73: {  	[tilespmem:v7+s12+$0x0] =	vst.idx.add.s32.msk $0xffff, v3;
	(pc) =	sbr.rel @!p2 .LBB2_7-.Ltmp6, $4  }
0x74: {  	[tilespmem:v8+s12+$0x0] =	vst.idx.add.s32.msk $0xffff, v3  }
0x75: {  	[tilespmem:v12+s12+$0x0] =	vst.idx.add.s32.msk $0xffff, v3  }
0x76: {  	s18 =	simm.s32 $0x0;
	s21 =	simm.s32 $0x10;
	s19 =	simm.s32 $0x10090;
	[tilespmem:v9+s12+$0x0] =	vst.idx.add.s32.msk $0xffff, v3  }
0x77: {  	s24 =	simm.s32 $0x0;
	s20 =	simm.s32 $0x2;
	p1 =	por $0x0, $0x0;
	[tilespmem:v10+s12+$0x0] =	vst.idx.add.s32.msk $0xffff, v3  }
0x78: {  	v7 =	vld [tilespmem:s19+$0xFFFFFFF0];
	s22 =	sand.u32 $0xE0, s24  }
0x79: {  	v8 =	vld [tilespmem:s22+$0x10180]  }
0x7a: {  	v9 =	vld [tilespmem:s22+$0x10280]  }
0x7b: {  	v10 =	vld [tilespmem:s22+$0x10380]  }
0x7c: {  	v11 =	vld [tilespmem:s22+$0x10480]  }
0x7d: {  	v12 =	vld [tilespmem:s22+$0x10580]  }
0x7e: {  	v13 =	vld [tilespmem:s22+$0x10680]  }
0x7f: {  	v14 =	vld [tilespmem:s22+$0x10780]  }
0x80: {  	v15 =	vld [tilespmem:s22+$0x10880]  }
0x81: {  	v7 =	vadd.s32 v7, v8;
	v8 =	vld [tilespmem:s22+$0x10980]  }
0x82: {  	v7 =	vadd.s32 v9, v7;
	v9 =	vld [tilespmem:s22+$0x10A80]  }
0x83: {  	v7 =	vadd.s32 v10, v7;
	v10 =	vld [tilespmem:s22+$0x10B80]  }
0x84: {  	v7 =	vadd.s32 v11, v7;
	v11 =	vld [tilespmem:s22+$0x10C80]  }
0x85: {  	v7 =	vadd.s32 v12, v7;
	v12 =	vld [tilespmem:s22+$0x10D80]  }
0x86: {  	v7 =	vadd.s32 v13, v7;
	v13 =	vld [tilespmem:s22+$0x10E80]  }
0x87: {  	s23 =	sand.u32 $0xF0, s21;
	v7 =	vadd.s32 v14, v7;
	v14 =	vld [tilespmem:s22+$0x10F80]  }
0x88: {  	v7 =	vadd.s32 v15, v7;
	v15 =	vld [tilespmem:s23+$0x10180]  }
0x89: {  	v7 =	vadd.s32 v8, v7;
	v8 =	vld [tilespmem:s19+$0x0]  }
0x8a: {  	v7 =	vadd.s32 v9, v7;
	v9 =	vld [tilespmem:s23+$0x10280]  }
0x8b: {  	v7 =	vadd.s32 v10, v7;
	v10 =	vld [tilespmem:s23+$0x10380]  }
0x8c: {  	v7 =	vadd.s32 v11, v7;
	v11 =	vld [tilespmem:s23+$0x10480]  }
0x8d: {  	v7 =	vadd.s32 v12, v7;
	v12 =	vld [tilespmem:s23+$0x10580]  }
0x8e: {  	v7 =	vadd.s32 v13, v7;
	v8 =	vadd.s32 v8, v15;
	v13 =	vld [tilespmem:s23+$0x10680]  }
0x8f: {  	v7 =	vadd.s32 v14, v7;
	v8 =	vadd.s32 v9, v8;
	v9 =	vld [tilespmem:s23+$0x10780]  }
0x90: {  	(xrf0) =	vadd.scan.msk.s32 $0xffff, v7;
	v7 =	vadd.s32 v10, v8;
	v8 =	vld [tilespmem:s23+$0x10880]  }
0x91: {  	v10 =	vld [tilespmem:s23+$0x10980];
	v7 =	vadd.s32 v11, v7  }
0x92: {  	p2 =	por $0x1, $0x1;
	v11 =	vadd.s32 s18, v4;
	v7 =	vadd.s32 v12, v7;
	v12 =	vld [tilespmem:s23+$0x10A80]  }
.Ltmp7:
0x93: {  	v13 =	vadd.s32 v13, v7;
	v7 =	vld [tilespmem:s23+$0x10B80];
	(pc) =	sbr.rel @!p2 .LBB2_9-.Ltmp7, $4  }
0x94: {  	v13 =	vadd.s32 v9, v13;
	v9 =	vld [tilespmem:s23+$0x10C80]  }
0x95: {  	v13 =	vadd.s32 v8, v13;
	v8 =	vld [tilespmem:s23+$0x10D80]  }
0x96: {  	s21 =	simm.s32 $0x30;
	s24 =	simm.s32 $0x20;
	v14, _, _ =	vpop (xrf0);
	v13 =	vadd.s32 v10, v13;
	v10 =	vld [tilespmem:s23+$0x10E80]  }
0x97: {  	p1 =	por $0x1, $0x1;
	s22 =	simm.s32 $0x4;
	s19 =	simm.s32 $0x100B0;
	[tilespmem:v11+s13+$0x0] =	vst.idx.msk $0xffff, v14;
	v12 =	vadd.s32 v12, v13;
	v11 =	vld [tilespmem:s23+$0x10F80]  }
.LBB2_10:
0x98: {  	p2 =	slt.u32 s22, $0xE;
	v13 =	vld [tilespmem:s19+$0xFFFFFFF0];
	s24 =	sand.u32 $0xE0, s24;
	s23 =	sand.u32 $0xF0, s21;
	v7 =	vadd.s32 v7, v12  }
0x99: {  	v12 =	vld [tilespmem:s24+$0x10180];
	v7 =	vadd.s32 v9, v7  }
0x9a: {  	v9 =	vld [tilespmem:s24+$0x10280];
	v7 =	vadd.s32 v8, v7  }
0x9b: {  	v8 =	vld [tilespmem:s24+$0x10380];
	v7 =	vadd.s32 v10, v7  }
0x9c: {  	v10 =	vld [tilespmem:s24+$0x10480];
	v7 =	vadd.s32 v11, v7  }
0x9d: {  	v11 =	vld [tilespmem:s24+$0x10580];
	(xrf0) =	vadd.scan.msk.s32 $0xffff, v7  }
0x9e: {  	s25 =	sadd.s32 $0x1, s18;
	s18 =	smov.u32 s20;
	s20 =	smov.u32 s22;
	v7 =	vadd.s32 v13, v12;
	v12 =	vld [tilespmem:s24+$0x10680]  }
0x9f: {  	v13 =	vadd.s32 s25, v4;
	v7 =	vadd.s32 v9, v7;
	v9 =	vld [tilespmem:s24+$0x10780]  }
0xa0: {  	v7 =	vadd.s32 v8, v7;
	v8 =	vld [tilespmem:s24+$0x10880]  }
0xa1: {  	v7 =	vadd.s32 v10, v7;
	v10 =	vld [tilespmem:s24+$0x10980]  }
0xa2: {  	v7 =	vadd.s32 v11, v7;
	v11 =	vld [tilespmem:s24+$0x10A80]  }
0xa3: {  	v7 =	vadd.s32 v12, v7;
	v12 =	vld [tilespmem:s24+$0x10B80];
	v14, _, _ =	vpop (xrf0)  }
0xa4: {  	v7 =	vadd.s32 v9, v7;
	v9 =	vld [tilespmem:s24+$0x10C80];
	[tilespmem:v13+s13+$0x0] =	vst.idx.msk $0xffff, v14  }
0xa5: {  	v7 =	vadd.s32 v8, v7;
	v8 =	vld [tilespmem:s24+$0x10D80]  }
0xa6: {  	v7 =	vadd.s32 v10, v7;
	v10 =	vld [tilespmem:s24+$0x10E80]  }
0xa7: {  	v7 =	vadd.s32 v11, v7;
	v11 =	vld [tilespmem:s24+$0x10F80]  }
0xa8: {  	v7 =	vadd.s32 v12, v7;
	v12 =	vld [tilespmem:s23+$0x10180]  }
0xa9: {  	v7 =	vadd.s32 v9, v7;
	v9 =	vld [tilespmem:s19+$0x0]  }
0xaa: {  	v7 =	vadd.s32 v8, v7;
	v8 =	vld [tilespmem:s23+$0x10280]  }
0xab: {  	v7 =	vadd.s32 v10, v7;
	v10 =	vld [tilespmem:s23+$0x10380]  }
0xac: {  	v7 =	vadd.s32 v11, v7;
	v11 =	vld [tilespmem:s23+$0x10480]  }
0xad: {  	v13 =	vld [tilespmem:s23+$0x10580];
	(xrf0) =	vadd.scan.msk.s32 $0xffff, v7  }
0xae: {  	v7 =	vadd.s32 v9, v12;
	v9 =	vld [tilespmem:s23+$0x10680]  }
0xaf: {  	v12 =	vadd.s32 s18, v4;
	v7 =	vadd.s32 v8, v7;
	v8 =	vld [tilespmem:s23+$0x10780]  }
0xb0: {  	v7 =	vadd.s32 v10, v7;
	v10 =	vld [tilespmem:s23+$0x10880]  }
0xb1: {  	v7 =	vadd.s32 v11, v7;
	v11 =	vld [tilespmem:s23+$0x10980]  }
0xb2: {  	v7 =	vadd.s32 v13, v7;
	v13 =	vld [tilespmem:s23+$0x10A80]  }
.Ltmp8:
0xb3: {  	v9 =	vadd.s32 v9, v7;
	v7 =	vld [tilespmem:s23+$0x10B80];
	v14, _, _ =	vpop (xrf0);
	(pc) =	sbr.rel @p2 .LBB2_10-.Ltmp8, $4  }
0xb4: {  	[tilespmem:v12+s13+$0x0] =	vst.idx.msk $0xffff, v14;
	v8 =	vadd.s32 v8, v9;
	v9 =	vld [tilespmem:s23+$0x10C80]  }
0xb5: {  	v10 =	vadd.s32 v10, v8;
	v8 =	vld [tilespmem:s23+$0x10D80]  }
0xb6: {  	s21 =	sadd.s32 $0x20, s21;
	v11 =	vadd.s32 v11, v10;
	v10 =	vld [tilespmem:s23+$0x10E80]  }
0xb7: {  	s22 =	sadd.s32 $0x2, s22;
	s24 =	sadd.s32 $0xFFFFFFF0, s21;
	s19 =	sadd.s32 $0x20, s19;
	v12 =	vadd.s32 v13, v11;
	v11 =	vld [tilespmem:s23+$0x10F80]  }
0xb8: {  	s22 =	smov.u32 s18;
	s18 =	smov.u32 s20  }
.LBB2_12:
0xb9: {  	v13 =	vld [tilespmem:s19+$0xFFFFFFF0]  }
0xba: {  	s20 =	sand.u32 $0xE0, s24;
	v30 =	vld [tilespmem:s19+$0x0]  }
0xbb: {  	v14 =	vld [tilespmem:s20+$0x10180]  }
0xbc: {  	v15 =	vld [tilespmem:s20+$0x10280]  }
0xbd: {  	v16 =	vld [tilespmem:s20+$0x10380]  }
0xbe: {  	v17 =	vld [tilespmem:s20+$0x10480]  }
0xbf: {  	v18 =	vld [tilespmem:s20+$0x10580]  }
0xc0: {  	v19 =	vld [tilespmem:s20+$0x10680]  }
0xc1: {  	v20 =	vld [tilespmem:s20+$0x10780]  }
0xc2: {  	v21 =	vld [tilespmem:s20+$0x10880]  }
0xc3: {  	v22 =	vld [tilespmem:s20+$0x10980]  }
0xc4: {  	v23 =	vld [tilespmem:s20+$0x10A80]  }
0xc5: {  	v24 =	vld [tilespmem:s20+$0x10B80]  }
0xc6: {  	v25 =	vld [tilespmem:s20+$0x10C80]  }
0xc7: {  	v26 =	vld [tilespmem:s20+$0x10D80]  }
0xc8: {  	v27 =	vld [tilespmem:s20+$0x10E80]  }
0xc9: {  	s21 =	sand.u32 $0xF0, s21;
	v28 =	vld [tilespmem:s20+$0x10F80]  }
0xca: {  	v29 =	vld [tilespmem:s21+$0x10180]  }
0xcb: {  	v31 =	vld [tilespmem:s21+$0x10280]  }
0xcc: {  	v32 =	vld [tilespmem:s21+$0x10380]  }
0xcd: {  	v33 =	vld [tilespmem:s21+$0x10480]  }
0xce: {  	v13 =	vadd.s32 v13, v14;
	v14 =	vld [tilespmem:s21+$0x10580]  }
0xcf: {  	v57 =	vld [tilespmem:s21+$0x10680];
	v13 =	vadd.s32 v15, v13;
	v15 =	vadd.s32 v30, v29  }
0xd0: {  	v58 =	vld [tilespmem:s21+$0x10780];
	v13 =	vadd.s32 v16, v13;
	v15 =	vadd.s32 v31, v15  }
0xd1: {  	v59 =	vld [tilespmem:s21+$0x10880];
	v13 =	vadd.s32 v17, v13;
	v15 =	vadd.s32 v32, v15  }
0xd2: {  	v60 =	vld [tilespmem:s21+$0x10980];
	v13 =	vadd.s32 v18, v13;
	v15 =	vadd.s32 v33, v15  }
0xd3: {  	v13 =	vadd.s32 v19, v13;
	v14 =	vadd.s32 v14, v15;
	v15 =	vld [tilespmem:s21+$0x10A80]  }
0xd4: {  	v61 =	vld [tilespmem:s21+$0x10B80];
	v13 =	vadd.s32 v20, v13;
	v14 =	vadd.s32 v57, v14  }
0xd5: {  	v62 =	vld [tilespmem:s21+$0x10C80];
	v13 =	vadd.s32 v21, v13;
	v14 =	vadd.s32 v58, v14  }
0xd6: {  	v63 =	vld [tilespmem:s21+$0x10D80];
	v13 =	vadd.s32 v22, v13;
	v14 =	vadd.s32 v59, v14  }
0xd7: {  	v7 =	vadd.s32 @p1 v7, v12;
	v12 =	vadd.s32 v23, v13;
	v13 =	vadd.s32 v60, v14;
	v14 =	vld [tilespmem:s21+$0x10E80]  }
0xd8: {  	v7 =	vadd.s32 @p1 v9, v7;
	v9 =	vadd.s32 v24, v12;
	v12 =	vadd.s32 v15, v13;
	v13 =	vld [tilespmem:s21+$0x10F80]  }
0xd9: {  	v7 =	vadd.s32 @p1 v8, v7;
	v8 =	vadd.s32 v25, v9;
	v9 =	vadd.s32 v61, v12  }
0xda: {  	v7 =	vadd.s32 @p1 v10, v7;
	v8 =	vadd.s32 v26, v8;
	v9 =	vadd.s32 v62, v9  }
0xdb: {  	v7 =	vadd.s32 @p1 v11, v7;
	v8 =	vadd.s32 v27, v8;
	v9 =	vadd.s32 v63, v9  }
0xdc: {  	(xrf0) =	vadd.scan.msk.s32 @p1 $0xffff, v7;
	v7 =	vadd.s32 v28, v8;
	v8 =	vadd.s32 v14, v9  }
0xdd: {  	s19 =	sadd.s32 @p1 $0x1, s22;
	(xrf0) =	vadd.scan.msk.s32 $0xffff, v7;
	v7 =	vadd.s32 v13, v8  }
0xde: {  	v8 =	vadd.s32 @p1 s19, v4;
	(xrf0) =	vadd.scan.msk.s32 $0xffff, v7  }
0xdf: {  	s26 =	sadd.s32 $0x1, s18;
	v7 =	vadd.s32 s18, v4  }
0xe0: {  	v9 =	vadd.s32 s26, v4;
	_ =	sdelay $0x1  }
0xe1: {  	v10, _, _ =	vpop @p1 (xrf0)  }
0xe2: {  	[tilespmem:v8+s13+$0x0] =	vst.idx.msk @p1 $0xffff, v10;
	v11, _, _ =	vpop (xrf0)  }
0xe3: {  	[tilespmem:v7+s13+$0x0] =	vst.idx.msk $0xffff, v11;
	v7, _, _ =	vpop (xrf0)  }
0xe4: {  	[tilespmem:v9+s13+$0x0] =	vst.idx.msk $0xffff, v7  }
0xe5: {  	v7 =	vld.idx.msk [tilespmem:v5+s13+$0x0], $0xffff;
	_ =	sdelay $0x1  }
0xe6: {  	s29 =	simm.s32 $0x0  }
0xe7: {  	s28 =	simm.s32 $0x11;
	v10 =	vadd.s32 s29, v0  }
0xe8: {  	v9 =	vadd.s32 s28, v0  }
0xe9: {  	(xrf0) =	vadd.scan.msk.s32 $0xffff, v7;
	_ =	sdelay $0x2  }
0xea: {  	v13 =	vld.idx.msk [tilespmem:v10+s13+$0x0], $0xffff  }
0xeb: {  	s30 =	simm.s32 $0x33;
	v9 =	vld.idx.msk [tilespmem:v9+s13+$0x0], $0xffff  }
0xec: {  	s31 =	simm.s32 $0x22;
	v11 =	vadd.s32 s30, v0  }
0xed: {  	v12 =	vadd.s32 s31, v0;
	v14 =	vimm.s32 $0x7FFFFFFF;
	v8, _, _ =	vpop (xrf0)  }
0xee: {  	s19 =	simm.s32 $0x55;
	s18 =	simm.s32 $0x2;
	v10 =	vimm.s32 $0x0;
	v7 =	vsub.s32 v8, v7;
	v8 =	vimm.s32 $0x0  }
.LBB2_13:
0xef: {  	s20 =	sadd.s32 $0xFFFFFFEF, s19;
	v15 =	vadd.s32 s19, v0  }
0xf0: {  	v17 =	vadd.s32 v7, v13;
	v18 =	vadd.s32 v7, v9;
	s18 =	sadd.s32 $0x2, s18;
	v16 =	vadd.s32 s20, v0  }
0xf1: {  	vm0 =	vlt.s32 v17, $0x7C1;
	vm1 =	vlt.s32 v14, v17;
	vm2 =	vlt.s32 v18, $0x7C1;
	p1 =	slt.u32 s18, $0xE;
	v9 =	vld.idx.msk [tilespmem:v11+s13+$0x0], $0xffff;
	v11 =	vmovc v15  }
.Ltmp9:
0xf2: {  	v15 =	vnsel vm0, $0x0, v17;
	v17 =	vsel vm1, v14, v17;
	v19 =	vmpcnt.ones.xlane vm2;
	v13 =	vld.idx.msk [tilespmem:v12+s13+$0x0], $0xffff;
	v12 =	vmovc v16;
	(pc) =	sbr.rel @p1 .LBB2_13-.Ltmp9, $4  }
0xf3: {  	v16 =	vmpcnt.ones.xlane vm0;
	vm1 =	vgt.s32 v8, v15;
	v14 =	vsel vm0, v14, v17  }
0xf4: {  	v8 =	vsel vm1, v8, v15;
	v15 =	vnsel vm2, $0x0, v18;
	vm0 =	vlt.s32 v14, v18  }
0xf5: {  	v10 =	vadd.s32 v10, v16;
	vm1 =	vgt.s32 v8, v15;
	v16 =	vsel vm0, v14, v18  }
0xf6: {  	s19 =	sadd.s32 $0x22, s19;
	v10 =	vadd.s32 v19, v10;
	v8 =	vsel vm1, v8, v15;
	v14 =	vsel vm2, v14, v16  }
0xf7: {  	_ =	sdelay $0x3  }
0xf8: {  	v12 =	vld.idx.msk [tilespmem:v12+s13+$0x0], $0xffff  }
0xf9: {  	v13 =	vadd.s32 v7, v13  }
0xfa: {  	v9 =	vadd.s32 v7, v9;
	v11 =	vld.idx.msk [tilespmem:v11+s13+$0x0], $0xffff;
	vm0 =	vlt.s32 v13, $0x7C1  }
0xfb: {  	vm1 =	vlt.s32 v9, $0x7C1;
	v13 =	vnsel vm0, $0x0, v13;
	v14 =	vmpcnt.ones.xlane vm0  }
0xfc: {  	s18 =	simm.s32 $0x100C0;
	v15 =	vmpcnt.ones.xlane vm1;
	v9 =	vnsel vm1, $0x0, v9;
	vm12 =	vgt.s32 v8, v13  }
0xfd: {  	[tilespmem:s18+$0xFFFFFFC0] =	vst v1;
	v8 =	vsel vm12, v8, v13;
	v10 =	vadd.s32 v10, v14;
	v12 =	vadd.s32 v7, v12  }
0xfe: {  	[tilespmem:s18+$0x30] =	vst v1;
	vm0 =	vgt.s32 v8, v9;
	v10 =	vadd.s32 v15, v10;
	vm13 =	vlt.s32 v12, $0x7C1  }
0xff: {  	[tilespmem:s18+$0x20] =	vst v1;
	v7 =	vadd.s32 v7, v11;
	v8 =	vsel vm0, v8, v9;
	v9 =	vnsel vm13, $0x0, v12  }
0x100: {  	[tilespmem:s18+$0x10] =	vst v1;
	vm14 =	vlt.s32 v7, $0x7C1;
	v11 =	vmpcnt.ones.xlane vm13;
	vm15 =	vgt.s32 v8, v9  }
0x101: {  	[tilespmem:s18+$0x0] =	vst v1;
	v63 =	vmpcnt.ones.xlane vm14;
	v7 =	vnsel vm14, $0x0, v7;
	v9 =	vsel vm15, v8, v9  }
0x102: {  	[tilespmem:s18+$0xFFFFFFF0] =	vst v1;
	v8 =	vadd.s32 v10, v11;
	vm0 =	vgt.s32 v9, v7  }
0x103: {  	s19 =	simm.s32 $0x0;
	[tilespmem:s18+$0xFFFFFFE0] =	vst v1;
	v8 =	vadd.s32 v63, v8;
	v7 =	vsel vm0, v9, v7  }
.LBB2_15:
0x104: {  	s19 =	sadd.s32 $0x8, s19;
	[tilespmem:s18+$0xFFFFFFD0] =	vst v1;
	s18 =	sadd.s32 $0x80, s18  }
0x105: {  	[tilespmem:s18+$0xFFFFFFC0] =	vst v1;
	p1 =	slt.u32 s19, $0xF8  }
0x106: {  	[tilespmem:s18+$0x30] =	vst v1  }
.Ltmp10:
0x107: {  	[tilespmem:s18+$0x20] =	vst v1;
	(pc) =	sbr.rel @p1 .LBB2_15-.Ltmp10, $4  }
0x108: {  	[tilespmem:s18+$0x10] =	vst v1  }
0x109: {  	[tilespmem:s18+$0x0] =	vst v1  }
0x10a: {  	[tilespmem:s18+$0xFFFFFFF0] =	vst v1  }
0x10b: {  	[tilespmem:s18+$0xFFFFFFE0] =	vst v1  }
0x10c: {  	v8 =	vxor.u32 $0x80000000, v8  }
0x10d: {  	(xrf0) =	vmax.scan.msk.u32 $0xffff, v8;
	_ =	sdelay $0x5  }
0x10e: {  	v8, _, _ =	vpop (xrf0)  }
0x10f: {  	(v2sf) =	vpush v8, $0xF;
	_ =	sdelay $0x5  }
0x110: {  	[tilespmem:s18+$0xFFFFFFD0] =	vst v1;
	s19 =	simm.s32 $0x200  }
0x111: {  	v9 =	vld [tilespmem:s19+$0x100]  }
0x112: {  	v10 =	vld [tilespmem:s19+$0xFFFFFF00]  }
0x113: {  	v11 =	vld [tilespmem:s19+$0x0]  }
0x114: {  	v12 =	vld [tilespmem:s19+$0xFFFFFE00];
	_ =	sdelay $0x2  }
0x115: {  	v9 =	vadd.f32 $0.0e+00, v9  }
0x116: {  	v10 =	vadd.f32 $0.0e+00, v10;
	v11 =	vadd.f32 $0.0e+00, v11  }
0x117: {  	v12 =	vadd.f32 $0.0e+00, v12;
	v13 =	vshra.s32 v9, $0x1F;
	s30 =	spop (v2sf)  }
0x118: {  	v14 =	vshra.s32 v10, $0x1F;
	v15 =	vshra.s32 v11, $0x1F;
	v13 =	vand.u32 $0x7FFFFFFF, v13;
	s18 =	sshll.u32 s30, $0x18  }
0x119: {  	v14 =	vand.u32 $0x7FFFFFFF, v14;
	v9 =	vxor.u32 v9, v13;
	v13 =	vshra.s32 v12, $0x1F;
	s18 =	sshra.s32 s18, $0x18  }
0x11a: {  	s31 =	simm.s32 $0x600;
	v10 =	vxor.u32 v10, v14;
	v16 =	vshra.s32 v9, $0x18;
	v9 =	vshrl.u32 v9, $0x10;
	s18 =	sxor.u32 $0xFFFFFF80, s18  }
0x11b: {  	v19 =	vld [tilespmem:s31+$0xFFFFFE00];
	v13 =	vand.u32 $0x7FFFFFFF, v13;
	v14 =	vshrl.u32 v10, $0x10;
	v8 =	vmov s18  }
0x11c: {  	v10 =	vshra.s32 v10, $0x18;
	v9 =	vand.u32 $0xFF, v9;
	vm1 =	veq.s32 v16, v8;
	v16 =	vld [tilespmem:s31+$0x100]  }
0x11d: {  	v12 =	vxor.u32 v12, v13;
	v13 =	vand.u32 $0x7FFFFFFF, v15;
	v15 =	vor.u32 v6, v9;
	v9 =	vld [tilespmem:s31+$0xFFFFFF00]  }
0x11e: {  	v14 =	vand.u32 $0xFF, v14;
	v17 =	vshrl.u32 v12, $0x10;
	v11 =	vxor.u32 v11, v13;
	v13 =	vld [tilespmem:s31+$0x0]  }
0x11f: {  	v12 =	vshra.s32 v12, $0x18;
	v18 =	vshrl.u32 v11, $0x10;
	v17 =	vand.u32 $0xFF, v17  }
0x120: {  	v11 =	vshra.s32 v11, $0x18;
	v17 =	vor.u32 v6, v17;
	vm2 =	veq.s32 v12, v8  }
0x121: {  	v12 =	vand.u32 $0xFF, v18;
	vm3 =	veq.s32 v10, v8;
	v16 =	vadd.f32 $0.0e+00, v16  }
0x122: {  	v10 =	vadd.f32 $0.0e+00, v9;
	v18 =	vor.u32 v6, v14;
	vm0 =	veq.s32 v11, v8  }
0x123: {  	v11 =	vadd.f32 $0.0e+00, v13;
	v13 =	vadd.f32 $0.0e+00, v19;
	v14 =	vshra.s32 v16, $0x1F  }
0x124: {  	v9 =	vor.u32 v6, v12;
	v12 =	vshra.s32 v10, $0x1F;
	v19 =	vand.u32 $0x7FFFFFFF, v14  }
0x125: {  	v12 =	vand.u32 $0x7FFFFFFF, v12;
	[tilespmem:v15+s12+$0x0] =	vst.idx.add.s32.msk vm1, v3;
	v14 =	vshra.s32 v11, $0x1F;
	v15 =	vxor.u32 v16, v19  }
0x126: {  	[tilespmem:v17+s12+$0x0] =	vst.idx.add.s32.msk vm2, v3;
	v16 =	vshra.s32 v13, $0x1F;
	v19 =	vshra.s32 v15, $0x18;
	v20 =	vshrl.u32 v15, $0x10  }
0x127: {  	s20 =	simm.s32 $0xA00;
	s19 =	simm.s32 $0x4;
	[tilespmem:v18+s12+$0x0] =	vst.idx.add.s32.msk vm3, v3;
	v15 =	vand.u32 $0x7FFFFFFF, v16;
	vm1 =	veq.s32 v19, v8;
	v16 =	vand.u32 $0xFF, v20  }
.LBB2_17:
0x128: {  	v17 =	vld [tilespmem:s20+$0x100];
	s19 =	sadd.s32 $0x4, s19;
	v13 =	vxor.u32 v13, v15;
	v14 =	vand.u32 $0x7FFFFFFF, v14;
	v15 =	vor.u32 v6, v16  }
0x129: {  	v10 =	vxor.u32 v10, v12;
	v16 =	vld [tilespmem:s20+$0xFFFFFF00];
	p1 =	slt.u32 s19, $0x7C;
	v18 =	vshrl.u32 v13, $0x10;
	v11 =	vxor.u32 v11, v14  }
0x12a: {  	v13 =	vshra.s32 v13, $0x18;
	v14 =	vshrl.u32 v10, $0x10;
	v12 =	vld [tilespmem:s20+$0x0];
	v19 =	vshrl.u32 v11, $0x10  }
0x12b: {  	v10 =	vshra.s32 v10, $0x18;
	v18 =	vand.u32 $0xFF, v18;
	v14 =	vand.u32 $0xFF, v14;
	v20 =	vld [tilespmem:s20+$0xFFFFFE00]  }
0x12c: {  	vm2 =	veq.s32 v13, v8;
	v11 =	vshra.s32 v11, $0x18;
	v13 =	vand.u32 $0xFF, v19;
	[tilespmem:v9+s12+$0x0] =	vst.idx.add.s32.msk vm0, v3  }
0x12d: {  	vm3 =	veq.s32 v10, v8;
	v18 =	vor.u32 v6, v18;
	v17 =	vadd.f32 $0.0e+00, v17;
	[tilespmem:v15+s12+$0x0] =	vst.idx.add.s32.msk vm1, v3  }
0x12e: {  	v19 =	vor.u32 v6, v14;
	vm0 =	veq.s32 v11, v8;
	v10 =	vadd.f32 $0.0e+00, v16  }
.Ltmp11:
0x12f: {  	v9 =	vor.u32 v6, v13;
	v11 =	vadd.f32 $0.0e+00, v12;
	v12 =	vshra.s32 v17, $0x1F;
	(pc) =	sbr.rel @p1 .LBB2_17-.Ltmp11, $4  }
0x130: {  	v13 =	vadd.f32 $0.0e+00, v20;
	v14 =	vshra.s32 v10, $0x1F;
	v15 =	vand.u32 $0x7FFFFFFF, v12  }
0x131: {  	v12 =	vand.u32 $0x7FFFFFFF, v14;
	v14 =	vshra.s32 v11, $0x1F;
	v15 =	vxor.u32 v17, v15  }
0x132: {  	v16 =	vshra.s32 v13, $0x1F;
	v17 =	vshra.s32 v15, $0x18;
	v20 =	vshrl.u32 v15, $0x10;
	[tilespmem:v18+s12+$0x0] =	vst.idx.add.s32.msk vm2, v3  }
0x133: {  	s20 =	sadd.s32 $0x400, s20;
	v15 =	vand.u32 $0x7FFFFFFF, v16;
	vm1 =	veq.s32 v17, v8;
	v16 =	vand.u32 $0xFF, v20;
	[tilespmem:v19+s12+$0x0] =	vst.idx.add.s32.msk vm3, v3  }
0x134: {  	v13 =	vxor.u32 v13, v15  }
0x135: {  	v14 =	vand.u32 $0x7FFFFFFF, v14;
	v58 =	vor.u32 v6, v16;
	v10 =	vxor.u32 v10, v12  }
0x136: {  	v59 =	vshrl.u32 v13, $0x10;
	v11 =	vxor.u32 v11, v14;
	v60 =	vshra.s32 v13, $0x18  }
0x137: {  	v61 =	vshrl.u32 v10, $0x10;
	v10 =	vshra.s32 v10, $0x18;
	v14 =	vshrl.u32 v11, $0x10  }
0x138: {  	v16 =	vand.u32 $0xFF, v59;
	v13 =	vand.u32 $0xFF, v61;
	vm2 =	veq.s32 v60, v8  }
0x139: {  	v11 =	vshra.s32 v11, $0x18;
	vm3 =	veq.s32 v10, v8;
	v62 =	vor.u32 v6, v16  }
0x13a: {  	v63 =	vand.u32 $0xFF, v14;
	v13 =	vor.u32 v6, v13;
	vm4 =	veq.s32 v11, v8  }
0x13b: {  	p2 =	por $0x1, $0x1;
	v8 =	vor.u32 v6, v63  }
.Ltmp12:
0x13c: {  	[tilespmem:v9+s12+$0x0] =	vst.idx.add.s32.msk vm0, v3;
	(pc) =	sbr.rel @!p2 .LBB2_19-.Ltmp12, $4  }
0x13d: {  	[tilespmem:v58+s12+$0x0] =	vst.idx.add.s32.msk vm1, v3  }
0x13e: {  	[tilespmem:v62+s12+$0x0] =	vst.idx.add.s32.msk vm2, v3  }
0x13f: {  	s19 =	simm.s32 $0x0;
	s22 =	simm.s32 $0x10;
	s20 =	simm.s32 $0x10090;
	[tilespmem:v13+s12+$0x0] =	vst.idx.add.s32.msk vm3, v3  }
0x140: {  	s25 =	simm.s32 $0x0;
	s21 =	simm.s32 $0x2;
	p1 =	por $0x0, $0x0;
	[tilespmem:v8+s12+$0x0] =	vst.idx.add.s32.msk vm4, v3  }
0x141: {  	v8 =	vld [tilespmem:s20+$0xFFFFFFF0];
	s23 =	sand.u32 $0xE0, s25  }
0x142: {  	v9 =	vld [tilespmem:s23+$0x10180]  }
0x143: {  	v10 =	vld [tilespmem:s23+$0x10280]  }
0x144: {  	v11 =	vld [tilespmem:s23+$0x10380]  }
0x145: {  	v12 =	vld [tilespmem:s23+$0x10480]  }
0x146: {  	v13 =	vld [tilespmem:s23+$0x10580]  }
0x147: {  	v14 =	vld [tilespmem:s23+$0x10680]  }
0x148: {  	v15 =	vld [tilespmem:s23+$0x10780]  }
0x149: {  	s24 =	sand.u32 $0xF0, s22;
	v16 =	vld [tilespmem:s23+$0x10880]  }
0x14a: {  	v63 =	vld [tilespmem:s24+$0x10180];
	v8 =	vadd.s32 v8, v9  }
0x14b: {  	v9 =	vld [tilespmem:s23+$0x10980];
	v8 =	vadd.s32 v10, v8  }
0x14c: {  	v10 =	vld [tilespmem:s23+$0x10A80];
	v8 =	vadd.s32 v11, v8  }
0x14d: {  	v11 =	vld [tilespmem:s23+$0x10B80];
	v8 =	vadd.s32 v12, v8  }
0x14e: {  	v12 =	vld [tilespmem:s23+$0x10C80];
	v8 =	vadd.s32 v13, v8  }
0x14f: {  	v13 =	vld [tilespmem:s23+$0x10D80];
	v8 =	vadd.s32 v14, v8  }
0x150: {  	v14 =	vld [tilespmem:s23+$0x10E80];
	v8 =	vadd.s32 v15, v8  }
0x151: {  	v15 =	vld [tilespmem:s23+$0x10F80];
	v8 =	vadd.s32 v16, v8  }
0x152: {  	v8 =	vadd.s32 v9, v8;
	v9 =	vld [tilespmem:s20+$0x0]  }
0x153: {  	v8 =	vadd.s32 v10, v8;
	v10 =	vld [tilespmem:s24+$0x10280]  }
0x154: {  	v8 =	vadd.s32 v11, v8;
	v11 =	vld [tilespmem:s24+$0x10380]  }
0x155: {  	v8 =	vadd.s32 v12, v8;
	v12 =	vld [tilespmem:s24+$0x10480]  }
0x156: {  	v8 =	vadd.s32 v13, v8;
	v13 =	vld [tilespmem:s24+$0x10580]  }
0x157: {  	v8 =	vadd.s32 v14, v8;
	v9 =	vadd.s32 v9, v63;
	v14 =	vld [tilespmem:s24+$0x10680]  }
0x158: {  	v8 =	vadd.s32 v15, v8;
	v9 =	vadd.s32 v10, v9;
	v10 =	vld [tilespmem:s24+$0x10780]  }
0x159: {  	(xrf0) =	vadd.scan.msk.s32 $0xffff, v8;
	v8 =	vadd.s32 v11, v9;
	v9 =	vld [tilespmem:s24+$0x10880]  }
0x15a: {  	v11 =	vld [tilespmem:s24+$0x10980];
	v8 =	vadd.s32 v12, v8  }
0x15b: {  	p2 =	por $0x1, $0x1;
	v12 =	vadd.s32 s19, v4;
	v8 =	vadd.s32 v13, v8;
	v13 =	vld [tilespmem:s24+$0x10A80]  }
.Ltmp13:
0x15c: {  	v14 =	vadd.s32 v14, v8;
	v8 =	vld [tilespmem:s24+$0x10B80];
	(pc) =	sbr.rel @!p2 .LBB2_21-.Ltmp13, $4  }
0x15d: {  	v14 =	vadd.s32 v10, v14;
	v10 =	vld [tilespmem:s24+$0x10C80]  }
0x15e: {  	v14 =	vadd.s32 v9, v14;
	v9 =	vld [tilespmem:s24+$0x10D80]  }
0x15f: {  	s22 =	simm.s32 $0x30;
	s25 =	simm.s32 $0x20;
	v15, _, _ =	vpop (xrf0);
	v14 =	vadd.s32 v11, v14;
	v11 =	vld [tilespmem:s24+$0x10E80]  }
0x160: {  	p1 =	por $0x1, $0x1;
	s23 =	simm.s32 $0x4;
	s20 =	simm.s32 $0x100B0;
	[tilespmem:v12+s13+$0x0] =	vst.idx.msk $0xffff, v15;
	v13 =	vadd.s32 v13, v14;
	v12 =	vld [tilespmem:s24+$0x10F80]  }
.LBB2_22:
0x161: {  	p2 =	slt.u32 s23, $0xE;
	v14 =	vld [tilespmem:s20+$0xFFFFFFF0];
	s25 =	sand.u32 $0xE0, s25;
	s24 =	sand.u32 $0xF0, s22;
	v8 =	vadd.s32 v8, v13  }
0x162: {  	v13 =	vld [tilespmem:s25+$0x10180];
	v8 =	vadd.s32 v10, v8  }
0x163: {  	v10 =	vld [tilespmem:s25+$0x10280];
	v8 =	vadd.s32 v9, v8  }
0x164: {  	v9 =	vld [tilespmem:s25+$0x10380];
	v8 =	vadd.s32 v11, v8  }
0x165: {  	v11 =	vld [tilespmem:s25+$0x10480];
	v8 =	vadd.s32 v12, v8  }
0x166: {  	v12 =	vld [tilespmem:s25+$0x10580];
	(xrf0) =	vadd.scan.msk.s32 $0xffff, v8  }
0x167: {  	s26 =	sadd.s32 $0x1, s19;
	s19 =	smov.u32 s21;
	s21 =	smov.u32 s23;
	v8 =	vadd.s32 v14, v13;
	v13 =	vld [tilespmem:s25+$0x10680]  }
0x168: {  	v14 =	vadd.s32 s26, v4;
	v8 =	vadd.s32 v10, v8;
	v10 =	vld [tilespmem:s25+$0x10780]  }
0x169: {  	v8 =	vadd.s32 v9, v8;
	v9 =	vld [tilespmem:s25+$0x10880]  }
0x16a: {  	v8 =	vadd.s32 v11, v8;
	v11 =	vld [tilespmem:s25+$0x10980]  }
0x16b: {  	v8 =	vadd.s32 v12, v8;
	v12 =	vld [tilespmem:s25+$0x10A80]  }
0x16c: {  	v8 =	vadd.s32 v13, v8;
	v13 =	vld [tilespmem:s25+$0x10B80];
	v15, _, _ =	vpop (xrf0)  }
0x16d: {  	v8 =	vadd.s32 v10, v8;
	v10 =	vld [tilespmem:s25+$0x10C80];
	[tilespmem:v14+s13+$0x0] =	vst.idx.msk $0xffff, v15  }
0x16e: {  	v8 =	vadd.s32 v9, v8;
	v9 =	vld [tilespmem:s25+$0x10D80]  }
0x16f: {  	v8 =	vadd.s32 v11, v8;
	v11 =	vld [tilespmem:s25+$0x10E80]  }
0x170: {  	v8 =	vadd.s32 v12, v8;
	v12 =	vld [tilespmem:s25+$0x10F80]  }
0x171: {  	v8 =	vadd.s32 v13, v8;
	v13 =	vld [tilespmem:s24+$0x10180]  }
0x172: {  	v8 =	vadd.s32 v10, v8;
	v10 =	vld [tilespmem:s20+$0x0]  }
0x173: {  	v8 =	vadd.s32 v9, v8;
	v9 =	vld [tilespmem:s24+$0x10280]  }
0x174: {  	v8 =	vadd.s32 v11, v8;
	v11 =	vld [tilespmem:s24+$0x10380]  }
0x175: {  	v8 =	vadd.s32 v12, v8;
	v12 =	vld [tilespmem:s24+$0x10480]  }
0x176: {  	v14 =	vld [tilespmem:s24+$0x10580];
	(xrf0) =	vadd.scan.msk.s32 $0xffff, v8  }
0x177: {  	v8 =	vadd.s32 v10, v13;
	v10 =	vld [tilespmem:s24+$0x10680]  }
0x178: {  	v13 =	vadd.s32 s19, v4;
	v8 =	vadd.s32 v9, v8;
	v9 =	vld [tilespmem:s24+$0x10780]  }
0x179: {  	v8 =	vadd.s32 v11, v8;
	v11 =	vld [tilespmem:s24+$0x10880]  }
0x17a: {  	v8 =	vadd.s32 v12, v8;
	v12 =	vld [tilespmem:s24+$0x10980]  }
0x17b: {  	v8 =	vadd.s32 v14, v8;
	v14 =	vld [tilespmem:s24+$0x10A80]  }
.Ltmp14:
0x17c: {  	v10 =	vadd.s32 v10, v8;
	v8 =	vld [tilespmem:s24+$0x10B80];
	v15, _, _ =	vpop (xrf0);
	(pc) =	sbr.rel @p2 .LBB2_22-.Ltmp14, $4  }
0x17d: {  	[tilespmem:v13+s13+$0x0] =	vst.idx.msk $0xffff, v15;
	v9 =	vadd.s32 v9, v10;
	v10 =	vld [tilespmem:s24+$0x10C80]  }
0x17e: {  	v11 =	vadd.s32 v11, v9;
	v9 =	vld [tilespmem:s24+$0x10D80]  }
0x17f: {  	s22 =	sadd.s32 $0x20, s22;
	v12 =	vadd.s32 v12, v11;
	v11 =	vld [tilespmem:s24+$0x10E80]  }
0x180: {  	s23 =	sadd.s32 $0x2, s23;
	s25 =	sadd.s32 $0xFFFFFFF0, s22;
	s20 =	sadd.s32 $0x20, s20;
	v13 =	vadd.s32 v14, v12;
	v12 =	vld [tilespmem:s24+$0x10F80]  }
0x181: {  	s23 =	smov.u32 s19;
	s19 =	smov.u32 s21  }
.LBB2_24:
0x182: {  	v14 =	vld [tilespmem:s20+$0xFFFFFFF0]  }
0x183: {  	s21 =	sand.u32 $0xE0, s25;
	v31 =	vld [tilespmem:s20+$0x0]  }
0x184: {  	v15 =	vld [tilespmem:s21+$0x10180]  }
0x185: {  	v16 =	vld [tilespmem:s21+$0x10280]  }
0x186: {  	v17 =	vld [tilespmem:s21+$0x10380]  }
0x187: {  	v18 =	vld [tilespmem:s21+$0x10480]  }
0x188: {  	v19 =	vld [tilespmem:s21+$0x10580]  }
0x189: {  	v20 =	vld [tilespmem:s21+$0x10680]  }
0x18a: {  	v21 =	vld [tilespmem:s21+$0x10780]  }
0x18b: {  	v22 =	vld [tilespmem:s21+$0x10880]  }
0x18c: {  	v23 =	vld [tilespmem:s21+$0x10980]  }
0x18d: {  	v24 =	vld [tilespmem:s21+$0x10A80]  }
0x18e: {  	v25 =	vld [tilespmem:s21+$0x10B80]  }
0x18f: {  	v26 =	vld [tilespmem:s21+$0x10C80]  }
0x190: {  	v27 =	vld [tilespmem:s21+$0x10D80]  }
0x191: {  	v28 =	vld [tilespmem:s21+$0x10E80]  }
0x192: {  	s22 =	sand.u32 $0xF0, s22;
	v29 =	vld [tilespmem:s21+$0x10F80]  }
0x193: {  	v30 =	vld [tilespmem:s22+$0x10180]  }
0x194: {  	v32 =	vld [tilespmem:s22+$0x10280]  }
0x195: {  	v33 =	vld [tilespmem:s22+$0x10380]  }
0x196: {  	v34 =	vld [tilespmem:s22+$0x10480]  }
0x197: {  	v14 =	vadd.s32 v14, v15;
	v15 =	vld [tilespmem:s22+$0x10580]  }
0x198: {  	v56 =	vld [tilespmem:s22+$0x10680];
	v55 =	vadd.s32 v31, v30;
	v14 =	vadd.s32 v16, v14  }
0x199: {  	v57 =	vld [tilespmem:s22+$0x10780];
	v16 =	vadd.s32 v32, v55;
	v14 =	vadd.s32 v17, v14  }
0x19a: {  	v58 =	vld [tilespmem:s22+$0x10880];
	v16 =	vadd.s32 v33, v16;
	v14 =	vadd.s32 v18, v14  }
0x19b: {  	v59 =	vld [tilespmem:s22+$0x10980];
	v16 =	vadd.s32 v34, v16;
	v14 =	vadd.s32 v19, v14  }
0x19c: {  	v60 =	vld [tilespmem:s22+$0x10A80];
	v14 =	vadd.s32 v20, v14;
	v15 =	vadd.s32 v15, v16  }
0x19d: {  	v61 =	vld [tilespmem:s22+$0x10B80];
	v14 =	vadd.s32 v21, v14;
	v15 =	vadd.s32 v56, v15  }
0x19e: {  	v62 =	vld [tilespmem:s22+$0x10C80];
	v14 =	vadd.s32 v22, v14;
	v15 =	vadd.s32 v57, v15  }
0x19f: {  	v63 =	vld [tilespmem:s22+$0x10D80];
	v14 =	vadd.s32 v23, v14;
	v15 =	vadd.s32 v58, v15  }
0x1a0: {  	v8 =	vadd.s32 @p1 v8, v13;
	v13 =	vadd.s32 v24, v14;
	v14 =	vadd.s32 v59, v15;
	v15 =	vld [tilespmem:s22+$0x10E80]  }
0x1a1: {  	v8 =	vadd.s32 @p1 v10, v8;
	v10 =	vadd.s32 v25, v13;
	v13 =	vadd.s32 v60, v14;
	v14 =	vld [tilespmem:s22+$0x10F80]  }
0x1a2: {  	v8 =	vadd.s32 @p1 v9, v8;
	v9 =	vadd.s32 v26, v10;
	v10 =	vadd.s32 v61, v13  }
0x1a3: {  	v8 =	vadd.s32 @p1 v11, v8;
	v9 =	vadd.s32 v27, v9;
	v10 =	vadd.s32 v62, v10  }
0x1a4: {  	v8 =	vadd.s32 @p1 v12, v8;
	v9 =	vadd.s32 v28, v9;
	v10 =	vadd.s32 v63, v10  }
0x1a5: {  	(xrf0) =	vadd.scan.msk.s32 @p1 $0xffff, v8;
	v8 =	vadd.s32 v29, v9;
	v9 =	vadd.s32 v15, v10  }
0x1a6: {  	(xrf0) =	vadd.scan.msk.s32 $0xffff, v8;
	v8 =	vadd.s32 v14, v9  }
0x1a7: {  	v7 =	vxor.u32 $0x80000000, v7;
	(xrf0) =	vadd.scan.msk.s32 $0xffff, v8  }
0x1a8: {  	(xrf0) =	vmax.scan.msk.u32 $0xffff, v7;
	_ =	sdelay $0x2  }
0x1a9: {  	s20 =	sadd.s32 @p1 $0x1, s23;
	v7, _, _ =	vpop @p1 (xrf0)  }
0x1aa: {  	v9 =	vadd.s32 @p1 s20, v4;
	v8, _, _ =	vpop (xrf0)  }
0x1ab: {  	s24 =	sadd.s32 $0x1, s19;
	v11 =	vadd.s32 s19, v4;
	v10, _, _ =	vpop (xrf0)  }
0x1ac: {  	v12 =	vadd.s32 s24, v4;
	v13, _, _ =	vpop (xrf0)  }
0x1ad: {  	(v2sf) =	vpush v13, $0xF;
	_ =	sdelay $0x1  }
0x1ae: {  	[tilespmem:v9+s13+$0x0] =	vst.idx.msk @p1 $0xffff, v7  }
0x1af: {  	[tilespmem:v11+s13+$0x0] =	vst.idx.msk $0xffff, v8  }
0x1b0: {  	[tilespmem:v12+s13+$0x0] =	vst.idx.msk $0xffff, v10  }
0x1b1: {  	v7 =	vld.idx.msk [tilespmem:v5+s13+$0x0], $0xffff;
	_ =	sdelay $0x1  }
0x1b2: {  	s25 =	simm.s32 $0x0  }
0x1b3: {  	v8 =	vadd.s32 s25, v0  }
0x1b4: {  	s26 =	simm.s32 $0x11  }
0x1b5: {  	v9 =	vadd.s32 s26, v0;
	(xrf0) =	vadd.scan.msk.s32 $0xffff, v7;
	_ =	sdelay $0x2  }
0x1b6: {  	v10 =	vld.idx.msk [tilespmem:v8+s13+$0x0], $0xffff  }
0x1b7: {  	s29 =	simm.s32 $0x22  }
0x1b8: {  	s30 =	simm.s32 $0x33;
	v11 =	vadd.s32 s29, v0;
	v9 =	vld.idx.msk [tilespmem:v9+s13+$0x0], $0xffff;
	s28 =	spop (v2sf)  }
0x1b9: {  	v12 =	vadd.s32 s30, v0;
	v8, _, _ =	vpop (xrf0);
	s19 =	sxor.u32 $0x7FFFFFFF, s28  }
0x1ba: {  	v8 =	vsub.s32 v8, v7;
	s19 =	sadd.s32 $0x7C1, s19  }
0x1bb: {  	v10 =	vadd.s32 v8, v10;
	v7 =	vmov s19  }
0x1bc: {  	s31 =	simm.s32 $0x44;
	vm0 =	vle.s32 v10, v7  }
0x1bd: {  	s19 =	simm.s32 $0x55;
	v10 =	vadd.s32 v8, v9;
	v9 =	vld.idx.msk [tilespmem:v11+s13+$0x0], $0xffff;
	v11 =	vadd.s32 s31, v0;
	v14 =	vmpcnt.ones.xlane vm0  }
0x1be: {  	v15 =	vimm.s32 $0x0;
	vm15 =	vle.s32 v10, v7;
	v10 =	vld.idx.msk [tilespmem:v12+s13+$0x0], $0xffff;
	v12 =	vadd.s32 s19, v0  }
0x1bf: {  	s20 =	simm.s32 $0x4;
	v13 =	vmpcnt.ones.xlane vm15;
	v14 =	vadd.s32 v15, v14  }
.LBB2_25:
0x1c0: {  	s20 =	sadd.s32 $0x2, s20  }
0x1c1: {  	s19 =	sadd.s32 $0x22, s19;
	v14 =	vadd.s32 v13, v14;
	p1 =	slt.u32 s20, $0xE  }
.Ltmp15:
0x1c2: {  	v13 =	vadd.s32 v8, v9;
	s21 =	sadd.s32 $0xFFFFFFEF, s19;
	v9 =	vld.idx.msk [tilespmem:v11+s13+$0x0], $0xffff;
	(pc) =	sbr.rel @p1 .LBB2_25-.Ltmp15, $4  }
0x1c3: {  	vm0 =	vle.s32 v13, v7;
	v13 =	vadd.s32 v8, v10;
	v11 =	vadd.s32 s21, v0;
	v10 =	vld.idx.msk [tilespmem:v12+s13+$0x0], $0xffff  }
0x1c4: {  	v12 =	vadd.s32 s19, v0;
	v15 =	vmpcnt.ones.xlane vm0;
	vm0 =	vle.s32 v13, v7  }
0x1c5: {  	v13 =	vmpcnt.ones.xlane vm0  }
0x1c6: {  	v14 =	vadd.s32 v14, v15  }
0x1c7: {  	_ =	sdelay $0x3  }
0x1c8: {  	v11 =	vld.idx.msk [tilespmem:v11+s13+$0x0], $0xffff  }
0x1c9: {  	v12 =	vld.idx.msk [tilespmem:v12+s13+$0x0], $0xffff;
	_ =	sdelay $0x1  }
0x1ca: {  	v9 =	vadd.s32 v8, v9  }
0x1cb: {  	v13 =	vadd.s32 v13, v14;
	vm0 =	vle.s32 v9, v7;
	v9 =	vadd.s32 v8, v10  }
0x1cc: {  	v10 =	vmpcnt.ones.xlane vm0;
	vm0 =	vle.s32 v9, v7;
	v9 =	vadd.s32 v8, v11  }
0x1cd: {  	v11 =	vmpcnt.ones.xlane vm0;
	v8 =	vadd.s32 v8, v12;
	vm0 =	vle.s32 v9, v7  }
0x1ce: {  	v9 =	vadd.s32 v13, v10;
	v10 =	vmpcnt.ones.xlane vm0;
	vm0 =	vle.s32 v8, v7  }
0x1cf: {  	v7 =	vadd.s32 v11, v9;
	v8 =	vmpcnt.ones.xlane vm0  }
0x1d0: {  	v7 =	vadd.s32 v7, v10  }
0x1d1: {  	v7 =	vadd.s32 v8, v7  }
0x1d2: {  	v7 =	vxor.u32 $0x80000000, v7  }
0x1d3: {  	(xrf0) =	vmax.scan.msk.u32 $0xffff, v7;
	_ =	sdelay $0x5  }
0x1d4: {  	v7, _, _ =	vpop (xrf0)  }
0x1d5: {  	(v2sf) =	vpush v7, $0xF;
	_ =	sdelay $0xe  }
0x1d6: {  	s19 =	spop (v2sf)  }
0x1d7: {  	s18 =	sshll.u32 s18, $0x18;
	s19 =	sshll.u32 s19, $0x10  }
0x1d8: {  	s19 =	sor.u32 s18, s19;
	s18 =	simm.s32 $0x40  }
0x1d9: {  	v7 =	vld [tilespmem:s18+$0xFFFFFFC0]  }
0x1da: {  	v8 =	vld [tilespmem:s18+$0xFFFFFFD0]  }
0x1db: {  	p1 =	slt.s32 s19, $0x0;
	s20 =	sxor.u32 $0x7FFFFFFF, s19;
	v11 =	vld [tilespmem:s18+$0xFFFFFFE0]  }
0x1dc: {  	v10 =	vld [tilespmem:s18+$0xFFFFFFF0];
	s19 =	smov.u32 @p1 s20  }
0x1dd: {  	v16 =	vld [tilespmem:s18+$0x0];
	v9 =	vmov s19  }
0x1de: {  	v14 =	vbroadcast v9, $0x0  }
0x1df: {  	v15 =	vld [tilespmem:s18+$0x10]  }
0x1e0: {  	v12 =	vimm.s32 $0x0;
	v17 =	vld [tilespmem:s18+$0x20];
	vm0 =	vge.f32 v7, v14;
	vm1 =	vge.f32 v8, v14  }
0x1e1: {  	v13 =	vld [tilespmem:s18+$0x30];
	vm3 =	vge.f32 v11, v14;
	vm5 =	vge.f32 v10, v14;
	v18 =	vmpcnt.ones.xlane vm0  }
0x1e2: {  	vm7 =	vge.f32 v16, v14;
	v9 =	vsel vm0, $0x1, v1;
	v20 =	vmpcnt.ones.xlane vm1  }
0x1e3: {  	v19 =	vsel vm1, $0x1, v1;
	(xrf0) =	vadd.scan.msk.s32 $0xffff, v9;
	v9 =	vmpcnt.ones.xlane vm3;
	v18 =	vadd.s32 v12, v18  }
0x1e4: {  	vm6 =	vge.f32 v15, v14;
	(xrf0) =	vadd.scan.msk.s32 $0xffff, v19;
	v21 =	vadd.s32 v18, v20;
	v20 =	vmpcnt.ones.xlane vm5  }
0x1e5: {  	v23 =	vmpcnt.ones.xlane vm6;
	v19 =	vadd.s32 v21, v9;
	v9 =	vmpcnt.ones.xlane vm7  }
0x1e6: {  	vm2 =	vge.f32 v17, v14;
	vm4 =	vge.f32 v13, v14;
	v20 =	vadd.s32 v19, v20  }
0x1e7: {  	v25 =	vsel vm3, $0x1, v1;
	v22 =	vadd.s32 v20, v9;
	v9 =	vmpcnt.ones.xlane vm2  }
0x1e8: {  	v30 =	vmpcnt.ones.xlane vm4;
	v24 =	vadd.s32 v22, v23  }
0x1e9: {  	v31 =	vsel vm5, $0x1, v1;
	v28 =	vsel vm7, $0x1, v1;
	v23, _, _ =	vpop (xrf0);
	(xrf0) =	vadd.scan.msk.s32 $0xffff, v25;
	v26 =	vadd.s32 v24, v9  }
0x1ea: {  	s19 =	simm.s32 $0x0;
	v29 =	vsel vm6, $0x1, v1;
	v27 =	vsel vm2, $0x1, v1;
	v25, _, _ =	vpop (xrf0);
	(xrf0) =	vadd.scan.msk.s32 $0xffff, v31;
	v9 =	vadd.s32 v26, v30  }
.LBB2_27:
0x1eb: {  	s19 =	sadd.s32 $0x8, s19;
	v30 =	vsel vm0, $0xFFFFFFFF, v1;
	v31 =	vsel vm1, $0xFFFFFFFF, v1;
	v32 =	vsel vm4, $0x1, v1;
	(xrf0) =	vadd.scan.msk.s32 $0xffff, v28;
	v28 =	vmovc v16  }
0x1ec: {  	v16 =	vsel vm3, $0xFFFFFFFF, v1;
	v33 =	vsel vm5, $0xFFFFFFFF, v1;
	v34 =	vsel vm7, $0xFFFFFFFF, v1;
	p1 =	slt.u32 s19, $0x7F8;
	(xrf0) =	vadd.scan.msk.s32 $0xffff, v29;
	v29 =	vmovc v15  }
0x1ed: {  	v35 =	vsel vm2, $0xFFFFFFFF, v1;
	v36 =	vsel vm4, $0xFFFFFFFF, v1;
	v15 =	vsel vm6, $0xFFFFFFFF, v1;
	(xrf0) =	vadd.scan.msk.s32 $0xffff, v27;
	v27 =	vmovc v17  }
0x1ee: {  	v15 =	vadd.s32 v15, v22;
	v17 =	vadd.s32 v35, v24;
	v22 =	vadd.s32 v36, v26;
	(xrf0) =	vadd.scan.msk.s32 $0xffff, v32  }
0x1ef: {  	v19 =	vadd.s32 v33, v19;
	v20 =	vadd.s32 v34, v20;
	v24 =	vadd.s32 v16, v21;
	v21, _, _ =	vpop (xrf0)  }
0x1f0: {  	s18 =	sadd.s32 $0x80, s18;
	v18 =	vadd.s32 v31, v18;
	v26 =	vadd.s32 v30, v12;
	v21 =	vadd.s32 v21, v24;
	v16, _, _ =	vpop (xrf0)  }
0x1f1: {  	v18 =	vadd.s32 v25, v18;
	v23 =	vadd.s32 v23, v26;
	v24 =	vld [tilespmem:s18+$0xFFFFFFC0];
	v25 =	vadd.s32 v16, v19;
	v12, _, _ =	vpop (xrf0)  }
0x1f2: {  	v19 =	vld [tilespmem:s18+$0xFFFFFFD0];
	v26 =	vadd.s32 v12, v20;
	v16, _, _ =	vpop (xrf0);
	v20 =	vmov v13;
	v12 =	vmov v9  }
0x1f3: {  	vm10 =	vmmov vm5;
	vm9 =	vmmov vm7;
	v30 =	vld [tilespmem:s18+$0xFFFFFFE0];
	v31 =	vadd.s32 v16, v15;
	v13, _, _ =	vpop (xrf0)  }
0x1f4: {  	vm8 =	vmmov vm6;
	v32 =	vld [tilespmem:s18+$0xFFFFFFF0];
	v33 =	vadd.s32 v13, v17;
	v13, _, _ =	vpop (xrf0)  }
0x1f5: {  	v16 =	vld [tilespmem:s18+$0x0];
	[tilespmem:v21+s14+$0x0] =	vst.idx.msk vm3, v11;
	v22 =	vadd.s32 v13, v22  }
0x1f6: {  	v15 =	vld [tilespmem:s18+$0x10];
	[tilespmem:v23+s14+$0x0] =	vst.idx.msk vm0, v7;
	vm0 =	vge.f32 v24, v14;
	v7 =	vmov v24  }
0x1f7: {  	v24 =	vsel vm0, $0x1, v1;
	v21 =	vmpcnt.ones.xlane vm0;
	v17 =	vld [tilespmem:s18+$0x20];
	[tilespmem:v18+s14+$0x0] =	vst.idx.msk vm1, v8;
	vm1 =	vge.f32 v19, v14;
	v8 =	vmovc v19  }
0x1f8: {  	v19 =	vsel vm1, $0x1, v1;
	v23 =	vmpcnt.ones.xlane vm1;
	vm3 =	vge.f32 v30, v14;
	v13 =	vld [tilespmem:s18+$0x30];
	(xrf0) =	vadd.scan.msk.s32 $0xffff, v24;
	v11 =	vmovc v30  }
0x1f9: {  	v18 =	vadd.s32 v9, v21;
	v9 =	vmpcnt.ones.xlane vm3;
	vm5 =	vge.f32 v32, v14;
	(xrf0) =	vadd.scan.msk.s32 $0xffff, v19  }
0x1fa: {  	v21 =	vadd.s32 v18, v23;
	v23 =	vmpcnt.ones.xlane vm5;
	vm7 =	vge.f32 v16, v14;
	[tilespmem:v22+s14+$0x0] =	vst.idx.msk vm4, v20  }
0x1fb: {  	v19 =	vadd.s32 v21, v9;
	v9 =	vmpcnt.ones.xlane vm7;
	vm6 =	vge.f32 v15, v14;
	[tilespmem:v33+s14+$0x0] =	vst.idx.msk vm2, v27  }
.Ltmp16:
0x1fc: {  	v20 =	vadd.s32 v19, v23;
	v27 =	vmpcnt.ones.xlane vm6;
	vm2 =	vge.f32 v17, v14;
	[tilespmem:v25+s14+$0x0] =	vst.idx.msk vm10, v10;
	(pc) =	sbr.rel @p1 .LBB2_27-.Ltmp16, $4  }
0x1fd: {  	v22 =	vadd.s32 v20, v9;
	v9 =	vmpcnt.ones.xlane vm2;
	vm4 =	vge.f32 v13, v14;
	[tilespmem:v26+s14+$0x0] =	vst.idx.msk vm9, v28  }
0x1fe: {  	v33 =	vsel vm3, $0x1, v1;
	v24 =	vadd.s32 v22, v27;
	v30 =	vmpcnt.ones.xlane vm4;
	v23, _, _ =	vpop (xrf0);
	[tilespmem:v31+s14+$0x0] =	vst.idx.msk vm8, v29  }
0x1ff: {  	v28 =	vsel vm7, $0x1, v1;
	v31 =	vsel vm5, $0x1, v1;
	v26 =	vadd.s32 v24, v9;
	v25, _, _ =	vpop (xrf0);
	(xrf0) =	vadd.scan.msk.s32 $0xffff, v33  }
0x200: {  	v10 =	vmovc v32;
	v29 =	vsel vm6, $0x1, v1;
	v27 =	vsel vm2, $0x1, v1;
	v9 =	vadd.s32 v26, v30;
	(xrf0) =	vadd.scan.msk.s32 $0xffff, v31  }
0x201: {  	(xrf0) =	vadd.scan.msk.s32 $0xffff, v28  }
0x202: {  	(xrf0) =	vadd.scan.msk.s32 $0xffff, v29  }
0x203: {  	v14 =	vsel vm4, $0x1, v1;
	(xrf0) =	vadd.scan.msk.s32 $0xffff, v27  }
0x204: {  	v54 =	vxor.u32 $0x80000000, v9;
	(xrf0) =	vadd.scan.msk.s32 $0xffff, v14  }
0x205: {  	v55, _, _ =	vpop (xrf0);
	(xrf0) =	vmax.scan.msk.u32 $0xffff, v54  }
0x206: {  	v56, _, _ =	vpop (xrf0)  }
0x207: {  	v28, _, _ =	vpop (xrf0)  }
0x208: {  	v29, _, _ =	vpop (xrf0)  }
0x209: {  	v30, _, _ =	vpop (xrf0)  }
0x20a: {  	v31, _, _ =	vpop (xrf0)  }
0x20b: {  	v32, _, _ =	vpop (xrf0)  }
0x20c: {  	(v2sf) =	vpush v32, $0xF;
	_ =	sdelay $0x6  }
0x20d: {  	v57 =	vsel vm0, $0xFFFFFFFF, v1;
	v33 =	vsel vm3, $0xFFFFFFFF, v1  }
0x20e: {  	v34 =	vsel vm1, $0xFFFFFFFF, v1;
	v35 =	vsel vm5, $0xFFFFFFFF, v1;
	v12 =	vadd.s32 v57, v12  }
0x20f: {  	v58 =	vsel vm7, $0xFFFFFFFF, v1;
	v21 =	vadd.s32 v33, v21;
	v12 =	vadd.s32 v23, v12  }
0x210: {  	v60 =	vsel vm2, $0xFFFFFFFF, v1;
	v18 =	vadd.s32 v34, v18;
	v21 =	vadd.s32 v55, v21  }
0x211: {  	vm13 =	vmmov vm5;
	v19 =	vadd.s32 v35, v19;
	v18 =	vadd.s32 v25, v18  }
0x212: {  	vm14 =	vmmov vm7;
	v20 =	vadd.s32 v58, v20;
	v14 =	vadd.s32 v56, v19  }
0x213: {  	v59 =	vsel vm4, $0xFFFFFFFF, v1;
	v23 =	vadd.s32 v60, v24;
	v63 =	vadd.s32 v28, v20  }
0x214: {  	v61 =	vsel vm6, $0xFFFFFFFF, v1;
	v26 =	vadd.s32 v59, v26;
	[tilespmem:v12+s14+$0x0] =	vst.idx.msk vm0, v7;
	v23 =	vadd.s32 v30, v23  }
0x215: {  	v62 =	vadd.s32 v31, v26;
	[tilespmem:v21+s14+$0x0] =	vst.idx.msk vm3, v11;
	v11 =	vadd.s32 v61, v22;
	s18 =	spop (v2sf)  }
0x216: {  	[tilespmem:v18+s14+$0x0] =	vst.idx.msk vm1, v8;
	v7 =	vadd.s32 v29, v11;
	p1 =	sgt.u32 s18, $0x800001FF  }
.Ltmp17:
0x217: {  	[tilespmem:v14+s14+$0x0] =	vst.idx.msk vm13, v10;
	(pc) =	sbr.rel @p1 .LBB2_32-.Ltmp17, $4  }
0x218: {  	[tilespmem:v63+s14+$0x0] =	vst.idx.msk vm14, v16  }
0x219: {  	[tilespmem:v23+s14+$0x0] =	vst.idx.msk vm2, v17  }
0x21a: {  	[tilespmem:v62+s14+$0x0] =	vst.idx.msk vm4, v13  }
0x21b: {  	vm15 =	vmmov vm6;
	[tilespmem:v7+s14+$0x0] =	vst.idx.msk vm6, v15  }
0x21c: {  	s21 =	simm.s32 $0x40  }
0x21d: {  	v11 =	vld [tilespmem:s21+$0x30]  }
0x21e: {  	v12 =	vld [tilespmem:s21+$0xFFFFFFD0]  }
0x21f: {  	v13 =	vld [tilespmem:s21+$0xFFFFFFE0]  }
0x220: {  	v7 =	vld [tilespmem:s21+$0xFFFFFFF0]  }
0x221: {  	s19 =	simm.s32 $0x8040;
	v8 =	vld [tilespmem:s21+$0x0]  }
0x222: {  	v10 =	vld [tilespmem:s21+$0x10];
	[tilespmem:s19+$0x30] =	vst v11  }
0x223: {  	[tilespmem:s19+$0xFFFFFFD0] =	vst v12;
	v11 =	vld [tilespmem:s21+$0x20]  }
0x224: {  	s20 =	simm.s32 $0x0;
	v12 =	vld [tilespmem:s21+$0xFFFFFFC0];
	[tilespmem:s19+$0xFFFFFFE0] =	vst v13;
	s21 =	simm.s32 $0xC0  }
.LBB2_30:
0x225: {  	v13 =	vld [tilespmem:s21+$0x30];
	s20 =	sadd.s32 $0x8, s20;
	[tilespmem:s19+$0xFFFFFFF0] =	vst v7  }
0x226: {  	v14 =	vld [tilespmem:s21+$0xFFFFFFD0];
	p1 =	slt.u32 s20, $0x7F8;
	[tilespmem:s19+$0x0] =	vst v8  }
0x227: {  	v15 =	vld [tilespmem:s21+$0xFFFFFFE0];
	[tilespmem:s19+$0x10] =	vst v10  }
.Ltmp18:
0x228: {  	v7 =	vld [tilespmem:s21+$0xFFFFFFF0];
	[tilespmem:s19+$0x20] =	vst v11;
	(pc) =	sbr.rel @p1 .LBB2_30-.Ltmp18, $4  }
0x229: {  	v8 =	vld [tilespmem:s21+$0x0];
	[tilespmem:s19+$0xFFFFFFC0] =	vst v12;
	s19 =	sadd.s32 $0x80, s19  }
0x22a: {  	v10 =	vld [tilespmem:s21+$0x10];
	[tilespmem:s19+$0x30] =	vst v13  }
0x22b: {  	[tilespmem:s19+$0xFFFFFFD0] =	vst v14;
	v11 =	vld [tilespmem:s21+$0x20]  }
0x22c: {  	v12 =	vld [tilespmem:s21+$0xFFFFFFC0];
	[tilespmem:s19+$0xFFFFFFE0] =	vst v15;
	s21 =	sadd.s32 $0x80, s21  }
0x22d: {  	[tilespmem:s19+$0xFFFFFFF0] =	vst v7  }
0x22e: {  	[tilespmem:s19+$0x0] =	vst v8  }
0x22f: {  	[tilespmem:s19+$0x10] =	vst v10  }
0x230: {  	[tilespmem:s19+$0x20] =	vst v11  }
0x231: {  	[tilespmem:s19+$0xFFFFFFC0] =	vst v12  }
.LBB2_32:
0x232: {  	s20 =	simm.s32 $0x100C0  }
0x233: {  	[tilespmem:s20+$0xFFFFFFC0] =	vst v1  }
0x234: {  	[tilespmem:s20+$0x30] =	vst v1  }
0x235: {  	[tilespmem:s20+$0x20] =	vst v1  }
0x236: {  	[tilespmem:s20+$0x10] =	vst v1  }
0x237: {  	[tilespmem:s20+$0x0] =	vst v1  }
0x238: {  	p1 =	slt.u32 s18, $0x80000200;
	[tilespmem:s20+$0xFFFFFFF0] =	vst v1  }
0x239: {  	s18 =	simm.s32 $0x0;
	v7 =	vpsel p1, $0x8000, v9;
	[tilespmem:s20+$0xFFFFFFE0] =	vst v1  }
.LBB2_33:
0x23a: {  	s18 =	sadd.s32 $0x8, s18;
	[tilespmem:s20+$0xFFFFFFD0] =	vst v1;
	s20 =	sadd.s32 $0x80, s20  }
0x23b: {  	[tilespmem:s20+$0xFFFFFFC0] =	vst v1;
	p1 =	slt.u32 s18, $0xF8  }
0x23c: {  	[tilespmem:s20+$0x30] =	vst v1  }
.Ltmp19:
0x23d: {  	[tilespmem:s20+$0x20] =	vst v1;
	(pc) =	sbr.rel @p1 .LBB2_33-.Ltmp19, $4  }
0x23e: {  	[tilespmem:s20+$0x10] =	vst v1  }
0x23f: {  	[tilespmem:s20+$0x0] =	vst v1  }
0x240: {  	[tilespmem:s20+$0xFFFFFFF0] =	vst v1  }
0x241: {  	[tilespmem:s20+$0xFFFFFFE0] =	vst v1  }
0x242: {  	v8 =	vxor.u32 $0x80000000, v7  }
0x243: {  	(xrf0) =	vmax.scan.msk.u32 $0xffff, v8;
	_ =	sdelay $0x5  }
0x244: {  	v8, _, _ =	vpop (xrf0)  }
0x245: {  	(v2sf) =	vpush v8, $0xF;
	_ =	sdelay $0xe  }
0x246: {  	s22 =	spop (v2sf)  }
0x247: {  	s18 =	sadd.s32 $0x8000000F, s22  }
0x248: {  	s19 =	sand.u32 $0xF, s18  }
0x249: {  	s31 =	sshra.s32 s18, $0x1F;
	p2 =	slt.s32 s18, $0x1;
	p1 =	sne.s32 s19, $0x0  }
0x24a: {  	s19 =	sshrl.u32 s31, $0x1C;
	p1 =	por !p2, !p1  }
0x24b: {  	s18 =	sadd.s32 s19, s18;
	s19 =	simm.s32 $0x1;
	p1 =	por !p1, !p1  }
0x24c: {  	s18 =	sshra.s32 s18, $0x4;
	s19 =	simm.s32 @!p1 $0x0  }
0x24d: {  	s19 =	ssub.s32 s18, s19  }
0x24e: {  	s18 =	sshrl.u32 s19, $0x1F  }
0x24f: {  	s18 =	sadd.s32 s18, s19  }
0x250: {  	s18 =	sand.u32 $0xFFFFFFFE, s18  }
0x251: {  	p1 =	slt.s32 s18, $0x1  }
.Ltmp20:
0x252: {  	_ = 	snop;
	(pc) =	sbr.rel @p1 .LBB2_41-.Ltmp20, $2  }
0x253: {  	_ =	sdelay $0x2  }
0x254: {  	[tilespmem:s20+$0xFFFFFFD0] =	vst v1  }
0x255: {  	s21 =	simm.s32 $0x8010  }
0x256: {  	v8 =	vld [tilespmem:s21+$0x0]  }
0x257: {  	p3 =	sgt.s32 s18, $0x2;
	v9 =	vld [tilespmem:s21+$0xFFFFFFF0]  }
.Ltmp21:
0x258: {  	_ = 	snop;
	(pc) =	sbr.rel @!p3 .LBB2_36-.Ltmp21, $2  }
0x259: {  	_ =	sdelay $0x2  }
0x25a: {  	s20 =	simm.s32 $0x10;
	p2 =	por $0x0, $0x0;
	s21 =	simm.s32 $0x8030;
	v11 =	vadd.f32 $0.0e+00, v8;
	v8 =	vadd.f32 $0.0e+00, v9  }
0x25b: {  	_ = 	snop  }
0x25c: {  	v9 =	vshra.s32 v11, $0x1F  }
0x25d: {  	v10 =	vld [tilespmem:s21+$0x0];
	v14 =	vor.u32 s20, v0;
	v9 =	vxor.u32 v11, v9;
	v11 =	vshrl.u32 v11, $0x1F  }
0x25e: {  	v13 =	vld [tilespmem:s21+$0xFFFFFFF0];
	p3 =	sgt.s32 s18, $0x4;
	v12 =	vshra.s32 v8, $0x1F;
	v9 =	vshrl.u32 v9, $0x18;
	v11 =	vxor.u32 v2, v11  }
.Ltmp22:
0x25f: {  	vm0 =	vlt.s32 v14, v7;
	v9 =	vand.u32 $0x7F, v9;
	v11 =	vshll.u32 v11, $0x7;
	(pc) =	sbr.rel @!p3 .LBB2_38-.Ltmp22, $4  }
0x260: {  	s31 =	simm.s32 $0x0;
	v12 =	vxor.u32 v8, v12;
	v8 =	vshrl.u32 v8, $0x1F;
	v9 =	vor.u32 v11, v9  }
0x261: {  	v62 =	vor.u32 s31, v0;
	v12 =	vshrl.u32 v12, $0x18;
	v8 =	vxor.u32 v2, v8  }
0x262: {  	s21 =	simm.s32 $0x4;
	v63 =	vshll.u32 v8, $0x7;
	v11 =	vadd.f32 $0.0e+00, v10;
	v10 =	vand.u32 $0x7F, v12  }
0x263: {  	s24 =	simm.s32 $0x8050;
	p2 =	por $0x1, $0x1;
	s23 =	simm.s32 $0x10;
	vm1 =	vlt.s32 v62, v7;
	v8 =	vadd.f32 $0.0e+00, v13;
	v10 =	vor.u32 v63, v10  }
.LBB2_39:
0x264: {  	v12 =	vld [tilespmem:s24+$0x0];
	v13 =	vshra.s32 v11, $0x1F  }
0x265: {  	s21 =	sadd.s32 $0x2, s21;
	s23 =	sadd.s32 $0x20, s23;
	v14 =	vshra.s32 v8, $0x1F;
	v13 =	vxor.u32 v11, v13;
	v11 =	vshrl.u32 v11, $0x1F;
	[tilespmem:v9+s12+$0x0] =	vst.idx.add.s32.msk vm0, v3  }
0x266: {  	p3 =	slt.s32 s21, s18;
	s25 =	sadd.s32 $0xFFFFFFF0, s23;
	v9 =	vor.u32 s23, v0;
	v15 =	vld [tilespmem:s24+$0xFFFFFFF0];
	v13 =	vshrl.u32 v13, $0x18;
	v11 =	vxor.u32 v2, v11  }
.Ltmp23:
0x267: {  	vm0 =	vlt.s32 v9, v7;
	v9 =	vand.u32 $0x7F, v13;
	v11 =	vshll.u32 v11, $0x7;
	(pc) =	sbr.rel @p3 .LBB2_39-.Ltmp23, $4  }
0x268: {  	v13 =	vxor.u32 v8, v14;
	v8 =	vshrl.u32 v8, $0x1F;
	v9 =	vor.u32 v11, v9  }
0x269: {  	v14 =	vor.u32 s25, v0;
	v13 =	vshrl.u32 v13, $0x18;
	v8 =	vxor.u32 v2, v8;
	[tilespmem:v10+s12+$0x0] =	vst.idx.add.s32.msk vm1, v3  }
0x26a: {  	v11 =	vadd.f32 $0.0e+00, v12;
	v10 =	vand.u32 $0x7F, v13;
	v12 =	vshll.u32 v8, $0x7  }
0x26b: {  	s24 =	sadd.s32 $0x20, s24;
	vm1 =	vlt.s32 v14, v7;
	v10 =	vor.u32 v12, v10;
	v8 =	vadd.f32 $0.0e+00, v15  }
.LBB2_40:
0x26c: {  	s21 =	sadd.s32 @p2 $0x20, s23;
	v12 =	vshra.s32 v11, $0x1F;
	v61 =	vshrl.u32 v11, $0x1F  }
0x26d: {  	s20 =	smov.u32 @p2 s21;
	v12 =	vxor.u32 v11, v12;
	v11 =	vxor.u32 v2, v61  }
0x26e: {  	v62 =	vshra.s32 v8, $0x1F;
	v13 =	vor.u32 s20, v0;
	v12 =	vshrl.u32 v12, $0x18  }
0x26f: {  	v11 =	vshll.u32 v11, $0x7;
	s20 =	sadd.s32 $0xFFFFFFF0, s20;
	vm2 =	vlt.s32 v13, v7;
	v12 =	vand.u32 $0x7F, v12  }
0x270: {  	v13 =	vxor.u32 v8, v62;
	v8 =	vshrl.u32 v8, $0x1F;
	v63 =	vor.u32 s20, v0  }
0x271: {  	v11 =	vor.u32 v11, v12;
	v13 =	vshrl.u32 v13, $0x18;
	v8 =	vxor.u32 v2, v8  }
0x272: {  	vm3 =	vlt.s32 v63, v7;
	v13 =	vand.u32 $0x7F, v13;
	v8 =	vshll.u32 v8, $0x7  }
0x273: {  	v8 =	vor.u32 v8, v13;
	_ =	sdelay $0x1  }
0x274: {  	[tilespmem:v9+s12+$0x0] =	vst.idx.add.s32.msk @p2 vm0, v3  }
0x275: {  	[tilespmem:v10+s12+$0x0] =	vst.idx.add.s32.msk @p2 vm1, v3  }
0x276: {  	[tilespmem:v11+s12+$0x0] =	vst.idx.add.s32.msk vm2, v3  }
0x277: {  	[tilespmem:v8+s12+$0x0] =	vst.idx.add.s32.msk vm3, v3  }
.LBB2_41:
0x278: {  	s19 =	ssub.s32 s19, s18  }
0x279: {  	p2 =	sgt.s32 s19, $0x0  }
0x27a: {  	s20 =	sshll.u32 @p2 s18, $0x4  }
0x27b: {  	v8 =	vld @p2 [tilespmem:s20+$0x8000];
	_ =	sdelay $0x4  }
0x27c: {  	v9 =	vlaneseq.u32 @p2;
	v8 =	vadd.f32 @p2 $0.0e+00, v8  }
0x27d: {  	v10 =	vmul.u32 @p2 $0x2, v9  }
0x27e: {  	v11 =	vshra.s32 @p2 v8, $0x1F  }
0x27f: {  	v10 =	vor.u32 @p2 $0x1, v10;
	v11 =	vxor.u32 @p2 v8, v11;
	v8 =	vshrl.u32 @p2 v8, $0x1F  }
0x280: {  	v9 =	vor.u32 @p2 s20, v9;
	v11 =	vshrl.u32 @p2 v11, $0x18;
	v8 =	vxor.u32 @p2 v10, v8  }
0x281: {  	vm0 =	vlt.s32 @p2 v9, v7;
	v9 =	vand.u32 @p2 $0x7F, v11;
	v8 =	vshll.u32 @p2 v8, $0x7  }
0x282: {  	v8 =	vor.u32 @p2 v8, v9;
	_ =	sdelay $0x3  }
0x283: {  	s23 =	simm.s32 @p2 $0x10080;
	v9 =	vimm.s32 @p2 $0x1  }
0x284: {  	s24 =	simm.s32 $0x10090;
	s26 =	simm.s32 $0x0;
	[tilespmem:v8+s23+$0x0] =	vst.idx.add.s32.msk @p2 vm0, v9  }
0x285: {  	s26 =	sand.u32 $0xE0, s26;
	v8 =	vld [tilespmem:s24+$0xFFFFFFF0]  }
0x286: {  	v9 =	vld [tilespmem:s26+$0x10180]  }
0x287: {  	v10 =	vld [tilespmem:s26+$0x10280]  }
0x288: {  	v11 =	vld [tilespmem:s26+$0x10380]  }
0x289: {  	v12 =	vld [tilespmem:s26+$0x10480]  }
0x28a: {  	v13 =	vld [tilespmem:s26+$0x10580]  }
0x28b: {  	v14 =	vld [tilespmem:s26+$0x10680]  }
0x28c: {  	s25 =	simm.s32 $0x10;
	v15 =	vld [tilespmem:s26+$0x10780]  }
0x28d: {  	s29 =	sand.u32 $0xF0, s25;
	v16 =	vld [tilespmem:s26+$0x10880]  }
0x28e: {  	v62 =	vld [tilespmem:s29+$0x10180];
	v8 =	vadd.s32 v8, v9  }
0x28f: {  	v9 =	vld [tilespmem:s26+$0x10980];
	v8 =	vadd.s32 v10, v8  }
0x290: {  	v10 =	vld [tilespmem:s26+$0x10A80];
	v8 =	vadd.s32 v11, v8  }
0x291: {  	v11 =	vld [tilespmem:s26+$0x10B80];
	v8 =	vadd.s32 v12, v8  }
0x292: {  	v12 =	vld [tilespmem:s26+$0x10C80];
	v8 =	vadd.s32 v13, v8  }
0x293: {  	v13 =	vld [tilespmem:s26+$0x10D80];
	v8 =	vadd.s32 v14, v8  }
0x294: {  	v14 =	vld [tilespmem:s26+$0x10E80];
	v8 =	vadd.s32 v15, v8  }
0x295: {  	v15 =	vld [tilespmem:s26+$0x10F80];
	v8 =	vadd.s32 v16, v8  }
0x296: {  	v8 =	vadd.s32 v9, v8;
	v9 =	vld [tilespmem:s24+$0x0]  }
0x297: {  	v8 =	vadd.s32 v10, v8;
	v10 =	vld [tilespmem:s29+$0x10280]  }
0x298: {  	v8 =	vadd.s32 v11, v8;
	v11 =	vld [tilespmem:s29+$0x10380]  }
0x299: {  	v8 =	vadd.s32 v12, v8;
	v12 =	vld [tilespmem:s29+$0x10480]  }
0x29a: {  	v8 =	vadd.s32 v13, v8;
	v13 =	vld [tilespmem:s29+$0x10580]  }
0x29b: {  	v8 =	vadd.s32 v14, v8;
	v9 =	vadd.s32 v9, v62;
	v14 =	vld [tilespmem:s29+$0x10680]  }
0x29c: {  	v8 =	vadd.s32 v15, v8;
	v9 =	vadd.s32 v10, v9;
	v15 =	vld [tilespmem:s29+$0x10780]  }
0x29d: {  	(xrf0) =	vadd.scan.msk.s32 $0xffff, v8;
	v8 =	vadd.s32 v11, v9;
	v9 =	vld [tilespmem:s29+$0x10880]  }
0x29e: {  	s23 =	simm.s32 $0x0;
	v8 =	vadd.s32 v12, v8;
	v12 =	vld [tilespmem:s29+$0x10980]  }
0x29f: {  	v63 =	vadd.s32 s23, v4;
	v8 =	vadd.s32 v13, v8;
	v13 =	vld [tilespmem:s29+$0x10A80]  }
0x2a0: {  	v10 =	vld [tilespmem:s29+$0x10B80];
	v8 =	vadd.s32 v14, v8  }
0x2a1: {  	v11 =	vld [tilespmem:s29+$0x10C80];
	v8 =	vadd.s32 v15, v8  }
0x2a2: {  	v9 =	vadd.s32 v9, v8;
	v8 =	vld [tilespmem:s29+$0x10D80]  }
0x2a3: {  	s21 =	sxor.u32 $0x80000000, s22;
	s30 =	simm.s32 $0x20;
	s28 =	simm.s32 $0x4;
	v14, _, _ =	vpop (xrf0);
	v12 =	vadd.s32 v12, v9;
	v9 =	vld [tilespmem:s29+$0x10E80]  }
0x2a4: {  	s25 =	simm.s32 $0x30;
	s26 =	simm.s32 $0x100B0;
	s24 =	simm.s32 $0x2;
	[tilespmem:v63+s13+$0x0] =	vst.idx.msk $0xffff, v14;
	v13 =	vadd.s32 v13, v12;
	v12 =	vld [tilespmem:s29+$0x10F80]  }
.LBB2_42:
0x2a5: {  	p3 =	slt.u32 s28, $0xE;
	v14 =	vld [tilespmem:s26+$0xFFFFFFF0];
	s30 =	sand.u32 $0xE0, s30;
	s29 =	sand.u32 $0xF0, s25;
	v10 =	vadd.s32 v10, v13  }
0x2a6: {  	v13 =	vld [tilespmem:s30+$0x10180];
	v10 =	vadd.s32 v11, v10  }
0x2a7: {  	v11 =	vld [tilespmem:s30+$0x10280];
	v8 =	vadd.s32 v8, v10  }
0x2a8: {  	v10 =	vld [tilespmem:s30+$0x10380];
	v8 =	vadd.s32 v9, v8  }
0x2a9: {  	v9 =	vld [tilespmem:s30+$0x10480];
	v8 =	vadd.s32 v12, v8  }
0x2aa: {  	v12 =	vld [tilespmem:s30+$0x10580];
	(xrf0) =	vadd.scan.msk.s32 $0xffff, v8  }
0x2ab: {  	s31 =	sadd.s32 $0x1, s23;
	s23 =	smov.u32 s24;
	s24 =	smov.u32 s28;
	v8 =	vadd.s32 v14, v13;
	v13 =	vld [tilespmem:s30+$0x10680]  }
0x2ac: {  	v14 =	vadd.s32 s31, v4;
	v8 =	vadd.s32 v11, v8;
	v11 =	vld [tilespmem:s30+$0x10780]  }
0x2ad: {  	v8 =	vadd.s32 v10, v8;
	v10 =	vld [tilespmem:s30+$0x10880]  }
0x2ae: {  	v8 =	vadd.s32 v9, v8;
	v9 =	vld [tilespmem:s30+$0x10980]  }
0x2af: {  	v8 =	vadd.s32 v12, v8;
	v12 =	vld [tilespmem:s30+$0x10A80]  }
0x2b0: {  	v8 =	vadd.s32 v13, v8;
	v13 =	vld [tilespmem:s30+$0x10B80];
	v15, _, _ =	vpop (xrf0)  }
0x2b1: {  	v8 =	vadd.s32 v11, v8;
	v11 =	vld [tilespmem:s30+$0x10C80];
	[tilespmem:v14+s13+$0x0] =	vst.idx.msk $0xffff, v15  }
0x2b2: {  	v8 =	vadd.s32 v10, v8;
	v10 =	vld [tilespmem:s30+$0x10D80]  }
0x2b3: {  	v8 =	vadd.s32 v9, v8;
	v9 =	vld [tilespmem:s30+$0x10E80]  }
0x2b4: {  	v8 =	vadd.s32 v12, v8;
	v12 =	vld [tilespmem:s30+$0x10F80]  }
0x2b5: {  	v8 =	vadd.s32 v13, v8;
	v13 =	vld [tilespmem:s29+$0x10180]  }
0x2b6: {  	v8 =	vadd.s32 v11, v8;
	v11 =	vld [tilespmem:s26+$0x0]  }
0x2b7: {  	v8 =	vadd.s32 v10, v8;
	v10 =	vld [tilespmem:s29+$0x10280]  }
0x2b8: {  	v8 =	vadd.s32 v9, v8;
	v9 =	vld [tilespmem:s29+$0x10380]  }
0x2b9: {  	v8 =	vadd.s32 v12, v8;
	v12 =	vld [tilespmem:s29+$0x10480]  }
0x2ba: {  	v14 =	vld [tilespmem:s29+$0x10580];
	(xrf0) =	vadd.scan.msk.s32 $0xffff, v8  }
0x2bb: {  	v8 =	vadd.s32 v11, v13;
	v11 =	vld [tilespmem:s29+$0x10680]  }
0x2bc: {  	v13 =	vadd.s32 s23, v4;
	v8 =	vadd.s32 v10, v8;
	v15 =	vld [tilespmem:s29+$0x10780]  }
0x2bd: {  	v8 =	vadd.s32 v9, v8;
	v9 =	vld [tilespmem:s29+$0x10880]  }
0x2be: {  	v8 =	vadd.s32 v12, v8;
	v12 =	vld [tilespmem:s29+$0x10980]  }
0x2bf: {  	v8 =	vadd.s32 v14, v8;
	v14 =	vld [tilespmem:s29+$0x10A80]  }
.Ltmp24:
0x2c0: {  	v8 =	vadd.s32 v11, v8;
	v10 =	vld [tilespmem:s29+$0x10B80];
	v11, _, _ =	vpop (xrf0);
	(pc) =	sbr.rel @p3 .LBB2_42-.Ltmp24, $4  }
0x2c1: {  	[tilespmem:v13+s13+$0x0] =	vst.idx.msk $0xffff, v11;
	v8 =	vadd.s32 v15, v8;
	v11 =	vld [tilespmem:s29+$0x10C80]  }
0x2c2: {  	v9 =	vadd.s32 v9, v8;
	v8 =	vld [tilespmem:s29+$0x10D80]  }
0x2c3: {  	s25 =	sadd.s32 $0x20, s25;
	v12 =	vadd.s32 v12, v9;
	v9 =	vld [tilespmem:s29+$0x10E80]  }
0x2c4: {  	s28 =	sadd.s32 $0x2, s28;
	s30 =	sadd.s32 $0xFFFFFFF0, s25;
	s26 =	sadd.s32 $0x20, s26;
	v13 =	vadd.s32 v14, v12;
	v12 =	vld [tilespmem:s29+$0x10F80]  }
0x2c5: {  	v14 =	vld [tilespmem:s26+$0xFFFFFFF0]  }
0x2c6: {  	s28 =	sand.u32 $0xE0, s30;
	v31 =	vld [tilespmem:s26+$0x0]  }
0x2c7: {  	v15 =	vld [tilespmem:s28+$0x10180]  }
0x2c8: {  	v16 =	vld [tilespmem:s28+$0x10280]  }
0x2c9: {  	v17 =	vld [tilespmem:s28+$0x10380]  }
0x2ca: {  	v18 =	vld [tilespmem:s28+$0x10480]  }
0x2cb: {  	v19 =	vld [tilespmem:s28+$0x10580]  }
0x2cc: {  	v20 =	vld [tilespmem:s28+$0x10680]  }
0x2cd: {  	v21 =	vld [tilespmem:s28+$0x10780]  }
0x2ce: {  	v22 =	vld [tilespmem:s28+$0x10880]  }
0x2cf: {  	v23 =	vld [tilespmem:s28+$0x10980]  }
0x2d0: {  	v24 =	vld [tilespmem:s28+$0x10A80]  }
0x2d1: {  	v25 =	vld [tilespmem:s28+$0x10B80]  }
0x2d2: {  	v26 =	vld [tilespmem:s28+$0x10C80]  }
0x2d3: {  	v27 =	vld [tilespmem:s28+$0x10D80]  }
0x2d4: {  	v28 =	vld [tilespmem:s28+$0x10E80]  }
0x2d5: {  	s25 =	sand.u32 $0xF0, s25;
	v29 =	vld [tilespmem:s28+$0x10F80]  }
0x2d6: {  	v30 =	vld [tilespmem:s25+$0x10180]  }
0x2d7: {  	v32 =	vld [tilespmem:s25+$0x10280]  }
0x2d8: {  	v33 =	vld [tilespmem:s25+$0x10380]  }
0x2d9: {  	v34 =	vld [tilespmem:s25+$0x10480]  }
0x2da: {  	v14 =	vadd.s32 v14, v15;
	v15 =	vld [tilespmem:s25+$0x10580]  }
0x2db: {  	v62 =	vld [tilespmem:s25+$0x10680];
	v14 =	vadd.s32 v16, v14;
	v16 =	vadd.s32 v31, v30  }
0x2dc: {  	v14 =	vadd.s32 v17, v14;
	v16 =	vadd.s32 v32, v16;
	v17 =	vld [tilespmem:s25+$0x10780]  }
0x2dd: {  	v14 =	vadd.s32 v18, v14;
	v16 =	vadd.s32 v33, v16;
	v18 =	vld [tilespmem:s25+$0x10880]  }
0x2de: {  	v14 =	vadd.s32 v19, v14;
	v16 =	vadd.s32 v34, v16;
	v19 =	vld [tilespmem:s25+$0x10980]  }
0x2df: {  	v14 =	vadd.s32 v20, v14;
	v15 =	vadd.s32 v15, v16;
	v16 =	vld [tilespmem:s25+$0x10A80]  }
0x2e0: {  	v63 =	vld [tilespmem:s25+$0x10B80];
	v14 =	vadd.s32 v21, v14;
	v15 =	vadd.s32 v62, v15  }
0x2e1: {  	v14 =	vadd.s32 v22, v14;
	v15 =	vadd.s32 v17, v15;
	v17 =	vld [tilespmem:s25+$0x10C80]  }
0x2e2: {  	v14 =	vadd.s32 v23, v14;
	v15 =	vadd.s32 v18, v15;
	v18 =	vld [tilespmem:s25+$0x10D80]  }
0x2e3: {  	v10 =	vadd.s32 v10, v13;
	v13 =	vadd.s32 v24, v14;
	v14 =	vadd.s32 v19, v15;
	v15 =	vld [tilespmem:s25+$0x10E80]  }
0x2e4: {  	v10 =	vadd.s32 v11, v10;
	v11 =	vadd.s32 v25, v13;
	v13 =	vadd.s32 v16, v14;
	v14 =	vld [tilespmem:s25+$0x10F80]  }
0x2e5: {  	v8 =	vadd.s32 v8, v10;
	v10 =	vadd.s32 v26, v11;
	v11 =	vadd.s32 v63, v13  }
0x2e6: {  	v8 =	vadd.s32 v9, v8;
	v9 =	vadd.s32 v27, v10;
	v10 =	vadd.s32 v17, v11  }
0x2e7: {  	v8 =	vadd.s32 v12, v8;
	v9 =	vadd.s32 v28, v9;
	v10 =	vadd.s32 v18, v10  }
0x2e8: {  	(xrf0) =	vadd.scan.msk.s32 $0xffff, v8;
	v8 =	vadd.s32 v29, v9;
	v9 =	vadd.s32 v15, v10  }
0x2e9: {  	s23 =	sadd.s32 $0x1, s23;
	(xrf0) =	vadd.scan.msk.s32 $0xffff, v8;
	v8 =	vadd.s32 v14, v9  }
0x2ea: {  	v9 =	vadd.s32 s23, v4;
	(xrf0) =	vadd.scan.msk.s32 $0xffff, v8  }
0x2eb: {  	s26 =	sadd.s32 $0x1, s24;
	v8 =	vadd.s32 s24, v4  }
0x2ec: {  	v10 =	vadd.s32 s26, v4;
	_ =	sdelay $0x1  }
0x2ed: {  	v11, _, _ =	vpop (xrf0)  }
0x2ee: {  	[tilespmem:v9+s13+$0x0] =	vst.idx.msk $0xffff, v11;
	v12, _, _ =	vpop (xrf0)  }
0x2ef: {  	[tilespmem:v8+s13+$0x0] =	vst.idx.msk $0xffff, v12;
	v8, _, _ =	vpop (xrf0)  }
0x2f0: {  	[tilespmem:v10+s13+$0x0] =	vst.idx.msk $0xffff, v8  }
0x2f1: {  	v8 =	vld.idx.msk [tilespmem:v5+s13+$0x0], $0xffff;
	_ =	sdelay $0x1  }
0x2f2: {  	s29 =	simm.s32 $0x0  }
0x2f3: {  	s28 =	simm.s32 $0x11;
	v16 =	vadd.s32 s29, v0  }
0x2f4: {  	v11 =	vadd.s32 s28, v0  }
0x2f5: {  	(xrf0) =	vadd.scan.msk.s32 $0xffff, v8;
	_ =	sdelay $0x2  }
0x2f6: {  	v16 =	vld.idx.msk [tilespmem:v16+s13+$0x0], $0xffff  }
0x2f7: {  	s30 =	simm.s32 $0x33;
	v14 =	vld.idx.msk [tilespmem:v11+s13+$0x0], $0xffff  }
0x2f8: {  	s31 =	simm.s32 $0x22;
	v15 =	vadd.s32 s30, v0  }
0x2f9: {  	s22 =	sadd.s32 $0x7FFFFE00, s22;
	v13 =	vadd.s32 s31, v0;
	v12 =	vimm.s32 $0x7FFFFFFF;
	v10 =	vimm.s32 $0x0;
	v9, _, _ =	vpop (xrf0)  }
0x2fa: {  	s23 =	simm.s32 $0x55;
	v11 =	vimm.s32 $0x0;
	v9 =	vsub.s32 v9, v8;
	v8 =	vmov s22;
	s22 =	simm.s32 $0x2  }
.LBB2_44:
0x2fb: {  	s24 =	sadd.s32 $0xFFFFFFEF, s23;
	v17 =	vadd.s32 s23, v0  }
0x2fc: {  	v19 =	vadd.s32 v9, v16;
	v20 =	vadd.s32 v9, v14;
	s22 =	sadd.s32 $0x2, s22;
	v18 =	vadd.s32 s24, v0  }
0x2fd: {  	vm0 =	vle.s32 v19, v8;
	vm1 =	vlt.s32 v12, v19;
	vm2 =	vle.s32 v20, v8;
	p3 =	slt.u32 s22, $0xE;
	v14 =	vld.idx.msk [tilespmem:v15+s13+$0x0], $0xffff  }
.Ltmp25:
0x2fe: {  	v21 =	vnsel vm0, $0x0, v19;
	v19 =	vsel vm1, v12, v19;
	v22 =	vmpcnt.ones.xlane vm2;
	v15 =	vmovc v17;
	v16 =	vld.idx.msk [tilespmem:v13+s13+$0x0], $0xffff;
	v13 =	vmovc v18;
	(pc) =	sbr.rel @p3 .LBB2_44-.Ltmp25, $4  }
0x2ff: {  	v17 =	vmpcnt.ones.xlane vm0;
	vm1 =	vgt.s32 v10, v21;
	v12 =	vsel vm0, v12, v19  }
0x300: {  	v18 =	vnsel vm2, $0x0, v20;
	v10 =	vsel vm1, v10, v21;
	vm0 =	vlt.s32 v12, v20  }
0x301: {  	v11 =	vadd.s32 v11, v17;
	vm1 =	vgt.s32 v10, v18;
	v17 =	vsel vm0, v12, v20  }
0x302: {  	s23 =	sadd.s32 $0x22, s23;
	v11 =	vadd.s32 v22, v11;
	v10 =	vsel vm1, v10, v18;
	v12 =	vsel vm2, v12, v17  }
0x303: {  	_ =	sdelay $0x2  }
0x304: {  	v16 =	vadd.s32 v9, v16  }
0x305: {  	v14 =	vadd.s32 v9, v14;
	v13 =	vld.idx.msk [tilespmem:v13+s13+$0x0], $0xffff;
	vm0 =	vle.s32 v16, v8;
	vm1 =	vlt.s32 v12, v16  }
0x306: {  	v15 =	vld.idx.msk [tilespmem:v15+s13+$0x0], $0xffff;
	vm2 =	vle.s32 v14, v8;
	v17 =	vnsel vm0, $0x0, v16;
	v16 =	vsel vm1, v12, v16  }
0x307: {  	v18 =	vmpcnt.ones.xlane vm2;
	v19 =	vmpcnt.ones.xlane vm0;
	vm11 =	vgt.s32 v10, v17  }
0x308: {  	v61 =	vnsel vm2, $0x0, v14;
	v12 =	vsel vm0, v12, v16;
	v10 =	vsel vm11, v10, v17  }
0x309: {  	vm0 =	vlt.s32 v12, v14;
	v11 =	vadd.s32 v11, v19;
	vm1 =	vgt.s32 v10, v61  }
0x30a: {  	s22 =	simm.s32 $0x100C0;
	v14 =	vsel vm0, v12, v14;
	v11 =	vadd.s32 v18, v11;
	v13 =	vadd.s32 v9, v13  }
0x30b: {  	[tilespmem:s22+$0xFFFFFFC0] =	vst v1;
	v9 =	vadd.s32 v9, v15;
	v10 =	vsel vm1, v10, v61;
	v12 =	vsel vm2, v12, v14  }
0x30c: {  	[tilespmem:s22+$0x30] =	vst v1;
	vm12 =	vle.s32 v13, v8;
	vm14 =	vle.s32 v9, v8;
	vm13 =	vlt.s32 v12, v13  }
0x30d: {  	[tilespmem:s22+$0x20] =	vst v1;
	v8 =	vnsel vm12, $0x0, v13;
	v62 =	vmpcnt.ones.xlane vm14;
	v13 =	vsel vm13, v12, v13  }
0x30e: {  	[tilespmem:s22+$0x10] =	vst v1;
	v63 =	vmpcnt.ones.xlane vm12;
	vm15 =	vgt.s32 v10, v8;
	v12 =	vsel vm12, v12, v13  }
0x30f: {  	[tilespmem:s22+$0x0] =	vst v1;
	v8 =	vsel vm15, v10, v8;
	v10 =	vnsel vm14, $0x0, v9;
	vm0 =	vlt.s32 v12, v9  }
0x310: {  	[tilespmem:s22+$0xFFFFFFF0] =	vst v1;
	v11 =	vadd.s32 v11, v63;
	vm1 =	vgt.s32 v8, v10;
	v13 =	vsel vm0, v12, v9  }
0x311: {  	s23 =	simm.s32 $0x0;
	[tilespmem:s22+$0xFFFFFFE0] =	vst v1;
	v9 =	vadd.s32 v62, v11;
	v8 =	vsel vm1, v8, v10;
	v10 =	vsel vm14, v12, v13  }
.LBB2_46:
0x312: {  	s23 =	sadd.s32 $0x8, s23;
	[tilespmem:s22+$0xFFFFFFD0] =	vst v1;
	s22 =	sadd.s32 $0x80, s22  }
0x313: {  	[tilespmem:s22+$0xFFFFFFC0] =	vst v1;
	p3 =	slt.u32 s23, $0xF8  }
0x314: {  	[tilespmem:s22+$0x30] =	vst v1  }
.Ltmp26:
0x315: {  	[tilespmem:s22+$0x20] =	vst v1;
	(pc) =	sbr.rel @p3 .LBB2_46-.Ltmp26, $4  }
0x316: {  	[tilespmem:s22+$0x10] =	vst v1  }
0x317: {  	[tilespmem:s22+$0x0] =	vst v1  }
0x318: {  	[tilespmem:s22+$0xFFFFFFF0] =	vst v1  }
0x319: {  	[tilespmem:s22+$0xFFFFFFE0] =	vst v1  }
0x31a: {  	v9 =	vxor.u32 $0x80000000, v9  }
0x31b: {  	(xrf0) =	vmax.scan.msk.u32 $0xffff, v9  }
0x31c: {  	v63 =	vxor.u32 $0x80000000, v10  }
0x31d: {  	v8 =	vxor.u32 $0x80000000, v8;
	(xrf0) =	vmin.scan.msk.u32 $0xffff, v63  }
0x31e: {  	(xrf0) =	vmax.scan.msk.u32 $0xffff, v8;
	_ =	sdelay $0x2  }
0x31f: {  	v8, _, _ =	vpop (xrf0)  }
0x320: {  	(v2sf) =	vpush v8, $0xF  }
0x321: {  	v8, _, _ =	vpop (xrf0)  }
0x322: {  	(v2sf) =	vpush v8, $0xF;
	v8, _, _ =	vpop (xrf0)  }
0x323: {  	(v2sf) =	vpush v8, $0xF;
	_ =	sdelay $0xa  }
.Ltmp27:
0x324: {  	_ = 	snop;
	(pc) =	sbr.rel @p1 .LBB2_54-.Ltmp27, $4  }
0x325: {  	s31 =	spop (v2sf)  }
0x326: {  	s23 =	sshll.u32 s31, $0x18  }
0x327: {  	[tilespmem:s22+$0xFFFFFFD0] =	vst v1;
	s22 =	spop (v2sf);
	s23 =	sshra.s32 s23, $0x18  }
0x328: {  	s24 =	spop (v2sf);
	s23 =	sxor.u32 $0xFFFFFF80, s23  }
0x329: {  	s26 =	simm.s32 $0x8010  }
0x32a: {  	v9 =	vld [tilespmem:s26+$0x0];
	_ =	sdelay $0x1  }
0x32b: {  	p4 =	sgt.s32 s18, $0x2;
	v11 =	vld [tilespmem:s26+$0xFFFFFFF0]  }
.Ltmp28:
0x32c: {  	_ = 	snop;
	(pc) =	sbr.rel @!p4 .LBB2_49-.Ltmp28, $3  }
0x32d: {  	_ = 	snop  }
0x32e: {  	v10 =	vadd.f32 $0.0e+00, v9;
	_ =	sdelay $0x1  }
0x32f: {  	v8 =	vmov s23;
	s25 =	simm.s32 $0x10;
	p3 =	por $0x0, $0x0;
	s26 =	simm.s32 $0x8030;
	v11 =	vadd.f32 $0.0e+00, v11;
	v12 =	vshra.s32 v10, $0x1F  }
0x330: {  	_ = 	snop  }
0x331: {  	v9 =	vld [tilespmem:s26+$0x0];
	v12 =	vand.u32 $0x7FFFFFFF, v12;
	v13 =	vshra.s32 v11, $0x1F  }
0x332: {  	v14 =	vld [tilespmem:s26+$0xFFFFFFF0];
	v10 =	vxor.u32 v10, v12;
	v13 =	vand.u32 $0x7FFFFFFF, v13  }
0x333: {  	p4 =	sgt.s32 s18, $0x4;
	v12 =	vor.u32 s25, v0;
	v11 =	vxor.u32 v11, v13;
	v13 =	vshra.s32 v10, $0x18  }
.Ltmp29:
0x334: {  	vm0 =	vlt.s32 v12, v7;
	v10 =	vshrl.u32 v10, $0x10;
	vm1 =	veq.s32 v13, v8;
	(pc) =	sbr.rel @!p4 .LBB2_51-.Ltmp29, $4  }
0x335: {  	v12 =	vshra.s32 v11, $0x18;
	v13 =	vand.u32 $0xFF, v10;
	vm0 =	vmand vm0, vm1  }
0x336: {  	s28 =	simm.s32 $0x0;
	v15 =	vshrl.u32 v11, $0x10;
	v10 =	vadd.f32 $0.0e+00, v9;
	v9 =	vor.u32 v6, v13  }
0x337: {  	s26 =	simm.s32 $0x4;
	v11 =	vadd.f32 $0.0e+00, v14;
	v13 =	vor.u32 s28, v0;
	vm1 =	veq.s32 v12, v8  }
0x338: {  	s29 =	simm.s32 $0x8050;
	p3 =	por $0x1, $0x1;
	s28 =	simm.s32 $0x10;
	vm2 =	vlt.s32 v13, v7;
	v13 =	vand.u32 $0xFF, v15;
	v12 =	vshra.s32 v10, $0x1F  }
.LBB2_52:
0x339: {  	v14 =	vld [tilespmem:s29+$0x0];
	s26 =	sadd.s32 $0x2, s26;
	v15 =	vshra.s32 v11, $0x1F;
	v12 =	vand.u32 $0x7FFFFFFF, v12;
	vm2 =	vmand vm2, vm1  }
0x33a: {  	s28 =	sadd.s32 $0x20, s28;
	v16 =	vld [tilespmem:s29+$0xFFFFFFF0];
	p4 =	slt.s32 s26, s18;
	v15 =	vand.u32 $0x7FFFFFFF, v15;
	v10 =	vxor.u32 v10, v12;
	v12 =	vor.u32 v6, v13  }
0x33b: {  	s30 =	sadd.s32 $0xFFFFFFF0, s28;
	v13 =	vor.u32 s28, v0;
	v11 =	vxor.u32 v11, v15;
	v15 =	vshra.s32 v10, $0x18;
	[tilespmem:v9+s12+$0x0] =	vst.idx.add.s32.msk vm0, v3  }
.Ltmp30:
0x33c: {  	vm0 =	vlt.s32 v13, v7;
	v9 =	vshrl.u32 v10, $0x10;
	vm1 =	veq.s32 v15, v8;
	(pc) =	sbr.rel @p4 .LBB2_52-.Ltmp30, $4  }
0x33d: {  	v13 =	vshra.s32 v11, $0x18;
	v9 =	vand.u32 $0xFF, v9;
	vm0 =	vmand vm0, vm1  }
0x33e: {  	v9 =	vor.u32 v6, v9;
	v10 =	vadd.f32 $0.0e+00, v14;
	v14 =	vshrl.u32 v11, $0x10  }
0x33f: {  	v15 =	vor.u32 s30, v0;
	vm1 =	veq.s32 v13, v8;
	v11 =	vadd.f32 $0.0e+00, v16;
	[tilespmem:v12+s12+$0x0] =	vst.idx.add.s32.msk vm2, v3  }
0x340: {  	s29 =	sadd.s32 $0x20, s29;
	vm2 =	vlt.s32 v15, v7;
	v13 =	vand.u32 $0xFF, v14;
	v12 =	vshra.s32 v10, $0x1F  }
.LBB2_53:
0x341: {  	v14 =	vshra.s32 v11, $0x1F;
	s26 =	sadd.s32 @p3 $0x20, s28  }
0x342: {  	v12 =	vand.u32 $0x7FFFFFFF, v12;
	vm1 =	vmand @p3 vm2, vm1;
	v14 =	vand.u32 $0x7FFFFFFF, v14;
	s25 =	smov.u32 @p3 s26  }
0x343: {  	v10 =	vxor.u32 v10, v12;
	v12 =	vor.u32 @p3 v6, v13;
	v58 =	vor.u32 s25, v0  }
0x344: {  	v59 =	vxor.u32 v11, v14;
	v60 =	vshra.s32 v10, $0x18;
	v10 =	vshrl.u32 v10, $0x10  }
0x345: {  	s25 =	sadd.s32 $0xFFFFFFF0, s25;
	vm14 =	vlt.s32 v58, v7;
	vm3 =	veq.s32 v60, v8;
	v61 =	vshra.s32 v59, $0x18  }
0x346: {  	v10 =	vand.u32 $0xFF, v10;
	v62 =	vor.u32 s25, v0;
	v11 =	vshrl.u32 v59, $0x10  }
0x347: {  	vm2 =	vmand vm14, vm3;
	vm15 =	veq.s32 v61, v8;
	vm4 =	vlt.s32 v62, v7  }
0x348: {  	v8 =	vor.u32 v6, v10;
	v63 =	vand.u32 $0xFF, v11;
	vm3 =	vmand vm4, vm15  }
0x349: {  	v10 =	vor.u32 v6, v63;
	_ =	sdelay $0x1  }
0x34a: {  	[tilespmem:v9+s12+$0x0] =	vst.idx.add.s32.msk @p3 vm0, v3  }
0x34b: {  	[tilespmem:v12+s12+$0x0] =	vst.idx.add.s32.msk @p3 vm1, v3  }
0x34c: {  	[tilespmem:v8+s12+$0x0] =	vst.idx.add.s32.msk vm2, v3  }
0x34d: {  	[tilespmem:v10+s12+$0x0] =	vst.idx.add.s32.msk vm3, v3  }
.LBB2_54:
0x34e: {  	v8 =	vld @p2 [tilespmem:s20+$0x8000];
	_ =	sdelay $0x4  }
0x34f: {  	v8 =	vadd.f32 @p2 $0.0e+00, v8;
	_ =	sdelay $0x1  }
0x350: {  	v9 =	vshra.s32 @p2 v8, $0x1F  }
0x351: {  	v10 =	vlaneseq.u32 @p2;
	v9 =	vand.u32 @p2 $0x7FFFFFFF, v9  }
0x352: {  	v8 =	vxor.u32 @p2 v8, v9;
	v9 =	vor.u32 @p2 s20, v10  }
0x353: {  	vm0 =	vlt.s32 @p2 v9, v7;
	v9 =	vshra.s32 @p2 v8, $0x18  }
0x354: {  	v8 =	vshrl.u32 @p2 v8, $0x10;
	vm1 =	veq.s32 @p2 v9, s23;
	v9 =	vmul.u32 @p2 $0x100, v10  }
0x355: {  	v8 =	vand.u32 @p2 $0xFF, v8;
	vm0 =	vmand @p2 vm0, vm1  }
0x356: {  	v8 =	vor.u32 @p2 v9, v8;
	_ =	sdelay $0x2  }
0x357: {  	s22 =	sxor.u32 $0x80000000, s22;
	s24 =	sxor.u32 $0x80000000, s24  }
0x358: {  	s21 =	ssub.s32 s22, s21;
	s22 =	ssub.s32 s22, s24;
	s24 =	simm.s32 @p2 $0x10080;
	v9 =	vimm.s32 @p2 $0x1  }
0x359: {  	s25 =	simm.s32 $0x10090;
	s28 =	simm.s32 $0x0;
	[tilespmem:v8+s24+$0x0] =	vst.idx.add.s32.msk @p2 vm0, v9  }
0x35a: {  	s28 =	sand.u32 $0xE0, s28;
	v8 =	vld [tilespmem:s25+$0xFFFFFFF0]  }
0x35b: {  	v9 =	vld [tilespmem:s28+$0x10180]  }
0x35c: {  	v10 =	vld [tilespmem:s28+$0x10280]  }
0x35d: {  	v11 =	vld [tilespmem:s28+$0x10380]  }
0x35e: {  	v12 =	vld [tilespmem:s28+$0x10480]  }
0x35f: {  	v13 =	vld [tilespmem:s28+$0x10580]  }
0x360: {  	v14 =	vld [tilespmem:s28+$0x10680]  }
0x361: {  	s26 =	simm.s32 $0x10;
	v15 =	vld [tilespmem:s28+$0x10780]  }
0x362: {  	s30 =	sand.u32 $0xF0, s26;
	v16 =	vld [tilespmem:s28+$0x10880]  }
0x363: {  	v62 =	vld [tilespmem:s30+$0x10180];
	v8 =	vadd.s32 v8, v9  }
0x364: {  	v9 =	vld [tilespmem:s28+$0x10980];
	v8 =	vadd.s32 v10, v8  }
0x365: {  	v10 =	vld [tilespmem:s28+$0x10A80];
	v8 =	vadd.s32 v11, v8  }
0x366: {  	v11 =	vld [tilespmem:s28+$0x10B80];
	v8 =	vadd.s32 v12, v8  }
0x367: {  	v12 =	vld [tilespmem:s28+$0x10C80];
	v8 =	vadd.s32 v13, v8  }
0x368: {  	v13 =	vld [tilespmem:s28+$0x10D80];
	v8 =	vadd.s32 v14, v8  }
0x369: {  	v14 =	vld [tilespmem:s28+$0x10E80];
	v8 =	vadd.s32 v15, v8  }
0x36a: {  	v15 =	vld [tilespmem:s28+$0x10F80];
	v8 =	vadd.s32 v16, v8  }
0x36b: {  	v8 =	vadd.s32 v9, v8;
	v9 =	vld [tilespmem:s25+$0x0]  }
0x36c: {  	v8 =	vadd.s32 v10, v8;
	v10 =	vld [tilespmem:s30+$0x10280]  }
0x36d: {  	v8 =	vadd.s32 v11, v8;
	v11 =	vld [tilespmem:s30+$0x10380]  }
0x36e: {  	v8 =	vadd.s32 v12, v8;
	v12 =	vld [tilespmem:s30+$0x10480]  }
0x36f: {  	v8 =	vadd.s32 v13, v8;
	v13 =	vld [tilespmem:s30+$0x10580]  }
0x370: {  	v8 =	vadd.s32 v14, v8;
	v9 =	vadd.s32 v9, v62;
	v14 =	vld [tilespmem:s30+$0x10680]  }
0x371: {  	v8 =	vadd.s32 v15, v8;
	v9 =	vadd.s32 v10, v9;
	v15 =	vld [tilespmem:s30+$0x10780]  }
0x372: {  	(xrf0) =	vadd.scan.msk.s32 $0xffff, v8;
	v8 =	vadd.s32 v11, v9;
	v9 =	vld [tilespmem:s30+$0x10880]  }
0x373: {  	s24 =	simm.s32 $0x0;
	v8 =	vadd.s32 v12, v8;
	v12 =	vld [tilespmem:s30+$0x10980]  }
0x374: {  	v63 =	vadd.s32 s24, v4;
	v8 =	vadd.s32 v13, v8;
	v13 =	vld [tilespmem:s30+$0x10A80]  }
0x375: {  	v10 =	vld [tilespmem:s30+$0x10B80];
	v8 =	vadd.s32 v14, v8  }
0x376: {  	v11 =	vld [tilespmem:s30+$0x10C80];
	v8 =	vadd.s32 v15, v8  }
0x377: {  	v9 =	vadd.s32 v9, v8;
	v8 =	vld [tilespmem:s30+$0x10D80]  }
0x378: {  	s31 =	simm.s32 $0x20;
	s29 =	simm.s32 $0x4;
	s26 =	simm.s32 $0x30;
	v14, _, _ =	vpop (xrf0);
	v12 =	vadd.s32 v12, v9;
	v9 =	vld [tilespmem:s30+$0x10E80]  }
0x379: {  	s21 =	sadd.s32 $0x200, s21;
	s28 =	simm.s32 $0x100B0;
	s25 =	simm.s32 $0x2;
	[tilespmem:v63+s13+$0x0] =	vst.idx.msk $0xffff, v14;
	v13 =	vadd.s32 v13, v12;
	v12 =	vld [tilespmem:s30+$0x10F80]  }
.LBB2_55:
0x37a: {  	p3 =	slt.u32 s29, $0xE;
	v14 =	vld [tilespmem:s28+$0xFFFFFFF0];
	s31 =	sand.u32 $0xE0, s31;
	s30 =	sand.u32 $0xF0, s26;
	v10 =	vadd.s32 v10, v13  }
0x37b: {  	v13 =	vld [tilespmem:s31+$0x10180];
	v10 =	vadd.s32 v11, v10  }
0x37c: {  	v11 =	vld [tilespmem:s31+$0x10280];
	v8 =	vadd.s32 v8, v10  }
0x37d: {  	v10 =	vld [tilespmem:s31+$0x10380];
	v8 =	vadd.s32 v9, v8  }
0x37e: {  	v9 =	vld [tilespmem:s31+$0x10480];
	v8 =	vadd.s32 v12, v8  }
0x37f: {  	v12 =	vld [tilespmem:s31+$0x10580];
	(xrf0) =	vadd.scan.msk.s32 $0xffff, v8  }
0x380: {  	s0 =	sadd.s32 $0x1, s24;
	s24 =	smov.u32 s25;
	s25 =	smov.u32 s29;
	v8 =	vadd.s32 v14, v13;
	v13 =	vld [tilespmem:s31+$0x10680]  }
0x381: {  	v14 =	vadd.s32 s0, v4;
	v8 =	vadd.s32 v11, v8;
	v11 =	vld [tilespmem:s31+$0x10780]  }
0x382: {  	v8 =	vadd.s32 v10, v8;
	v10 =	vld [tilespmem:s31+$0x10880]  }
0x383: {  	v8 =	vadd.s32 v9, v8;
	v9 =	vld [tilespmem:s31+$0x10980]  }
0x384: {  	v8 =	vadd.s32 v12, v8;
	v12 =	vld [tilespmem:s31+$0x10A80]  }
0x385: {  	v8 =	vadd.s32 v13, v8;
	v13 =	vld [tilespmem:s31+$0x10B80];
	v15, _, _ =	vpop (xrf0)  }
0x386: {  	v8 =	vadd.s32 v11, v8;
	v11 =	vld [tilespmem:s31+$0x10C80];
	[tilespmem:v14+s13+$0x0] =	vst.idx.msk $0xffff, v15  }
0x387: {  	v8 =	vadd.s32 v10, v8;
	v10 =	vld [tilespmem:s31+$0x10D80]  }
0x388: {  	v8 =	vadd.s32 v9, v8;
	v9 =	vld [tilespmem:s31+$0x10E80]  }
0x389: {  	v8 =	vadd.s32 v12, v8;
	v12 =	vld [tilespmem:s31+$0x10F80]  }
0x38a: {  	v8 =	vadd.s32 v13, v8;
	v13 =	vld [tilespmem:s30+$0x10180]  }
0x38b: {  	v8 =	vadd.s32 v11, v8;
	v11 =	vld [tilespmem:s28+$0x0]  }
0x38c: {  	v8 =	vadd.s32 v10, v8;
	v10 =	vld [tilespmem:s30+$0x10280]  }
0x38d: {  	v8 =	vadd.s32 v9, v8;
	v9 =	vld [tilespmem:s30+$0x10380]  }
0x38e: {  	v8 =	vadd.s32 v12, v8;
	v12 =	vld [tilespmem:s30+$0x10480]  }
0x38f: {  	v14 =	vld [tilespmem:s30+$0x10580];
	(xrf0) =	vadd.scan.msk.s32 $0xffff, v8  }
0x390: {  	v8 =	vadd.s32 v11, v13;
	v11 =	vld [tilespmem:s30+$0x10680]  }
0x391: {  	v13 =	vadd.s32 s24, v4;
	v8 =	vadd.s32 v10, v8;
	v15 =	vld [tilespmem:s30+$0x10780]  }
0x392: {  	v8 =	vadd.s32 v9, v8;
	v9 =	vld [tilespmem:s30+$0x10880]  }
0x393: {  	v8 =	vadd.s32 v12, v8;
	v12 =	vld [tilespmem:s30+$0x10980]  }
0x394: {  	v8 =	vadd.s32 v14, v8;
	v14 =	vld [tilespmem:s30+$0x10A80]  }
.Ltmp31:
0x395: {  	v8 =	vadd.s32 v11, v8;
	v10 =	vld [tilespmem:s30+$0x10B80];
	v11, _, _ =	vpop (xrf0);
	(pc) =	sbr.rel @p3 .LBB2_55-.Ltmp31, $4  }
0x396: {  	[tilespmem:v13+s13+$0x0] =	vst.idx.msk $0xffff, v11;
	v8 =	vadd.s32 v15, v8;
	v11 =	vld [tilespmem:s30+$0x10C80]  }
0x397: {  	v9 =	vadd.s32 v9, v8;
	v8 =	vld [tilespmem:s30+$0x10D80]  }
0x398: {  	s26 =	sadd.s32 $0x20, s26;
	v12 =	vadd.s32 v12, v9;
	v9 =	vld [tilespmem:s30+$0x10E80]  }
0x399: {  	s29 =	sadd.s32 $0x2, s29;
	s31 =	sadd.s32 $0xFFFFFFF0, s26;
	s28 =	sadd.s32 $0x20, s28;
	v13 =	vadd.s32 v14, v12;
	v12 =	vld [tilespmem:s30+$0x10F80]  }
0x39a: {  	v14 =	vld [tilespmem:s28+$0xFFFFFFF0]  }
0x39b: {  	s0 =	sand.u32 $0xE0, s31;
	v31 =	vld [tilespmem:s28+$0x0]  }
0x39c: {  	v15 =	vld [tilespmem:s0+$0x10180]  }
0x39d: {  	v16 =	vld [tilespmem:s0+$0x10280]  }
0x39e: {  	v17 =	vld [tilespmem:s0+$0x10380]  }
0x39f: {  	v18 =	vld [tilespmem:s0+$0x10480]  }
0x3a0: {  	v19 =	vld [tilespmem:s0+$0x10580]  }
0x3a1: {  	v20 =	vld [tilespmem:s0+$0x10680]  }
0x3a2: {  	v21 =	vld [tilespmem:s0+$0x10780]  }
0x3a3: {  	v22 =	vld [tilespmem:s0+$0x10880]  }
0x3a4: {  	v23 =	vld [tilespmem:s0+$0x10980]  }
0x3a5: {  	v24 =	vld [tilespmem:s0+$0x10A80]  }
0x3a6: {  	v25 =	vld [tilespmem:s0+$0x10B80]  }
0x3a7: {  	v26 =	vld [tilespmem:s0+$0x10C80]  }
0x3a8: {  	v27 =	vld [tilespmem:s0+$0x10D80]  }
0x3a9: {  	v28 =	vld [tilespmem:s0+$0x10E80]  }
0x3aa: {  	s26 =	sand.u32 $0xF0, s26;
	v29 =	vld [tilespmem:s0+$0x10F80]  }
0x3ab: {  	v30 =	vld [tilespmem:s26+$0x10180]  }
0x3ac: {  	v32 =	vld [tilespmem:s26+$0x10280]  }
0x3ad: {  	v33 =	vld [tilespmem:s26+$0x10380]  }
0x3ae: {  	v34 =	vld [tilespmem:s26+$0x10480]  }
0x3af: {  	v14 =	vadd.s32 v14, v15;
	v15 =	vld [tilespmem:s26+$0x10580]  }
0x3b0: {  	v62 =	vld [tilespmem:s26+$0x10680];
	v14 =	vadd.s32 v16, v14;
	v16 =	vadd.s32 v31, v30  }
0x3b1: {  	v14 =	vadd.s32 v17, v14;
	v16 =	vadd.s32 v32, v16;
	v17 =	vld [tilespmem:s26+$0x10780]  }
0x3b2: {  	v14 =	vadd.s32 v18, v14;
	v16 =	vadd.s32 v33, v16;
	v18 =	vld [tilespmem:s26+$0x10880]  }
0x3b3: {  	v14 =	vadd.s32 v19, v14;
	v16 =	vadd.s32 v34, v16;
	v19 =	vld [tilespmem:s26+$0x10980]  }
0x3b4: {  	v14 =	vadd.s32 v20, v14;
	v15 =	vadd.s32 v15, v16;
	v16 =	vld [tilespmem:s26+$0x10A80]  }
0x3b5: {  	v63 =	vld [tilespmem:s26+$0x10B80];
	v14 =	vadd.s32 v21, v14;
	v15 =	vadd.s32 v62, v15  }
0x3b6: {  	v14 =	vadd.s32 v22, v14;
	v15 =	vadd.s32 v17, v15;
	v17 =	vld [tilespmem:s26+$0x10C80]  }
0x3b7: {  	v14 =	vadd.s32 v23, v14;
	v15 =	vadd.s32 v18, v15;
	v18 =	vld [tilespmem:s26+$0x10D80]  }
0x3b8: {  	v10 =	vadd.s32 v10, v13;
	v13 =	vadd.s32 v24, v14;
	v14 =	vadd.s32 v19, v15;
	v15 =	vld [tilespmem:s26+$0x10E80]  }
0x3b9: {  	v10 =	vadd.s32 v11, v10;
	v11 =	vadd.s32 v25, v13;
	v13 =	vadd.s32 v16, v14;
	v14 =	vld [tilespmem:s26+$0x10F80]  }
0x3ba: {  	v8 =	vadd.s32 v8, v10;
	v10 =	vadd.s32 v26, v11;
	v11 =	vadd.s32 v63, v13  }
0x3bb: {  	v8 =	vadd.s32 v9, v8;
	v9 =	vadd.s32 v27, v10;
	v10 =	vadd.s32 v17, v11  }
0x3bc: {  	v8 =	vadd.s32 v12, v8;
	v9 =	vadd.s32 v28, v9;
	v10 =	vadd.s32 v18, v10  }
0x3bd: {  	(xrf0) =	vadd.scan.msk.s32 $0xffff, v8;
	v8 =	vadd.s32 v29, v9;
	v9 =	vadd.s32 v15, v10  }
0x3be: {  	s24 =	sadd.s32 $0x1, s24;
	(xrf0) =	vadd.scan.msk.s32 $0xffff, v8;
	v8 =	vadd.s32 v14, v9  }
0x3bf: {  	v9 =	vadd.s32 s24, v4;
	(xrf0) =	vadd.scan.msk.s32 $0xffff, v8  }
0x3c0: {  	v8 =	vadd.s32 s25, v4;
	s25 =	sadd.s32 $0x1, s25  }
0x3c1: {  	v10 =	vadd.s32 s25, v4;
	_ =	sdelay $0x1  }
0x3c2: {  	v11, _, _ =	vpop (xrf0)  }
0x3c3: {  	[tilespmem:v9+s13+$0x0] =	vst.idx.msk $0xffff, v11;
	v12, _, _ =	vpop (xrf0)  }
0x3c4: {  	[tilespmem:v8+s13+$0x0] =	vst.idx.msk $0xffff, v12;
	v8, _, _ =	vpop (xrf0)  }
0x3c5: {  	[tilespmem:v10+s13+$0x0] =	vst.idx.msk $0xffff, v8  }
0x3c6: {  	v8 =	vld.idx.msk [tilespmem:v5+s13+$0x0], $0xffff;
	_ =	sdelay $0x1  }
0x3c7: {  	s28 =	simm.s32 $0x0  }
0x3c8: {  	s26 =	simm.s32 $0x11;
	v16 =	vadd.s32 s28, v0  }
0x3c9: {  	v11 =	vadd.s32 s26, v0  }
0x3ca: {  	(xrf0) =	vadd.scan.msk.s32 $0xffff, v8;
	_ =	sdelay $0x2  }
0x3cb: {  	v16 =	vld.idx.msk [tilespmem:v16+s13+$0x0], $0xffff  }
0x3cc: {  	s30 =	simm.s32 $0x33;
	v14 =	vld.idx.msk [tilespmem:v11+s13+$0x0], $0xffff  }
0x3cd: {  	s31 =	simm.s32 $0x22;
	v15 =	vadd.s32 s30, v0  }
0x3ce: {  	s29 =	ssub.s32 s22, s21;
	v13 =	vadd.s32 s31, v0;
	v12 =	vimm.s32 $0x7FFFFFFF;
	v10 =	vimm.s32 $0x0;
	v9, _, _ =	vpop (xrf0)  }
0x3cf: {  	s24 =	simm.s32 $0x2;
	s25 =	simm.s32 $0x55;
	v11 =	vimm.s32 $0x0;
	v9 =	vsub.s32 v9, v8;
	v8 =	vmov s29  }
.LBB2_57:
0x3d0: {  	s0 =	sadd.s32 $0xFFFFFFEF, s25;
	v17 =	vadd.s32 s25, v0  }
0x3d1: {  	v19 =	vadd.s32 v9, v16;
	v20 =	vadd.s32 v9, v14;
	s24 =	sadd.s32 $0x2, s24;
	v18 =	vadd.s32 s0, v0  }
0x3d2: {  	vm0 =	vle.s32 v19, v8;
	vm1 =	vlt.s32 v12, v19;
	vm2 =	vle.s32 v20, v8;
	p3 =	slt.u32 s24, $0xE;
	v14 =	vld.idx.msk [tilespmem:v15+s13+$0x0], $0xffff  }
.Ltmp32:
0x3d3: {  	v21 =	vnsel vm0, $0x0, v19;
	v19 =	vsel vm1, v12, v19;
	v22 =	vmpcnt.ones.xlane vm2;
	v15 =	vmovc v17;
	v16 =	vld.idx.msk [tilespmem:v13+s13+$0x0], $0xffff;
	v13 =	vmovc v18;
	(pc) =	sbr.rel @p3 .LBB2_57-.Ltmp32, $4  }
0x3d4: {  	v17 =	vmpcnt.ones.xlane vm0;
	vm1 =	vgt.s32 v10, v21;
	v12 =	vsel vm0, v12, v19  }
0x3d5: {  	v18 =	vnsel vm2, $0x0, v20;
	v10 =	vsel vm1, v10, v21;
	vm0 =	vlt.s32 v12, v20  }
0x3d6: {  	v11 =	vadd.s32 v11, v17;
	vm1 =	vgt.s32 v10, v18;
	v17 =	vsel vm0, v12, v20  }
0x3d7: {  	s25 =	sadd.s32 $0x22, s25;
	v11 =	vadd.s32 v22, v11;
	v10 =	vsel vm1, v10, v18;
	v12 =	vsel vm2, v12, v17  }
0x3d8: {  	_ =	sdelay $0x2  }
0x3d9: {  	v16 =	vadd.s32 v9, v16  }
0x3da: {  	v14 =	vadd.s32 v9, v14;
	v13 =	vld.idx.msk [tilespmem:v13+s13+$0x0], $0xffff;
	vm0 =	vle.s32 v16, v8;
	vm1 =	vlt.s32 v12, v16  }
0x3db: {  	v15 =	vld.idx.msk [tilespmem:v15+s13+$0x0], $0xffff;
	vm2 =	vle.s32 v14, v8;
	v17 =	vnsel vm0, $0x0, v16;
	v16 =	vsel vm1, v12, v16  }
0x3dc: {  	v18 =	vmpcnt.ones.xlane vm2;
	v19 =	vmpcnt.ones.xlane vm0;
	vm11 =	vgt.s32 v10, v17  }
0x3dd: {  	v61 =	vnsel vm2, $0x0, v14;
	v12 =	vsel vm0, v12, v16;
	v10 =	vsel vm11, v10, v17  }
0x3de: {  	vm0 =	vlt.s32 v12, v14;
	v11 =	vadd.s32 v11, v19;
	vm1 =	vgt.s32 v10, v61  }
0x3df: {  	s24 =	simm.s32 $0x100C0;
	v14 =	vsel vm0, v12, v14;
	v11 =	vadd.s32 v18, v11;
	v13 =	vadd.s32 v9, v13  }
0x3e0: {  	[tilespmem:s24+$0xFFFFFFC0] =	vst v1;
	v9 =	vadd.s32 v9, v15;
	v10 =	vsel vm1, v10, v61;
	v12 =	vsel vm2, v12, v14  }
0x3e1: {  	[tilespmem:s24+$0x30] =	vst v1;
	vm12 =	vle.s32 v13, v8;
	vm14 =	vle.s32 v9, v8;
	vm13 =	vlt.s32 v12, v13  }
0x3e2: {  	[tilespmem:s24+$0x20] =	vst v1;
	v8 =	vnsel vm12, $0x0, v13;
	v62 =	vmpcnt.ones.xlane vm14;
	v13 =	vsel vm13, v12, v13  }
0x3e3: {  	[tilespmem:s24+$0x10] =	vst v1;
	v63 =	vmpcnt.ones.xlane vm12;
	vm15 =	vgt.s32 v10, v8;
	v12 =	vsel vm12, v12, v13  }
0x3e4: {  	[tilespmem:s24+$0x0] =	vst v1;
	v8 =	vsel vm15, v10, v8;
	v10 =	vnsel vm14, $0x0, v9;
	vm0 =	vlt.s32 v12, v9  }
0x3e5: {  	[tilespmem:s24+$0xFFFFFFF0] =	vst v1;
	v11 =	vadd.s32 v11, v63;
	vm1 =	vgt.s32 v8, v10;
	v13 =	vsel vm0, v12, v9  }
0x3e6: {  	s25 =	simm.s32 $0x0;
	[tilespmem:s24+$0xFFFFFFE0] =	vst v1;
	v9 =	vadd.s32 v62, v11;
	v8 =	vsel vm1, v8, v10;
	v10 =	vsel vm14, v12, v13  }
.LBB2_59:
0x3e7: {  	s25 =	sadd.s32 $0x8, s25;
	[tilespmem:s24+$0xFFFFFFD0] =	vst v1;
	s24 =	sadd.s32 $0x80, s24  }
0x3e8: {  	[tilespmem:s24+$0xFFFFFFC0] =	vst v1;
	p3 =	slt.u32 s25, $0xF8  }
0x3e9: {  	[tilespmem:s24+$0x30] =	vst v1  }
.Ltmp33:
0x3ea: {  	[tilespmem:s24+$0x20] =	vst v1;
	(pc) =	sbr.rel @p3 .LBB2_59-.Ltmp33, $4  }
0x3eb: {  	[tilespmem:s24+$0x10] =	vst v1  }
0x3ec: {  	[tilespmem:s24+$0x0] =	vst v1  }
0x3ed: {  	[tilespmem:s24+$0xFFFFFFF0] =	vst v1  }
0x3ee: {  	[tilespmem:s24+$0xFFFFFFE0] =	vst v1  }
0x3ef: {  	v9 =	vxor.u32 $0x80000000, v9  }
0x3f0: {  	v63 =	vxor.u32 $0x80000000, v10;
	(xrf0) =	vmax.scan.msk.u32 $0xffff, v9  }
0x3f1: {  	v8 =	vxor.u32 $0x80000000, v8;
	(xrf0) =	vmin.scan.msk.u32 $0xffff, v63  }
0x3f2: {  	(xrf0) =	vmax.scan.msk.u32 $0xffff, v8;
	_ =	sdelay $0x3  }
0x3f3: {  	v8, _, _ =	vpop (xrf0)  }
0x3f4: {  	v9, _, _ =	vpop (xrf0);
	(v2sf) =	vpush v8, $0xF  }
0x3f5: {  	(v2sf) =	vpush v9, $0xF;
	v8, _, _ =	vpop (xrf0)  }
0x3f6: {  	(v2sf) =	vpush v8, $0xF;
	_ =	sdelay $0xa  }
.Ltmp34:
0x3f7: {  	_ = 	snop;
	(pc) =	sbr.rel @p1 .LBB2_67-.Ltmp34, $4  }
0x3f8: {  	_ = 	snop  }
0x3f9: {  	s0 =	spop (v2sf)  }
0x3fa: {  	[tilespmem:s24+$0xFFFFFFD0] =	vst v1;
	s23 =	sshll.u32 s23, $0x8;
	s24 =	spop (v2sf);
	s0 =	sxor.u32 $0x80000000, s0  }
0x3fb: {  	s25 =	spop (v2sf);
	s23 =	sor.u32 s23, s0  }
0x3fc: {  	s28 =	simm.s32 $0x8010  }
0x3fd: {  	v9 =	vld [tilespmem:s28+$0x0];
	_ =	sdelay $0x1  }
0x3fe: {  	p4 =	sgt.s32 s18, $0x2;
	v11 =	vld [tilespmem:s28+$0xFFFFFFF0]  }
.Ltmp35:
0x3ff: {  	_ = 	snop;
	(pc) =	sbr.rel @!p4 .LBB2_62-.Ltmp35, $3  }
0x400: {  	_ = 	snop  }
0x401: {  	v10 =	vadd.f32 $0.0e+00, v9;
	_ =	sdelay $0x1  }
0x402: {  	v8 =	vmov s23;
	s26 =	simm.s32 $0x10;
	p3 =	por $0x0, $0x0;
	s28 =	simm.s32 $0x8030;
	v11 =	vadd.f32 $0.0e+00, v11;
	v12 =	vshra.s32 v10, $0x1F  }
0x403: {  	_ = 	snop  }
0x404: {  	v9 =	vld [tilespmem:s28+$0x0];
	v12 =	vand.u32 $0x7FFFFFFF, v12;
	v13 =	vshra.s32 v11, $0x1F  }
0x405: {  	v14 =	vld [tilespmem:s28+$0xFFFFFFF0];
	v10 =	vxor.u32 v10, v12;
	v13 =	vand.u32 $0x7FFFFFFF, v13  }
0x406: {  	p4 =	sgt.s32 s18, $0x4;
	v12 =	vor.u32 s26, v0;
	v11 =	vxor.u32 v11, v13;
	v13 =	vshra.s32 v10, $0x10  }
.Ltmp36:
0x407: {  	vm0 =	vlt.s32 v12, v7;
	v10 =	vshrl.u32 v10, $0x8;
	vm1 =	veq.s32 v13, v8;
	(pc) =	sbr.rel @!p4 .LBB2_64-.Ltmp36, $4  }
0x408: {  	v12 =	vshra.s32 v11, $0x10;
	v13 =	vand.u32 $0xFF, v10;
	vm0 =	vmand vm0, vm1  }
0x409: {  	s0 =	simm.s32 $0x0;
	v15 =	vshrl.u32 v11, $0x8;
	v10 =	vadd.f32 $0.0e+00, v9;
	v9 =	vor.u32 v6, v13  }
0x40a: {  	s28 =	simm.s32 $0x4;
	v11 =	vadd.f32 $0.0e+00, v14;
	v13 =	vor.u32 s0, v0;
	vm1 =	veq.s32 v12, v8  }
0x40b: {  	s30 =	simm.s32 $0x8050;
	p3 =	por $0x1, $0x1;
	s29 =	simm.s32 $0x10;
	vm2 =	vlt.s32 v13, v7;
	v13 =	vand.u32 $0xFF, v15;
	v12 =	vshra.s32 v10, $0x1F  }
.LBB2_65:
0x40c: {  	v14 =	vld [tilespmem:s30+$0x0];
	s28 =	sadd.s32 $0x2, s28;
	v15 =	vshra.s32 v11, $0x1F;
	v12 =	vand.u32 $0x7FFFFFFF, v12;
	vm2 =	vmand vm2, vm1  }
0x40d: {  	s29 =	sadd.s32 $0x20, s29;
	v16 =	vld [tilespmem:s30+$0xFFFFFFF0];
	p4 =	slt.s32 s28, s18;
	v15 =	vand.u32 $0x7FFFFFFF, v15;
	v10 =	vxor.u32 v10, v12;
	v12 =	vor.u32 v6, v13  }
0x40e: {  	s0 =	sadd.s32 $0xFFFFFFF0, s29;
	v13 =	vor.u32 s29, v0;
	v11 =	vxor.u32 v11, v15;
	v15 =	vshra.s32 v10, $0x10;
	[tilespmem:v9+s12+$0x0] =	vst.idx.add.s32.msk vm0, v3  }
.Ltmp37:
0x40f: {  	vm0 =	vlt.s32 v13, v7;
	v9 =	vshrl.u32 v10, $0x8;
	vm1 =	veq.s32 v15, v8;
	(pc) =	sbr.rel @p4 .LBB2_65-.Ltmp37, $4  }
0x410: {  	v13 =	vshra.s32 v11, $0x10;
	v9 =	vand.u32 $0xFF, v9;
	vm0 =	vmand vm0, vm1  }
0x411: {  	v9 =	vor.u32 v6, v9;
	v10 =	vadd.f32 $0.0e+00, v14;
	v14 =	vshrl.u32 v11, $0x8  }
0x412: {  	v15 =	vor.u32 s0, v0;
	vm1 =	veq.s32 v13, v8;
	v11 =	vadd.f32 $0.0e+00, v16;
	[tilespmem:v12+s12+$0x0] =	vst.idx.add.s32.msk vm2, v3  }
0x413: {  	s30 =	sadd.s32 $0x20, s30;
	vm2 =	vlt.s32 v15, v7;
	v13 =	vand.u32 $0xFF, v14;
	v12 =	vshra.s32 v10, $0x1F  }
.LBB2_66:
0x414: {  	v14 =	vshra.s32 v11, $0x1F;
	s0 =	sadd.s32 @p3 $0x20, s29  }
0x415: {  	v12 =	vand.u32 $0x7FFFFFFF, v12;
	vm1 =	vmand @p3 vm2, vm1;
	v14 =	vand.u32 $0x7FFFFFFF, v14;
	s26 =	smov.u32 @p3 s0  }
0x416: {  	v10 =	vxor.u32 v10, v12;
	v12 =	vor.u32 @p3 v6, v13;
	v58 =	vor.u32 s26, v0  }
0x417: {  	v59 =	vxor.u32 v11, v14;
	v60 =	vshra.s32 v10, $0x10;
	v10 =	vshrl.u32 v10, $0x8  }
0x418: {  	s0 =	sadd.s32 $0xFFFFFFF0, s26;
	vm14 =	vlt.s32 v58, v7;
	vm3 =	veq.s32 v60, v8;
	v61 =	vshra.s32 v59, $0x10  }
0x419: {  	v10 =	vand.u32 $0xFF, v10;
	v62 =	vor.u32 s0, v0;
	v11 =	vshrl.u32 v59, $0x8  }
0x41a: {  	vm2 =	vmand vm14, vm3;
	vm15 =	veq.s32 v61, v8;
	vm4 =	vlt.s32 v62, v7  }
0x41b: {  	v8 =	vor.u32 v6, v10;
	v63 =	vand.u32 $0xFF, v11;
	vm3 =	vmand vm4, vm15  }
0x41c: {  	v10 =	vor.u32 v6, v63;
	_ =	sdelay $0x1  }
0x41d: {  	[tilespmem:v9+s12+$0x0] =	vst.idx.add.s32.msk @p3 vm0, v3  }
0x41e: {  	[tilespmem:v12+s12+$0x0] =	vst.idx.add.s32.msk @p3 vm1, v3  }
0x41f: {  	[tilespmem:v8+s12+$0x0] =	vst.idx.add.s32.msk vm2, v3  }
0x420: {  	[tilespmem:v10+s12+$0x0] =	vst.idx.add.s32.msk vm3, v3  }
.LBB2_67:
0x421: {  	v8 =	vld @p2 [tilespmem:s20+$0x8000];
	_ =	sdelay $0x4  }
0x422: {  	v8 =	vadd.f32 @p2 $0.0e+00, v8;
	_ =	sdelay $0x1  }
0x423: {  	v9 =	vshra.s32 @p2 v8, $0x1F  }
0x424: {  	v10 =	vlaneseq.u32 @p2;
	v9 =	vand.u32 @p2 $0x7FFFFFFF, v9  }
0x425: {  	v8 =	vxor.u32 @p2 v8, v9;
	v9 =	vor.u32 @p2 s20, v10  }
0x426: {  	vm0 =	vlt.s32 @p2 v9, v7;
	v9 =	vshra.s32 @p2 v8, $0x10  }
0x427: {  	v8 =	vshrl.u32 @p2 v8, $0x8;
	vm1 =	veq.s32 @p2 v9, s23;
	v9 =	vmul.u32 @p2 $0x100, v10  }
0x428: {  	v8 =	vand.u32 @p2 $0xFF, v8;
	vm0 =	vmand @p2 vm0, vm1  }
0x429: {  	v8 =	vor.u32 @p2 v9, v8;
	_ =	sdelay $0x2  }
0x42a: {  	s0 =	sxor.u32 $0x80000000, s24;
	s25 =	sxor.u32 $0x80000000, s25  }
0x42b: {  	s26 =	ssub.s32 s0, s22;
	s22 =	ssub.s32 s0, s25;
	s0 =	simm.s32 @p2 $0x10080;
	v9 =	vimm.s32 @p2 $0x1  }
0x42c: {  	s30 =	simm.s32 $0x0;
	s25 =	simm.s32 $0x10090;
	[tilespmem:v8+s0+$0x0] =	vst.idx.add.s32.msk @p2 vm0, v9  }
0x42d: {  	s0 =	sand.u32 $0xE0, s30;
	v8 =	vld [tilespmem:s25+$0xFFFFFFF0]  }
0x42e: {  	v9 =	vld [tilespmem:s0+$0x10180]  }
0x42f: {  	v10 =	vld [tilespmem:s0+$0x10280]  }
0x430: {  	v11 =	vld [tilespmem:s0+$0x10380]  }
0x431: {  	v12 =	vld [tilespmem:s0+$0x10480]  }
0x432: {  	v13 =	vld [tilespmem:s0+$0x10580]  }
0x433: {  	v14 =	vld [tilespmem:s0+$0x10680]  }
0x434: {  	s21 =	sadd.s32 s21, s26;
	s26 =	simm.s32 $0x10;
	v15 =	vld [tilespmem:s0+$0x10780]  }
0x435: {  	s28 =	sand.u32 $0xF0, s26;
	v16 =	vld [tilespmem:s0+$0x10880]  }
0x436: {  	v62 =	vld [tilespmem:s28+$0x10180];
	v8 =	vadd.s32 v8, v9  }
0x437: {  	v9 =	vld [tilespmem:s0+$0x10980];
	v8 =	vadd.s32 v10, v8  }
0x438: {  	v10 =	vld [tilespmem:s0+$0x10A80];
	v8 =	vadd.s32 v11, v8  }
0x439: {  	v11 =	vld [tilespmem:s0+$0x10B80];
	v8 =	vadd.s32 v12, v8  }
0x43a: {  	v12 =	vld [tilespmem:s0+$0x10C80];
	v8 =	vadd.s32 v13, v8  }
0x43b: {  	v13 =	vld [tilespmem:s0+$0x10D80];
	v8 =	vadd.s32 v14, v8  }
0x43c: {  	v14 =	vld [tilespmem:s0+$0x10E80];
	v8 =	vadd.s32 v15, v8  }
0x43d: {  	v15 =	vld [tilespmem:s0+$0x10F80];
	v8 =	vadd.s32 v16, v8  }
0x43e: {  	v8 =	vadd.s32 v9, v8;
	v9 =	vld [tilespmem:s25+$0x0]  }
0x43f: {  	v8 =	vadd.s32 v10, v8;
	v10 =	vld [tilespmem:s28+$0x10280]  }
0x440: {  	v8 =	vadd.s32 v11, v8;
	v11 =	vld [tilespmem:s28+$0x10380]  }
0x441: {  	v8 =	vadd.s32 v12, v8;
	v12 =	vld [tilespmem:s28+$0x10480]  }
0x442: {  	v8 =	vadd.s32 v13, v8;
	v13 =	vld [tilespmem:s28+$0x10580]  }
0x443: {  	v8 =	vadd.s32 v14, v8;
	v9 =	vadd.s32 v9, v62;
	v14 =	vld [tilespmem:s28+$0x10680]  }
0x444: {  	v8 =	vadd.s32 v15, v8;
	v9 =	vadd.s32 v10, v9;
	v15 =	vld [tilespmem:s28+$0x10780]  }
0x445: {  	(xrf0) =	vadd.scan.msk.s32 $0xffff, v8;
	v8 =	vadd.s32 v11, v9;
	v9 =	vld [tilespmem:s28+$0x10880]  }
0x446: {  	s24 =	simm.s32 $0x0;
	v8 =	vadd.s32 v12, v8;
	v12 =	vld [tilespmem:s28+$0x10980]  }
0x447: {  	v63 =	vadd.s32 s24, v4;
	v8 =	vadd.s32 v13, v8;
	v13 =	vld [tilespmem:s28+$0x10A80]  }
0x448: {  	v10 =	vld [tilespmem:s28+$0x10B80];
	v8 =	vadd.s32 v14, v8  }
0x449: {  	v11 =	vld [tilespmem:s28+$0x10C80];
	v8 =	vadd.s32 v15, v8  }
0x44a: {  	v9 =	vadd.s32 v9, v8;
	v8 =	vld [tilespmem:s28+$0x10D80]  }
0x44b: {  	s31 =	simm.s32 $0x20;
	s29 =	simm.s32 $0x4;
	v14, _, _ =	vpop (xrf0);
	v12 =	vadd.s32 v12, v9;
	v9 =	vld [tilespmem:s28+$0x10E80]  }
0x44c: {  	s26 =	simm.s32 $0x30;
	s25 =	simm.s32 $0x2;
	[tilespmem:v63+s13+$0x0] =	vst.idx.msk $0xffff, v14;
	v13 =	vadd.s32 v13, v12;
	v12 =	vld [tilespmem:s28+$0x10F80];
	s28 =	simm.s32 $0x100B0  }
.LBB2_68:
0x44d: {  	p3 =	slt.u32 s29, $0xE;
	v14 =	vld [tilespmem:s28+$0xFFFFFFF0];
	s0 =	sand.u32 $0xE0, s31;
	s30 =	sand.u32 $0xF0, s26;
	v10 =	vadd.s32 v10, v13  }
0x44e: {  	v13 =	vld [tilespmem:s0+$0x10180];
	v10 =	vadd.s32 v11, v10  }
0x44f: {  	v11 =	vld [tilespmem:s0+$0x10280];
	v8 =	vadd.s32 v8, v10  }
0x450: {  	v10 =	vld [tilespmem:s0+$0x10380];
	v8 =	vadd.s32 v9, v8  }
0x451: {  	v9 =	vld [tilespmem:s0+$0x10480];
	v8 =	vadd.s32 v12, v8  }
0x452: {  	v12 =	vld [tilespmem:s0+$0x10580];
	(xrf0) =	vadd.scan.msk.s32 $0xffff, v8  }
0x453: {  	s31 =	sadd.s32 $0x1, s24;
	s24 =	smov.u32 s25;
	s25 =	smov.u32 s29;
	v8 =	vadd.s32 v14, v13;
	v13 =	vld [tilespmem:s0+$0x10680]  }
0x454: {  	v14 =	vadd.s32 s31, v4;
	v8 =	vadd.s32 v11, v8;
	v11 =	vld [tilespmem:s0+$0x10780]  }
0x455: {  	v8 =	vadd.s32 v10, v8;
	v10 =	vld [tilespmem:s0+$0x10880]  }
0x456: {  	v8 =	vadd.s32 v9, v8;
	v9 =	vld [tilespmem:s0+$0x10980]  }
0x457: {  	v8 =	vadd.s32 v12, v8;
	v12 =	vld [tilespmem:s0+$0x10A80]  }
0x458: {  	v8 =	vadd.s32 v13, v8;
	v13 =	vld [tilespmem:s0+$0x10B80];
	v15, _, _ =	vpop (xrf0)  }
0x459: {  	v8 =	vadd.s32 v11, v8;
	v11 =	vld [tilespmem:s0+$0x10C80];
	[tilespmem:v14+s13+$0x0] =	vst.idx.msk $0xffff, v15  }
0x45a: {  	v8 =	vadd.s32 v10, v8;
	v10 =	vld [tilespmem:s0+$0x10D80]  }
0x45b: {  	v8 =	vadd.s32 v9, v8;
	v9 =	vld [tilespmem:s0+$0x10E80]  }
0x45c: {  	v8 =	vadd.s32 v12, v8;
	v12 =	vld [tilespmem:s0+$0x10F80]  }
0x45d: {  	v8 =	vadd.s32 v13, v8;
	v13 =	vld [tilespmem:s30+$0x10180]  }
0x45e: {  	v8 =	vadd.s32 v11, v8;
	v11 =	vld [tilespmem:s28+$0x0]  }
0x45f: {  	v8 =	vadd.s32 v10, v8;
	v10 =	vld [tilespmem:s30+$0x10280]  }
0x460: {  	v8 =	vadd.s32 v9, v8;
	v9 =	vld [tilespmem:s30+$0x10380]  }
0x461: {  	v8 =	vadd.s32 v12, v8;
	v12 =	vld [tilespmem:s30+$0x10480]  }
0x462: {  	v14 =	vld [tilespmem:s30+$0x10580];
	(xrf0) =	vadd.scan.msk.s32 $0xffff, v8  }
0x463: {  	v8 =	vadd.s32 v11, v13;
	v11 =	vld [tilespmem:s30+$0x10680]  }
0x464: {  	v13 =	vadd.s32 s24, v4;
	v8 =	vadd.s32 v10, v8;
	v15 =	vld [tilespmem:s30+$0x10780]  }
0x465: {  	v8 =	vadd.s32 v9, v8;
	v9 =	vld [tilespmem:s30+$0x10880]  }
0x466: {  	v8 =	vadd.s32 v12, v8;
	v12 =	vld [tilespmem:s30+$0x10980]  }
0x467: {  	v8 =	vadd.s32 v14, v8;
	v14 =	vld [tilespmem:s30+$0x10A80]  }
.Ltmp38:
0x468: {  	v8 =	vadd.s32 v11, v8;
	v10 =	vld [tilespmem:s30+$0x10B80];
	v11, _, _ =	vpop (xrf0);
	(pc) =	sbr.rel @p3 .LBB2_68-.Ltmp38, $4  }
0x469: {  	[tilespmem:v13+s13+$0x0] =	vst.idx.msk $0xffff, v11;
	v8 =	vadd.s32 v15, v8;
	v11 =	vld [tilespmem:s30+$0x10C80]  }
0x46a: {  	v9 =	vadd.s32 v9, v8;
	v8 =	vld [tilespmem:s30+$0x10D80]  }
0x46b: {  	s26 =	sadd.s32 $0x20, s26;
	v12 =	vadd.s32 v12, v9;
	v9 =	vld [tilespmem:s30+$0x10E80]  }
0x46c: {  	s29 =	sadd.s32 $0x2, s29;
	s31 =	sadd.s32 $0xFFFFFFF0, s26;
	s28 =	sadd.s32 $0x20, s28;
	v13 =	vadd.s32 v14, v12;
	v12 =	vld [tilespmem:s30+$0x10F80]  }
0x46d: {  	v14 =	vld [tilespmem:s28+$0xFFFFFFF0]  }
0x46e: {  	s0 =	sand.u32 $0xE0, s31;
	v31 =	vld [tilespmem:s28+$0x0]  }
0x46f: {  	v15 =	vld [tilespmem:s0+$0x10180]  }
0x470: {  	v16 =	vld [tilespmem:s0+$0x10280]  }
0x471: {  	v17 =	vld [tilespmem:s0+$0x10380]  }
0x472: {  	v18 =	vld [tilespmem:s0+$0x10480]  }
0x473: {  	v19 =	vld [tilespmem:s0+$0x10580]  }
0x474: {  	v20 =	vld [tilespmem:s0+$0x10680]  }
0x475: {  	v21 =	vld [tilespmem:s0+$0x10780]  }
0x476: {  	v22 =	vld [tilespmem:s0+$0x10880]  }
0x477: {  	v23 =	vld [tilespmem:s0+$0x10980]  }
0x478: {  	v24 =	vld [tilespmem:s0+$0x10A80]  }
0x479: {  	v25 =	vld [tilespmem:s0+$0x10B80]  }
0x47a: {  	v26 =	vld [tilespmem:s0+$0x10C80]  }
0x47b: {  	v27 =	vld [tilespmem:s0+$0x10D80]  }
0x47c: {  	v28 =	vld [tilespmem:s0+$0x10E80]  }
0x47d: {  	s26 =	sand.u32 $0xF0, s26;
	v29 =	vld [tilespmem:s0+$0x10F80]  }
0x47e: {  	v30 =	vld [tilespmem:s26+$0x10180]  }
0x47f: {  	v32 =	vld [tilespmem:s26+$0x10280]  }
0x480: {  	v33 =	vld [tilespmem:s26+$0x10380]  }
0x481: {  	v34 =	vld [tilespmem:s26+$0x10480]  }
0x482: {  	v14 =	vadd.s32 v14, v15;
	v15 =	vld [tilespmem:s26+$0x10580]  }
0x483: {  	v62 =	vld [tilespmem:s26+$0x10680];
	v14 =	vadd.s32 v16, v14;
	v16 =	vadd.s32 v31, v30  }
0x484: {  	v14 =	vadd.s32 v17, v14;
	v16 =	vadd.s32 v32, v16;
	v17 =	vld [tilespmem:s26+$0x10780]  }
0x485: {  	v14 =	vadd.s32 v18, v14;
	v16 =	vadd.s32 v33, v16;
	v18 =	vld [tilespmem:s26+$0x10880]  }
0x486: {  	v14 =	vadd.s32 v19, v14;
	v16 =	vadd.s32 v34, v16;
	v19 =	vld [tilespmem:s26+$0x10980]  }
0x487: {  	v14 =	vadd.s32 v20, v14;
	v15 =	vadd.s32 v15, v16;
	v16 =	vld [tilespmem:s26+$0x10A80]  }
0x488: {  	v63 =	vld [tilespmem:s26+$0x10B80];
	v14 =	vadd.s32 v21, v14;
	v15 =	vadd.s32 v62, v15  }
0x489: {  	v14 =	vadd.s32 v22, v14;
	v15 =	vadd.s32 v17, v15;
	v17 =	vld [tilespmem:s26+$0x10C80]  }
0x48a: {  	v14 =	vadd.s32 v23, v14;
	v15 =	vadd.s32 v18, v15;
	v18 =	vld [tilespmem:s26+$0x10D80]  }
0x48b: {  	v10 =	vadd.s32 v10, v13;
	v13 =	vadd.s32 v24, v14;
	v14 =	vadd.s32 v19, v15;
	v15 =	vld [tilespmem:s26+$0x10E80]  }
0x48c: {  	v10 =	vadd.s32 v11, v10;
	v11 =	vadd.s32 v25, v13;
	v13 =	vadd.s32 v16, v14;
	v14 =	vld [tilespmem:s26+$0x10F80]  }
0x48d: {  	v8 =	vadd.s32 v8, v10;
	v10 =	vadd.s32 v26, v11;
	v11 =	vadd.s32 v63, v13  }
0x48e: {  	v8 =	vadd.s32 v9, v8;
	v9 =	vadd.s32 v27, v10;
	v10 =	vadd.s32 v17, v11  }
0x48f: {  	v8 =	vadd.s32 v12, v8;
	v9 =	vadd.s32 v28, v9;
	v10 =	vadd.s32 v18, v10  }
0x490: {  	(xrf0) =	vadd.scan.msk.s32 $0xffff, v8;
	v8 =	vadd.s32 v29, v9;
	v9 =	vadd.s32 v15, v10  }
0x491: {  	s24 =	sadd.s32 $0x1, s24;
	(xrf0) =	vadd.scan.msk.s32 $0xffff, v8;
	v8 =	vadd.s32 v14, v9  }
0x492: {  	v9 =	vadd.s32 s24, v4;
	(xrf0) =	vadd.scan.msk.s32 $0xffff, v8  }
0x493: {  	v8 =	vadd.s32 s25, v4;
	s25 =	sadd.s32 $0x1, s25  }
0x494: {  	v10 =	vadd.s32 s25, v4;
	_ =	sdelay $0x1  }
0x495: {  	v11, _, _ =	vpop (xrf0)  }
0x496: {  	[tilespmem:v9+s13+$0x0] =	vst.idx.msk $0xffff, v11;
	v12, _, _ =	vpop (xrf0)  }
0x497: {  	[tilespmem:v8+s13+$0x0] =	vst.idx.msk $0xffff, v12;
	v8, _, _ =	vpop (xrf0)  }
0x498: {  	[tilespmem:v10+s13+$0x0] =	vst.idx.msk $0xffff, v8  }
0x499: {  	v8 =	vld.idx.msk [tilespmem:v5+s13+$0x0], $0xffff;
	_ =	sdelay $0x1  }
0x49a: {  	s28 =	simm.s32 $0x0  }
0x49b: {  	s26 =	simm.s32 $0x11;
	v16 =	vadd.s32 s28, v0  }
0x49c: {  	v11 =	vadd.s32 s26, v0  }
0x49d: {  	(xrf0) =	vadd.scan.msk.s32 $0xffff, v8;
	_ =	sdelay $0x2  }
0x49e: {  	v16 =	vld.idx.msk [tilespmem:v16+s13+$0x0], $0xffff  }
0x49f: {  	s30 =	simm.s32 $0x33;
	v14 =	vld.idx.msk [tilespmem:v11+s13+$0x0], $0xffff  }
0x4a0: {  	s31 =	simm.s32 $0x22;
	v15 =	vadd.s32 s30, v0  }
0x4a1: {  	s29 =	ssub.s32 s22, s21;
	v13 =	vadd.s32 s31, v0;
	v12 =	vimm.s32 $0x7FFFFFFF;
	v10 =	vimm.s32 $0x0;
	v9, _, _ =	vpop (xrf0)  }
0x4a2: {  	s24 =	simm.s32 $0x2;
	s25 =	simm.s32 $0x55;
	v11 =	vimm.s32 $0x0;
	v9 =	vsub.s32 v9, v8;
	v8 =	vmov s29  }
.LBB2_70:
0x4a3: {  	s0 =	sadd.s32 $0xFFFFFFEF, s25;
	v17 =	vadd.s32 s25, v0  }
0x4a4: {  	v19 =	vadd.s32 v9, v16;
	v20 =	vadd.s32 v9, v14;
	s24 =	sadd.s32 $0x2, s24;
	v18 =	vadd.s32 s0, v0  }
0x4a5: {  	vm0 =	vle.s32 v19, v8;
	vm1 =	vlt.s32 v12, v19;
	vm2 =	vle.s32 v20, v8;
	p3 =	slt.u32 s24, $0xE;
	v14 =	vld.idx.msk [tilespmem:v15+s13+$0x0], $0xffff  }
.Ltmp39:
0x4a6: {  	v21 =	vnsel vm0, $0x0, v19;
	v19 =	vsel vm1, v12, v19;
	v22 =	vmpcnt.ones.xlane vm2;
	v15 =	vmovc v17;
	v16 =	vld.idx.msk [tilespmem:v13+s13+$0x0], $0xffff;
	v13 =	vmovc v18;
	(pc) =	sbr.rel @p3 .LBB2_70-.Ltmp39, $4  }
0x4a7: {  	v17 =	vmpcnt.ones.xlane vm0;
	vm1 =	vgt.s32 v10, v21;
	v12 =	vsel vm0, v12, v19  }
0x4a8: {  	v18 =	vnsel vm2, $0x0, v20;
	v10 =	vsel vm1, v10, v21;
	vm0 =	vlt.s32 v12, v20  }
0x4a9: {  	v11 =	vadd.s32 v11, v17;
	vm1 =	vgt.s32 v10, v18;
	v17 =	vsel vm0, v12, v20  }
0x4aa: {  	s25 =	sadd.s32 $0x22, s25;
	v11 =	vadd.s32 v22, v11;
	v10 =	vsel vm1, v10, v18;
	v12 =	vsel vm2, v12, v17  }
0x4ab: {  	_ =	sdelay $0x2  }
0x4ac: {  	v16 =	vadd.s32 v9, v16  }
0x4ad: {  	v14 =	vadd.s32 v9, v14;
	v13 =	vld.idx.msk [tilespmem:v13+s13+$0x0], $0xffff;
	vm0 =	vle.s32 v16, v8;
	vm1 =	vlt.s32 v12, v16  }
0x4ae: {  	v15 =	vld.idx.msk [tilespmem:v15+s13+$0x0], $0xffff;
	vm2 =	vle.s32 v14, v8;
	v17 =	vnsel vm0, $0x0, v16;
	v16 =	vsel vm1, v12, v16  }
0x4af: {  	v18 =	vmpcnt.ones.xlane vm2;
	v19 =	vmpcnt.ones.xlane vm0;
	vm11 =	vgt.s32 v10, v17  }
0x4b0: {  	v61 =	vnsel vm2, $0x0, v14;
	v12 =	vsel vm0, v12, v16;
	v10 =	vsel vm11, v10, v17  }
0x4b1: {  	vm0 =	vlt.s32 v12, v14;
	v11 =	vadd.s32 v11, v19;
	vm1 =	vgt.s32 v10, v61  }
0x4b2: {  	s24 =	simm.s32 $0x100C0;
	v14 =	vsel vm0, v12, v14;
	v11 =	vadd.s32 v18, v11;
	v13 =	vadd.s32 v9, v13  }
0x4b3: {  	[tilespmem:s24+$0xFFFFFFC0] =	vst v1;
	v9 =	vadd.s32 v9, v15;
	v10 =	vsel vm1, v10, v61;
	v12 =	vsel vm2, v12, v14  }
0x4b4: {  	[tilespmem:s24+$0x30] =	vst v1;
	vm12 =	vle.s32 v13, v8;
	vm14 =	vle.s32 v9, v8;
	vm13 =	vlt.s32 v12, v13  }
0x4b5: {  	[tilespmem:s24+$0x20] =	vst v1;
	v8 =	vnsel vm12, $0x0, v13;
	v62 =	vmpcnt.ones.xlane vm14;
	v13 =	vsel vm13, v12, v13  }
0x4b6: {  	[tilespmem:s24+$0x10] =	vst v1;
	v63 =	vmpcnt.ones.xlane vm12;
	vm15 =	vgt.s32 v10, v8;
	v12 =	vsel vm12, v12, v13  }
0x4b7: {  	[tilespmem:s24+$0x0] =	vst v1;
	v8 =	vsel vm15, v10, v8;
	v10 =	vnsel vm14, $0x0, v9;
	vm0 =	vlt.s32 v12, v9  }
0x4b8: {  	[tilespmem:s24+$0xFFFFFFF0] =	vst v1;
	v11 =	vadd.s32 v11, v63;
	vm1 =	vgt.s32 v8, v10;
	v13 =	vsel vm0, v12, v9  }
0x4b9: {  	s25 =	simm.s32 $0x0;
	[tilespmem:s24+$0xFFFFFFE0] =	vst v1;
	v9 =	vadd.s32 v62, v11;
	v8 =	vsel vm1, v8, v10;
	v10 =	vsel vm14, v12, v13  }
.LBB2_72:
0x4ba: {  	s25 =	sadd.s32 $0x8, s25;
	[tilespmem:s24+$0xFFFFFFD0] =	vst v1;
	s24 =	sadd.s32 $0x80, s24  }
0x4bb: {  	[tilespmem:s24+$0xFFFFFFC0] =	vst v1;
	p3 =	slt.u32 s25, $0xF8  }
0x4bc: {  	[tilespmem:s24+$0x30] =	vst v1  }
.Ltmp40:
0x4bd: {  	[tilespmem:s24+$0x20] =	vst v1;
	(pc) =	sbr.rel @p3 .LBB2_72-.Ltmp40, $4  }
0x4be: {  	[tilespmem:s24+$0x10] =	vst v1  }
0x4bf: {  	[tilespmem:s24+$0x0] =	vst v1  }
0x4c0: {  	[tilespmem:s24+$0xFFFFFFF0] =	vst v1  }
0x4c1: {  	[tilespmem:s24+$0xFFFFFFE0] =	vst v1  }
0x4c2: {  	v9 =	vxor.u32 $0x80000000, v9  }
0x4c3: {  	v63 =	vxor.u32 $0x80000000, v10;
	(xrf0) =	vmax.scan.msk.u32 $0xffff, v9  }
0x4c4: {  	v8 =	vxor.u32 $0x80000000, v8;
	(xrf0) =	vmin.scan.msk.u32 $0xffff, v63  }
0x4c5: {  	(xrf0) =	vmax.scan.msk.u32 $0xffff, v8;
	_ =	sdelay $0x3  }
0x4c6: {  	v8, _, _ =	vpop (xrf0)  }
0x4c7: {  	v9, _, _ =	vpop (xrf0);
	(v2sf) =	vpush v8, $0xF  }
0x4c8: {  	(v2sf) =	vpush v9, $0xF;
	v8, _, _ =	vpop (xrf0)  }
0x4c9: {  	(v2sf) =	vpush v8, $0xF;
	_ =	sdelay $0xa  }
.Ltmp41:
0x4ca: {  	_ = 	snop;
	(pc) =	sbr.rel @p1 .LBB2_80-.Ltmp41, $4  }
0x4cb: {  	_ = 	snop  }
0x4cc: {  	s0 =	spop (v2sf)  }
0x4cd: {  	[tilespmem:s24+$0xFFFFFFD0] =	vst v1;
	s23 =	sshll.u32 s23, $0x8;
	s24 =	spop (v2sf);
	s0 =	sxor.u32 $0x80000000, s0  }
0x4ce: {  	s25 =	spop (v2sf);
	s23 =	sor.u32 s23, s0  }
0x4cf: {  	s28 =	simm.s32 $0x8010  }
0x4d0: {  	v9 =	vld [tilespmem:s28+$0x0];
	_ =	sdelay $0x1  }
0x4d1: {  	p4 =	sgt.s32 s18, $0x2;
	v11 =	vld [tilespmem:s28+$0xFFFFFFF0]  }
.Ltmp42:
0x4d2: {  	_ = 	snop;
	(pc) =	sbr.rel @!p4 .LBB2_75-.Ltmp42, $3  }
0x4d3: {  	_ = 	snop  }
0x4d4: {  	v10 =	vadd.f32 $0.0e+00, v9;
	_ =	sdelay $0x1  }
0x4d5: {  	v8 =	vmov s23;
	s26 =	simm.s32 $0x10;
	p3 =	por $0x0, $0x0;
	s28 =	simm.s32 $0x8030;
	v12 =	vadd.f32 $0.0e+00, v11;
	v13 =	vshra.s32 v10, $0x1F  }
0x4d6: {  	_ = 	snop  }
0x4d7: {  	v9 =	vld [tilespmem:s28+$0x0];
	v13 =	vand.u32 $0x7FFFFFFF, v13;
	v11 =	vshra.s32 v12, $0x1F  }
0x4d8: {  	v14 =	vld [tilespmem:s28+$0xFFFFFFF0];
	v10 =	vxor.u32 v10, v13;
	v11 =	vand.u32 $0x7FFFFFFF, v11  }
0x4d9: {  	s0 =	simm.s32 $0x0;
	p4 =	sgt.s32 s18, $0x4;
	v13 =	vshra.s32 v10, $0x8;
	v11 =	vxor.u32 v12, v11;
	v12 =	vor.u32 s26, v0  }
.Ltmp43:
0x4da: {  	vm1 =	veq.s32 v13, v8;
	v13 =	vor.u32 s0, v0;
	vm0 =	vlt.s32 v12, v7;
	(pc) =	sbr.rel @!p4 .LBB2_77-.Ltmp43, $4  }
0x4db: {  	v15 =	vshra.s32 v11, $0x8;
	v12 =	vand.u32 $0xFF, v10;
	vm0 =	vmand vm0, vm1  }
0x4dc: {  	vm2 =	vlt.s32 v13, v7;
	v10 =	vadd.f32 $0.0e+00, v9;
	v9 =	vor.u32 v6, v12  }
0x4dd: {  	s29 =	simm.s32 $0x4;
	v11 =	vand.u32 $0xFF, v11;
	vm1 =	veq.s32 v15, v8;
	v12 =	vadd.f32 $0.0e+00, v14  }
0x4de: {  	s30 =	simm.s32 $0x8050;
	p3 =	por $0x1, $0x1;
	s28 =	simm.s32 $0x10;
	v11 =	vor.u32 v6, v11;
	vm1 =	vmand vm2, vm1;
	v13 =	vshra.s32 v10, $0x1F  }
.LBB2_78:
0x4df: {  	v14 =	vld [tilespmem:s30+$0x0];
	s29 =	sadd.s32 $0x2, s29;
	v15 =	vshra.s32 v12, $0x1F;
	v13 =	vand.u32 $0x7FFFFFFF, v13  }
0x4e0: {  	s28 =	sadd.s32 $0x20, s28;
	v16 =	vld [tilespmem:s30+$0xFFFFFFF0];
	p4 =	slt.s32 s29, s18;
	v15 =	vand.u32 $0x7FFFFFFF, v15;
	v10 =	vxor.u32 v10, v13  }
0x4e1: {  	s0 =	sadd.s32 $0xFFFFFFF0, s28;
	v13 =	vxor.u32 v12, v15;
	v12 =	vor.u32 s28, v0;
	v15 =	vshra.s32 v10, $0x8;
	[tilespmem:v9+s12+$0x0] =	vst.idx.add.s32.msk vm0, v3  }
.Ltmp44:
0x4e2: {  	v9 =	vshra.s32 v13, $0x8;
	vm0 =	vlt.s32 v12, v7;
	vm2 =	veq.s32 v15, v8;
	(pc) =	sbr.rel @p4 .LBB2_78-.Ltmp44, $4  }
0x4e3: {  	v15 =	vor.u32 s0, v0;
	v12 =	vand.u32 $0xFF, v10;
	vm0 =	vmand vm0, vm2  }
0x4e4: {  	vm2 =	veq.s32 v9, v8;
	v9 =	vor.u32 v6, v12;
	v10 =	vadd.f32 $0.0e+00, v14;
	[tilespmem:v11+s12+$0x0] =	vst.idx.add.s32.msk vm1, v3  }
0x4e5: {  	vm1 =	vlt.s32 v15, v7;
	v11 =	vand.u32 $0xFF, v13;
	v12 =	vadd.f32 $0.0e+00, v16  }
0x4e6: {  	s30 =	sadd.s32 $0x20, s30;
	vm1 =	vmand vm1, vm2;
	v11 =	vor.u32 v6, v11;
	v13 =	vshra.s32 v10, $0x1F  }
.LBB2_79:
0x4e7: {  	v13 =	vand.u32 $0x7FFFFFFF, v13;
	s0 =	sadd.s32 @p3 $0x20, s28  }
0x4e8: {  	v14 =	vshra.s32 v12, $0x1F;
	v10 =	vxor.u32 v10, v13;
	s26 =	smov.u32 @p3 s0  }
0x4e9: {  	v59 =	vand.u32 $0x7FFFFFFF, v14;
	v60 =	vor.u32 s26, v0;
	v15 =	vshra.s32 v10, $0x8  }
0x4ea: {  	v61 =	vxor.u32 v12, v59;
	s0 =	sadd.s32 $0xFFFFFFF0, s26;
	vm2 =	vlt.s32 v60, v7;
	vm3 =	veq.s32 v15, v8  }
0x4eb: {  	v13 =	vshra.s32 v61, $0x8;
	v62 =	vor.u32 s0, v0;
	vm2 =	vmand vm2, vm3  }
0x4ec: {  	vm15 =	veq.s32 v13, v8;
	v8 =	vand.u32 $0xFF, v10;
	vm4 =	vlt.s32 v62, v7  }
0x4ed: {  	v63 =	vand.u32 $0xFF, v61;
	vm3 =	vmand vm4, vm15;
	v8 =	vor.u32 v6, v8  }
0x4ee: {  	v10 =	vor.u32 v6, v63;
	_ =	sdelay $0x1  }
0x4ef: {  	[tilespmem:v9+s12+$0x0] =	vst.idx.add.s32.msk @p3 vm0, v3  }
0x4f0: {  	[tilespmem:v11+s12+$0x0] =	vst.idx.add.s32.msk @p3 vm1, v3  }
0x4f1: {  	[tilespmem:v8+s12+$0x0] =	vst.idx.add.s32.msk vm2, v3  }
0x4f2: {  	[tilespmem:v10+s12+$0x0] =	vst.idx.add.s32.msk vm3, v3  }
.LBB2_80:
0x4f3: {  	v8 =	vld @p2 [tilespmem:s20+$0x8000];
	_ =	sdelay $0x4  }
0x4f4: {  	v8 =	vadd.f32 @p2 $0.0e+00, v8;
	_ =	sdelay $0x1  }
0x4f5: {  	v9 =	vshra.s32 @p2 v8, $0x1F  }
0x4f6: {  	v9 =	vand.u32 @p2 $0x7FFFFFFF, v9  }
0x4f7: {  	v8 =	vxor.u32 @p2 v8, v9;
	v9 =	vlaneseq.u32 @p2  }
0x4f8: {  	v10 =	vor.u32 @p2 s20, v9;
	v11 =	vshra.s32 @p2 v8, $0x8  }
0x4f9: {  	v9 =	vmul.u32 @p2 $0x100, v9;
	vm0 =	vlt.s32 @p2 v10, v7;
	vm1 =	veq.s32 @p2 v11, s23  }
0x4fa: {  	v8 =	vand.u32 @p2 $0xFF, v8;
	vm0 =	vmand @p2 vm0, vm1  }
0x4fb: {  	v8 =	vor.u32 @p2 v9, v8;
	_ =	sdelay $0x2  }
0x4fc: {  	s0 =	sxor.u32 $0x80000000, s24;
	s25 =	sxor.u32 $0x80000000, s25  }
0x4fd: {  	s24 =	ssub.s32 s0, s22;
	s22 =	ssub.s32 s0, s25;
	s0 =	simm.s32 @p2 $0x10080;
	v9 =	vimm.s32 @p2 $0x1  }
0x4fe: {  	s29 =	simm.s32 $0x10090;
	s31 =	simm.s32 $0x0;
	[tilespmem:v8+s0+$0x0] =	vst.idx.add.s32.msk @p2 vm0, v9  }
0x4ff: {  	s0 =	sand.u32 $0xE0, s31;
	v8 =	vld [tilespmem:s29+$0xFFFFFFF0]  }
0x500: {  	v9 =	vld [tilespmem:s0+$0x10180]  }
0x501: {  	v10 =	vld [tilespmem:s0+$0x10280]  }
0x502: {  	v11 =	vld [tilespmem:s0+$0x10380]  }
0x503: {  	v12 =	vld [tilespmem:s0+$0x10480]  }
0x504: {  	v13 =	vld [tilespmem:s0+$0x10580]  }
0x505: {  	v14 =	vld [tilespmem:s0+$0x10680]  }
0x506: {  	s26 =	simm.s32 $0x10;
	v15 =	vld [tilespmem:s0+$0x10780]  }
0x507: {  	s26 =	sand.u32 $0xF0, s26;
	v16 =	vld [tilespmem:s0+$0x10880]  }
0x508: {  	v62 =	vld [tilespmem:s26+$0x10180];
	v8 =	vadd.s32 v8, v9  }
0x509: {  	v9 =	vld [tilespmem:s0+$0x10980];
	v8 =	vadd.s32 v10, v8  }
0x50a: {  	v10 =	vld [tilespmem:s0+$0x10A80];
	v8 =	vadd.s32 v11, v8  }
0x50b: {  	v11 =	vld [tilespmem:s0+$0x10B80];
	v8 =	vadd.s32 v12, v8  }
0x50c: {  	v12 =	vld [tilespmem:s0+$0x10C80];
	v8 =	vadd.s32 v13, v8  }
0x50d: {  	v13 =	vld [tilespmem:s0+$0x10D80];
	v8 =	vadd.s32 v14, v8  }
0x50e: {  	v14 =	vld [tilespmem:s0+$0x10E80];
	v8 =	vadd.s32 v15, v8  }
0x50f: {  	v15 =	vld [tilespmem:s0+$0x10F80];
	v8 =	vadd.s32 v16, v8  }
0x510: {  	v8 =	vadd.s32 v9, v8;
	v9 =	vld [tilespmem:s29+$0x0]  }
0x511: {  	v8 =	vadd.s32 v10, v8;
	v10 =	vld [tilespmem:s26+$0x10280]  }
0x512: {  	v8 =	vadd.s32 v11, v8;
	v11 =	vld [tilespmem:s26+$0x10380]  }
0x513: {  	v8 =	vadd.s32 v12, v8;
	v12 =	vld [tilespmem:s26+$0x10480]  }
0x514: {  	v8 =	vadd.s32 v13, v8;
	v13 =	vld [tilespmem:s26+$0x10580]  }
0x515: {  	v8 =	vadd.s32 v14, v8;
	v9 =	vadd.s32 v9, v62;
	v14 =	vld [tilespmem:s26+$0x10680]  }
0x516: {  	v8 =	vadd.s32 v15, v8;
	v9 =	vadd.s32 v10, v9;
	v15 =	vld [tilespmem:s26+$0x10780]  }
0x517: {  	(xrf0) =	vadd.scan.msk.s32 $0xffff, v8;
	v8 =	vadd.s32 v11, v9;
	v9 =	vld [tilespmem:s26+$0x10880]  }
0x518: {  	s20 =	sadd.s32 s21, s24;
	s21 =	simm.s32 $0x0;
	v8 =	vadd.s32 v12, v8;
	v12 =	vld [tilespmem:s26+$0x10980]  }
0x519: {  	v63 =	vadd.s32 s21, v4;
	v8 =	vadd.s32 v13, v8;
	v13 =	vld [tilespmem:s26+$0x10A80]  }
0x51a: {  	v10 =	vld [tilespmem:s26+$0x10B80];
	v8 =	vadd.s32 v14, v8  }
0x51b: {  	v11 =	vld [tilespmem:s26+$0x10C80];
	v8 =	vadd.s32 v15, v8  }
0x51c: {  	v9 =	vadd.s32 v9, v8;
	v8 =	vld [tilespmem:s26+$0x10D80]  }
0x51d: {  	s30 =	simm.s32 $0x20;
	s28 =	simm.s32 $0x4;
	v14, _, _ =	vpop (xrf0);
	v12 =	vadd.s32 v12, v9;
	v9 =	vld [tilespmem:s26+$0x10E80]  }
0x51e: {  	s25 =	simm.s32 $0x30;
	s24 =	simm.s32 $0x2;
	[tilespmem:v63+s13+$0x0] =	vst.idx.msk $0xffff, v14;
	v13 =	vadd.s32 v13, v12;
	v12 =	vld [tilespmem:s26+$0x10F80];
	s26 =	simm.s32 $0x100B0  }
.LBB2_81:
0x51f: {  	p2 =	slt.u32 s28, $0xE;
	v14 =	vld [tilespmem:s26+$0xFFFFFFF0];
	s0 =	sand.u32 $0xE0, s30;
	s29 =	sand.u32 $0xF0, s25;
	v10 =	vadd.s32 v10, v13  }
0x520: {  	v13 =	vld [tilespmem:s0+$0x10180];
	v10 =	vadd.s32 v11, v10  }
0x521: {  	v11 =	vld [tilespmem:s0+$0x10280];
	v8 =	vadd.s32 v8, v10  }
0x522: {  	v10 =	vld [tilespmem:s0+$0x10380];
	v8 =	vadd.s32 v9, v8  }
0x523: {  	v9 =	vld [tilespmem:s0+$0x10480];
	v8 =	vadd.s32 v12, v8  }
0x524: {  	v12 =	vld [tilespmem:s0+$0x10580];
	(xrf0) =	vadd.scan.msk.s32 $0xffff, v8  }
0x525: {  	s30 =	sadd.s32 $0x1, s21;
	s21 =	smov.u32 s24;
	s24 =	smov.u32 s28;
	v8 =	vadd.s32 v14, v13;
	v13 =	vld [tilespmem:s0+$0x10680]  }
0x526: {  	v14 =	vadd.s32 s30, v4;
	v8 =	vadd.s32 v11, v8;
	v11 =	vld [tilespmem:s0+$0x10780]  }
0x527: {  	v8 =	vadd.s32 v10, v8;
	v10 =	vld [tilespmem:s0+$0x10880]  }
0x528: {  	v8 =	vadd.s32 v9, v8;
	v9 =	vld [tilespmem:s0+$0x10980]  }
0x529: {  	v8 =	vadd.s32 v12, v8;
	v12 =	vld [tilespmem:s0+$0x10A80]  }
0x52a: {  	v8 =	vadd.s32 v13, v8;
	v13 =	vld [tilespmem:s0+$0x10B80];
	v15, _, _ =	vpop (xrf0)  }
0x52b: {  	v8 =	vadd.s32 v11, v8;
	v11 =	vld [tilespmem:s0+$0x10C80];
	[tilespmem:v14+s13+$0x0] =	vst.idx.msk $0xffff, v15  }
0x52c: {  	v8 =	vadd.s32 v10, v8;
	v10 =	vld [tilespmem:s0+$0x10D80]  }
0x52d: {  	v8 =	vadd.s32 v9, v8;
	v9 =	vld [tilespmem:s0+$0x10E80]  }
0x52e: {  	v8 =	vadd.s32 v12, v8;
	v12 =	vld [tilespmem:s0+$0x10F80]  }
0x52f: {  	v8 =	vadd.s32 v13, v8;
	v13 =	vld [tilespmem:s29+$0x10180]  }
0x530: {  	v8 =	vadd.s32 v11, v8;
	v11 =	vld [tilespmem:s26+$0x0]  }
0x531: {  	v8 =	vadd.s32 v10, v8;
	v10 =	vld [tilespmem:s29+$0x10280]  }
0x532: {  	v8 =	vadd.s32 v9, v8;
	v9 =	vld [tilespmem:s29+$0x10380]  }
0x533: {  	v8 =	vadd.s32 v12, v8;
	v12 =	vld [tilespmem:s29+$0x10480]  }
0x534: {  	v14 =	vld [tilespmem:s29+$0x10580];
	(xrf0) =	vadd.scan.msk.s32 $0xffff, v8  }
0x535: {  	v8 =	vadd.s32 v11, v13;
	v11 =	vld [tilespmem:s29+$0x10680]  }
0x536: {  	v13 =	vadd.s32 s21, v4;
	v8 =	vadd.s32 v10, v8;
	v15 =	vld [tilespmem:s29+$0x10780]  }
0x537: {  	v8 =	vadd.s32 v9, v8;
	v9 =	vld [tilespmem:s29+$0x10880]  }
0x538: {  	v8 =	vadd.s32 v12, v8;
	v12 =	vld [tilespmem:s29+$0x10980]  }
0x539: {  	v8 =	vadd.s32 v14, v8;
	v14 =	vld [tilespmem:s29+$0x10A80]  }
.Ltmp45:
0x53a: {  	v8 =	vadd.s32 v11, v8;
	v10 =	vld [tilespmem:s29+$0x10B80];
	v11, _, _ =	vpop (xrf0);
	(pc) =	sbr.rel @p2 .LBB2_81-.Ltmp45, $4  }
0x53b: {  	[tilespmem:v13+s13+$0x0] =	vst.idx.msk $0xffff, v11;
	v8 =	vadd.s32 v15, v8;
	v11 =	vld [tilespmem:s29+$0x10C80]  }
0x53c: {  	v9 =	vadd.s32 v9, v8;
	v8 =	vld [tilespmem:s29+$0x10D80]  }
0x53d: {  	s25 =	sadd.s32 $0x20, s25;
	v12 =	vadd.s32 v12, v9;
	v9 =	vld [tilespmem:s29+$0x10E80]  }
0x53e: {  	s28 =	sadd.s32 $0x2, s28;
	s30 =	sadd.s32 $0xFFFFFFF0, s25;
	s26 =	sadd.s32 $0x20, s26;
	v13 =	vadd.s32 v14, v12;
	v12 =	vld [tilespmem:s29+$0x10F80]  }
0x53f: {  	v14 =	vld [tilespmem:s26+$0xFFFFFFF0]  }
0x540: {  	s0 =	sand.u32 $0xE0, s30;
	v31 =	vld [tilespmem:s26+$0x0]  }
0x541: {  	v15 =	vld [tilespmem:s0+$0x10180]  }
0x542: {  	v16 =	vld [tilespmem:s0+$0x10280]  }
0x543: {  	v17 =	vld [tilespmem:s0+$0x10380]  }
0x544: {  	v18 =	vld [tilespmem:s0+$0x10480]  }
0x545: {  	v19 =	vld [tilespmem:s0+$0x10580]  }
0x546: {  	v20 =	vld [tilespmem:s0+$0x10680]  }
0x547: {  	v21 =	vld [tilespmem:s0+$0x10780]  }
0x548: {  	v22 =	vld [tilespmem:s0+$0x10880]  }
0x549: {  	v23 =	vld [tilespmem:s0+$0x10980]  }
0x54a: {  	v24 =	vld [tilespmem:s0+$0x10A80]  }
0x54b: {  	v25 =	vld [tilespmem:s0+$0x10B80]  }
0x54c: {  	v26 =	vld [tilespmem:s0+$0x10C80]  }
0x54d: {  	v27 =	vld [tilespmem:s0+$0x10D80]  }
0x54e: {  	v28 =	vld [tilespmem:s0+$0x10E80]  }
0x54f: {  	s25 =	sand.u32 $0xF0, s25;
	v29 =	vld [tilespmem:s0+$0x10F80]  }
0x550: {  	v30 =	vld [tilespmem:s25+$0x10180]  }
0x551: {  	v32 =	vld [tilespmem:s25+$0x10280]  }
0x552: {  	v33 =	vld [tilespmem:s25+$0x10380]  }
0x553: {  	v34 =	vld [tilespmem:s25+$0x10480]  }
0x554: {  	v14 =	vadd.s32 v14, v15;
	v15 =	vld [tilespmem:s25+$0x10580]  }
0x555: {  	v63 =	vld [tilespmem:s25+$0x10680];
	v14 =	vadd.s32 v16, v14;
	v16 =	vadd.s32 v31, v30  }
0x556: {  	v14 =	vadd.s32 v17, v14;
	v16 =	vadd.s32 v32, v16;
	v17 =	vld [tilespmem:s25+$0x10780]  }
0x557: {  	v14 =	vadd.s32 v18, v14;
	v16 =	vadd.s32 v33, v16;
	v18 =	vld [tilespmem:s25+$0x10880]  }
0x558: {  	v14 =	vadd.s32 v19, v14;
	v16 =	vadd.s32 v34, v16;
	v19 =	vld [tilespmem:s25+$0x10980]  }
0x559: {  	v14 =	vadd.s32 v20, v14;
	v15 =	vadd.s32 v15, v16;
	v16 =	vld [tilespmem:s25+$0x10A80]  }
0x55a: {  	v20 =	vld [tilespmem:s25+$0x10B80];
	v14 =	vadd.s32 v21, v14;
	v15 =	vadd.s32 v63, v15  }
0x55b: {  	v14 =	vadd.s32 v22, v14;
	v15 =	vadd.s32 v17, v15;
	v17 =	vld [tilespmem:s25+$0x10C80]  }
0x55c: {  	v14 =	vadd.s32 v23, v14;
	v15 =	vadd.s32 v18, v15;
	v18 =	vld [tilespmem:s25+$0x10D80]  }
0x55d: {  	v10 =	vadd.s32 v10, v13;
	v13 =	vadd.s32 v24, v14;
	v14 =	vadd.s32 v19, v15;
	v15 =	vld [tilespmem:s25+$0x10E80]  }
0x55e: {  	v10 =	vadd.s32 v11, v10;
	v11 =	vadd.s32 v25, v13;
	v13 =	vadd.s32 v16, v14;
	v14 =	vld [tilespmem:s25+$0x10F80]  }
0x55f: {  	v8 =	vadd.s32 v8, v10;
	v10 =	vadd.s32 v26, v11;
	v11 =	vadd.s32 v20, v13  }
0x560: {  	v8 =	vadd.s32 v9, v8;
	v9 =	vadd.s32 v27, v10;
	v10 =	vadd.s32 v17, v11  }
0x561: {  	v8 =	vadd.s32 v12, v8;
	v9 =	vadd.s32 v28, v9;
	v10 =	vadd.s32 v18, v10  }
0x562: {  	(xrf0) =	vadd.scan.msk.s32 $0xffff, v8;
	v8 =	vadd.s32 v29, v9;
	v9 =	vadd.s32 v15, v10  }
0x563: {  	s30 =	sadd.s32 $0x1, s21;
	(xrf0) =	vadd.scan.msk.s32 $0xffff, v8;
	v8 =	vadd.s32 v14, v9  }
0x564: {  	v9 =	vadd.s32 s30, v4;
	(xrf0) =	vadd.scan.msk.s32 $0xffff, v8  }
0x565: {  	s31 =	sadd.s32 $0x1, s24;
	v8 =	vadd.s32 s24, v4  }
0x566: {  	v10 =	vadd.s32 s31, v4;
	_ =	sdelay $0x1  }
0x567: {  	v11, _, _ =	vpop (xrf0)  }
0x568: {  	[tilespmem:v9+s13+$0x0] =	vst.idx.msk $0xffff, v11;
	v12, _, _ =	vpop (xrf0)  }
0x569: {  	[tilespmem:v8+s13+$0x0] =	vst.idx.msk $0xffff, v12;
	v8, _, _ =	vpop (xrf0)  }
0x56a: {  	[tilespmem:v10+s13+$0x0] =	vst.idx.msk $0xffff, v8  }
0x56b: {  	v8 =	vld.idx.msk [tilespmem:v5+s13+$0x0], $0xffff;
	_ =	sdelay $0x2  }
0x56c: {  	s21 =	simm.s32 $0x0  }
0x56d: {  	v9 =	vadd.s32 s21, v0  }
0x56e: {  	(xrf0) =	vadd.scan.msk.s32 $0xffff, v8  }
0x56f: {  	s24 =	simm.s32 $0x11  }
0x570: {  	v10 =	vadd.s32 s24, v0;
	_ =	sdelay $0x1  }
0x571: {  	v9 =	vld.idx.msk [tilespmem:v9+s13+$0x0], $0xffff  }
0x572: {  	s25 =	simm.s32 $0x22  }
0x573: {  	s26 =	simm.s32 $0x44;
	v12 =	vadd.s32 s25, v0;
	v11, _, _ =	vpop (xrf0)  }
0x574: {  	s28 =	simm.s32 $0x33;
	v14 =	vld.idx.msk [tilespmem:v10+s13+$0x0], $0xffff;
	v8 =	vsub.s32 v11, v8;
	v11 =	vadd.s32 s26, v0  }
0x575: {  	v17 =	vadd.s32 s28, v0  }
0x576: {  	s29 =	ssub.s32 s22, s20;
	v15 =	vimm.s32 $0x7FFFFFFF;
	v13 =	vadd.s32 v8, v9  }
0x577: {  	v9 =	vmov s29;
	vm0 =	vlt.s32 v15, v13  }
0x578: {  	s30 =	simm.s32 $0x66;
	vm1 =	vle.s32 v13, v9;
	v16 =	vsel vm0, v15, v13;
	v13 =	vld.idx.msk [tilespmem:v12+s13+$0x0], $0xffff  }
0x579: {  	s31 =	simm.s32 $0x55;
	v10 =	vadd.s32 s30, v0;
	v20 =	vadd.s32 v8, v14;
	v11 =	vld.idx.msk [tilespmem:v11+s13+$0x0], $0xffff  }
0x57a: {  	v14 =	vld.idx.msk [tilespmem:v17+s13+$0x0], $0xffff;
	v19 =	vmpcnt.ones.xlane vm1;
	v12 =	vadd.s32 s31, v0;
	v16 =	vsel vm1, v15, v16  }
0x57b: {  	v18 =	vimm.s32 $0x0;
	vm0 =	vle.s32 v20, v9;
	vm1 =	vlt.s32 v16, v20  }
0x57c: {  	s21 =	simm.s32 $0x77;
	s25 =	simm.s32 $0x99;
	s24 =	simm.s32 $0x6;
	v17 =	vmpcnt.ones.xlane vm0;
	v15 =	vadd.s32 v18, v19;
	v18 =	vsel vm1, v16, v20  }
.LBB2_83:
0x57d: {  	s24 =	sadd.s32 $0x2, s24  }
0x57e: {  	s0 =	sadd.s32 $0xFFFFFFEF, s25;
	v19 =	vadd.s32 v8, v13;
	v16 =	vsel vm0, v16, v18;
	v13 =	vmov v11;
	v11 =	vld.idx.msk [tilespmem:v10+s13+$0x0], $0xffff;
	p2 =	slt.u32 s24, $0xE  }
.Ltmp46:
0x57f: {  	v10 =	vadd.s32 s0, v0;
	vm0 =	vlt.s32 v16, v19;
	v15 =	vadd.s32 v17, v15;
	v17 =	vmovc v14;
	v14 =	vld.idx.msk [tilespmem:v12+s13+$0x0], $0xffff;
	(pc) =	sbr.rel @p2 .LBB2_83-.Ltmp46, $4  }
0x580: {  	v12 =	vadd.s32 s21, v0;
	vm1 =	vle.s32 v19, v9;
	s21 =	smov.u32 s25;
	v18 =	vsel vm0, v16, v19  }
0x581: {  	v19 =	vmpcnt.ones.xlane vm1;
	v16 =	vsel vm1, v16, v18;
	v18 =	vadd.s32 v8, v17  }
0x582: {  	vm0 =	vle.s32 v18, v9;
	vm1 =	vlt.s32 v16, v18  }
0x583: {  	s25 =	sadd.s32 $0x22, s25;
	v15 =	vadd.s32 v15, v19;
	v17 =	vmpcnt.ones.xlane vm0;
	v18 =	vsel vm1, v16, v18  }
0x584: {  	v13 =	vadd.s32 v8, v13;
	v16 =	vsel vm0, v16, v18  }
0x585: {  	vm0 =	vlt.s32 v16, v13  }
0x586: {  	vm1 =	vle.s32 v13, v9;
	v13 =	vsel vm0, v16, v13  }
0x587: {  	v54 =	vadd.s32 s21, v0;
	v14 =	vadd.s32 v8, v14;
	v13 =	vsel vm1, v16, v13  }
0x588: {  	v12 =	vld.idx.msk [tilespmem:v12+s13+$0x0], $0xffff;
	vm8 =	vlt.s32 v13, v14  }
0x589: {  	v10 =	vld.idx.msk [tilespmem:v10+s13+$0x0], $0xffff;
	vm9 =	vle.s32 v14, v9;
	v16 =	vsel vm8, v13, v14  }
0x58a: {  	v11 =	vadd.s32 v8, v11;
	v13 =	vsel vm9, v13, v16  }
0x58b: {  	v15 =	vadd.s32 v17, v15;
	vm11 =	vle.s32 v11, v9;
	vm10 =	vlt.s32 v13, v11  }
0x58c: {  	v55 =	vmpcnt.ones.xlane vm1;
	v56 =	vmpcnt.ones.xlane vm9;
	v57 =	vld.idx.msk [tilespmem:v54+s13+$0x0], $0xffff;
	v11 =	vsel vm10, v13, v11  }
0x58d: {  	v58 =	vmpcnt.ones.xlane vm11;
	v12 =	vadd.s32 v8, v12;
	v11 =	vsel vm11, v13, v11  }
0x58e: {  	v14 =	vadd.s32 v15, v55;
	v10 =	vadd.s32 v8, v10;
	vm0 =	vlt.s32 v11, v12  }
0x58f: {  	v59 =	vadd.s32 v56, v14;
	vm12 =	vle.s32 v12, v9;
	v12 =	vsel vm0, v11, v12  }
0x590: {  	vm14 =	vle.s32 v10, v9;
	v60 =	vmpcnt.ones.xlane vm12;
	v11 =	vsel vm12, v11, v12  }
0x591: {  	v61 =	vmpcnt.ones.xlane vm14;
	v8 =	vadd.s32 v8, v57;
	vm13 =	vlt.s32 v11, v10  }
0x592: {  	v13 =	vadd.s32 v59, v58;
	vm15 =	vle.s32 v8, v9;
	v10 =	vsel vm13, v11, v10  }
0x593: {  	v62 =	vadd.s32 v60, v13;
	v63 =	vmpcnt.ones.xlane vm15;
	v10 =	vsel vm14, v11, v10  }
0x594: {  	v9 =	vadd.s32 v62, v61;
	vm1 =	vlt.s32 v10, v8  }
0x595: {  	v9 =	vadd.s32 v63, v9;
	v8 =	vsel vm1, v10, v8  }
0x596: {  	v9 =	vxor.u32 $0x80000000, v9;
	v8 =	vsel vm15, v10, v8  }
0x597: {  	(xrf0) =	vmax.scan.msk.u32 $0xffff, v9;
	v8 =	vxor.u32 $0x80000000, v8  }
0x598: {  	(xrf0) =	vmin.scan.msk.u32 $0xffff, v8;
	_ =	sdelay $0x4  }
0x599: {  	v8, _, _ =	vpop (xrf0)  }
0x59a: {  	(v2sf) =	vpush v8, $0xF;
	v8, _, _ =	vpop (xrf0)  }
0x59b: {  	(v2sf) =	vpush v8, $0xF;
	_ =	sdelay $0xd  }
.Ltmp47:
0x59c: {  	s0 =	spop (v2sf);
	(pc) =	sbr.rel @p1 .LBB2_85-.Ltmp47, $4  }
0x59d: {  	s30 =	spop (v2sf)  }
0x59e: {  	s21 =	sxor.u32 $0x80000000, s30  }
0x59f: {  	s31 =	sshll.u32 s23, $0x8;
	s0 =	sxor.u32 $0x80000000, s0;
	s21 =	ssub.s32 s21, s22  }
0x5a0: {  	s20 =	sadd.s32 s20, s21;
	s21 =	sor.u32 s31, s0  }
0x5a1: {  	s23 =	simm.s32 $0x8010  }
0x5a2: {  	v11 =	vld [tilespmem:s23+$0xFFFFFFF0]  }
0x5a3: {  	v8 =	vld [tilespmem:s23+$0x0];
	_ =	sdelay $0x3  }
0x5a4: {  	v12 =	vadd.f32 $0.0e+00, v11  }
0x5a5: {  	v10 =	vmov s21;
	v13 =	vadd.f32 $0.0e+00, v8  }
0x5a6: {  	v9 =	vmov s20;
	v17 =	vimm.s32 $0x0;
	s22 =	simm.s32 $0x10;
	v14 =	vshra.s32 v12, $0x1F  }
0x5a7: {  	s0 =	simm.s32 $0x0;
	v16 =	vor.u32 s22, v0;
	v15 =	vshra.s32 v13, $0x1F;
	v14 =	vand.u32 $0x7FFFFFFF, v14  }
0x5a8: {  	v18 =	vand.u32 $0x7FFFFFFF, v15;
	v15 =	vxor.u32 v12, v14;
	v12 =	vor.u32 s0, v0  }
0x5a9: {  	p2 =	sgt.s32 s18, $0x2;
	v13 =	vxor.u32 v13, v18;
	vm0 =	veq.s32 v15, v10;
	vm4 =	vlt.s32 v12, v7  }
.Ltmp48:
0x5aa: {  	vm5 =	vlt.s32 v16, v7;
	vm1 =	veq.s32 v13, v10;
	vm2 =	vmand vm4, vm0;
	(pc) =	sbr.rel @!p2 .LBB2_90-.Ltmp48, $4  }
0x5ab: {  	vm0 =	vgt.s32 v13, v10;
	vm3 =	vmand vm5, vm1;
	v12 =	vmpcnt.ones.xlane vm2  }
0x5ac: {  	v13 =	vsel vm3, $0x1, v1;
	v14 =	vmpcnt.ones.xlane vm3;
	v16 =	vsel vm2, $0x1, v1  }
0x5ad: {  	v19 =	vsel vm2, $0xFFFFFFFF, v1;
	(xrf0) =	vadd.scan.msk.s32 $0xffff, v13;
	v13 =	vsel vm3, $0xFFFFFFFF, v1;
	v12 =	vadd.s32 v17, v12  }
0x5ae: {  	p1 =	por $0x0, $0x0;
	s22 =	simm.s32 $0x8030;
	vm5 =	vmand vm5, vm0;
	(xrf0) =	vadd.scan.msk.s32 $0xffff, v16;
	v22 =	vadd.s32 v13, v12;
	v12 =	vadd.s32 v12, v14  }
0x5af: {  	_ =	sdelay $0x3  }
0x5b0: {  	v14 =	vld [tilespmem:s22+$0x0];
	v16, _, _ =	vpop (xrf0)  }
0x5b1: {  	v13 =	vld [tilespmem:s22+$0xFFFFFFF0];
	vm0 =	vgt.s32 v15, v10;
	s22 =	simm.s32 $0x30;
	v15 =	vadd.s32 v16, v22  }
0x5b2: {  	v18 =	vor.u32 s22, v0  }
0x5b3: {  	s0 =	simm.s32 $0x20;
	vm1 =	vmand vm4, vm0;
	vm7 =	vlt.s32 v18, v7  }
0x5b4: {  	v18 =	vor.u32 s0, v0;
	v16 =	vadd.s32 v19, v17;
	vm0 =	vlt.s32 v15, v9;
	v15, _, _ =	vpop (xrf0)  }
0x5b5: {  	vm4 =	vlt.s32 v18, v7;
	vm0 =	vmand vm3, vm0;
	v15 =	vadd.s32 v15, v16  }
0x5b6: {  	vm0 =	vmor vm5, vm0;
	v16 =	vadd.f32 $0.0e+00, v14;
	vm3 =	vlt.s32 v15, v9  }
0x5b7: {  	v19 =	vsel vm0, $0x1, v1;
	v15 =	vadd.f32 $0.0e+00, v13;
	vm2 =	vmand vm2, vm3  }
0x5b8: {  	v21 =	vmpcnt.ones.xlane vm0;
	(xrf0) =	vadd.scan.msk.s32 $0xffff, v19;
	v20 =	vshra.s32 v16, $0x1F;
	vm1 =	vmor vm1, vm2  }
0x5b9: {  	v22 =	vshra.s32 v15, $0x1F;
	v20 =	vand.u32 $0x7FFFFFFF, v20;
	v23 =	vsel vm1, $0x1, v1  }
0x5ba: {  	v19 =	vand.u32 $0x7FFFFFFF, v22;
	v16 =	vxor.u32 v16, v20;
	v20 =	vmpcnt.ones.xlane vm1;
	(xrf0) =	vadd.scan.msk.s32 $0xffff, v23  }
0x5bb: {  	v15 =	vxor.u32 v15, v19;
	vm2 =	veq.s32 v16, v10;
	vm5 =	vgt.s32 v16, v10  }
0x5bc: {  	v19 =	vsel vm0, $0xFFFFFFFF, v1;
	vm6 =	veq.s32 v15, v10;
	vm3 =	vmand vm7, vm2  }
0x5bd: {  	p2 =	sgt.s32 s18, $0x4;
	v16 =	vadd.s32 v17, v20;
	v20 =	vsel vm1, $0xFFFFFFFF, v1;
	v18 =	vsel vm3, $0x1, v1  }
.Ltmp49:
0x5be: {  	vm5 =	vmand vm7, vm5;
	v23 =	vmpcnt.ones.xlane vm3;
	vm2 =	vmand vm4, vm6;
	v25, _, _ =	vpop (xrf0);
	(xrf0) =	vadd.scan.msk.s32 $0xffff, v18;
	(pc) =	sbr.rel @!p2 .LBB2_92-.Ltmp49, $4  }
0x5bf: {  	v24 =	vadd.s32 v19, v16;
	v22 =	vsel vm2, $0x1, v1;
	v26 =	vmpcnt.ones.xlane vm2  }
0x5c0: {  	v27 =	vsel vm3, $0xFFFFFFFF, v1;
	v17 =	vadd.s32 v20, v17;
	v16 =	vadd.s32 v16, v21;
	v28, _, _ =	vpop (xrf0);
	(xrf0) =	vadd.scan.msk.s32 $0xffff, v22  }
0x5c1: {  	v19 =	vsel vm2, $0xFFFFFFFF, v1;
	v18 =	vadd.s32 v12, v26;
	v20 =	vadd.s32 v28, v17  }
0x5c2: {  	s23 =	simm.s32 $0x4;
	s24 =	simm.s32 $0x8050;
	p1 =	por $0x1, $0x1;
	v21 =	vadd.s32 v25, v24;
	v22 =	vadd.s32 v27, v18;
	v18 =	vadd.s32 v18, v23  }
.LBB2_93:
0x5c3: {  	v17 =	vld [tilespmem:s24+$0x0];
	s23 =	sadd.s32 $0x2, s23  }
0x5c4: {  	v23 =	vld [tilespmem:s24+$0xFFFFFFF0];
	p2 =	slt.s32 s23, s18;
	v24, _, _ =	vpop (xrf0)  }
0x5c5: {  	vm6 =	vgt.s32 v15, v10;
	v22 =	vadd.s32 v24, v22  }
0x5c6: {  	v12 =	vadd.s32 v19, v12;
	s22 =	sadd.s32 $0x20, s22;
	vm4 =	vmand vm4, vm6;
	vm6 =	vlt.s32 v22, v9;
	v15, _, _ =	vpop (xrf0);
	[tilespmem:v20+s15+$0x0] =	vst.idx.msk vm1, v11  }
0x5c7: {  	v19 =	vor.u32 s22, v0;
	v22 =	vadd.s32 v15, v12;
	vm1 =	vmand vm3, vm6;
	[tilespmem:v21+s15+$0x0] =	vst.idx.msk vm0, v8;
	v8 =	vmovc v14  }
0x5c8: {  	v11 =	vmovc v13;
	v15 =	vadd.f32 $0.0e+00, v17;
	vm3 =	vlt.s32 v22, v9;
	vm0 =	vmor vm5, vm1;
	v14 =	vmovc v17  }
0x5c9: {  	v12 =	vmovc v18;
	v17 =	vadd.f32 $0.0e+00, v23;
	vm1 =	vmand vm2, vm3;
	v20 =	vsel vm0, $0x1, v1;
	v13 =	vmovc v23  }
0x5ca: {  	v22 =	vmpcnt.ones.xlane vm0;
	v21 =	vshra.s32 v15, $0x1F;
	vm1 =	vmor vm4, vm1;
	(xrf0) =	vadd.scan.msk.s32 $0xffff, v20  }
0x5cb: {  	v20 =	vshra.s32 v17, $0x1F;
	v21 =	vand.u32 $0x7FFFFFFF, v21;
	v23 =	vsel vm1, $0x1, v1  }
0x5cc: {  	s0 =	sadd.s32 $0xFFFFFFF0, s22;
	v24 =	vmpcnt.ones.xlane vm1;
	v20 =	vand.u32 $0x7FFFFFFF, v20;
	v21 =	vxor.u32 v15, v21;
	(xrf0) =	vadd.scan.msk.s32 $0xffff, v23  }
0x5cd: {  	v15 =	vxor.u32 v17, v20;
	vm2 =	veq.s32 v21, v10;
	vm5 =	vgt.s32 v21, v10  }
0x5ce: {  	vm7 =	vlt.s32 v19, v7;
	v17 =	vadd.s32 v16, v24;
	vm6 =	veq.s32 v15, v10  }
0x5cf: {  	v19 =	vor.u32 s0, v0;
	v20 =	vsel vm0, $0xFFFFFFFF, v1;
	vm3 =	vmand vm7, vm2  }
0x5d0: {  	vm4 =	vlt.s32 v19, v7;
	v19 =	vsel vm3, $0x1, v1;
	v21 =	vmpcnt.ones.xlane vm3;
	v23, _, _ =	vpop (xrf0)  }
.Ltmp50:
0x5d1: {  	v24 =	vsel vm1, $0xFFFFFFFF, v1;
	v25 =	vadd.s32 v20, v17;
	vm2 =	vmand vm4, vm6;
	(xrf0) =	vadd.scan.msk.s32 $0xffff, v19;
	(pc) =	sbr.rel @p2 .LBB2_93-.Ltmp50, $4  }
0x5d2: {  	v27 =	vsel vm3, $0xFFFFFFFF, v1;
	v20 =	vsel vm2, $0x1, v1;
	v26 =	vmpcnt.ones.xlane vm2;
	v28, _, _ =	vpop (xrf0)  }
0x5d3: {  	v19 =	vsel vm2, $0xFFFFFFFF, v1;
	(xrf0) =	vadd.scan.msk.s32 $0xffff, v20;
	v20 =	vadd.s32 v24, v16;
	v16 =	vadd.s32 v17, v22  }
0x5d4: {  	vm5 =	vmand vm7, vm5;
	v17 =	vadd.s32 v18, v26;
	v20 =	vadd.s32 v28, v20  }
0x5d5: {  	s24 =	sadd.s32 $0x20, s24;
	v22 =	vadd.s32 v27, v17;
	v18 =	vadd.s32 v17, v21;
	v21 =	vadd.s32 v23, v25  }
0x5d6: {  	v17 =	vmov v12  }
0x5d7: {  	v23 =	vmovc v11;
	v24 =	vmovc v8;
	v8 =	vmov v14;
	v11 =	vmov v13;
	v12 =	vmov v18  }
.LBB2_95:
0x5d8: {  	v13, _, _ =	vpop (xrf0)  }
0x5d9: {  	v14 =	vadd.s32 v19, v17;
	v13 =	vadd.s32 v13, v22;
	v63, _, _ =	vpop (xrf0)  }
0x5da: {  	vm6 =	vlt.s32 v13, v9;
	v13 =	vadd.s32 v63, v14  }
0x5db: {  	vm7 =	vgt.s32 v15, v10;
	vm3 =	vmand vm3, vm6;
	vm15 =	vlt.s32 v13, v9  }
0x5dc: {  	vm4 =	vmand vm4, vm7;
	vm3 =	vmor vm5, vm3;
	vm2 =	vmand vm2, vm15  }
0x5dd: {  	v9 =	vsel vm3, $0x1, v1;
	vm2 =	vmor vm4, vm2  }
0x5de: {  	(xrf0) =	vadd.scan.msk.s32 $0xffff, v9;
	v9 =	vsel vm2, $0x1, v1  }
0x5df: {  	(xrf0) =	vadd.scan.msk.s32 $0xffff, v9;
	_ =	sdelay $0x1  }
0x5e0: {  	v9 =	vmpcnt.ones.xlane vm2;
	_ =	sdelay $0x1  }
0x5e1: {  	v14 =	vsel vm3, $0xFFFFFFFF, v1;
	v9 =	vadd.s32 v16, v9  }
0x5e2: {  	v13 =	vsel vm2, $0xFFFFFFFF, v1;
	v14 =	vadd.s32 v14, v9;
	v10, _, _ =	vpop (xrf0)  }
0x5e3: {  	v13 =	vadd.s32 v13, v16;
	v15, _, _ =	vpop (xrf0);
	v10 =	vadd.s32 v10, v14  }
0x5e4: {  	v13 =	vadd.s32 v15, v13  }
.Ltmp51:
0x5e5: {  	_ = 	snop;
	(pc) =	sbr.rel .LBB2_86-.Ltmp51, $4  }
0x5e6: {  	[tilespmem:v20+s15+$0x0] =	vst.idx.msk @p1 vm1, v23  }
0x5e7: {  	[tilespmem:v21+s15+$0x0] =	vst.idx.msk @p1 vm0, v24;
	v14 =	vmpcnt.ones.xlane vm3  }
0x5e8: {  	[tilespmem:v10+s15+$0x0] =	vst.idx.msk vm3, v8  }
0x5e9: {  	v9 =	vadd.s32 v9, v14;
	[tilespmem:v13+s15+$0x0] =	vst.idx.msk vm2, v11  }
.LBB2_7:
.Ltmp52:
0x5ea: {  	(pc) =	sbr.rel .LBB2_12-.Ltmp52, $2  }
0x5eb: {  	_ =	sdelay $0x2  }
0x5ec: {  	_ = 	snop  }
.LBB2_19:
.Ltmp53:
0x5ed: {  	(pc) =	sbr.rel .LBB2_24-.Ltmp53, $2  }
0x5ee: {  	_ =	sdelay $0x2  }
0x5ef: {  	_ = 	snop  }
.LBB2_9:
.Ltmp54:
0x5f0: {  	(pc) =	sbr.rel .LBB2_12-.Ltmp54, $2  }
0x5f1: {  	_ =	sdelay $0x2  }
0x5f2: {  	s22 =	simm.s32 $0x0;
	s18 =	simm.s32 $0x2  }
.LBB2_21:
.Ltmp55:
0x5f3: {  	(pc) =	sbr.rel .LBB2_24-.Ltmp55, $2  }
0x5f4: {  	_ =	sdelay $0x2  }
0x5f5: {  	s23 =	simm.s32 $0x0;
	s19 =	simm.s32 $0x2  }
.LBB2_36:
.Ltmp56:
0x5f6: {  	(pc) =	sbr.rel .LBB2_40-.Ltmp56, $2  }
0x5f7: {  	_ =	sdelay $0x2  }
0x5f8: {  	s23 =	simm.s32 $0x10  }
.LBB2_49:
.Ltmp57:
0x5f9: {  	(pc) =	sbr.rel .LBB2_53-.Ltmp57, $2  }
0x5fa: {  	_ =	sdelay $0x2  }
0x5fb: {  	s28 =	simm.s32 $0x10  }
.LBB2_62:
.Ltmp58:
0x5fc: {  	(pc) =	sbr.rel .LBB2_66-.Ltmp58, $2  }
0x5fd: {  	_ =	sdelay $0x2  }
0x5fe: {  	s29 =	simm.s32 $0x10  }
.LBB2_75:
.Ltmp59:
0x5ff: {  	(pc) =	sbr.rel .LBB2_79-.Ltmp59, $2  }
0x600: {  	_ =	sdelay $0x2  }
0x601: {  	s28 =	simm.s32 $0x10  }
.LBB2_90:
.Ltmp60:
0x602: {  	(pc) =	sbr.rel .LBB2_95-.Ltmp60, $2  }
0x603: {  	_ =	sdelay $0x2  }
0x604: {  	v16 =	vimm.s32 $0x0  }
.LBB2_38:
.Ltmp61:
0x605: {  	(pc) =	sbr.rel .LBB2_40-.Ltmp61, $2  }
0x606: {  	_ =	sdelay $0x2  }
0x607: {  	s23 =	simm.s32 $0x10  }
.LBB2_51:
.Ltmp62:
0x608: {  	(pc) =	sbr.rel .LBB2_53-.Ltmp62, $2  }
0x609: {  	_ =	sdelay $0x2  }
0x60a: {  	s28 =	simm.s32 $0x10  }
.LBB2_64:
.Ltmp63:
0x60b: {  	(pc) =	sbr.rel .LBB2_66-.Ltmp63, $2  }
0x60c: {  	_ =	sdelay $0x2  }
0x60d: {  	s29 =	simm.s32 $0x10  }
.LBB2_77:
.Ltmp64:
0x60e: {  	(pc) =	sbr.rel .LBB2_79-.Ltmp64, $2  }
0x60f: {  	_ =	sdelay $0x2  }
0x610: {  	s28 =	simm.s32 $0x10  }
.LBB2_92:
.Ltmp65:
0x611: {  	(pc) =	sbr.rel .LBB2_95-.Ltmp65, $3  }
0x612: {  	_ =	sdelay $0x1  }
0x613: {  	v17 =	vmov v12  }
0x614: {  	v23 =	vmovc v11;
	v24 =	vmovc v8;
	v8 =	vmov v14;
	v11 =	vmov v13;
	v12 =	vmov v18  }
.LBB2_88:
0x615: {  	_ =	sfence.sel $0x180000  }
0x616: {  	[bflag:$0x0] =	sbarrier.arrive $0xFFFF  }
0x617: {  	_ =	strace $0x90000047  }
0x618: {  	[bflag:$0x2] =	sbarrier.arrive $0xFFFF  }
0x619: {  	p0 =	sne.s32 s3, $0x0;
	s0 =	rddreg [dreg:$0x2]  }
0x61a: {  	s0 =	sadd.s32 @!p0 $0x100000, s0  }
0x61b: {  	[sflag:s0] =	ssyncadd.tile.s32 @!p0 $0x1;
	_ =	shalt  }
.Lfunc_end2:
_tile_overlayer_lowered:
.L_overlay_start_2:
0x61c: {  	(tag) =	ssettag $0x2  }
0x61d: {  	s0 =	rddreg [dreg:$0x0];
	s2 =	stileid.u32  }
0x61e: {  	s1 =	rddreg [dreg:$0x1];
	p0 =	sne.s32 s2, $0x0  }
0x61f: {  	s3 =	rddreg [dreg:$0x2];
	[bflag:$0x3] =	sbarrier.arrive $0xFFFF;
	s2 =	simm.s32 @!p0 $0x1C01  }
0x620: {  	[timem:s3], [sflag:s2] =	dma.local @!p0 [hbm:s0], s1  }
0x621: {  	s0 =	simm.s32 @!p0 $0x1  }
0x622: {  	_ =	swait.ge @!p0 [sflag:s0], s1  }
0x623: {  	s1 =	ssub.s32 @!p0 $0x0, s1;
	[sflag:s0] =	ssyncset.done @!p0 $0x0  }
0x624: {  	[sflag:s0] =	ssyncadd.s32 @!p0 s1  }
0x625: {  	[bflag:$0x3] =	sbarrier.arrive $0xFFFF  }
0x626: {  	_ =	shalt  }

</sc_bundles>
